<compile_context>
chip_gen: v7x
topology: tpu7x:2x2x1
jax: 0.10.2.dev20260603
libtpu: 0.0.44.dev20260713+nightly
codegen_flags: <defaults>
</compile_context>

<pallas_src>
import functools

import jax
import jax.numpy as jnp
from jax import lax
from jax.experimental import pallas as pl
from jax.experimental.pallas import tpu as pltpu
from jax.experimental.pallas import tpu_sc as plsc

VOCAB = 1000000
EMBED = 64
B = 16384
L = 50
NUM_CLASSES = 20

NC = 2
NS = 16
NW = NC * NS
BAGS_PER_W = B // NW
IDX_PER_W = BAGS_PER_W * L
GROUP_BAGS = 8
GROUP_IDX = GROUP_BAGS * L
NGROUPS = BAGS_PER_W // GROUP_BAGS
CHUNKS = ((0, 104), (104, 96), (200, 104), (304, 96))
VREGS = EMBED // 16


def _sc_body(data_ref, table_ref, out_ref, idx_v, rows0, rows1, pooled_v,
             sem0, sem1):
    wid = lax.axis_index("s") * NC + lax.axis_index("c")
    pltpu.sync_copy(data_ref.at[pl.ds(wid * IDX_PER_W, IDX_PER_W)], idx_v)

    bufs = (rows0, rows1)
    sems = (sem0, sem1)

    def gather_descrs(g, slot):
        off = pl.multiple_of(g * GROUP_IDX, 8)
        buf, sem = bufs[slot], sems[slot]
        return tuple(
            pltpu.make_async_copy(
                table_ref.at[idx_v.at[pl.ds(off + co, cn)]],
                buf.at[pl.ds(co, cn)], sem)
            for co, cn in CHUNKS)

    def issue(g, slot):
        for d in gather_descrs(g, slot):
            d.start()

    def drain(g, slot):
        for d in gather_descrs(g, slot):
            d.wait()

    def compute(g, slot):
        buf = bufs[slot]
        for bag in range(GROUP_BAGS):
            def rbody(r, acc):
                row = bag * L + r
                return tuple(acc[k] + buf[row, pl.ds(k * 16, 16)]
                             for k in range(VREGS))
            acc = lax.fori_loop(
                0, L, rbody,
                tuple(jnp.zeros((16,), jnp.float32) for _ in range(VREGS)),
                unroll=5)
            for k in range(VREGS):
                pooled_v[g * GROUP_BAGS + bag, pl.ds(k * 16, 16)] = acc[k]

    issue(0, 0)

    def outer(g2, carry):
        for b in range(2):
            g = g2 * 2 + b

            @pl.when(g + 1 < NGROUPS)
            def _():
                issue(g + 1, 1 - b)

            drain(g, b)
            compute(g, b)
        return carry

    lax.fori_loop(0, NGROUPS // 2, outer, 0)

    pltpu.sync_copy(pooled_v, out_ref.at[pl.ds(wid * BAGS_PER_W, BAGS_PER_W)])


def _tc_head(pooled_ref, w_ref, b_ref, out_ref):
    out_ref[...] = (
        jnp.dot(pooled_ref[...], w_ref[...],
                preferred_element_type=jnp.float32)
        + b_ref[...]
    )


@jax.jit
def kernel(data, table, W, b):
    data_flat = data.reshape(-1)

    sc_pool = pl.kernel(
        _sc_body,
        out_type=jax.ShapeDtypeStruct((B, EMBED), jnp.float32),
        mesh=plsc.VectorSubcoreMesh(
            core_axis_name="c", subcore_axis_name="s",
            num_cores=NC, num_subcores=NS),
        scratch_types=[
            pltpu.VMEM((IDX_PER_W,), jnp.int32),
            pltpu.VMEM((GROUP_IDX, EMBED), jnp.float32),
            pltpu.VMEM((GROUP_IDX, EMBED), jnp.float32),
            pltpu.VMEM((BAGS_PER_W, EMBED), jnp.float32),
            pltpu.SemaphoreType.DMA,
            pltpu.SemaphoreType.DMA,
        ],
        compiler_params=pltpu.CompilerParams(use_tc_tiling_on_sc=False),
    )
    pooled_sum = sc_pool(data_flat, table)

    w_pad = jnp.zeros((EMBED, 128), jnp.float32)
    w_pad = lax.dynamic_update_slice(w_pad, W.T * (1.0 / L), (0, 0))
    b_pad = jnp.zeros((1, 128), jnp.float32)
    b_pad = lax.dynamic_update_slice(b_pad, b[None, :], (0, 0))

    blk = 2048
    logits_pad = pl.pallas_call(
        _tc_head,
        grid=(B // blk,),
        in_specs=[
            pl.BlockSpec((blk, EMBED), lambda i: (i, 0)),
            pl.BlockSpec((EMBED, 128), lambda i: (0, 0)),
            pl.BlockSpec((1, 128), lambda i: (0, 0)),
        ],
        out_specs=pl.BlockSpec((blk, 128), lambda i: (i, 0)),
        out_shape=jax.ShapeDtypeStruct((B, 128), jnp.float32),
    )(pooled_sum, w_pad, b_pad)

    return logits_pad[:, :NUM_CLASSES]

# --- scband reference (transcript-rebuilt; emitter-appended) ---
"""Pipeline reference for scband-classifier-87789131530982 (READ-ONLY COPY).

The authoritative reference and input builder live on the scoring server;
editing this copy changes nothing except your own understanding.
"""

import jax, jax.numpy as jnp
import numpy as np

VOCAB = 1000000
EMBED = 64
B = 16384
L = 50
NUM_CLASSES = 20


def setup_inputs(seed: int = 0) -> dict:
    key = jax.random.key(seed)
    k1, k2, k3 = jax.random.split(key, 3)
    data = jax.random.randint(k1, (B, L), 0, VOCAB, dtype=jnp.int32)
    table = jax.random.normal(k2, (VOCAB, EMBED), dtype=jnp.float32) * 0.02
    W = jax.random.normal(k3, (NUM_CLASSES, EMBED), dtype=jnp.float32) * 0.02
    b = jnp.zeros((NUM_CLASSES,), dtype=jnp.float32)
    return {"data": data, "table": table, "W": W, "b": b}


def reference(data, table, W, b):
    # torch.nn.EmbeddingBag default mode is 'mean': gather rows then mean-pool per bag.
    emb = jnp.take(table, data, axis=0)          # [B, L, EMBED] gather
    pooled = jnp.mean(emb, axis=1)               # [B, EMBED] mean pooling per bag
    logits = pooled @ W.T + b                    # [B, NUM_CLASSES] linear head
    return logits

if __name__ == "__main__":
    import jax
    _d = setup_inputs()
    print(jax.jit(kernel)(*tuple(_d.values())))

</pallas_src>

<mosaic_0001>
#map = affine_map<(d0, d1) -> (0)>
#map1 = affine_map<(d0, d1) -> (0, 0)>
module attributes {stable_mosaic.version = 14 : i64} {
  func.func @_sc_body(%arg0: i32, %arg1: i32, %arg2: memref<819200xi32, #tpu.memory_space<hbm>>, %arg3: memref<1000000x64xf32, #tpu.memory_space<hbm>>, %arg4: memref<16384x64xf32, #tpu.memory_space<hbm>>, %arg5: memref<25600xi32, #tpu.memory_space<vmem>>, %arg6: memref<400x64xf32, #tpu.memory_space<vmem>>, %arg7: memref<400x64xf32, #tpu.memory_space<vmem>>, %arg8: memref<512x64xf32, #tpu.memory_space<vmem>>, %arg9: memref<!tpu.dma_semaphore, #tpu.memory_space<semaphore_mem>>, %arg10: memref<!tpu.dma_semaphore, #tpu.memory_space<semaphore_mem>>) attributes {dimension_semantics = [#tpu.dimension_semantics<core_parallel>, #tpu.dimension_semantics<subcore_parallel>], iteration_bounds = array<i64: 2, 16>, scalar_prefetch = 0 : i64, scratch_operands = 6 : i64, tpu.core_type = #tpu.core_type<sc_vector_subcore>, window_params = [{transform_indices = #map}, {transform_indices = #map1}, {transform_indices = #map1}]} {
    %mul3A = arith.constant 2 : i32
    %mul3A_0 = arith.muli %arg1, %mul3A : i32
    %add3A = arith.addi %mul3A_0, %arg0 : i32
    %mul3A_1 = arith.constant 25600 : i32
    %mul3A_2 = arith.muli %add3A, %mul3A_1 : i32
    "tpu.region"() ({
      %run_scoped3A = tpu.sem_alloc : memref<!tpu.dma_semaphore, #tpu.memory_space<semaphore_mem>>
      %dma_start3A_46 = tpu.memref_slice %arg2[%mul3A_2] : memref<819200xi32, #tpu.memory_space<hbm>> -> memref<25600xi32, #tpu.memory_space<hbm>>
      %dma_start3A_47 = tpu.memref_slice %arg2[%mul3A_2] : memref<819200xi32, #tpu.memory_space<hbm>> -> memref<25600xi32, #tpu.memory_space<hbm>>
      tpu.enqueue_dma source(%dma_start3A_47 : memref<25600xi32, #tpu.memory_space<hbm>>) target(%arg5 : memref<25600xi32, #tpu.memory_space<vmem>>) target_semaphore(%run_scoped3A : memref<!tpu.dma_semaphore, #tpu.memory_space<semaphore_mem>>)
      %dma_wait3A = tpu.memref_slice %arg2[%mul3A_2] : memref<819200xi32, #tpu.memory_space<hbm>> -> memref<25600xi32, #tpu.memory_space<hbm>>
      %dma_wait3A_48 = tpu.memref_slice %arg2[%mul3A_2] : memref<819200xi32, #tpu.memory_space<hbm>> -> memref<25600xi32, #tpu.memory_space<hbm>>
      tpu.wait_dma2 semaphore(%run_scoped3A : memref<!tpu.dma_semaphore, #tpu.memory_space<semaphore_mem>>) src(%dma_wait3A_48 : memref<25600xi32, #tpu.memory_space<hbm>>) dst(%arg5 : memref<25600xi32, #tpu.memory_space<vmem>>)
      tpu.yield
    }) : () -> ()
    %multiple_of3A = arith.constant 0 : i32
    %multiple_of3A_3 = tpu.assume_multiple %multiple_of3A, 8 : i32
    %add3A_4 = arith.constant 0 : i32
    %add3A_5 = arith.addi %multiple_of3A_3, %add3A_4 : i32
    %add3A_6 = arith.constant 104 : i32
    %add3A_7 = arith.addi %multiple_of3A_3, %add3A_6 : i32
    %add3A_8 = arith.constant 200 : i32
    %add3A_9 = arith.addi %multiple_of3A_3, %add3A_8 : i32
    %add3A_10 = arith.constant 304 : i32
    %add3A_11 = arith.addi %multiple_of3A_3, %add3A_10 : i32
    %dma_start3A = arith.constant 0 : i32
    %dma_start3A_12 = arith.constant 0 : i32
    %dma_start3A_13 = tpu.memref_slice %arg6[%dma_start3A, %dma_start3A_12] : memref<400x64xf32, #tpu.memory_space<vmem>> -> memref<104x64xf32, #tpu.memory_space<vmem>>
    %dma_start3A_14 = tpu.memref_slice %arg5[%add3A_5] : memref<25600xi32, #tpu.memory_space<vmem>> -> memref<104xi32, #tpu.memory_space<vmem>>
    %dma_start3A_15 = arith.constant 0 : i32
    %dma_start3A_16 = arith.constant 0 : i32
    %dma_start3A_17 = tpu.memref_slice %arg3[%dma_start3A_15, %dma_start3A_16] : memref<1000000x64xf32, #tpu.memory_space<hbm>> -> memref<1000000x64xf32, #tpu.memory_space<hbm>>
    tpu.enqueue_indirect_dma source(%dma_start3A_17 : memref<1000000x64xf32, #tpu.memory_space<hbm>>) target(%dma_start3A_13 : memref<104x64xf32, #tpu.memory_space<vmem>>) offsets(%dma_start3A_14 : memref<104xi32, #tpu.memory_space<vmem>>) semaphore(%arg9 : memref<!tpu.dma_semaphore, #tpu.memory_space<semaphore_mem>>)
    %dma_start3A_18 = arith.constant 104 : i32
    %dma_start3A_19 = arith.constant 0 : i32
    %dma_start3A_20 = tpu.memref_slice %arg6[%dma_start3A_18, %dma_start3A_19] : memref<400x64xf32, #tpu.memory_space<vmem>> -> memref<96x64xf32, #tpu.memory_space<vmem>>
    %dma_start3A_21 = tpu.memref_slice %arg5[%add3A_7] : memref<25600xi32, #tpu.memory_space<vmem>> -> memref<96xi32, #tpu.memory_space<vmem>>
    %dma_start3A_22 = arith.constant 0 : i32
    %dma_start3A_23 = arith.constant 0 : i32
    %dma_start3A_24 = tpu.memref_slice %arg3[%dma_start3A_22, %dma_start3A_23] : memref<1000000x64xf32, #tpu.memory_space<hbm>> -> memref<1000000x64xf32, #tpu.memory_space<hbm>>
    tpu.enqueue_indirect_dma source(%dma_start3A_24 : memref<1000000x64xf32, #tpu.memory_space<hbm>>) target(%dma_start3A_20 : memref<96x64xf32, #tpu.memory_space<vmem>>) offsets(%dma_start3A_21 : memref<96xi32, #tpu.memory_space<vmem>>) semaphore(%arg9 : memref<!tpu.dma_semaphore, #tpu.memory_space<semaphore_mem>>)
    %dma_start3A_25 = arith.constant 200 : i32
    %dma_start3A_26 = arith.constant 0 : i32
    %dma_start3A_27 = tpu.memref_slice %arg6[%dma_start3A_25, %dma_start3A_26] : memref<400x64xf32, #tpu.memory_space<vmem>> -> memref<104x64xf32, #tpu.memory_space<vmem>>
    %dma_start3A_28 = tpu.memref_slice %arg5[%add3A_9] : memref<25600xi32, #tpu.memory_space<vmem>> -> memref<104xi32, #tpu.memory_space<vmem>>
    %dma_start3A_29 = arith.constant 0 : i32
    %dma_start3A_30 = arith.constant 0 : i32
    %dma_start3A_31 = tpu.memref_slice %arg3[%dma_start3A_29, %dma_start3A_30] : memref<1000000x64xf32, #tpu.memory_space<hbm>> -> memref<1000000x64xf32, #tpu.memory_space<hbm>>
    tpu.enqueue_indirect_dma source(%dma_start3A_31 : memref<1000000x64xf32, #tpu.memory_space<hbm>>) target(%dma_start3A_27 : memref<104x64xf32, #tpu.memory_space<vmem>>) offsets(%dma_start3A_28 : memref<104xi32, #tpu.memory_space<vmem>>) semaphore(%arg9 : memref<!tpu.dma_semaphore, #tpu.memory_space<semaphore_mem>>)
    %dma_start3A_32 = arith.constant 304 : i32
    %dma_start3A_33 = arith.constant 0 : i32
    %dma_start3A_34 = tpu.memref_slice %arg6[%dma_start3A_32, %dma_start3A_33] : memref<400x64xf32, #tpu.memory_space<vmem>> -> memref<96x64xf32, #tpu.memory_space<vmem>>
    %dma_start3A_35 = tpu.memref_slice %arg5[%add3A_11] : memref<25600xi32, #tpu.memory_space<vmem>> -> memref<96xi32, #tpu.memory_space<vmem>>
    %dma_start3A_36 = arith.constant 0 : i32
    %dma_start3A_37 = arith.constant 0 : i32
    %dma_start3A_38 = tpu.memref_slice %arg3[%dma_start3A_36, %dma_start3A_37] : memref<1000000x64xf32, #tpu.memory_space<hbm>> -> memref<1000000x64xf32, #tpu.memory_space<hbm>>
    tpu.enqueue_indirect_dma source(%dma_start3A_38 : memref<1000000x64xf32, #tpu.memory_space<hbm>>) target(%dma_start3A_34 : memref<96x64xf32, #tpu.memory_space<vmem>>) offsets(%dma_start3A_35 : memref<96xi32, #tpu.memory_space<vmem>>) semaphore(%arg9 : memref<!tpu.dma_semaphore, #tpu.memory_space<semaphore_mem>>)
    %scan3A = arith.constant 0 : i32
    %scan3A_39 = arith.constant 0 : i32
    %scan3A_40 = arith.constant 32 : i32
    %scan3A_41 = arith.addi %scan3A_39, %scan3A_40 : i32
    %scan3A_42 = arith.constant 1 : i32
    scf.for %scan3A_46 = %scan3A_39 to %scan3A_41 step %scan3A_42  : i32 {
      %mul3A_47 = arith.constant 2 : i32
      %mul3A_48 = arith.muli %scan3A_46, %mul3A_47 : i32
      %add3A_49 = arith.constant 0 : i32
      %add3A_50 = arith.addi %mul3A_48, %add3A_49 : i32
      %add3A_51 = arith.constant 1 : i32
      %add3A_52 = arith.addi %add3A_50, %add3A_51 : i32
      %lt3A = arith.constant 64 : i32
      %lt3A_53 = arith.cmpi slt, %add3A_52, %lt3A : i32
      %convert_element_type3A = arith.extui %lt3A_53 : i1 to i32
      %cond3A = arith.constant 0 : i32
      %cond3A_54 = arith.cmpi ne, %convert_element_type3A, %cond3A : i32
      scf.if %cond3A_54 {
        %add3A_941 = arith.constant 1 : i32
        %add3A_942 = arith.addi %add3A_50, %add3A_941 : i32
        %mul3A_943 = arith.constant 400 : i32
        %mul3A_944 = arith.muli %add3A_942, %mul3A_943 : i32
        %multiple_of3A_945 = tpu.assume_multiple %mul3A_944, 8 : i32
        %add3A_946 = arith.constant 0 : i32
        %add3A_947 = arith.addi %multiple_of3A_945, %add3A_946 : i32
        %add3A_948 = arith.constant 104 : i32
        %add3A_949 = arith.addi %multiple_of3A_945, %add3A_948 : i32
        %add3A_950 = arith.constant 200 : i32
        %add3A_951 = arith.addi %multiple_of3A_945, %add3A_950 : i32
        %add3A_952 = arith.constant 304 : i32
        %add3A_953 = arith.addi %multiple_of3A_945, %add3A_952 : i32
        %dma_start3A_954 = arith.constant 0 : i32
        %dma_start3A_955 = arith.constant 0 : i32
        %dma_start3A_956 = tpu.memref_slice %arg7[%dma_start3A_954, %dma_start3A_955] : memref<400x64xf32, #tpu.memory_space<vmem>> -> memref<104x64xf32, #tpu.memory_space<vmem>>
        %dma_start3A_957 = tpu.memref_slice %arg5[%add3A_947] : memref<25600xi32, #tpu.memory_space<vmem>> -> memref<104xi32, #tpu.memory_space<vmem>>
        %dma_start3A_958 = arith.constant 0 : i32
        %dma_start3A_959 = arith.constant 0 : i32
        %dma_start3A_960 = tpu.memref_slice %arg3[%dma_start3A_958, %dma_start3A_959] : memref<1000000x64xf32, #tpu.memory_space<hbm>> -> memref<1000000x64xf32, #tpu.memory_space<hbm>>
        tpu.enqueue_indirect_dma source(%dma_start3A_960 : memref<1000000x64xf32, #tpu.memory_space<hbm>>) target(%dma_start3A_956 : memref<104x64xf32, #tpu.memory_space<vmem>>) offsets(%dma_start3A_957 : memref<104xi32, #tpu.memory_space<vmem>>) semaphore(%arg10 : memref<!tpu.dma_semaphore, #tpu.memory_space<semaphore_mem>>)
        %dma_start3A_961 = arith.constant 104 : i32
        %dma_start3A_962 = arith.constant 0 : i32
        %dma_start3A_963 = tpu.memref_slice %arg7[%dma_start3A_961, %dma_start3A_962] : memref<400x64xf32, #tpu.memory_space<vmem>> -> memref<96x64xf32, #tpu.memory_space<vmem>>
        %dma_start3A_964 = tpu.memref_slice %arg5[%add3A_949] : memref<25600xi32, #tpu.memory_space<vmem>> -> memref<96xi32, #tpu.memory_space<vmem>>
        %dma_start3A_965 = arith.constant 0 : i32
        %dma_start3A_966 = arith.constant 0 : i32
        %dma_start3A_967 = tpu.memref_slice %arg3[%dma_start3A_965, %dma_start3A_966] : memref<1000000x64xf32, #tpu.memory_space<hbm>> -> memref<1000000x64xf32, #tpu.memory_space<hbm>>
        tpu.enqueue_indirect_dma source(%dma_start3A_967 : memref<1000000x64xf32, #tpu.memory_space<hbm>>) target(%dma_start3A_963 : memref<96x64xf32, #tpu.memory_space<vmem>>) offsets(%dma_start3A_964 : memref<96xi32, #tpu.memory_space<vmem>>) semaphore(%arg10 : memref<!tpu.dma_semaphore, #tpu.memory_space<semaphore_mem>>)
        %dma_start3A_968 = arith.constant 200 : i32
        %dma_start3A_969 = arith.constant 0 : i32
        %dma_start3A_970 = tpu.memref_slice %arg7[%dma_start3A_968, %dma_start3A_969] : memref<400x64xf32, #tpu.memory_space<vmem>> -> memref<104x64xf32, #tpu.memory_space<vmem>>
        %dma_start3A_971 = tpu.memref_slice %arg5[%add3A_951] : memref<25600xi32, #tpu.memory_space<vmem>> -> memref<104xi32, #tpu.memory_space<vmem>>
        %dma_start3A_972 = arith.constant 0 : i32
        %dma_start3A_973 = arith.constant 0 : i32
        %dma_start3A_974 = tpu.memref_slice %arg3[%dma_start3A_972, %dma_start3A_973] : memref<1000000x64xf32, #tpu.memory_space<hbm>> -> memref<1000000x64xf32, #tpu.memory_space<hbm>>
        tpu.enqueue_indirect_dma source(%dma_start3A_974 : memref<1000000x64xf32, #tpu.memory_space<hbm>>) target(%dma_start3A_970 : memref<104x64xf32, #tpu.memory_space<vmem>>) offsets(%dma_start3A_971 : memref<104xi32, #tpu.memory_space<vmem>>) semaphore(%arg10 : memref<!tpu.dma_semaphore, #tpu.memory_space<semaphore_mem>>)
        %dma_start3A_975 = arith.constant 304 : i32
        %dma_start3A_976 = arith.constant 0 : i32
        %dma_start3A_977 = tpu.memref_slice %arg7[%dma_start3A_975, %dma_start3A_976] : memref<400x64xf32, #tpu.memory_space<vmem>> -> memref<96x64xf32, #tpu.memory_space<vmem>>
        %dma_start3A_978 = tpu.memref_slice %arg5[%add3A_953] : memref<25600xi32, #tpu.memory_space<vmem>> -> memref<96xi32, #tpu.memory_space<vmem>>
        %dma_start3A_979 = arith.constant 0 : i32
        %dma_start3A_980 = arith.constant 0 : i32
        %dma_start3A_981 = tpu.memref_slice %arg3[%dma_start3A_979, %dma_start3A_980] : memref<1000000x64xf32, #tpu.memory_space<hbm>> -> memref<1000000x64xf32, #tpu.memory_space<hbm>>
        tpu.enqueue_indirect_dma source(%dma_start3A_981 : memref<1000000x64xf32, #tpu.memory_space<hbm>>) target(%dma_start3A_977 : memref<96x64xf32, #tpu.memory_space<vmem>>) offsets(%dma_start3A_978 : memref<96xi32, #tpu.memory_space<vmem>>) semaphore(%arg10 : memref<!tpu.dma_semaphore, #tpu.memory_space<semaphore_mem>>)
      } else {
      }
      %mul3A_55 = arith.constant 400 : i32
      %mul3A_56 = arith.muli %add3A_50, %mul3A_55 : i32
      %multiple_of3A_57 = tpu.assume_multiple %mul3A_56, 8 : i32
      %add3A_58 = arith.constant 0 : i32
      %add3A_59 = arith.addi %multiple_of3A_57, %add3A_58 : i32
      %add3A_60 = arith.constant 104 : i32
      %add3A_61 = arith.addi %multiple_of3A_57, %add3A_60 : i32
      %add3A_62 = arith.constant 200 : i32
      %add3A_63 = arith.addi %multiple_of3A_57, %add3A_62 : i32
      %add3A_64 = arith.constant 304 : i32
      %add3A_65 = arith.addi %multiple_of3A_57, %add3A_64 : i32
      %dma_wait3A = arith.constant 0 : i32
      %dma_wait3A_66 = arith.constant 0 : i32
      %dma_wait3A_67 = tpu.memref_slice %arg6[%dma_wait3A, %dma_wait3A_66] : memref<400x64xf32, #tpu.memory_space<vmem>> -> memref<104x64xf32, #tpu.memory_space<vmem>>
      %dma_wait3A_68 = tpu.memref_slice %arg5[%add3A_59] : memref<25600xi32, #tpu.memory_space<vmem>> -> memref<104xi32, #tpu.memory_space<vmem>>
      %dma_wait3A_69 = arith.constant 0 : i32
      %dma_wait3A_70 = arith.constant 0 : i32
      %dma_wait3A_71 = tpu.memref_slice %arg3[%dma_wait3A_69, %dma_wait3A_70] : memref<1000000x64xf32, #tpu.memory_space<hbm>> -> memref<1000000x64xf32, #tpu.memory_space<hbm>>
      tpu.wait_indirect_dma semaphore(%arg9 : memref<!tpu.dma_semaphore, #tpu.memory_space<semaphore_mem>>) src(%dma_wait3A_71 : memref<1000000x64xf32, #tpu.memory_space<hbm>>) dst(%dma_wait3A_67 : memref<104x64xf32, #tpu.memory_space<vmem>>)
      %dma_wait3A_72 = arith.constant 104 : i32
      %dma_wait3A_73 = arith.constant 0 : i32
      %dma_wait3A_74 = tpu.memref_slice %arg6[%dma_wait3A_72, %dma_wait3A_73] : memref<400x64xf32, #tpu.memory_space<vmem>> -> memref<96x64xf32, #tpu.memory_space<vmem>>
      %dma_wait3A_75 = tpu.memref_slice %arg5[%add3A_61] : memref<25600xi32, #tpu.memory_space<vmem>> -> memref<96xi32, #tpu.memory_space<vmem>>
      %dma_wait3A_76 = arith.constant 0 : i32
      %dma_wait3A_77 = arith.constant 0 : i32
      %dma_wait3A_78 = tpu.memref_slice %arg3[%dma_wait3A_76, %dma_wait3A_77] : memref<1000000x64xf32, #tpu.memory_space<hbm>> -> memref<1000000x64xf32, #tpu.memory_space<hbm>>
      tpu.wait_indirect_dma semaphore(%arg9 : memref<!tpu.dma_semaphore, #tpu.memory_space<semaphore_mem>>) src(%dma_wait3A_78 : memref<1000000x64xf32, #tpu.memory_space<hbm>>) dst(%dma_wait3A_74 : memref<96x64xf32, #tpu.memory_space<vmem>>)
      %dma_wait3A_79 = arith.constant 200 : i32
      %dma_wait3A_80 = arith.constant 0 : i32
      %dma_wait3A_81 = tpu.memref_slice %arg6[%dma_wait3A_79, %dma_wait3A_80] : memref<400x64xf32, #tpu.memory_space<vmem>> -> memref<104x64xf32, #tpu.memory_space<vmem>>
      %dma_wait3A_82 = tpu.memref_slice %arg5[%add3A_63] : memref<25600xi32, #tpu.memory_space<vmem>> -> memref<104xi32, #tpu.memory_space<vmem>>
      %dma_wait3A_83 = arith.constant 0 : i32
      %dma_wait3A_84 = arith.constant 0 : i32
      %dma_wait3A_85 = tpu.memref_slice %arg3[%dma_wait3A_83, %dma_wait3A_84] : memref<1000000x64xf32, #tpu.memory_space<hbm>> -> memref<1000000x64xf32, #tpu.memory_space<hbm>>
      tpu.wait_indirect_dma semaphore(%arg9 : memref<!tpu.dma_semaphore, #tpu.memory_space<semaphore_mem>>) src(%dma_wait3A_85 : memref<1000000x64xf32, #tpu.memory_space<hbm>>) dst(%dma_wait3A_81 : memref<104x64xf32, #tpu.memory_space<vmem>>)
      %dma_wait3A_86 = arith.constant 304 : i32
      %dma_wait3A_87 = arith.constant 0 : i32
      %dma_wait3A_88 = tpu.memref_slice %arg6[%dma_wait3A_86, %dma_wait3A_87] : memref<400x64xf32, #tpu.memory_space<vmem>> -> memref<96x64xf32, #tpu.memory_space<vmem>>
      %dma_wait3A_89 = tpu.memref_slice %arg5[%add3A_65] : memref<25600xi32, #tpu.memory_space<vmem>> -> memref<96xi32, #tpu.memory_space<vmem>>
      %dma_wait3A_90 = arith.constant 0 : i32
      %dma_wait3A_91 = arith.constant 0 : i32
      %dma_wait3A_92 = tpu.memref_slice %arg3[%dma_wait3A_90, %dma_wait3A_91] : memref<1000000x64xf32, #tpu.memory_space<hbm>> -> memref<1000000x64xf32, #tpu.memory_space<hbm>>
      tpu.wait_indirect_dma semaphore(%arg9 : memref<!tpu.dma_semaphore, #tpu.memory_space<semaphore_mem>>) src(%dma_wait3A_92 : memref<1000000x64xf32, #tpu.memory_space<hbm>>) dst(%dma_wait3A_88 : memref<96x64xf32, #tpu.memory_space<vmem>>)
      %broadcast_in_dim3A = arith.constant 0.000000e+00 : f32
      %broadcast_in_dim3A_93 = vector.broadcast %broadcast_in_dim3A : f32 to vector<16xf32>
      %broadcast_in_dim3A_94 = arith.constant 0.000000e+00 : f32
      %broadcast_in_dim3A_95 = vector.broadcast %broadcast_in_dim3A_94 : f32 to vector<16xf32>
      %broadcast_in_dim3A_96 = arith.constant 0.000000e+00 : f32
      %broadcast_in_dim3A_97 = vector.broadcast %broadcast_in_dim3A_96 : f32 to vector<16xf32>
      %broadcast_in_dim3A_98 = arith.constant 0.000000e+00 : f32
      %broadcast_in_dim3A_99 = vector.broadcast %broadcast_in_dim3A_98 : f32 to vector<16xf32>
      %scan3A_100 = arith.constant 0 : i32
      %scan3A_101 = arith.constant 50 : i32
      %scan3A_102 = arith.addi %scan3A_100, %scan3A_101 : i32
      %scan3A_103 = arith.constant 5 : i32
      %scan3A_104:4 = scf.for %scan3A_941 = %scan3A_100 to %scan3A_102 step %scan3A_103 iter_args(%scan3A_942 = %broadcast_in_dim3A_93, %scan3A_943 = %broadcast_in_dim3A_95, %scan3A_944 = %broadcast_in_dim3A_97, %scan3A_945 = %broadcast_in_dim3A_99) -> (vector<16xf32>, vector<16xf32>, vector<16xf32>, vector<16xf32>)  : i32 {
        %add3A_946 = arith.constant 0 : i32
        %add3A_947 = arith.addi %add3A_946, %scan3A_941 : i32
        %get3A = arith.index_cast %add3A_947 : i32 to index
        %get3A_948 = arith.constant 0 : index
        %get3A_949 = tpu.vector_load %arg6[%get3A, %get3A_948] {strides = array<i32>} : memref<400x64xf32, #tpu.memory_space<vmem>>, vector<1x16xf32>,
        %get3A_950 = vector.shape_cast %get3A_949 : vector<1x16xf32> to vector<16xf32>
        %add3A_951 = arith.addf %scan3A_942, %get3A_950 : vector<16xf32>
        %get3A_952 = arith.index_cast %add3A_947 : i32 to index
        %get3A_953 = arith.constant 16 : index
        %get3A_954 = tpu.vector_load %arg6[%get3A_952, %get3A_953] {strides = array<i32>} : memref<400x64xf32, #tpu.memory_space<vmem>>, vector<1x16xf32>,
        %get3A_955 = vector.shape_cast %get3A_954 : vector<1x16xf32> to vector<16xf32>
        %add3A_956 = arith.addf %scan3A_943, %get3A_955 : vector<16xf32>
        %get3A_957 = arith.index_cast %add3A_947 : i32 to index
        %get3A_958 = arith.constant 32 : index
        %get3A_959 = tpu.vector_load %arg6[%get3A_957, %get3A_958] {strides = array<i32>} : memref<400x64xf32, #tpu.memory_space<vmem>>, vector<1x16xf32>,
        %get3A_960 = vector.shape_cast %get3A_959 : vector<1x16xf32> to vector<16xf32>
        %add3A_961 = arith.addf %scan3A_944, %get3A_960 : vector<16xf32>
        %get3A_962 = arith.index_cast %add3A_947 : i32 to index
        %get3A_963 = arith.constant 48 : index
        %get3A_964 = tpu.vector_load %arg6[%get3A_962, %get3A_963] {strides = array<i32>} : memref<400x64xf32, #tpu.memory_space<vmem>>, vector<1x16xf32>,
        %get3A_965 = vector.shape_cast %get3A_964 : vector<1x16xf32> to vector<16xf32>
        %add3A_966 = arith.addf %scan3A_945, %get3A_965 : vector<16xf32>
        %scan3A_967 = arith.constant 1 : i32
        %scan3A_968 = arith.addi %scan3A_941, %scan3A_967 : i32
        %add3A_969 = arith.constant 0 : i32
        %add3A_970 = arith.addi %add3A_969, %scan3A_968 : i32
        %get3A_971 = arith.index_cast %add3A_970 : i32 to index
        %get3A_972 = arith.constant 0 : index
        %get3A_973 = tpu.vector_load %arg6[%get3A_971, %get3A_972] {strides = array<i32>} : memref<400x64xf32, #tpu.memory_space<vmem>>, vector<1x16xf32>,
        %get3A_974 = vector.shape_cast %get3A_973 : vector<1x16xf32> to vector<16xf32>
        %add3A_975 = arith.addf %add3A_951, %get3A_974 : vector<16xf32>
        %get3A_976 = arith.index_cast %add3A_970 : i32 to index
        %get3A_977 = arith.constant 16 : index
        %get3A_978 = tpu.vector_load %arg6[%get3A_976, %get3A_977] {strides = array<i32>} : memref<400x64xf32, #tpu.memory_space<vmem>>, vector<1x16xf32>,
        %get3A_979 = vector.shape_cast %get3A_978 : vector<1x16xf32> to vector<16xf32>
        %add3A_980 = arith.addf %add3A_956, %get3A_979 : vector<16xf32>
        %get3A_981 = arith.index_cast %add3A_970 : i32 to index
        %get3A_982 = arith.constant 32 : index
        %get3A_983 = tpu.vector_load %arg6[%get3A_981, %get3A_982] {strides = array<i32>} : memref<400x64xf32, #tpu.memory_space<vmem>>, vector<1x16xf32>,
        %get3A_984 = vector.shape_cast %get3A_983 : vector<1x16xf32> to vector<16xf32>
        %add3A_985 = arith.addf %add3A_961, %get3A_984 : vector<16xf32>
        %get3A_986 = arith.index_cast %add3A_970 : i32 to index
        %get3A_987 = arith.constant 48 : index
        %get3A_988 = tpu.vector_load %arg6[%get3A_986, %get3A_987] {strides = array<i32>} : memref<400x64xf32, #tpu.memory_space<vmem>>, vector<1x16xf32>,
        %get3A_989 = vector.shape_cast %get3A_988 : vector<1x16xf32> to vector<16xf32>
        %add3A_990 = arith.addf %add3A_966, %get3A_989 : vector<16xf32>
        %scan3A_991 = arith.constant 2 : i32
        %scan3A_992 = arith.addi %scan3A_941, %scan3A_991 : i32
        %add3A_993 = arith.constant 0 : i32
        %add3A_994 = arith.addi %add3A_993, %scan3A_992 : i32
        %get3A_995 = arith.index_cast %add3A_994 : i32 to index
        %get3A_996 = arith.constant 0 : index
        %get3A_997 = tpu.vector_load %arg6[%get3A_995, %get3A_996] {strides = array<i32>} : memref<400x64xf32, #tpu.memory_space<vmem>>, vector<1x16xf32>,
        %get3A_998 = vector.shape_cast %get3A_997 : vector<1x16xf32> to vector<16xf32>
        %add3A_999 = arith.addf %add3A_975, %get3A_998 : vector<16xf32>
        %get3A_1000 = arith.index_cast %add3A_994 : i32 to index
        %get3A_1001 = arith.constant 16 : index
        %get3A_1002 = tpu.vector_load %arg6[%get3A_1000, %get3A_1001] {strides = array<i32>} : memref<400x64xf32, #tpu.memory_space<vmem>>, vector<1x16xf32>,
        %get3A_1003 = vector.shape_cast %get3A_1002 : vector<1x16xf32> to vector<16xf32>
        %add3A_1004 = arith.addf %add3A_980, %get3A_1003 : vector<16xf32>
        %get3A_1005 = arith.index_cast %add3A_994 : i32 to index
        %get3A_1006 = arith.constant 32 : index
        %get3A_1007 = tpu.vector_load %arg6[%get3A_1005, %get3A_1006] {strides = array<i32>} : memref<400x64xf32, #tpu.memory_space<vmem>>, vector<1x16xf32>,
        %get3A_1008 = vector.shape_cast %get3A_1007 : vector<1x16xf32> to vector<16xf32>
        %add3A_1009 = arith.addf %add3A_985, %get3A_1008 : vector<16xf32>
        %get3A_1010 = arith.index_cast %add3A_994 : i32 to index
        %get3A_1011 = arith.constant 48 : index
        %get3A_1012 = tpu.vector_load %arg6[%get3A_1010, %get3A_1011] {strides = array<i32>} : memref<400x64xf32, #tpu.memory_space<vmem>>, vector<1x16xf32>,
        %get3A_1013 = vector.shape_cast %get3A_1012 : vector<1x16xf32> to vector<16xf32>
        %add3A_1014 = arith.addf %add3A_990, %get3A_1013 : vector<16xf32>
        %scan3A_1015 = arith.constant 3 : i32
        %scan3A_1016 = arith.addi %scan3A_941, %scan3A_1015 : i32
        %add3A_1017 = arith.constant 0 : i32
        %add3A_1018 = arith.addi %add3A_1017, %scan3A_1016 : i32
        %get3A_1019 = arith.index_cast %add3A_1018 : i32 to index
        %get3A_1020 = arith.constant 0 : index
        %get3A_1021 = tpu.vector_load %arg6[%get3A_1019, %get3A_1020] {strides = array<i32>} : memref<400x64xf32, #tpu.memory_space<vmem>>, vector<1x16xf32>,
        %get3A_1022 = vector.shape_cast %get3A_1021 : vector<1x16xf32> to vector<16xf32>
        %add3A_1023 = arith.addf %add3A_999, %get3A_1022 : vector<16xf32>
        %get3A_1024 = arith.index_cast %add3A_1018 : i32 to index
        %get3A_1025 = arith.constant 16 : index
        %get3A_1026 = tpu.vector_load %arg6[%get3A_1024, %get3A_1025] {strides = array<i32>} : memref<400x64xf32, #tpu.memory_space<vmem>>, vector<1x16xf32>,
        %get3A_1027 = vector.shape_cast %get3A_1026 : vector<1x16xf32> to vector<16xf32>
        %add3A_1028 = arith.addf %add3A_1004, %get3A_1027 : vector<16xf32>
        %get3A_1029 = arith.index_cast %add3A_1018 : i32 to index
        %get3A_1030 = arith.constant 32 : index
        %get3A_1031 = tpu.vector_load %arg6[%get3A_1029, %get3A_1030] {strides = array<i32>} : memref<400x64xf32, #tpu.memory_space<vmem>>, vector<1x16xf32>,
        %get3A_1032 = vector.shape_cast %get3A_1031 : vector<1x16xf32> to vector<16xf32>
        %add3A_1033 = arith.addf %add3A_1009, %get3A_1032 : vector<16xf32>
        %get3A_1034 = arith.index_cast %add3A_1018 : i32 to index
        %get3A_1035 = arith.constant 48 : index
        %get3A_1036 = tpu.vector_load %arg6[%get3A_1034, %get3A_1035] {strides = array<i32>} : memref<400x64xf32, #tpu.memory_space<vmem>>, vector<1x16xf32>,
        %get3A_1037 = vector.shape_cast %get3A_1036 : vector<1x16xf32> to vector<16xf32>
        %add3A_1038 = arith.addf %add3A_1014, %get3A_1037 : vector<16xf32>
        %scan3A_1039 = arith.constant 4 : i32
        %scan3A_1040 = arith.addi %scan3A_941, %scan3A_1039 : i32
        %add3A_1041 = arith.constant 0 : i32
        %add3A_1042 = arith.addi %add3A_1041, %scan3A_1040 : i32
        %get3A_1043 = arith.index_cast %add3A_1042 : i32 to index
        %get3A_1044 = arith.constant 0 : index
        %get3A_1045 = tpu.vector_load %arg6[%get3A_1043, %get3A_1044] {strides = array<i32>} : memref<400x64xf32, #tpu.memory_space<vmem>>, vector<1x16xf32>,
        %get3A_1046 = vector.shape_cast %get3A_1045 : vector<1x16xf32> to vector<16xf32>
        %add3A_1047 = arith.addf %add3A_1023, %get3A_1046 : vector<16xf32>
        %get3A_1048 = arith.index_cast %add3A_1042 : i32 to index
        %get3A_1049 = arith.constant 16 : index
        %get3A_1050 = tpu.vector_load %arg6[%get3A_1048, %get3A_1049] {strides = array<i32>} : memref<400x64xf32, #tpu.memory_space<vmem>>, vector<1x16xf32>,
        %get3A_1051 = vector.shape_cast %get3A_1050 : vector<1x16xf32> to vector<16xf32>
        %add3A_1052 = arith.addf %add3A_1028, %get3A_1051 : vector<16xf32>
        %get3A_1053 = arith.index_cast %add3A_1042 : i32 to index
        %get3A_1054 = arith.constant 32 : index
        %get3A_1055 = tpu.vector_load %arg6[%get3A_1053, %get3A_1054] {strides = array<i32>} : memref<400x64xf32, #tpu.memory_space<vmem>>, vector<1x16xf32>,
        %get3A_1056 = vector.shape_cast %get3A_1055 : vector<1x16xf32> to vector<16xf32>
        %add3A_1057 = arith.addf %add3A_1033, %get3A_1056 : vector<16xf32>
        %get3A_1058 = arith.index_cast %add3A_1042 : i32 to index
        %get3A_1059 = arith.constant 48 : index
        %get3A_1060 = tpu.vector_load %arg6[%get3A_1058, %get3A_1059] {strides = array<i32>} : memref<400x64xf32, #tpu.memory_space<vmem>>, vector<1x16xf32>,
        %get3A_1061 = vector.shape_cast %get3A_1060 : vector<1x16xf32> to vector<16xf32>
        %add3A_1062 = arith.addf %add3A_1038, %get3A_1061 : vector<16xf32>
        scf.yield %add3A_1047, %add3A_1052, %add3A_1057, %add3A_1062 : vector<16xf32>, vector<16xf32>, vector<16xf32>, vector<16xf32>
      }
      %scan3A_105 = arith.constant 50 : i32
      %mul3A_106 = arith.constant 8 : i32
      %mul3A_107 = arith.muli %add3A_50, %mul3A_106 : i32
      %add3A_108 = arith.constant 0 : i32
      %add3A_109 = arith.addi %mul3A_107, %add3A_108 : i32
      %swap3A = arith.index_cast %add3A_109 : i32 to index
      %swap3A_110 = arith.constant 0 : index
      %swap3A_111 = tpu.vector_load %arg8[%swap3A, %swap3A_110] {strides = array<i32>} : memref<512x64xf32, #tpu.memory_space<vmem>>, vector<1x16xf32>,
      %swap3A_112 = vector.shape_cast %swap3A_111 : vector<1x16xf32> to vector<16xf32>
      %swap3A_113 = vector.shape_cast %scan3A_104#0 : vector<16xf32> to vector<1x16xf32>
      tpu.vector_store %arg8[%swap3A, %swap3A_110], %swap3A_113 {strides = array<i32>} : memref<512x64xf32, #tpu.memory_space<vmem>>, vector<1x16xf32>,
      %mul3A_114 = arith.constant 8 : i32
      %mul3A_115 = arith.muli %add3A_50, %mul3A_114 : i32
      %add3A_116 = arith.constant 0 : i32
      %add3A_117 = arith.addi %mul3A_115, %add3A_116 : i32
      %swap3A_118 = arith.index_cast %add3A_117 : i32 to index
      %swap3A_119 = arith.constant 16 : index
      %swap3A_120 = tpu.vector_load %arg8[%swap3A_118, %swap3A_119] {strides = array<i32>} : memref<512x64xf32, #tpu.memory_space<vmem>>, vector<1x16xf32>,
      %swap3A_121 = vector.shape_cast %swap3A_120 : vector<1x16xf32> to vector<16xf32>
      %swap3A_122 = vector.shape_cast %scan3A_104#1 : vector<16xf32> to vector<1x16xf32>
      tpu.vector_store %arg8[%swap3A_118, %swap3A_119], %swap3A_122 {strides = array<i32>} : memref<512x64xf32, #tpu.memory_space<vmem>>, vector<1x16xf32>,
      %mul3A_123 = arith.constant 8 : i32
      %mul3A_124 = arith.muli %add3A_50, %mul3A_123 : i32
      %add3A_125 = arith.constant 0 : i32
      %add3A_126 = arith.addi %mul3A_124, %add3A_125 : i32
      %swap3A_127 = arith.index_cast %add3A_126 : i32 to index
      %swap3A_128 = arith.constant 32 : index
      %swap3A_129 = tpu.vector_load %arg8[%swap3A_127, %swap3A_128] {strides = array<i32>} : memref<512x64xf32, #tpu.memory_space<vmem>>, vector<1x16xf32>,
      %swap3A_130 = vector.shape_cast %swap3A_129 : vector<1x16xf32> to vector<16xf32>
      %swap3A_131 = vector.shape_cast %scan3A_104#2 : vector<16xf32> to vector<1x16xf32>
      tpu.vector_store %arg8[%swap3A_127, %swap3A_128], %swap3A_131 {strides = array<i32>} : memref<512x64xf32, #tpu.memory_space<vmem>>, vector<1x16xf32>,
      %mul3A_132 = arith.constant 8 : i32
      %mul3A_133 = arith.muli %add3A_50, %mul3A_132 : i32
      %add3A_134 = arith.constant 0 : i32
      %add3A_135 = arith.addi %mul3A_133, %add3A_134 : i32
      %swap3A_136 = arith.index_cast %add3A_135 : i32 to index
      %swap3A_137 = arith.constant 48 : index
      %swap3A_138 = tpu.vector_load %arg8[%swap3A_136, %swap3A_137] {strides = array<i32>} : memref<512x64xf32, #tpu.memory_space<vmem>>, vector<1x16xf32>,
      %swap3A_139 = vector.shape_cast %swap3A_138 : vector<1x16xf32> to vector<16xf32>
      %swap3A_140 = vector.shape_cast %scan3A_104#3 : vector<16xf32> to vector<1x16xf32>
      tpu.vector_store %arg8[%swap3A_136, %swap3A_137], %swap3A_140 {strides = array<i32>} : memref<512x64xf32, #tpu.memory_space<vmem>>, vector<1x16xf32>,
      %broadcast_in_dim3A_141 = arith.constant 0.000000e+00 : f32
      %broadcast_in_dim3A_142 = vector.broadcast %broadcast_in_dim3A_141 : f32 to vector<16xf32>
      %broadcast_in_dim3A_143 = arith.constant 0.000000e+00 : f32
      %broadcast_in_dim3A_144 = vector.broadcast %broadcast_in_dim3A_143 : f32 to vector<16xf32>
      %broadcast_in_dim3A_145 = arith.constant 0.000000e+00 : f32
      %broadcast_in_dim3A_146 = vector.broadcast %broadcast_in_dim3A_145 : f32 to vector<16xf32>
      %broadcast_in_dim3A_147 = arith.constant 0.000000e+00 : f32
      %broadcast_in_dim3A_148 = vector.broadcast %broadcast_in_dim3A_147 : f32 to vector<16xf32>
      %scan3A_149 = arith.constant 0 : i32
      %scan3A_150 = arith.constant 50 : i32
      %scan3A_151 = arith.addi %scan3A_149, %scan3A_150 : i32
      %scan3A_152 = arith.constant 5 : i32
      %scan3A_153:4 = scf.for %scan3A_941 = %scan3A_149 to %scan3A_151 step %scan3A_152 iter_args(%scan3A_942 = %broadcast_in_dim3A_142, %scan3A_943 = %broadcast_in_dim3A_144, %scan3A_944 = %broadcast_in_dim3A_146, %scan3A_945 = %broadcast_in_dim3A_148) -> (vector<16xf32>, vector<16xf32>, vector<16xf32>, vector<16xf32>)  : i32 {
        %add3A_946 = arith.constant 50 : i32
        %add3A_947 = arith.addi %add3A_946, %scan3A_941 : i32
        %get3A = arith.index_cast %add3A_947 : i32 to index
        %get3A_948 = arith.constant 0 : index
        %get3A_949 = tpu.vector_load %arg6[%get3A, %get3A_948] {strides = array<i32>} : memref<400x64xf32, #tpu.memory_space<vmem>>, vector<1x16xf32>,
        %get3A_950 = vector.shape_cast %get3A_949 : vector<1x16xf32> to vector<16xf32>
        %add3A_951 = arith.addf %scan3A_942, %get3A_950 : vector<16xf32>
        %get3A_952 = arith.index_cast %add3A_947 : i32 to index
        %get3A_953 = arith.constant 16 : index
        %get3A_954 = tpu.vector_load %arg6[%get3A_952, %get3A_953] {strides = array<i32>} : memref<400x64xf32, #tpu.memory_space<vmem>>, vector<1x16xf32>,
        %get3A_955 = vector.shape_cast %get3A_954 : vector<1x16xf32> to vector<16xf32>
        %add3A_956 = arith.addf %scan3A_943, %get3A_955 : vector<16xf32>
        %get3A_957 = arith.index_cast %add3A_947 : i32 to index
        %get3A_958 = arith.constant 32 : index
        %get3A_959 = tpu.vector_load %arg6[%get3A_957, %get3A_958] {strides = array<i32>} : memref<400x64xf32, #tpu.memory_space<vmem>>, vector<1x16xf32>,
        %get3A_960 = vector.shape_cast %get3A_959 : vector<1x16xf32> to vector<16xf32>
        %add3A_961 = arith.addf %scan3A_944, %get3A_960 : vector<16xf32>
        %get3A_962 = arith.index_cast %add3A_947 : i32 to index
        %get3A_963 = arith.constant 48 : index
        %get3A_964 = tpu.vector_load %arg6[%get3A_962, %get3A_963] {strides = array<i32>} : memref<400x64xf32, #tpu.memory_space<vmem>>, vector<1x16xf32>,
        %get3A_965 = vector.shape_cast %get3A_964 : vector<1x16xf32> to vector<16xf32>
        %add3A_966 = arith.addf %scan3A_945, %get3A_965 : vector<16xf32>
        %scan3A_967 = arith.constant 1 : i32
        %scan3A_968 = arith.addi %scan3A_941, %scan3A_967 : i32
        %add3A_969 = arith.constant 50 : i32
        %add3A_970 = arith.addi %add3A_969, %scan3A_968 : i32
        %get3A_971 = arith.index_cast %add3A_970 : i32 to index
        %get3A_972 = arith.constant 0 : index
        %get3A_973 = tpu.vector_load %arg6[%get3A_971, %get3A_972] {strides = array<i32>} : memref<400x64xf32, #tpu.memory_space<vmem>>, vector<1x16xf32>,
        %get3A_974 = vector.shape_cast %get3A_973 : vector<1x16xf32> to vector<16xf32>
        %add3A_975 = arith.addf %add3A_951, %get3A_974 : vector<16xf32>
        %get3A_976 = arith.index_cast %add3A_970 : i32 to index
        %get3A_977 = arith.constant 16 : index
        %get3A_978 = tpu.vector_load %arg6[%get3A_976, %get3A_977] {strides = array<i32>} : memref<400x64xf32, #tpu.memory_space<vmem>>, vector<1x16xf32>,
        %get3A_979 = vector.shape_cast %get3A_978 : vector<1x16xf32> to vector<16xf32>
        %add3A_980 = arith.addf %add3A_956, %get3A_979 : vector<16xf32>
        %get3A_981 = arith.index_cast %add3A_970 : i32 to index
        %get3A_982 = arith.constant 32 : index
        %get3A_983 = tpu.vector_load %arg6[%get3A_981, %get3A_982] {strides = array<i32>} : memref<400x64xf32, #tpu.memory_space<vmem>>, vector<1x16xf32>,
        %get3A_984 = vector.shape_cast %get3A_983 : vector<1x16xf32> to vector<16xf32>
        %add3A_985 = arith.addf %add3A_961, %get3A_984 : vector<16xf32>
        %get3A_986 = arith.index_cast %add3A_970 : i32 to index
        %get3A_987 = arith.constant 48 : index
        %get3A_988 = tpu.vector_load %arg6[%get3A_986, %get3A_987] {strides = array<i32>} : memref<400x64xf32, #tpu.memory_space<vmem>>, vector<1x16xf32>,
        %get3A_989 = vector.shape_cast %get3A_988 : vector<1x16xf32> to vector<16xf32>
        %add3A_990 = arith.addf %add3A_966, %get3A_989 : vector<16xf32>
        %scan3A_991 = arith.constant 2 : i32
        %scan3A_992 = arith.addi %scan3A_941, %scan3A_991 : i32
        %add3A_993 = arith.constant 50 : i32
        %add3A_994 = arith.addi %add3A_993, %scan3A_992 : i32
        %get3A_995 = arith.index_cast %add3A_994 : i32 to index
        %get3A_996 = arith.constant 0 : index
        %get3A_997 = tpu.vector_load %arg6[%get3A_995, %get3A_996] {strides = array<i32>} : memref<400x64xf32, #tpu.memory_space<vmem>>, vector<1x16xf32>,
        %get3A_998 = vector.shape_cast %get3A_997 : vector<1x16xf32> to vector<16xf32>
        %add3A_999 = arith.addf %add3A_975, %get3A_998 : vector<16xf32>
        %get3A_1000 = arith.index_cast %add3A_994 : i32 to index
        %get3A_1001 = arith.constant 16 : index
        %get3A_1002 = tpu.vector_load %arg6[%get3A_1000, %get3A_1001] {strides = array<i32>} : memref<400x64xf32, #tpu.memory_space<vmem>>, vector<1x16xf32>,
        %get3A_1003 = vector.shape_cast %get3A_1002 : vector<1x16xf32> to vector<16xf32>
        %add3A_1004 = arith.addf %add3A_980, %get3A_1003 : vector<16xf32>
        %get3A_1005 = arith.index_cast %add3A_994 : i32 to index
        %get3A_1006 = arith.constant 32 : index
        %get3A_1007 = tpu.vector_load %arg6[%get3A_1005, %get3A_1006] {strides = array<i32>} : memref<400x64xf32, #tpu.memory_space<vmem>>, vector<1x16xf32>,
        %get3A_1008 = vector.shape_cast %get3A_1007 : vector<1x16xf32> to vector<16xf32>
        %add3A_1009 = arith.addf %add3A_985, %get3A_1008 : vector<16xf32>
        %get3A_1010 = arith.index_cast %add3A_994 : i32 to index
        %get3A_1011 = arith.constant 48 : index
        %get3A_1012 = tpu.vector_load %arg6[%get3A_1010, %get3A_1011] {strides = array<i32>} : memref<400x64xf32, #tpu.memory_space<vmem>>, vector<1x16xf32>,
        %get3A_1013 = vector.shape_cast %get3A_1012 : vector<1x16xf32> to vector<16xf32>
        %add3A_1014 = arith.addf %add3A_990, %get3A_1013 : vector<16xf32>
        %scan3A_1015 = arith.constant 3 : i32
        %scan3A_1016 = arith.addi %scan3A_941, %scan3A_1015 : i32
        %add3A_1017 = arith.constant 50 : i32
        %add3A_1018 = arith.addi %add3A_1017, %scan3A_1016 : i32
        %get3A_1019 = arith.index_cast %add3A_1018 : i32 to index
        %get3A_1020 = arith.constant 0 : index
        %get3A_1021 = tpu.vector_load %arg6[%get3A_1019, %get3A_1020] {strides = array<i32>} : memref<400x64xf32, #tpu.memory_space<vmem>>, vector<1x16xf32>,
        %get3A_1022 = vector.shape_cast %get3A_1021 : vector<1x16xf32> to vector<16xf32>
        %add3A_1023 = arith.addf %add3A_999, %get3A_1022 : vector<16xf32>
        %get3A_1024 = arith.index_cast %add3A_1018 : i32 to index
        %get3A_1025 = arith.constant 16 : index
        %get3A_1026 = tpu.vector_load %arg6[%get3A_1024, %get3A_1025] {strides = array<i32>} : memref<400x64xf32, #tpu.memory_space<vmem>>, vector<1x16xf32>,
        %get3A_1027 = vector.shape_cast %get3A_1026 : vector<1x16xf32> to vector<16xf32>
        %add3A_1028 = arith.addf %add3A_1004, %get3A_1027 : vector<16xf32>
        %get3A_1029 = arith.index_cast %add3A_1018 : i32 to index
        %get3A_1030 = arith.constant 32 : index
        %get3A_1031 = tpu.vector_load %arg6[%get3A_1029, %get3A_1030] {strides = array<i32>} : memref<400x64xf32, #tpu.memory_space<vmem>>, vector<1x16xf32>,
        %get3A_1032 = vector.shape_cast %get3A_1031 : vector<1x16xf32> to vector<16xf32>
        %add3A_1033 = arith.addf %add3A_1009, %get3A_1032 : vector<16xf32>
        %get3A_1034 = arith.index_cast %add3A_1018 : i32 to index
        %get3A_1035 = arith.constant 48 : index
        %get3A_1036 = tpu.vector_load %arg6[%get3A_1034, %get3A_1035] {strides = array<i32>} : memref<400x64xf32, #tpu.memory_space<vmem>>, vector<1x16xf32>,
        %get3A_1037 = vector.shape_cast %get3A_1036 : vector<1x16xf32> to vector<16xf32>
        %add3A_1038 = arith.addf %add3A_1014, %get3A_1037 : vector<16xf32>
        %scan3A_1039 = arith.constant 4 : i32
        %scan3A_1040 = arith.addi %scan3A_941, %scan3A_1039 : i32
        %add3A_1041 = arith.constant 50 : i32
        %add3A_1042 = arith.addi %add3A_1041, %scan3A_1040 : i32
        %get3A_1043 = arith.index_cast %add3A_1042 : i32 to index
        %get3A_1044 = arith.constant 0 : index
        %get3A_1045 = tpu.vector_load %arg6[%get3A_1043, %get3A_1044] {strides = array<i32>} : memref<400x64xf32, #tpu.memory_space<vmem>>, vector<1x16xf32>,
        %get3A_1046 = vector.shape_cast %get3A_1045 : vector<1x16xf32> to vector<16xf32>
        %add3A_1047 = arith.addf %add3A_1023, %get3A_1046 : vector<16xf32>
        %get3A_1048 = arith.index_cast %add3A_1042 : i32 to index
        %get3A_1049 = arith.constant 16 : index
        %get3A_1050 = tpu.vector_load %arg6[%get3A_1048, %get3A_1049] {strides = array<i32>} : memref<400x64xf32, #tpu.memory_space<vmem>>, vector<1x16xf32>,
        %get3A_1051 = vector.shape_cast %get3A_1050 : vector<1x16xf32> to vector<16xf32>
        %add3A_1052 = arith.addf %add3A_1028, %get3A_1051 : vector<16xf32>
        %get3A_1053 = arith.index_cast %add3A_1042 : i32 to index
        %get3A_1054 = arith.constant 32 : index
        %get3A_1055 = tpu.vector_load %arg6[%get3A_1053, %get3A_1054] {strides = array<i32>} : memref<400x64xf32, #tpu.memory_space<vmem>>, vector<1x16xf32>,
        %get3A_1056 = vector.shape_cast %get3A_1055 : vector<1x16xf32> to vector<16xf32>
        %add3A_1057 = arith.addf %add3A_1033, %get3A_1056 : vector<16xf32>
        %get3A_1058 = arith.index_cast %add3A_1042 : i32 to index
        %get3A_1059 = arith.constant 48 : index
        %get3A_1060 = tpu.vector_load %arg6[%get3A_1058, %get3A_1059] {strides = array<i32>} : memref<400x64xf32, #tpu.memory_space<vmem>>, vector<1x16xf32>,
        %get3A_1061 = vector.shape_cast %get3A_1060 : vector<1x16xf32> to vector<16xf32>
        %add3A_1062 = arith.addf %add3A_1038, %get3A_1061 : vector<16xf32>
        scf.yield %add3A_1047, %add3A_1052, %add3A_1057, %add3A_1062 : vector<16xf32>, vector<16xf32>, vector<16xf32>, vector<16xf32>
      }
      %scan3A_154 = arith.constant 50 : i32
      %mul3A_155 = arith.constant 8 : i32
      %mul3A_156 = arith.muli %add3A_50, %mul3A_155 : i32
      %add3A_157 = arith.constant 1 : i32
      %add3A_158 = arith.addi %mul3A_156, %add3A_157 : i32
      %swap3A_159 = arith.index_cast %add3A_158 : i32 to index
      %swap3A_160 = arith.constant 0 : index
      %swap3A_161 = tpu.vector_load %arg8[%swap3A_159, %swap3A_160] {strides = array<i32>} : memref<512x64xf32, #tpu.memory_space<vmem>>, vector<1x16xf32>,
      %swap3A_162 = vector.shape_cast %swap3A_161 : vector<1x16xf32> to vector<16xf32>
      %swap3A_163 = vector.shape_cast %scan3A_153#0 : vector<16xf32> to vector<1x16xf32>
      tpu.vector_store %arg8[%swap3A_159, %swap3A_160], %swap3A_163 {strides = array<i32>} : memref<512x64xf32, #tpu.memory_space<vmem>>, vector<1x16xf32>,
      %mul3A_164 = arith.constant 8 : i32
      %mul3A_165 = arith.muli %add3A_50, %mul3A_164 : i32
      %add3A_166 = arith.constant 1 : i32
      %add3A_167 = arith.addi %mul3A_165, %add3A_166 : i32
      %swap3A_168 = arith.index_cast %add3A_167 : i32 to index
      %swap3A_169 = arith.constant 16 : index
      %swap3A_170 = tpu.vector_load %arg8[%swap3A_168, %swap3A_169] {strides = array<i32>} : memref<512x64xf32, #tpu.memory_space<vmem>>, vector<1x16xf32>,
      %swap3A_171 = vector.shape_cast %swap3A_170 : vector<1x16xf32> to vector<16xf32>
      %swap3A_172 = vector.shape_cast %scan3A_153#1 : vector<16xf32> to vector<1x16xf32>
      tpu.vector_store %arg8[%swap3A_168, %swap3A_169], %swap3A_172 {strides = array<i32>} : memref<512x64xf32, #tpu.memory_space<vmem>>, vector<1x16xf32>,
      %mul3A_173 = arith.constant 8 : i32
      %mul3A_174 = arith.muli %add3A_50, %mul3A_173 : i32
      %add3A_175 = arith.constant 1 : i32
      %add3A_176 = arith.addi %mul3A_174, %add3A_175 : i32
      %swap3A_177 = arith.index_cast %add3A_176 : i32 to index
      %swap3A_178 = arith.constant 32 : index
      %swap3A_179 = tpu.vector_load %arg8[%swap3A_177, %swap3A_178] {strides = array<i32>} : memref<512x64xf32, #tpu.memory_space<vmem>>, vector<1x16xf32>,
      %swap3A_180 = vector.shape_cast %swap3A_179 : vector<1x16xf32> to vector<16xf32>
      %swap3A_181 = vector.shape_cast %scan3A_153#2 : vector<16xf32> to vector<1x16xf32>
      tpu.vector_store %arg8[%swap3A_177, %swap3A_178], %swap3A_181 {strides = array<i32>} : memref<512x64xf32, #tpu.memory_space<vmem>>, vector<1x16xf32>,
      %mul3A_182 = arith.constant 8 : i32
      %mul3A_183 = arith.muli %add3A_50, %mul3A_182 : i32
      %add3A_184 = arith.constant 1 : i32
      %add3A_185 = arith.addi %mul3A_183, %add3A_184 : i32
      %swap3A_186 = arith.index_cast %add3A_185 : i32 to index
      %swap3A_187 = arith.constant 48 : index
      %swap3A_188 = tpu.vector_load %arg8[%swap3A_186, %swap3A_187] {strides = array<i32>} : memref<512x64xf32, #tpu.memory_space<vmem>>, vector<1x16xf32>,
      %swap3A_189 = vector.shape_cast %swap3A_188 : vector<1x16xf32> to vector<16xf32>
      %swap3A_190 = vector.shape_cast %scan3A_153#3 : vector<16xf32> to vector<1x16xf32>
      tpu.vector_store %arg8[%swap3A_186, %swap3A_187], %swap3A_190 {strides = array<i32>} : memref<512x64xf32, #tpu.memory_space<vmem>>, vector<1x16xf32>,
      %broadcast_in_dim3A_191 = arith.constant 0.000000e+00 : f32
      %broadcast_in_dim3A_192 = vector.broadcast %broadcast_in_dim3A_191 : f32 to vector<16xf32>
      %broadcast_in_dim3A_193 = arith.constant 0.000000e+00 : f32
      %broadcast_in_dim3A_194 = vector.broadcast %broadcast_in_dim3A_193 : f32 to vector<16xf32>
      %broadcast_in_dim3A_195 = arith.constant 0.000000e+00 : f32
      %broadcast_in_dim3A_196 = vector.broadcast %broadcast_in_dim3A_195 : f32 to vector<16xf32>
      %broadcast_in_dim3A_197 = arith.constant 0.000000e+00 : f32
      %broadcast_in_dim3A_198 = vector.broadcast %broadcast_in_dim3A_197 : f32 to vector<16xf32>
      %scan3A_199 = arith.constant 0 : i32
      %scan3A_200 = arith.constant 50 : i32
      %scan3A_201 = arith.addi %scan3A_199, %scan3A_200 : i32
      %scan3A_202 = arith.constant 5 : i32
      %scan3A_203:4 = scf.for %scan3A_941 = %scan3A_199 to %scan3A_201 step %scan3A_202 iter_args(%scan3A_942 = %broadcast_in_dim3A_192, %scan3A_943 = %broadcast_in_dim3A_194, %scan3A_944 = %broadcast_in_dim3A_196, %scan3A_945 = %broadcast_in_dim3A_198) -> (vector<16xf32>, vector<16xf32>, vector<16xf32>, vector<16xf32>)  : i32 {
        %add3A_946 = arith.constant 100 : i32
        %add3A_947 = arith.addi %add3A_946, %scan3A_941 : i32
        %get3A = arith.index_cast %add3A_947 : i32 to index
        %get3A_948 = arith.constant 0 : index
        %get3A_949 = tpu.vector_load %arg6[%get3A, %get3A_948] {strides = array<i32>} : memref<400x64xf32, #tpu.memory_space<vmem>>, vector<1x16xf32>,
        %get3A_950 = vector.shape_cast %get3A_949 : vector<1x16xf32> to vector<16xf32>
        %add3A_951 = arith.addf %scan3A_942, %get3A_950 : vector<16xf32>
        %get3A_952 = arith.index_cast %add3A_947 : i32 to index
        %get3A_953 = arith.constant 16 : index
        %get3A_954 = tpu.vector_load %arg6[%get3A_952, %get3A_953] {strides = array<i32>} : memref<400x64xf32, #tpu.memory_space<vmem>>, vector<1x16xf32>,
        %get3A_955 = vector.shape_cast %get3A_954 : vector<1x16xf32> to vector<16xf32>
        %add3A_956 = arith.addf %scan3A_943, %get3A_955 : vector<16xf32>
        %get3A_957 = arith.index_cast %add3A_947 : i32 to index
        %get3A_958 = arith.constant 32 : index
        %get3A_959 = tpu.vector_load %arg6[%get3A_957, %get3A_958] {strides = array<i32>} : memref<400x64xf32, #tpu.memory_space<vmem>>, vector<1x16xf32>,
        %get3A_960 = vector.shape_cast %get3A_959 : vector<1x16xf32> to vector<16xf32>
        %add3A_961 = arith.addf %scan3A_944, %get3A_960 : vector<16xf32>
        %get3A_962 = arith.index_cast %add3A_947 : i32 to index
        %get3A_963 = arith.constant 48 : index
        %get3A_964 = tpu.vector_load %arg6[%get3A_962, %get3A_963] {strides = array<i32>} : memref<400x64xf32, #tpu.memory_space<vmem>>, vector<1x16xf32>,
        %get3A_965 = vector.shape_cast %get3A_964 : vector<1x16xf32> to vector<16xf32>
        %add3A_966 = arith.addf %scan3A_945, %get3A_965 : vector<16xf32>
        %scan3A_967 = arith.constant 1 : i32
        %scan3A_968 = arith.addi %scan3A_941, %scan3A_967 : i32
        %add3A_969 = arith.constant 100 : i32
        %add3A_970 = arith.addi %add3A_969, %scan3A_968 : i32
        %get3A_971 = arith.index_cast %add3A_970 : i32 to index
        %get3A_972 = arith.constant 0 : index
        %get3A_973 = tpu.vector_load %arg6[%get3A_971, %get3A_972] {strides = array<i32>} : memref<400x64xf32, #tpu.memory_space<vmem>>, vector<1x16xf32>,
        %get3A_974 = vector.shape_cast %get3A_973 : vector<1x16xf32> to vector<16xf32>
        %add3A_975 = arith.addf %add3A_951, %get3A_974 : vector<16xf32>
        %get3A_976 = arith.index_cast %add3A_970 : i32 to index
        %get3A_977 = arith.constant 16 : index
        %get3A_978 = tpu.vector_load %arg6[%get3A_976, %get3A_977] {strides = array<i32>} : memref<400x64xf32, #tpu.memory_space<vmem>>, vector<1x16xf32>,
        %get3A_979 = vector.shape_cast %get3A_978 : vector<1x16xf32> to vector<16xf32>
        %add3A_980 = arith.addf %add3A_956, %get3A_979 : vector<16xf32>
        %get3A_981 = arith.index_cast %add3A_970 : i32 to index
        %get3A_982 = arith.constant 32 : index
        %get3A_983 = tpu.vector_load %arg6[%get3A_981, %get3A_982] {strides = array<i32>} : memref<400x64xf32, #tpu.memory_space<vmem>>, vector<1x16xf32>,
        %get3A_984 = vector.shape_cast %get3A_983 : vector<1x16xf32> to vector<16xf32>
        %add3A_985 = arith.addf %add3A_961, %get3A_984 : vector<16xf32>
        %get3A_986 = arith.index_cast %add3A_970 : i32 to index
        %get3A_987 = arith.constant 48 : index
        %get3A_988 = tpu.vector_load %arg6[%get3A_986, %get3A_987] {strides = array<i32>} : memref<400x64xf32, #tpu.memory_space<vmem>>, vector<1x16xf32>,
        %get3A_989 = vector.shape_cast %get3A_988 : vector<1x16xf32> to vector<16xf32>
        %add3A_990 = arith.addf %add3A_966, %get3A_989 : vector<16xf32>
        %scan3A_991 = arith.constant 2 : i32
        %scan3A_992 = arith.addi %scan3A_941, %scan3A_991 : i32
        %add3A_993 = arith.constant 100 : i32
        %add3A_994 = arith.addi %add3A_993, %scan3A_992 : i32
        %get3A_995 = arith.index_cast %add3A_994 : i32 to index
        %get3A_996 = arith.constant 0 : index
        %get3A_997 = tpu.vector_load %arg6[%get3A_995, %get3A_996] {strides = array<i32>} : memref<400x64xf32, #tpu.memory_space<vmem>>, vector<1x16xf32>,
        %get3A_998 = vector.shape_cast %get3A_997 : vector<1x16xf32> to vector<16xf32>
        %add3A_999 = arith.addf %add3A_975, %get3A_998 : vector<16xf32>
        %get3A_1000 = arith.index_cast %add3A_994 : i32 to index
        %get3A_1001 = arith.constant 16 : index
        %get3A_1002 = tpu.vector_load %arg6[%get3A_1000, %get3A_1001] {strides = array<i32>} : memref<400x64xf32, #tpu.memory_space<vmem>>, vector<1x16xf32>,
        %get3A_1003 = vector.shape_cast %get3A_1002 : vector<1x16xf32> to vector<16xf32>
        %add3A_1004 = arith.addf %add3A_980, %get3A_1003 : vector<16xf32>
        %get3A_1005 = arith.index_cast %add3A_994 : i32 to index
        %get3A_1006 = arith.constant 32 : index
        %get3A_1007 = tpu.vector_load %arg6[%get3A_1005, %get3A_1006] {strides = array<i32>} : memref<400x64xf32, #tpu.memory_space<vmem>>, vector<1x16xf32>,
        %get3A_1008 = vector.shape_cast %get3A_1007 : vector<1x16xf32> to vector<16xf32>
        %add3A_1009 = arith.addf %add3A_985, %get3A_1008 : vector<16xf32>
        %get3A_1010 = arith.index_cast %add3A_994 : i32 to index
        %get3A_1011 = arith.constant 48 : index
        %get3A_1012 = tpu.vector_load %arg6[%get3A_1010, %get3A_1011] {strides = array<i32>} : memref<400x64xf32, #tpu.memory_space<vmem>>, vector<1x16xf32>,
        %get3A_1013 = vector.shape_cast %get3A_1012 : vector<1x16xf32> to vector<16xf32>
        %add3A_1014 = arith.addf %add3A_990, %get3A_1013 : vector<16xf32>
        %scan3A_1015 = arith.constant 3 : i32
        %scan3A_1016 = arith.addi %scan3A_941, %scan3A_1015 : i32
        %add3A_1017 = arith.constant 100 : i32
        %add3A_1018 = arith.addi %add3A_1017, %scan3A_1016 : i32
        %get3A_1019 = arith.index_cast %add3A_1018 : i32 to index
        %get3A_1020 = arith.constant 0 : index
        %get3A_1021 = tpu.vector_load %arg6[%get3A_1019, %get3A_1020] {strides = array<i32>} : memref<400x64xf32, #tpu.memory_space<vmem>>, vector<1x16xf32>,
        %get3A_1022 = vector.shape_cast %get3A_1021 : vector<1x16xf32> to vector<16xf32>
        %add3A_1023 = arith.addf %add3A_999, %get3A_1022 : vector<16xf32>
        %get3A_1024 = arith.index_cast %add3A_1018 : i32 to index
        %get3A_1025 = arith.constant 16 : index
        %get3A_1026 = tpu.vector_load %arg6[%get3A_1024, %get3A_1025] {strides = array<i32>} : memref<400x64xf32, #tpu.memory_space<vmem>>, vector<1x16xf32>,
        %get3A_1027 = vector.shape_cast %get3A_1026 : vector<1x16xf32> to vector<16xf32>
        %add3A_1028 = arith.addf %add3A_1004, %get3A_1027 : vector<16xf32>
        %get3A_1029 = arith.index_cast %add3A_1018 : i32 to index
        %get3A_1030 = arith.constant 32 : index
        %get3A_1031 = tpu.vector_load %arg6[%get3A_1029, %get3A_1030] {strides = array<i32>} : memref<400x64xf32, #tpu.memory_space<vmem>>, vector<1x16xf32>,
        %get3A_1032 = vector.shape_cast %get3A_1031 : vector<1x16xf32> to vector<16xf32>
        %add3A_1033 = arith.addf %add3A_1009, %get3A_1032 : vector<16xf32>
        %get3A_1034 = arith.index_cast %add3A_1018 : i32 to index
        %get3A_1035 = arith.constant 48 : index
        %get3A_1036 = tpu.vector_load %arg6[%get3A_1034, %get3A_1035] {strides = array<i32>} : memref<400x64xf32, #tpu.memory_space<vmem>>, vector<1x16xf32>,
        %get3A_1037 = vector.shape_cast %get3A_1036 : vector<1x16xf32> to vector<16xf32>
        %add3A_1038 = arith.addf %add3A_1014, %get3A_1037 : vector<16xf32>
        %scan3A_1039 = arith.constant 4 : i32
        %scan3A_1040 = arith.addi %scan3A_941, %scan3A_1039 : i32
        %add3A_1041 = arith.constant 100 : i32
        %add3A_1042 = arith.addi %add3A_1041, %scan3A_1040 : i32
        %get3A_1043 = arith.index_cast %add3A_1042 : i32 to index
        %get3A_1044 = arith.constant 0 : index
        %get3A_1045 = tpu.vector_load %arg6[%get3A_1043, %get3A_1044] {strides = array<i32>} : memref<400x64xf32, #tpu.memory_space<vmem>>, vector<1x16xf32>,
        %get3A_1046 = vector.shape_cast %get3A_1045 : vector<1x16xf32> to vector<16xf32>
        %add3A_1047 = arith.addf %add3A_1023, %get3A_1046 : vector<16xf32>
        %get3A_1048 = arith.index_cast %add3A_1042 : i32 to index
        %get3A_1049 = arith.constant 16 : index
        %get3A_1050 = tpu.vector_load %arg6[%get3A_1048, %get3A_1049] {strides = array<i32>} : memref<400x64xf32, #tpu.memory_space<vmem>>, vector<1x16xf32>,
        %get3A_1051 = vector.shape_cast %get3A_1050 : vector<1x16xf32> to vector<16xf32>
        %add3A_1052 = arith.addf %add3A_1028, %get3A_1051 : vector<16xf32>
        %get3A_1053 = arith.index_cast %add3A_1042 : i32 to index
        %get3A_1054 = arith.constant 32 : index
        %get3A_1055 = tpu.vector_load %arg6[%get3A_1053, %get3A_1054] {strides = array<i32>} : memref<400x64xf32, #tpu.memory_space<vmem>>, vector<1x16xf32>,
        %get3A_1056 = vector.shape_cast %get3A_1055 : vector<1x16xf32> to vector<16xf32>
        %add3A_1057 = arith.addf %add3A_1033, %get3A_1056 : vector<16xf32>
        %get3A_1058 = arith.index_cast %add3A_1042 : i32 to index
        %get3A_1059 = arith.constant 48 : index
        %get3A_1060 = tpu.vector_load %arg6[%get3A_1058, %get3A_1059] {strides = array<i32>} : memref<400x64xf32, #tpu.memory_space<vmem>>, vector<1x16xf32>,
        %get3A_1061 = vector.shape_cast %get3A_1060 : vector<1x16xf32> to vector<16xf32>
        %add3A_1062 = arith.addf %add3A_1038, %get3A_1061 : vector<16xf32>
        scf.yield %add3A_1047, %add3A_1052, %add3A_1057, %add3A_1062 : vector<16xf32>, vector<16xf32>, vector<16xf32>, vector<16xf32>
      }
      %scan3A_204 = arith.constant 50 : i32
      %mul3A_205 = arith.constant 8 : i32
      %mul3A_206 = arith.muli %add3A_50, %mul3A_205 : i32
      %add3A_207 = arith.constant 2 : i32
      %add3A_208 = arith.addi %mul3A_206, %add3A_207 : i32
      %swap3A_209 = arith.index_cast %add3A_208 : i32 to index
      %swap3A_210 = arith.constant 0 : index
      %swap3A_211 = tpu.vector_load %arg8[%swap3A_209, %swap3A_210] {strides = array<i32>} : memref<512x64xf32, #tpu.memory_space<vmem>>, vector<1x16xf32>,
      %swap3A_212 = vector.shape_cast %swap3A_211 : vector<1x16xf32> to vector<16xf32>
      %swap3A_213 = vector.shape_cast %scan3A_203#0 : vector<16xf32> to vector<1x16xf32>
      tpu.vector_store %arg8[%swap3A_209, %swap3A_210], %swap3A_213 {strides = array<i32>} : memref<512x64xf32, #tpu.memory_space<vmem>>, vector<1x16xf32>,
      %mul3A_214 = arith.constant 8 : i32
      %mul3A_215 = arith.muli %add3A_50, %mul3A_214 : i32
      %add3A_216 = arith.constant 2 : i32
      %add3A_217 = arith.addi %mul3A_215, %add3A_216 : i32
      %swap3A_218 = arith.index_cast %add3A_217 : i32 to index
      %swap3A_219 = arith.constant 16 : index
      %swap3A_220 = tpu.vector_load %arg8[%swap3A_218, %swap3A_219] {strides = array<i32>} : memref<512x64xf32, #tpu.memory_space<vmem>>, vector<1x16xf32>,
      %swap3A_221 = vector.shape_cast %swap3A_220 : vector<1x16xf32> to vector<16xf32>
      %swap3A_222 = vector.shape_cast %scan3A_203#1 : vector<16xf32> to vector<1x16xf32>
      tpu.vector_store %arg8[%swap3A_218, %swap3A_219], %swap3A_222 {strides = array<i32>} : memref<512x64xf32, #tpu.memory_space<vmem>>, vector<1x16xf32>,
      %mul3A_223 = arith.constant 8 : i32
      %mul3A_224 = arith.muli %add3A_50, %mul3A_223 : i32
      %add3A_225 = arith.constant 2 : i32
      %add3A_226 = arith.addi %mul3A_224, %add3A_225 : i32
      %swap3A_227 = arith.index_cast %add3A_226 : i32 to index
      %swap3A_228 = arith.constant 32 : index
      %swap3A_229 = tpu.vector_load %arg8[%swap3A_227, %swap3A_228] {strides = array<i32>} : memref<512x64xf32, #tpu.memory_space<vmem>>, vector<1x16xf32>,
      %swap3A_230 = vector.shape_cast %swap3A_229 : vector<1x16xf32> to vector<16xf32>
      %swap3A_231 = vector.shape_cast %scan3A_203#2 : vector<16xf32> to vector<1x16xf32>
      tpu.vector_store %arg8[%swap3A_227, %swap3A_228], %swap3A_231 {strides = array<i32>} : memref<512x64xf32, #tpu.memory_space<vmem>>, vector<1x16xf32>,
      %mul3A_232 = arith.constant 8 : i32
      %mul3A_233 = arith.muli %add3A_50, %mul3A_232 : i32
      %add3A_234 = arith.constant 2 : i32
      %add3A_235 = arith.addi %mul3A_233, %add3A_234 : i32
      %swap3A_236 = arith.index_cast %add3A_235 : i32 to index
      %swap3A_237 = arith.constant 48 : index
      %swap3A_238 = tpu.vector_load %arg8[%swap3A_236, %swap3A_237] {strides = array<i32>} : memref<512x64xf32, #tpu.memory_space<vmem>>, vector<1x16xf32>,
      %swap3A_239 = vector.shape_cast %swap3A_238 : vector<1x16xf32> to vector<16xf32>
      %swap3A_240 = vector.shape_cast %scan3A_203#3 : vector<16xf32> to vector<1x16xf32>
      tpu.vector_store %arg8[%swap3A_236, %swap3A_237], %swap3A_240 {strides = array<i32>} : memref<512x64xf32, #tpu.memory_space<vmem>>, vector<1x16xf32>,
      %broadcast_in_dim3A_241 = arith.constant 0.000000e+00 : f32
      %broadcast_in_dim3A_242 = vector.broadcast %broadcast_in_dim3A_241 : f32 to vector<16xf32>
      %broadcast_in_dim3A_243 = arith.constant 0.000000e+00 : f32
      %broadcast_in_dim3A_244 = vector.broadcast %broadcast_in_dim3A_243 : f32 to vector<16xf32>
      %broadcast_in_dim3A_245 = arith.constant 0.000000e+00 : f32
      %broadcast_in_dim3A_246 = vector.broadcast %broadcast_in_dim3A_245 : f32 to vector<16xf32>
      %broadcast_in_dim3A_247 = arith.constant 0.000000e+00 : f32
      %broadcast_in_dim3A_248 = vector.broadcast %broadcast_in_dim3A_247 : f32 to vector<16xf32>
      %scan3A_249 = arith.constant 0 : i32
      %scan3A_250 = arith.constant 50 : i32
      %scan3A_251 = arith.addi %scan3A_249, %scan3A_250 : i32
      %scan3A_252 = arith.constant 5 : i32
      %scan3A_253:4 = scf.for %scan3A_941 = %scan3A_249 to %scan3A_251 step %scan3A_252 iter_args(%scan3A_942 = %broadcast_in_dim3A_242, %scan3A_943 = %broadcast_in_dim3A_244, %scan3A_944 = %broadcast_in_dim3A_246, %scan3A_945 = %broadcast_in_dim3A_248) -> (vector<16xf32>, vector<16xf32>, vector<16xf32>, vector<16xf32>)  : i32 {
        %add3A_946 = arith.constant 150 : i32
        %add3A_947 = arith.addi %add3A_946, %scan3A_941 : i32
        %get3A = arith.index_cast %add3A_947 : i32 to index
        %get3A_948 = arith.constant 0 : index
        %get3A_949 = tpu.vector_load %arg6[%get3A, %get3A_948] {strides = array<i32>} : memref<400x64xf32, #tpu.memory_space<vmem>>, vector<1x16xf32>,
        %get3A_950 = vector.shape_cast %get3A_949 : vector<1x16xf32> to vector<16xf32>
        %add3A_951 = arith.addf %scan3A_942, %get3A_950 : vector<16xf32>
        %get3A_952 = arith.index_cast %add3A_947 : i32 to index
        %get3A_953 = arith.constant 16 : index
        %get3A_954 = tpu.vector_load %arg6[%get3A_952, %get3A_953] {strides = array<i32>} : memref<400x64xf32, #tpu.memory_space<vmem>>, vector<1x16xf32>,
        %get3A_955 = vector.shape_cast %get3A_954 : vector<1x16xf32> to vector<16xf32>
        %add3A_956 = arith.addf %scan3A_943, %get3A_955 : vector<16xf32>
        %get3A_957 = arith.index_cast %add3A_947 : i32 to index
        %get3A_958 = arith.constant 32 : index
        %get3A_959 = tpu.vector_load %arg6[%get3A_957, %get3A_958] {strides = array<i32>} : memref<400x64xf32, #tpu.memory_space<vmem>>, vector<1x16xf32>,
        %get3A_960 = vector.shape_cast %get3A_959 : vector<1x16xf32> to vector<16xf32>
        %add3A_961 = arith.addf %scan3A_944, %get3A_960 : vector<16xf32>
        %get3A_962 = arith.index_cast %add3A_947 : i32 to index
        %get3A_963 = arith.constant 48 : index
        %get3A_964 = tpu.vector_load %arg6[%get3A_962, %get3A_963] {strides = array<i32>} : memref<400x64xf32, #tpu.memory_space<vmem>>, vector<1x16xf32>,
        %get3A_965 = vector.shape_cast %get3A_964 : vector<1x16xf32> to vector<16xf32>
        %add3A_966 = arith.addf %scan3A_945, %get3A_965 : vector<16xf32>
        %scan3A_967 = arith.constant 1 : i32
        %scan3A_968 = arith.addi %scan3A_941, %scan3A_967 : i32
        %add3A_969 = arith.constant 150 : i32
        %add3A_970 = arith.addi %add3A_969, %scan3A_968 : i32
        %get3A_971 = arith.index_cast %add3A_970 : i32 to index
        %get3A_972 = arith.constant 0 : index
        %get3A_973 = tpu.vector_load %arg6[%get3A_971, %get3A_972] {strides = array<i32>} : memref<400x64xf32, #tpu.memory_space<vmem>>, vector<1x16xf32>,
        %get3A_974 = vector.shape_cast %get3A_973 : vector<1x16xf32> to vector<16xf32>
        %add3A_975 = arith.addf %add3A_951, %get3A_974 : vector<16xf32>
        %get3A_976 = arith.index_cast %add3A_970 : i32 to index
        %get3A_977 = arith.constant 16 : index
        %get3A_978 = tpu.vector_load %arg6[%get3A_976, %get3A_977] {strides = array<i32>} : memref<400x64xf32, #tpu.memory_space<vmem>>, vector<1x16xf32>,
        %get3A_979 = vector.shape_cast %get3A_978 : vector<1x16xf32> to vector<16xf32>
        %add3A_980 = arith.addf %add3A_956, %get3A_979 : vector<16xf32>
        %get3A_981 = arith.index_cast %add3A_970 : i32 to index
        %get3A_982 = arith.constant 32 : index
        %get3A_983 = tpu.vector_load %arg6[%get3A_981, %get3A_982] {strides = array<i32>} : memref<400x64xf32, #tpu.memory_space<vmem>>, vector<1x16xf32>,
        %get3A_984 = vector.shape_cast %get3A_983 : vector<1x16xf32> to vector<16xf32>
        %add3A_985 = arith.addf %add3A_961, %get3A_984 : vector<16xf32>
        %get3A_986 = arith.index_cast %add3A_970 : i32 to index
        %get3A_987 = arith.constant 48 : index
        %get3A_988 = tpu.vector_load %arg6[%get3A_986, %get3A_987] {strides = array<i32>} : memref<400x64xf32, #tpu.memory_space<vmem>>, vector<1x16xf32>,
        %get3A_989 = vector.shape_cast %get3A_988 : vector<1x16xf32> to vector<16xf32>
        %add3A_990 = arith.addf %add3A_966, %get3A_989 : vector<16xf32>
        %scan3A_991 = arith.constant 2 : i32
        %scan3A_992 = arith.addi %scan3A_941, %scan3A_991 : i32
        %add3A_993 = arith.constant 150 : i32
        %add3A_994 = arith.addi %add3A_993, %scan3A_992 : i32
        %get3A_995 = arith.index_cast %add3A_994 : i32 to index
        %get3A_996 = arith.constant 0 : index
        %get3A_997 = tpu.vector_load %arg6[%get3A_995, %get3A_996] {strides = array<i32>} : memref<400x64xf32, #tpu.memory_space<vmem>>, vector<1x16xf32>,
        %get3A_998 = vector.shape_cast %get3A_997 : vector<1x16xf32> to vector<16xf32>
        %add3A_999 = arith.addf %add3A_975, %get3A_998 : vector<16xf32>
        %get3A_1000 = arith.index_cast %add3A_994 : i32 to index
        %get3A_1001 = arith.constant 16 : index
        %get3A_1002 = tpu.vector_load %arg6[%get3A_1000, %get3A_1001] {strides = array<i32>} : memref<400x64xf32, #tpu.memory_space<vmem>>, vector<1x16xf32>,
        %get3A_1003 = vector.shape_cast %get3A_1002 : vector<1x16xf32> to vector<16xf32>
        %add3A_1004 = arith.addf %add3A_980, %get3A_1003 : vector<16xf32>
        %get3A_1005 = arith.index_cast %add3A_994 : i32 to index
        %get3A_1006 = arith.constant 32 : index
        %get3A_1007 = tpu.vector_load %arg6[%get3A_1005, %get3A_1006] {strides = array<i32>} : memref<400x64xf32, #tpu.memory_space<vmem>>, vector<1x16xf32>,
        %get3A_1008 = vector.shape_cast %get3A_1007 : vector<1x16xf32> to vector<16xf32>
        %add3A_1009 = arith.addf %add3A_985, %get3A_1008 : vector<16xf32>
        %get3A_1010 = arith.index_cast %add3A_994 : i32 to index
        %get3A_1011 = arith.constant 48 : index
        %get3A_1012 = tpu.vector_load %arg6[%get3A_1010, %get3A_1011] {strides = array<i32>} : memref<400x64xf32, #tpu.memory_space<vmem>>, vector<1x16xf32>,
        %get3A_1013 = vector.shape_cast %get3A_1012 : vector<1x16xf32> to vector<16xf32>
        %add3A_1014 = arith.addf %add3A_990, %get3A_1013 : vector<16xf32>
        %scan3A_1015 = arith.constant 3 : i32
        %scan3A_1016 = arith.addi %scan3A_941, %scan3A_1015 : i32
        %add3A_1017 = arith.constant 150 : i32
        %add3A_1018 = arith.addi %add3A_1017, %scan3A_1016 : i32
        %get3A_1019 = arith.index_cast %add3A_1018 : i32 to index
        %get3A_1020 = arith.constant 0 : index
        %get3A_1021 = tpu.vector_load %arg6[%get3A_1019, %get3A_1020] {strides = array<i32>} : memref<400x64xf32, #tpu.memory_space<vmem>>, vector<1x16xf32>,
        %get3A_1022 = vector.shape_cast %get3A_1021 : vector<1x16xf32> to vector<16xf32>
        %add3A_1023 = arith.addf %add3A_999, %get3A_1022 : vector<16xf32>
        %get3A_1024 = arith.index_cast %add3A_1018 : i32 to index
        %get3A_1025 = arith.constant 16 : index
        %get3A_1026 = tpu.vector_load %arg6[%get3A_1024, %get3A_1025] {strides = array<i32>} : memref<400x64xf32, #tpu.memory_space<vmem>>, vector<1x16xf32>,
        %get3A_1027 = vector.shape_cast %get3A_1026 : vector<1x16xf32> to vector<16xf32>
        %add3A_1028 = arith.addf %add3A_1004, %get3A_1027 : vector<16xf32>
        %get3A_1029 = arith.index_cast %add3A_1018 : i32 to index
        %get3A_1030 = arith.constant 32 : index
        %get3A_1031 = tpu.vector_load %arg6[%get3A_1029, %get3A_1030] {strides = array<i32>} : memref<400x64xf32, #tpu.memory_space<vmem>>, vector<1x16xf32>,
        %get3A_1032 = vector.shape_cast %get3A_1031 : vector<1x16xf32> to vector<16xf32>
        %add3A_1033 = arith.addf %add3A_1009, %get3A_1032 : vector<16xf32>
        %get3A_1034 = arith.index_cast %add3A_1018 : i32 to index
        %get3A_1035 = arith.constant 48 : index
        %get3A_1036 = tpu.vector_load %arg6[%get3A_1034, %get3A_1035] {strides = array<i32>} : memref<400x64xf32, #tpu.memory_space<vmem>>, vector<1x16xf32>,
        %get3A_1037 = vector.shape_cast %get3A_1036 : vector<1x16xf32> to vector<16xf32>
        %add3A_1038 = arith.addf %add3A_1014, %get3A_1037 : vector<16xf32>
        %scan3A_1039 = arith.constant 4 : i32
        %scan3A_1040 = arith.addi %scan3A_941, %scan3A_1039 : i32
        %add3A_1041 = arith.constant 150 : i32
        %add3A_1042 = arith.addi %add3A_1041, %scan3A_1040 : i32
        %get3A_1043 = arith.index_cast %add3A_1042 : i32 to index
        %get3A_1044 = arith.constant 0 : index
        %get3A_1045 = tpu.vector_load %arg6[%get3A_1043, %get3A_1044] {strides = array<i32>} : memref<400x64xf32, #tpu.memory_space<vmem>>, vector<1x16xf32>,
        %get3A_1046 = vector.shape_cast %get3A_1045 : vector<1x16xf32> to vector<16xf32>
        %add3A_1047 = arith.addf %add3A_1023, %get3A_1046 : vector<16xf32>
        %get3A_1048 = arith.index_cast %add3A_1042 : i32 to index
        %get3A_1049 = arith.constant 16 : index
        %get3A_1050 = tpu.vector_load %arg6[%get3A_1048, %get3A_1049] {strides = array<i32>} : memref<400x64xf32, #tpu.memory_space<vmem>>, vector<1x16xf32>,
        %get3A_1051 = vector.shape_cast %get3A_1050 : vector<1x16xf32> to vector<16xf32>
        %add3A_1052 = arith.addf %add3A_1028, %get3A_1051 : vector<16xf32>
        %get3A_1053 = arith.index_cast %add3A_1042 : i32 to index
        %get3A_1054 = arith.constant 32 : index
        %get3A_1055 = tpu.vector_load %arg6[%get3A_1053, %get3A_1054] {strides = array<i32>} : memref<400x64xf32, #tpu.memory_space<vmem>>, vector<1x16xf32>,
        %get3A_1056 = vector.shape_cast %get3A_1055 : vector<1x16xf32> to vector<16xf32>
        %add3A_1057 = arith.addf %add3A_1033, %get3A_1056 : vector<16xf32>
        %get3A_1058 = arith.index_cast %add3A_1042 : i32 to index
        %get3A_1059 = arith.constant 48 : index
        %get3A_1060 = tpu.vector_load %arg6[%get3A_1058, %get3A_1059] {strides = array<i32>} : memref<400x64xf32, #tpu.memory_space<vmem>>, vector<1x16xf32>,
        %get3A_1061 = vector.shape_cast %get3A_1060 : vector<1x16xf32> to vector<16xf32>
        %add3A_1062 = arith.addf %add3A_1038, %get3A_1061 : vector<16xf32>
        scf.yield %add3A_1047, %add3A_1052, %add3A_1057, %add3A_1062 : vector<16xf32>, vector<16xf32>, vector<16xf32>, vector<16xf32>
      }
      %scan3A_254 = arith.constant 50 : i32
      %mul3A_255 = arith.constant 8 : i32
      %mul3A_256 = arith.muli %add3A_50, %mul3A_255 : i32
      %add3A_257 = arith.constant 3 : i32
      %add3A_258 = arith.addi %mul3A_256, %add3A_257 : i32
      %swap3A_259 = arith.index_cast %add3A_258 : i32 to index
      %swap3A_260 = arith.constant 0 : index
      %swap3A_261 = tpu.vector_load %arg8[%swap3A_259, %swap3A_260] {strides = array<i32>} : memref<512x64xf32, #tpu.memory_space<vmem>>, vector<1x16xf32>,
      %swap3A_262 = vector.shape_cast %swap3A_261 : vector<1x16xf32> to vector<16xf32>
      %swap3A_263 = vector.shape_cast %scan3A_253#0 : vector<16xf32> to vector<1x16xf32>
      tpu.vector_store %arg8[%swap3A_259, %swap3A_260], %swap3A_263 {strides = array<i32>} : memref<512x64xf32, #tpu.memory_space<vmem>>, vector<1x16xf32>,
      %mul3A_264 = arith.constant 8 : i32
      %mul3A_265 = arith.muli %add3A_50, %mul3A_264 : i32
      %add3A_266 = arith.constant 3 : i32
      %add3A_267 = arith.addi %mul3A_265, %add3A_266 : i32
      %swap3A_268 = arith.index_cast %add3A_267 : i32 to index
      %swap3A_269 = arith.constant 16 : index
      %swap3A_270 = tpu.vector_load %arg8[%swap3A_268, %swap3A_269] {strides = array<i32>} : memref<512x64xf32, #tpu.memory_space<vmem>>, vector<1x16xf32>,
      %swap3A_271 = vector.shape_cast %swap3A_270 : vector<1x16xf32> to vector<16xf32>
      %swap3A_272 = vector.shape_cast %scan3A_253#1 : vector<16xf32> to vector<1x16xf32>
      tpu.vector_store %arg8[%swap3A_268, %swap3A_269], %swap3A_272 {strides = array<i32>} : memref<512x64xf32, #tpu.memory_space<vmem>>, vector<1x16xf32>,
      %mul3A_273 = arith.constant 8 : i32
      %mul3A_274 = arith.muli %add3A_50, %mul3A_273 : i32
      %add3A_275 = arith.constant 3 : i32
      %add3A_276 = arith.addi %mul3A_274, %add3A_275 : i32
      %swap3A_277 = arith.index_cast %add3A_276 : i32 to index
      %swap3A_278 = arith.constant 32 : index
      %swap3A_279 = tpu.vector_load %arg8[%swap3A_277, %swap3A_278] {strides = array<i32>} : memref<512x64xf32, #tpu.memory_space<vmem>>, vector<1x16xf32>,
      %swap3A_280 = vector.shape_cast %swap3A_279 : vector<1x16xf32> to vector<16xf32>
      %swap3A_281 = vector.shape_cast %scan3A_253#2 : vector<16xf32> to vector<1x16xf32>
      tpu.vector_store %arg8[%swap3A_277, %swap3A_278], %swap3A_281 {strides = array<i32>} : memref<512x64xf32, #tpu.memory_space<vmem>>, vector<1x16xf32>,
      %mul3A_282 = arith.constant 8 : i32
      %mul3A_283 = arith.muli %add3A_50, %mul3A_282 : i32
      %add3A_284 = arith.constant 3 : i32
      %add3A_285 = arith.addi %mul3A_283, %add3A_284 : i32
      %swap3A_286 = arith.index_cast %add3A_285 : i32 to index
      %swap3A_287 = arith.constant 48 : index
      %swap3A_288 = tpu.vector_load %arg8[%swap3A_286, %swap3A_287] {strides = array<i32>} : memref<512x64xf32, #tpu.memory_space<vmem>>, vector<1x16xf32>,
      %swap3A_289 = vector.shape_cast %swap3A_288 : vector<1x16xf32> to vector<16xf32>
      %swap3A_290 = vector.shape_cast %scan3A_253#3 : vector<16xf32> to vector<1x16xf32>
      tpu.vector_store %arg8[%swap3A_286, %swap3A_287], %swap3A_290 {strides = array<i32>} : memref<512x64xf32, #tpu.memory_space<vmem>>, vector<1x16xf32>,
      %broadcast_in_dim3A_291 = arith.constant 0.000000e+00 : f32
      %broadcast_in_dim3A_292 = vector.broadcast %broadcast_in_dim3A_291 : f32 to vector<16xf32>
      %broadcast_in_dim3A_293 = arith.constant 0.000000e+00 : f32
      %broadcast_in_dim3A_294 = vector.broadcast %broadcast_in_dim3A_293 : f32 to vector<16xf32>
      %broadcast_in_dim3A_295 = arith.constant 0.000000e+00 : f32
      %broadcast_in_dim3A_296 = vector.broadcast %broadcast_in_dim3A_295 : f32 to vector<16xf32>
      %broadcast_in_dim3A_297 = arith.constant 0.000000e+00 : f32
      %broadcast_in_dim3A_298 = vector.broadcast %broadcast_in_dim3A_297 : f32 to vector<16xf32>
      %scan3A_299 = arith.constant 0 : i32
      %scan3A_300 = arith.constant 50 : i32
      %scan3A_301 = arith.addi %scan3A_299, %scan3A_300 : i32
      %scan3A_302 = arith.constant 5 : i32
      %scan3A_303:4 = scf.for %scan3A_941 = %scan3A_299 to %scan3A_301 step %scan3A_302 iter_args(%scan3A_942 = %broadcast_in_dim3A_292, %scan3A_943 = %broadcast_in_dim3A_294, %scan3A_944 = %broadcast_in_dim3A_296, %scan3A_945 = %broadcast_in_dim3A_298) -> (vector<16xf32>, vector<16xf32>, vector<16xf32>, vector<16xf32>)  : i32 {
        %add3A_946 = arith.constant 200 : i32
        %add3A_947 = arith.addi %add3A_946, %scan3A_941 : i32
        %get3A = arith.index_cast %add3A_947 : i32 to index
        %get3A_948 = arith.constant 0 : index
        %get3A_949 = tpu.vector_load %arg6[%get3A, %get3A_948] {strides = array<i32>} : memref<400x64xf32, #tpu.memory_space<vmem>>, vector<1x16xf32>,
        %get3A_950 = vector.shape_cast %get3A_949 : vector<1x16xf32> to vector<16xf32>
        %add3A_951 = arith.addf %scan3A_942, %get3A_950 : vector<16xf32>
        %get3A_952 = arith.index_cast %add3A_947 : i32 to index
        %get3A_953 = arith.constant 16 : index
        %get3A_954 = tpu.vector_load %arg6[%get3A_952, %get3A_953] {strides = array<i32>} : memref<400x64xf32, #tpu.memory_space<vmem>>, vector<1x16xf32>,
        %get3A_955 = vector.shape_cast %get3A_954 : vector<1x16xf32> to vector<16xf32>
        %add3A_956 = arith.addf %scan3A_943, %get3A_955 : vector<16xf32>
        %get3A_957 = arith.index_cast %add3A_947 : i32 to index
        %get3A_958 = arith.constant 32 : index
        %get3A_959 = tpu.vector_load %arg6[%get3A_957, %get3A_958] {strides = array<i32>} : memref<400x64xf32, #tpu.memory_space<vmem>>, vector<1x16xf32>,
        %get3A_960 = vector.shape_cast %get3A_959 : vector<1x16xf32> to vector<16xf32>
        %add3A_961 = arith.addf %scan3A_944, %get3A_960 : vector<16xf32>
        %get3A_962 = arith.index_cast %add3A_947 : i32 to index
        %get3A_963 = arith.constant 48 : index
        %get3A_964 = tpu.vector_load %arg6[%get3A_962, %get3A_963] {strides = array<i32>} : memref<400x64xf32, #tpu.memory_space<vmem>>, vector<1x16xf32>,
        %get3A_965 = vector.shape_cast %get3A_964 : vector<1x16xf32> to vector<16xf32>
        %add3A_966 = arith.addf %scan3A_945, %get3A_965 : vector<16xf32>
        %scan3A_967 = arith.constant 1 : i32
        %scan3A_968 = arith.addi %scan3A_941, %scan3A_967 : i32
        %add3A_969 = arith.constant 200 : i32
        %add3A_970 = arith.addi %add3A_969, %scan3A_968 : i32
        %get3A_971 = arith.index_cast %add3A_970 : i32 to index
        %get3A_972 = arith.constant 0 : index
        %get3A_973 = tpu.vector_load %arg6[%get3A_971, %get3A_972] {strides = array<i32>} : memref<400x64xf32, #tpu.memory_space<vmem>>, vector<1x16xf32>,
        %get3A_974 = vector.shape_cast %get3A_973 : vector<1x16xf32> to vector<16xf32>
        %add3A_975 = arith.addf %add3A_951, %get3A_974 : vector<16xf32>
        %get3A_976 = arith.index_cast %add3A_970 : i32 to index
        %get3A_977 = arith.constant 16 : index
        %get3A_978 = tpu.vector_load %arg6[%get3A_976, %get3A_977] {strides = array<i32>} : memref<400x64xf32, #tpu.memory_space<vmem>>, vector<1x16xf32>,
        %get3A_979 = vector.shape_cast %get3A_978 : vector<1x16xf32> to vector<16xf32>
        %add3A_980 = arith.addf %add3A_956, %get3A_979 : vector<16xf32>
        %get3A_981 = arith.index_cast %add3A_970 : i32 to index
        %get3A_982 = arith.constant 32 : index
        %get3A_983 = tpu.vector_load %arg6[%get3A_981, %get3A_982] {strides = array<i32>} : memref<400x64xf32, #tpu.memory_space<vmem>>, vector<1x16xf32>,
        %get3A_984 = vector.shape_cast %get3A_983 : vector<1x16xf32> to vector<16xf32>
        %add3A_985 = arith.addf %add3A_961, %get3A_984 : vector<16xf32>
        %get3A_986 = arith.index_cast %add3A_970 : i32 to index
        %get3A_987 = arith.constant 48 : index
        %get3A_988 = tpu.vector_load %arg6[%get3A_986, %get3A_987] {strides = array<i32>} : memref<400x64xf32, #tpu.memory_space<vmem>>, vector<1x16xf32>,
        %get3A_989 = vector.shape_cast %get3A_988 : vector<1x16xf32> to vector<16xf32>
        %add3A_990 = arith.addf %add3A_966, %get3A_989 : vector<16xf32>
        %scan3A_991 = arith.constant 2 : i32
        %scan3A_992 = arith.addi %scan3A_941, %scan3A_991 : i32
        %add3A_993 = arith.constant 200 : i32
        %add3A_994 = arith.addi %add3A_993, %scan3A_992 : i32
        %get3A_995 = arith.index_cast %add3A_994 : i32 to index
        %get3A_996 = arith.constant 0 : index
        %get3A_997 = tpu.vector_load %arg6[%get3A_995, %get3A_996] {strides = array<i32>} : memref<400x64xf32, #tpu.memory_space<vmem>>, vector<1x16xf32>,
        %get3A_998 = vector.shape_cast %get3A_997 : vector<1x16xf32> to vector<16xf32>
        %add3A_999 = arith.addf %add3A_975, %get3A_998 : vector<16xf32>
        %get3A_1000 = arith.index_cast %add3A_994 : i32 to index
        %get3A_1001 = arith.constant 16 : index
        %get3A_1002 = tpu.vector_load %arg6[%get3A_1000, %get3A_1001] {strides = array<i32>} : memref<400x64xf32, #tpu.memory_space<vmem>>, vector<1x16xf32>,
        %get3A_1003 = vector.shape_cast %get3A_1002 : vector<1x16xf32> to vector<16xf32>
        %add3A_1004 = arith.addf %add3A_980, %get3A_1003 : vector<16xf32>
        %get3A_1005 = arith.index_cast %add3A_994 : i32 to index
        %get3A_1006 = arith.constant 32 : index
        %get3A_1007 = tpu.vector_load %arg6[%get3A_1005, %get3A_1006] {strides = array<i32>} : memref<400x64xf32, #tpu.memory_space<vmem>>, vector<1x16xf32>,
        %get3A_1008 = vector.shape_cast %get3A_1007 : vector<1x16xf32> to vector<16xf32>
        %add3A_1009 = arith.addf %add3A_985, %get3A_1008 : vector<16xf32>
        %get3A_1010 = arith.index_cast %add3A_994 : i32 to index
        %get3A_1011 = arith.constant 48 : index
        %get3A_1012 = tpu.vector_load %arg6[%get3A_1010, %get3A_1011] {strides = array<i32>} : memref<400x64xf32, #tpu.memory_space<vmem>>, vector<1x16xf32>,
        %get3A_1013 = vector.shape_cast %get3A_1012 : vector<1x16xf32> to vector<16xf32>
        %add3A_1014 = arith.addf %add3A_990, %get3A_1013 : vector<16xf32>
        %scan3A_1015 = arith.constant 3 : i32
        %scan3A_1016 = arith.addi %scan3A_941, %scan3A_1015 : i32
        %add3A_1017 = arith.constant 200 : i32
        %add3A_1018 = arith.addi %add3A_1017, %scan3A_1016 : i32
        %get3A_1019 = arith.index_cast %add3A_1018 : i32 to index
        %get3A_1020 = arith.constant 0 : index
        %get3A_1021 = tpu.vector_load %arg6[%get3A_1019, %get3A_1020] {strides = array<i32>} : memref<400x64xf32, #tpu.memory_space<vmem>>, vector<1x16xf32>,
        %get3A_1022 = vector.shape_cast %get3A_1021 : vector<1x16xf32> to vector<16xf32>
        %add3A_1023 = arith.addf %add3A_999, %get3A_1022 : vector<16xf32>
        %get3A_1024 = arith.index_cast %add3A_1018 : i32 to index
        %get3A_1025 = arith.constant 16 : index
        %get3A_1026 = tpu.vector_load %arg6[%get3A_1024, %get3A_1025] {strides = array<i32>} : memref<400x64xf32, #tpu.memory_space<vmem>>, vector<1x16xf32>,
        %get3A_1027 = vector.shape_cast %get3A_1026 : vector<1x16xf32> to vector<16xf32>
        %add3A_1028 = arith.addf %add3A_1004, %get3A_1027 : vector<16xf32>
        %get3A_1029 = arith.index_cast %add3A_1018 : i32 to index
        %get3A_1030 = arith.constant 32 : index
        %get3A_1031 = tpu.vector_load %arg6[%get3A_1029, %get3A_1030] {strides = array<i32>} : memref<400x64xf32, #tpu.memory_space<vmem>>, vector<1x16xf32>,
        %get3A_1032 = vector.shape_cast %get3A_1031 : vector<1x16xf32> to vector<16xf32>
        %add3A_1033 = arith.addf %add3A_1009, %get3A_1032 : vector<16xf32>
        %get3A_1034 = arith.index_cast %add3A_1018 : i32 to index
        %get3A_1035 = arith.constant 48 : index
        %get3A_1036 = tpu.vector_load %arg6[%get3A_1034, %get3A_1035] {strides = array<i32>} : memref<400x64xf32, #tpu.memory_space<vmem>>, vector<1x16xf32>,
        %get3A_1037 = vector.shape_cast %get3A_1036 : vector<1x16xf32> to vector<16xf32>
        %add3A_1038 = arith.addf %add3A_1014, %get3A_1037 : vector<16xf32>
        %scan3A_1039 = arith.constant 4 : i32
        %scan3A_1040 = arith.addi %scan3A_941, %scan3A_1039 : i32
        %add3A_1041 = arith.constant 200 : i32
        %add3A_1042 = arith.addi %add3A_1041, %scan3A_1040 : i32
        %get3A_1043 = arith.index_cast %add3A_1042 : i32 to index
        %get3A_1044 = arith.constant 0 : index
        %get3A_1045 = tpu.vector_load %arg6[%get3A_1043, %get3A_1044] {strides = array<i32>} : memref<400x64xf32, #tpu.memory_space<vmem>>, vector<1x16xf32>,
        %get3A_1046 = vector.shape_cast %get3A_1045 : vector<1x16xf32> to vector<16xf32>
        %add3A_1047 = arith.addf %add3A_1023, %get3A_1046 : vector<16xf32>
        %get3A_1048 = arith.index_cast %add3A_1042 : i32 to index
        %get3A_1049 = arith.constant 16 : index
        %get3A_1050 = tpu.vector_load %arg6[%get3A_1048, %get3A_1049] {strides = array<i32>} : memref<400x64xf32, #tpu.memory_space<vmem>>, vector<1x16xf32>,
        %get3A_1051 = vector.shape_cast %get3A_1050 : vector<1x16xf32> to vector<16xf32>
        %add3A_1052 = arith.addf %add3A_1028, %get3A_1051 : vector<16xf32>
        %get3A_1053 = arith.index_cast %add3A_1042 : i32 to index
        %get3A_1054 = arith.constant 32 : index
        %get3A_1055 = tpu.vector_load %arg6[%get3A_1053, %get3A_1054] {strides = array<i32>} : memref<400x64xf32, #tpu.memory_space<vmem>>, vector<1x16xf32>,
        %get3A_1056 = vector.shape_cast %get3A_1055 : vector<1x16xf32> to vector<16xf32>
        %add3A_1057 = arith.addf %add3A_1033, %get3A_1056 : vector<16xf32>
        %get3A_1058 = arith.index_cast %add3A_1042 : i32 to index
        %get3A_1059 = arith.constant 48 : index
        %get3A_1060 = tpu.vector_load %arg6[%get3A_1058, %get3A_1059] {strides = array<i32>} : memref<400x64xf32, #tpu.memory_space<vmem>>, vector<1x16xf32>,
        %get3A_1061 = vector.shape_cast %get3A_1060 : vector<1x16xf32> to vector<16xf32>
        %add3A_1062 = arith.addf %add3A_1038, %get3A_1061 : vector<16xf32>
        scf.yield %add3A_1047, %add3A_1052, %add3A_1057, %add3A_1062 : vector<16xf32>, vector<16xf32>, vector<16xf32>, vector<16xf32>
      }
      %scan3A_304 = arith.constant 50 : i32
      %mul3A_305 = arith.constant 8 : i32
      %mul3A_306 = arith.muli %add3A_50, %mul3A_305 : i32
      %add3A_307 = arith.constant 4 : i32
      %add3A_308 = arith.addi %mul3A_306, %add3A_307 : i32
      %swap3A_309 = arith.index_cast %add3A_308 : i32 to index
      %swap3A_310 = arith.constant 0 : index
      %swap3A_311 = tpu.vector_load %arg8[%swap3A_309, %swap3A_310] {strides = array<i32>} : memref<512x64xf32, #tpu.memory_space<vmem>>, vector<1x16xf32>,
      %swap3A_312 = vector.shape_cast %swap3A_311 : vector<1x16xf32> to vector<16xf32>
      %swap3A_313 = vector.shape_cast %scan3A_303#0 : vector<16xf32> to vector<1x16xf32>
      tpu.vector_store %arg8[%swap3A_309, %swap3A_310], %swap3A_313 {strides = array<i32>} : memref<512x64xf32, #tpu.memory_space<vmem>>, vector<1x16xf32>,
      %mul3A_314 = arith.constant 8 : i32
      %mul3A_315 = arith.muli %add3A_50, %mul3A_314 : i32
      %add3A_316 = arith.constant 4 : i32
      %add3A_317 = arith.addi %mul3A_315, %add3A_316 : i32
      %swap3A_318 = arith.index_cast %add3A_317 : i32 to index
      %swap3A_319 = arith.constant 16 : index
      %swap3A_320 = tpu.vector_load %arg8[%swap3A_318, %swap3A_319] {strides = array<i32>} : memref<512x64xf32, #tpu.memory_space<vmem>>, vector<1x16xf32>,
      %swap3A_321 = vector.shape_cast %swap3A_320 : vector<1x16xf32> to vector<16xf32>
      %swap3A_322 = vector.shape_cast %scan3A_303#1 : vector<16xf32> to vector<1x16xf32>
      tpu.vector_store %arg8[%swap3A_318, %swap3A_319], %swap3A_322 {strides = array<i32>} : memref<512x64xf32, #tpu.memory_space<vmem>>, vector<1x16xf32>,
      %mul3A_323 = arith.constant 8 : i32
      %mul3A_324 = arith.muli %add3A_50, %mul3A_323 : i32
      %add3A_325 = arith.constant 4 : i32
      %add3A_326 = arith.addi %mul3A_324, %add3A_325 : i32
      %swap3A_327 = arith.index_cast %add3A_326 : i32 to index
      %swap3A_328 = arith.constant 32 : index
      %swap3A_329 = tpu.vector_load %arg8[%swap3A_327, %swap3A_328] {strides = array<i32>} : memref<512x64xf32, #tpu.memory_space<vmem>>, vector<1x16xf32>,
      %swap3A_330 = vector.shape_cast %swap3A_329 : vector<1x16xf32> to vector<16xf32>
      %swap3A_331 = vector.shape_cast %scan3A_303#2 : vector<16xf32> to vector<1x16xf32>
      tpu.vector_store %arg8[%swap3A_327, %swap3A_328], %swap3A_331 {strides = array<i32>} : memref<512x64xf32, #tpu.memory_space<vmem>>, vector<1x16xf32>,
      %mul3A_332 = arith.constant 8 : i32
      %mul3A_333 = arith.muli %add3A_50, %mul3A_332 : i32
      %add3A_334 = arith.constant 4 : i32
      %add3A_335 = arith.addi %mul3A_333, %add3A_334 : i32
      %swap3A_336 = arith.index_cast %add3A_335 : i32 to index
      %swap3A_337 = arith.constant 48 : index
      %swap3A_338 = tpu.vector_load %arg8[%swap3A_336, %swap3A_337] {strides = array<i32>} : memref<512x64xf32, #tpu.memory_space<vmem>>, vector<1x16xf32>,
      %swap3A_339 = vector.shape_cast %swap3A_338 : vector<1x16xf32> to vector<16xf32>
      %swap3A_340 = vector.shape_cast %scan3A_303#3 : vector<16xf32> to vector<1x16xf32>
      tpu.vector_store %arg8[%swap3A_336, %swap3A_337], %swap3A_340 {strides = array<i32>} : memref<512x64xf32, #tpu.memory_space<vmem>>, vector<1x16xf32>,
      %broadcast_in_dim3A_341 = arith.constant 0.000000e+00 : f32
      %broadcast_in_dim3A_342 = vector.broadcast %broadcast_in_dim3A_341 : f32 to vector<16xf32>
      %broadcast_in_dim3A_343 = arith.constant 0.000000e+00 : f32
      %broadcast_in_dim3A_344 = vector.broadcast %broadcast_in_dim3A_343 : f32 to vector<16xf32>
      %broadcast_in_dim3A_345 = arith.constant 0.000000e+00 : f32
      %broadcast_in_dim3A_346 = vector.broadcast %broadcast_in_dim3A_345 : f32 to vector<16xf32>
      %broadcast_in_dim3A_347 = arith.constant 0.000000e+00 : f32
      %broadcast_in_dim3A_348 = vector.broadcast %broadcast_in_dim3A_347 : f32 to vector<16xf32>
      %scan3A_349 = arith.constant 0 : i32
      %scan3A_350 = arith.constant 50 : i32
      %scan3A_351 = arith.addi %scan3A_349, %scan3A_350 : i32
      %scan3A_352 = arith.constant 5 : i32
      %scan3A_353:4 = scf.for %scan3A_941 = %scan3A_349 to %scan3A_351 step %scan3A_352 iter_args(%scan3A_942 = %broadcast_in_dim3A_342, %scan3A_943 = %broadcast_in_dim3A_344, %scan3A_944 = %broadcast_in_dim3A_346, %scan3A_945 = %broadcast_in_dim3A_348) -> (vector<16xf32>, vector<16xf32>, vector<16xf32>, vector<16xf32>)  : i32 {
        %add3A_946 = arith.constant 250 : i32
        %add3A_947 = arith.addi %add3A_946, %scan3A_941 : i32
        %get3A = arith.index_cast %add3A_947 : i32 to index
        %get3A_948 = arith.constant 0 : index
        %get3A_949 = tpu.vector_load %arg6[%get3A, %get3A_948] {strides = array<i32>} : memref<400x64xf32, #tpu.memory_space<vmem>>, vector<1x16xf32>,
        %get3A_950 = vector.shape_cast %get3A_949 : vector<1x16xf32> to vector<16xf32>
        %add3A_951 = arith.addf %scan3A_942, %get3A_950 : vector<16xf32>
        %get3A_952 = arith.index_cast %add3A_947 : i32 to index
        %get3A_953 = arith.constant 16 : index
        %get3A_954 = tpu.vector_load %arg6[%get3A_952, %get3A_953] {strides = array<i32>} : memref<400x64xf32, #tpu.memory_space<vmem>>, vector<1x16xf32>,
        %get3A_955 = vector.shape_cast %get3A_954 : vector<1x16xf32> to vector<16xf32>
        %add3A_956 = arith.addf %scan3A_943, %get3A_955 : vector<16xf32>
        %get3A_957 = arith.index_cast %add3A_947 : i32 to index
        %get3A_958 = arith.constant 32 : index
        %get3A_959 = tpu.vector_load %arg6[%get3A_957, %get3A_958] {strides = array<i32>} : memref<400x64xf32, #tpu.memory_space<vmem>>, vector<1x16xf32>,
        %get3A_960 = vector.shape_cast %get3A_959 : vector<1x16xf32> to vector<16xf32>
        %add3A_961 = arith.addf %scan3A_944, %get3A_960 : vector<16xf32>
        %get3A_962 = arith.index_cast %add3A_947 : i32 to index
        %get3A_963 = arith.constant 48 : index
        %get3A_964 = tpu.vector_load %arg6[%get3A_962, %get3A_963] {strides = array<i32>} : memref<400x64xf32, #tpu.memory_space<vmem>>, vector<1x16xf32>,
        %get3A_965 = vector.shape_cast %get3A_964 : vector<1x16xf32> to vector<16xf32>
        %add3A_966 = arith.addf %scan3A_945, %get3A_965 : vector<16xf32>
        %scan3A_967 = arith.constant 1 : i32
        %scan3A_968 = arith.addi %scan3A_941, %scan3A_967 : i32
        %add3A_969 = arith.constant 250 : i32
        %add3A_970 = arith.addi %add3A_969, %scan3A_968 : i32
        %get3A_971 = arith.index_cast %add3A_970 : i32 to index
        %get3A_972 = arith.constant 0 : index
        %get3A_973 = tpu.vector_load %arg6[%get3A_971, %get3A_972] {strides = array<i32>} : memref<400x64xf32, #tpu.memory_space<vmem>>, vector<1x16xf32>,
        %get3A_974 = vector.shape_cast %get3A_973 : vector<1x16xf32> to vector<16xf32>
        %add3A_975 = arith.addf %add3A_951, %get3A_974 : vector<16xf32>
        %get3A_976 = arith.index_cast %add3A_970 : i32 to index
        %get3A_977 = arith.constant 16 : index
        %get3A_978 = tpu.vector_load %arg6[%get3A_976, %get3A_977] {strides = array<i32>} : memref<400x64xf32, #tpu.memory_space<vmem>>, vector<1x16xf32>,
        %get3A_979 = vector.shape_cast %get3A_978 : vector<1x16xf32> to vector<16xf32>
        %add3A_980 = arith.addf %add3A_956, %get3A_979 : vector<16xf32>
        %get3A_981 = arith.index_cast %add3A_970 : i32 to index
        %get3A_982 = arith.constant 32 : index
        %get3A_983 = tpu.vector_load %arg6[%get3A_981, %get3A_982] {strides = array<i32>} : memref<400x64xf32, #tpu.memory_space<vmem>>, vector<1x16xf32>,
        %get3A_984 = vector.shape_cast %get3A_983 : vector<1x16xf32> to vector<16xf32>
        %add3A_985 = arith.addf %add3A_961, %get3A_984 : vector<16xf32>
        %get3A_986 = arith.index_cast %add3A_970 : i32 to index
        %get3A_987 = arith.constant 48 : index
        %get3A_988 = tpu.vector_load %arg6[%get3A_986, %get3A_987] {strides = array<i32>} : memref<400x64xf32, #tpu.memory_space<vmem>>, vector<1x16xf32>,
        %get3A_989 = vector.shape_cast %get3A_988 : vector<1x16xf32> to vector<16xf32>
        %add3A_990 = arith.addf %add3A_966, %get3A_989 : vector<16xf32>
        %scan3A_991 = arith.constant 2 : i32
        %scan3A_992 = arith.addi %scan3A_941, %scan3A_991 : i32
        %add3A_993 = arith.constant 250 : i32
        %add3A_994 = arith.addi %add3A_993, %scan3A_992 : i32
        %get3A_995 = arith.index_cast %add3A_994 : i32 to index
        %get3A_996 = arith.constant 0 : index
        %get3A_997 = tpu.vector_load %arg6[%get3A_995, %get3A_996] {strides = array<i32>} : memref<400x64xf32, #tpu.memory_space<vmem>>, vector<1x16xf32>,
        %get3A_998 = vector.shape_cast %get3A_997 : vector<1x16xf32> to vector<16xf32>
        %add3A_999 = arith.addf %add3A_975, %get3A_998 : vector<16xf32>
        %get3A_1000 = arith.index_cast %add3A_994 : i32 to index
        %get3A_1001 = arith.constant 16 : index
        %get3A_1002 = tpu.vector_load %arg6[%get3A_1000, %get3A_1001] {strides = array<i32>} : memref<400x64xf32, #tpu.memory_space<vmem>>, vector<1x16xf32>,
        %get3A_1003 = vector.shape_cast %get3A_1002 : vector<1x16xf32> to vector<16xf32>
        %add3A_1004 = arith.addf %add3A_980, %get3A_1003 : vector<16xf32>
        %get3A_1005 = arith.index_cast %add3A_994 : i32 to index
        %get3A_1006 = arith.constant 32 : index
        %get3A_1007 = tpu.vector_load %arg6[%get3A_1005, %get3A_1006] {strides = array<i32>} : memref<400x64xf32, #tpu.memory_space<vmem>>, vector<1x16xf32>,
        %get3A_1008 = vector.shape_cast %get3A_1007 : vector<1x16xf32> to vector<16xf32>
        %add3A_1009 = arith.addf %add3A_985, %get3A_1008 : vector<16xf32>
        %get3A_1010 = arith.index_cast %add3A_994 : i32 to index
        %get3A_1011 = arith.constant 48 : index
        %get3A_1012 = tpu.vector_load %arg6[%get3A_1010, %get3A_1011] {strides = array<i32>} : memref<400x64xf32, #tpu.memory_space<vmem>>, vector<1x16xf32>,
        %get3A_1013 = vector.shape_cast %get3A_1012 : vector<1x16xf32> to vector<16xf32>
        %add3A_1014 = arith.addf %add3A_990, %get3A_1013 : vector<16xf32>
        %scan3A_1015 = arith.constant 3 : i32
        %scan3A_1016 = arith.addi %scan3A_941, %scan3A_1015 : i32
        %add3A_1017 = arith.constant 250 : i32
        %add3A_1018 = arith.addi %add3A_1017, %scan3A_1016 : i32
        %get3A_1019 = arith.index_cast %add3A_1018 : i32 to index
        %get3A_1020 = arith.constant 0 : index
        %get3A_1021 = tpu.vector_load %arg6[%get3A_1019, %get3A_1020] {strides = array<i32>} : memref<400x64xf32, #tpu.memory_space<vmem>>, vector<1x16xf32>,
        %get3A_1022 = vector.shape_cast %get3A_1021 : vector<1x16xf32> to vector<16xf32>
        %add3A_1023 = arith.addf %add3A_999, %get3A_1022 : vector<16xf32>
        %get3A_1024 = arith.index_cast %add3A_1018 : i32 to index
        %get3A_1025 = arith.constant 16 : index
        %get3A_1026 = tpu.vector_load %arg6[%get3A_1024, %get3A_1025] {strides = array<i32>} : memref<400x64xf32, #tpu.memory_space<vmem>>, vector<1x16xf32>,
        %get3A_1027 = vector.shape_cast %get3A_1026 : vector<1x16xf32> to vector<16xf32>
        %add3A_1028 = arith.addf %add3A_1004, %get3A_1027 : vector<16xf32>
        %get3A_1029 = arith.index_cast %add3A_1018 : i32 to index
        %get3A_1030 = arith.constant 32 : index
        %get3A_1031 = tpu.vector_load %arg6[%get3A_1029, %get3A_1030] {strides = array<i32>} : memref<400x64xf32, #tpu.memory_space<vmem>>, vector<1x16xf32>,
        %get3A_1032 = vector.shape_cast %get3A_1031 : vector<1x16xf32> to vector<16xf32>
        %add3A_1033 = arith.addf %add3A_1009, %get3A_1032 : vector<16xf32>
        %get3A_1034 = arith.index_cast %add3A_1018 : i32 to index
        %get3A_1035 = arith.constant 48 : index
        %get3A_1036 = tpu.vector_load %arg6[%get3A_1034, %get3A_1035] {strides = array<i32>} : memref<400x64xf32, #tpu.memory_space<vmem>>, vector<1x16xf32>,
        %get3A_1037 = vector.shape_cast %get3A_1036 : vector<1x16xf32> to vector<16xf32>
        %add3A_1038 = arith.addf %add3A_1014, %get3A_1037 : vector<16xf32>
        %scan3A_1039 = arith.constant 4 : i32
        %scan3A_1040 = arith.addi %scan3A_941, %scan3A_1039 : i32
        %add3A_1041 = arith.constant 250 : i32
        %add3A_1042 = arith.addi %add3A_1041, %scan3A_1040 : i32
        %get3A_1043 = arith.index_cast %add3A_1042 : i32 to index
        %get3A_1044 = arith.constant 0 : index
        %get3A_1045 = tpu.vector_load %arg6[%get3A_1043, %get3A_1044] {strides = array<i32>} : memref<400x64xf32, #tpu.memory_space<vmem>>, vector<1x16xf32>,
        %get3A_1046 = vector.shape_cast %get3A_1045 : vector<1x16xf32> to vector<16xf32>
        %add3A_1047 = arith.addf %add3A_1023, %get3A_1046 : vector<16xf32>
        %get3A_1048 = arith.index_cast %add3A_1042 : i32 to index
        %get3A_1049 = arith.constant 16 : index
        %get3A_1050 = tpu.vector_load %arg6[%get3A_1048, %get3A_1049] {strides = array<i32>} : memref<400x64xf32, #tpu.memory_space<vmem>>, vector<1x16xf32>,
        %get3A_1051 = vector.shape_cast %get3A_1050 : vector<1x16xf32> to vector<16xf32>
        %add3A_1052 = arith.addf %add3A_1028, %get3A_1051 : vector<16xf32>
        %get3A_1053 = arith.index_cast %add3A_1042 : i32 to index
        %get3A_1054 = arith.constant 32 : index
        %get3A_1055 = tpu.vector_load %arg6[%get3A_1053, %get3A_1054] {strides = array<i32>} : memref<400x64xf32, #tpu.memory_space<vmem>>, vector<1x16xf32>,
        %get3A_1056 = vector.shape_cast %get3A_1055 : vector<1x16xf32> to vector<16xf32>
        %add3A_1057 = arith.addf %add3A_1033, %get3A_1056 : vector<16xf32>
        %get3A_1058 = arith.index_cast %add3A_1042 : i32 to index
        %get3A_1059 = arith.constant 48 : index
        %get3A_1060 = tpu.vector_load %arg6[%get3A_1058, %get3A_1059] {strides = array<i32>} : memref<400x64xf32, #tpu.memory_space<vmem>>, vector<1x16xf32>,
        %get3A_1061 = vector.shape_cast %get3A_1060 : vector<1x16xf32> to vector<16xf32>
        %add3A_1062 = arith.addf %add3A_1038, %get3A_1061 : vector<16xf32>
        scf.yield %add3A_1047, %add3A_1052, %add3A_1057, %add3A_1062 : vector<16xf32>, vector<16xf32>, vector<16xf32>, vector<16xf32>
      }
      %scan3A_354 = arith.constant 50 : i32
      %mul3A_355 = arith.constant 8 : i32
      %mul3A_356 = arith.muli %add3A_50, %mul3A_355 : i32
      %add3A_357 = arith.constant 5 : i32
      %add3A_358 = arith.addi %mul3A_356, %add3A_357 : i32
      %swap3A_359 = arith.index_cast %add3A_358 : i32 to index
      %swap3A_360 = arith.constant 0 : index
      %swap3A_361 = tpu.vector_load %arg8[%swap3A_359, %swap3A_360] {strides = array<i32>} : memref<512x64xf32, #tpu.memory_space<vmem>>, vector<1x16xf32>,
      %swap3A_362 = vector.shape_cast %swap3A_361 : vector<1x16xf32> to vector<16xf32>
      %swap3A_363 = vector.shape_cast %scan3A_353#0 : vector<16xf32> to vector<1x16xf32>
      tpu.vector_store %arg8[%swap3A_359, %swap3A_360], %swap3A_363 {strides = array<i32>} : memref<512x64xf32, #tpu.memory_space<vmem>>, vector<1x16xf32>,
      %mul3A_364 = arith.constant 8 : i32
      %mul3A_365 = arith.muli %add3A_50, %mul3A_364 : i32
      %add3A_366 = arith.constant 5 : i32
      %add3A_367 = arith.addi %mul3A_365, %add3A_366 : i32
      %swap3A_368 = arith.index_cast %add3A_367 : i32 to index
      %swap3A_369 = arith.constant 16 : index
      %swap3A_370 = tpu.vector_load %arg8[%swap3A_368, %swap3A_369] {strides = array<i32>} : memref<512x64xf32, #tpu.memory_space<vmem>>, vector<1x16xf32>,
      %swap3A_371 = vector.shape_cast %swap3A_370 : vector<1x16xf32> to vector<16xf32>
      %swap3A_372 = vector.shape_cast %scan3A_353#1 : vector<16xf32> to vector<1x16xf32>
      tpu.vector_store %arg8[%swap3A_368, %swap3A_369], %swap3A_372 {strides = array<i32>} : memref<512x64xf32, #tpu.memory_space<vmem>>, vector<1x16xf32>,
      %mul3A_373 = arith.constant 8 : i32
      %mul3A_374 = arith.muli %add3A_50, %mul3A_373 : i32
      %add3A_375 = arith.constant 5 : i32
      %add3A_376 = arith.addi %mul3A_374, %add3A_375 : i32
      %swap3A_377 = arith.index_cast %add3A_376 : i32 to index
      %swap3A_378 = arith.constant 32 : index
      %swap3A_379 = tpu.vector_load %arg8[%swap3A_377, %swap3A_378] {strides = array<i32>} : memref<512x64xf32, #tpu.memory_space<vmem>>, vector<1x16xf32>,
      %swap3A_380 = vector.shape_cast %swap3A_379 : vector<1x16xf32> to vector<16xf32>
      %swap3A_381 = vector.shape_cast %scan3A_353#2 : vector<16xf32> to vector<1x16xf32>
      tpu.vector_store %arg8[%swap3A_377, %swap3A_378], %swap3A_381 {strides = array<i32>} : memref<512x64xf32, #tpu.memory_space<vmem>>, vector<1x16xf32>,
      %mul3A_382 = arith.constant 8 : i32
      %mul3A_383 = arith.muli %add3A_50, %mul3A_382 : i32
      %add3A_384 = arith.constant 5 : i32
      %add3A_385 = arith.addi %mul3A_383, %add3A_384 : i32
      %swap3A_386 = arith.index_cast %add3A_385 : i32 to index
      %swap3A_387 = arith.constant 48 : index
      %swap3A_388 = tpu.vector_load %arg8[%swap3A_386, %swap3A_387] {strides = array<i32>} : memref<512x64xf32, #tpu.memory_space<vmem>>, vector<1x16xf32>,
      %swap3A_389 = vector.shape_cast %swap3A_388 : vector<1x16xf32> to vector<16xf32>
      %swap3A_390 = vector.shape_cast %scan3A_353#3 : vector<16xf32> to vector<1x16xf32>
      tpu.vector_store %arg8[%swap3A_386, %swap3A_387], %swap3A_390 {strides = array<i32>} : memref<512x64xf32, #tpu.memory_space<vmem>>, vector<1x16xf32>,
      %broadcast_in_dim3A_391 = arith.constant 0.000000e+00 : f32
      %broadcast_in_dim3A_392 = vector.broadcast %broadcast_in_dim3A_391 : f32 to vector<16xf32>
      %broadcast_in_dim3A_393 = arith.constant 0.000000e+00 : f32
      %broadcast_in_dim3A_394 = vector.broadcast %broadcast_in_dim3A_393 : f32 to vector<16xf32>
      %broadcast_in_dim3A_395 = arith.constant 0.000000e+00 : f32
      %broadcast_in_dim3A_396 = vector.broadcast %broadcast_in_dim3A_395 : f32 to vector<16xf32>
      %broadcast_in_dim3A_397 = arith.constant 0.000000e+00 : f32
      %broadcast_in_dim3A_398 = vector.broadcast %broadcast_in_dim3A_397 : f32 to vector<16xf32>
      %scan3A_399 = arith.constant 0 : i32
      %scan3A_400 = arith.constant 50 : i32
      %scan3A_401 = arith.addi %scan3A_399, %scan3A_400 : i32
      %scan3A_402 = arith.constant 5 : i32
      %scan3A_403:4 = scf.for %scan3A_941 = %scan3A_399 to %scan3A_401 step %scan3A_402 iter_args(%scan3A_942 = %broadcast_in_dim3A_392, %scan3A_943 = %broadcast_in_dim3A_394, %scan3A_944 = %broadcast_in_dim3A_396, %scan3A_945 = %broadcast_in_dim3A_398) -> (vector<16xf32>, vector<16xf32>, vector<16xf32>, vector<16xf32>)  : i32 {
        %add3A_946 = arith.constant 300 : i32
        %add3A_947 = arith.addi %add3A_946, %scan3A_941 : i32
        %get3A = arith.index_cast %add3A_947 : i32 to index
        %get3A_948 = arith.constant 0 : index
        %get3A_949 = tpu.vector_load %arg6[%get3A, %get3A_948] {strides = array<i32>} : memref<400x64xf32, #tpu.memory_space<vmem>>, vector<1x16xf32>,
        %get3A_950 = vector.shape_cast %get3A_949 : vector<1x16xf32> to vector<16xf32>
        %add3A_951 = arith.addf %scan3A_942, %get3A_950 : vector<16xf32>
        %get3A_952 = arith.index_cast %add3A_947 : i32 to index
        %get3A_953 = arith.constant 16 : index
        %get3A_954 = tpu.vector_load %arg6[%get3A_952, %get3A_953] {strides = array<i32>} : memref<400x64xf32, #tpu.memory_space<vmem>>, vector<1x16xf32>,
        %get3A_955 = vector.shape_cast %get3A_954 : vector<1x16xf32> to vector<16xf32>
        %add3A_956 = arith.addf %scan3A_943, %get3A_955 : vector<16xf32>
        %get3A_957 = arith.index_cast %add3A_947 : i32 to index
        %get3A_958 = arith.constant 32 : index
        %get3A_959 = tpu.vector_load %arg6[%get3A_957, %get3A_958] {strides = array<i32>} : memref<400x64xf32, #tpu.memory_space<vmem>>, vector<1x16xf32>,
        %get3A_960 = vector.shape_cast %get3A_959 : vector<1x16xf32> to vector<16xf32>
        %add3A_961 = arith.addf %scan3A_944, %get3A_960 : vector<16xf32>
        %get3A_962 = arith.index_cast %add3A_947 : i32 to index
        %get3A_963 = arith.constant 48 : index
        %get3A_964 = tpu.vector_load %arg6[%get3A_962, %get3A_963] {strides = array<i32>} : memref<400x64xf32, #tpu.memory_space<vmem>>, vector<1x16xf32>,
        %get3A_965 = vector.shape_cast %get3A_964 : vector<1x16xf32> to vector<16xf32>
        %add3A_966 = arith.addf %scan3A_945, %get3A_965 : vector<16xf32>
        %scan3A_967 = arith.constant 1 : i32
        %scan3A_968 = arith.addi %scan3A_941, %scan3A_967 : i32
        %add3A_969 = arith.constant 300 : i32
        %add3A_970 = arith.addi %add3A_969, %scan3A_968 : i32
        %get3A_971 = arith.index_cast %add3A_970 : i32 to index
        %get3A_972 = arith.constant 0 : index
        %get3A_973 = tpu.vector_load %arg6[%get3A_971, %get3A_972] {strides = array<i32>} : memref<400x64xf32, #tpu.memory_space<vmem>>, vector<1x16xf32>,
        %get3A_974 = vector.shape_cast %get3A_973 : vector<1x16xf32> to vector<16xf32>
        %add3A_975 = arith.addf %add3A_951, %get3A_974 : vector<16xf32>
        %get3A_976 = arith.index_cast %add3A_970 : i32 to index
        %get3A_977 = arith.constant 16 : index
        %get3A_978 = tpu.vector_load %arg6[%get3A_976, %get3A_977] {strides = array<i32>} : memref<400x64xf32, #tpu.memory_space<vmem>>, vector<1x16xf32>,
        %get3A_979 = vector.shape_cast %get3A_978 : vector<1x16xf32> to vector<16xf32>
        %add3A_980 = arith.addf %add3A_956, %get3A_979 : vector<16xf32>
        %get3A_981 = arith.index_cast %add3A_970 : i32 to index
        %get3A_982 = arith.constant 32 : index
        %get3A_983 = tpu.vector_load %arg6[%get3A_981, %get3A_982] {strides = array<i32>} : memref<400x64xf32, #tpu.memory_space<vmem>>, vector<1x16xf32>,
        %get3A_984 = vector.shape_cast %get3A_983 : vector<1x16xf32> to vector<16xf32>
        %add3A_985 = arith.addf %add3A_961, %get3A_984 : vector<16xf32>
        %get3A_986 = arith.index_cast %add3A_970 : i32 to index
        %get3A_987 = arith.constant 48 : index
        %get3A_988 = tpu.vector_load %arg6[%get3A_986, %get3A_987] {strides = array<i32>} : memref<400x64xf32, #tpu.memory_space<vmem>>, vector<1x16xf32>,
        %get3A_989 = vector.shape_cast %get3A_988 : vector<1x16xf32> to vector<16xf32>
        %add3A_990 = arith.addf %add3A_966, %get3A_989 : vector<16xf32>
        %scan3A_991 = arith.constant 2 : i32
        %scan3A_992 = arith.addi %scan3A_941, %scan3A_991 : i32
        %add3A_993 = arith.constant 300 : i32
        %add3A_994 = arith.addi %add3A_993, %scan3A_992 : i32
        %get3A_995 = arith.index_cast %add3A_994 : i32 to index
        %get3A_996 = arith.constant 0 : index
        %get3A_997 = tpu.vector_load %arg6[%get3A_995, %get3A_996] {strides = array<i32>} : memref<400x64xf32, #tpu.memory_space<vmem>>, vector<1x16xf32>,
        %get3A_998 = vector.shape_cast %get3A_997 : vector<1x16xf32> to vector<16xf32>
        %add3A_999 = arith.addf %add3A_975, %get3A_998 : vector<16xf32>
        %get3A_1000 = arith.index_cast %add3A_994 : i32 to index
        %get3A_1001 = arith.constant 16 : index
        %get3A_1002 = tpu.vector_load %arg6[%get3A_1000, %get3A_1001] {strides = array<i32>} : memref<400x64xf32, #tpu.memory_space<vmem>>, vector<1x16xf32>,
        %get3A_1003 = vector.shape_cast %get3A_1002 : vector<1x16xf32> to vector<16xf32>
        %add3A_1004 = arith.addf %add3A_980, %get3A_1003 : vector<16xf32>
        %get3A_1005 = arith.index_cast %add3A_994 : i32 to index
        %get3A_1006 = arith.constant 32 : index
        %get3A_1007 = tpu.vector_load %arg6[%get3A_1005, %get3A_1006] {strides = array<i32>} : memref<400x64xf32, #tpu.memory_space<vmem>>, vector<1x16xf32>,
        %get3A_1008 = vector.shape_cast %get3A_1007 : vector<1x16xf32> to vector<16xf32>
        %add3A_1009 = arith.addf %add3A_985, %get3A_1008 : vector<16xf32>
        %get3A_1010 = arith.index_cast %add3A_994 : i32 to index
        %get3A_1011 = arith.constant 48 : index
        %get3A_1012 = tpu.vector_load %arg6[%get3A_1010, %get3A_1011] {strides = array<i32>} : memref<400x64xf32, #tpu.memory_space<vmem>>, vector<1x16xf32>,
        %get3A_1013 = vector.shape_cast %get3A_1012 : vector<1x16xf32> to vector<16xf32>
        %add3A_1014 = arith.addf %add3A_990, %get3A_1013 : vector<16xf32>
        %scan3A_1015 = arith.constant 3 : i32
        %scan3A_1016 = arith.addi %scan3A_941, %scan3A_1015 : i32
        %add3A_1017 = arith.constant 300 : i32
        %add3A_1018 = arith.addi %add3A_1017, %scan3A_1016 : i32
        %get3A_1019 = arith.index_cast %add3A_1018 : i32 to index
        %get3A_1020 = arith.constant 0 : index
        %get3A_1021 = tpu.vector_load %arg6[%get3A_1019, %get3A_1020] {strides = array<i32>} : memref<400x64xf32, #tpu.memory_space<vmem>>, vector<1x16xf32>,
        %get3A_1022 = vector.shape_cast %get3A_1021 : vector<1x16xf32> to vector<16xf32>
        %add3A_1023 = arith.addf %add3A_999, %get3A_1022 : vector<16xf32>
        %get3A_1024 = arith.index_cast %add3A_1018 : i32 to index
        %get3A_1025 = arith.constant 16 : index
        %get3A_1026 = tpu.vector_load %arg6[%get3A_1024, %get3A_1025] {strides = array<i32>} : memref<400x64xf32, #tpu.memory_space<vmem>>, vector<1x16xf32>,
        %get3A_1027 = vector.shape_cast %get3A_1026 : vector<1x16xf32> to vector<16xf32>
        %add3A_1028 = arith.addf %add3A_1004, %get3A_1027 : vector<16xf32>
        %get3A_1029 = arith.index_cast %add3A_1018 : i32 to index
        %get3A_1030 = arith.constant 32 : index
        %get3A_1031 = tpu.vector_load %arg6[%get3A_1029, %get3A_1030] {strides = array<i32>} : memref<400x64xf32, #tpu.memory_space<vmem>>, vector<1x16xf32>,
        %get3A_1032 = vector.shape_cast %get3A_1031 : vector<1x16xf32> to vector<16xf32>
        %add3A_1033 = arith.addf %add3A_1009, %get3A_1032 : vector<16xf32>
        %get3A_1034 = arith.index_cast %add3A_1018 : i32 to index
        %get3A_1035 = arith.constant 48 : index
        %get3A_1036 = tpu.vector_load %arg6[%get3A_1034, %get3A_1035] {strides = array<i32>} : memref<400x64xf32, #tpu.memory_space<vmem>>, vector<1x16xf32>,
        %get3A_1037 = vector.shape_cast %get3A_1036 : vector<1x16xf32> to vector<16xf32>
        %add3A_1038 = arith.addf %add3A_1014, %get3A_1037 : vector<16xf32>
        %scan3A_1039 = arith.constant 4 : i32
        %scan3A_1040 = arith.addi %scan3A_941, %scan3A_1039 : i32
        %add3A_1041 = arith.constant 300 : i32
        %add3A_1042 = arith.addi %add3A_1041, %scan3A_1040 : i32
        %get3A_1043 = arith.index_cast %add3A_1042 : i32 to index
        %get3A_1044 = arith.constant 0 : index
        %get3A_1045 = tpu.vector_load %arg6[%get3A_1043, %get3A_1044] {strides = array<i32>} : memref<400x64xf32, #tpu.memory_space<vmem>>, vector<1x16xf32>,
        %get3A_1046 = vector.shape_cast %get3A_1045 : vector<1x16xf32> to vector<16xf32>
        %add3A_1047 = arith.addf %add3A_1023, %get3A_1046 : vector<16xf32>
        %get3A_1048 = arith.index_cast %add3A_1042 : i32 to index
        %get3A_1049 = arith.constant 16 : index
        %get3A_1050 = tpu.vector_load %arg6[%get3A_1048, %get3A_1049] {strides = array<i32>} : memref<400x64xf32, #tpu.memory_space<vmem>>, vector<1x16xf32>,
        %get3A_1051 = vector.shape_cast %get3A_1050 : vector<1x16xf32> to vector<16xf32>
        %add3A_1052 = arith.addf %add3A_1028, %get3A_1051 : vector<16xf32>
        %get3A_1053 = arith.index_cast %add3A_1042 : i32 to index
        %get3A_1054 = arith.constant 32 : index
        %get3A_1055 = tpu.vector_load %arg6[%get3A_1053, %get3A_1054] {strides = array<i32>} : memref<400x64xf32, #tpu.memory_space<vmem>>, vector<1x16xf32>,
        %get3A_1056 = vector.shape_cast %get3A_1055 : vector<1x16xf32> to vector<16xf32>
        %add3A_1057 = arith.addf %add3A_1033, %get3A_1056 : vector<16xf32>
        %get3A_1058 = arith.index_cast %add3A_1042 : i32 to index
        %get3A_1059 = arith.constant 48 : index
        %get3A_1060 = tpu.vector_load %arg6[%get3A_1058, %get3A_1059] {strides = array<i32>} : memref<400x64xf32, #tpu.memory_space<vmem>>, vector<1x16xf32>,
        %get3A_1061 = vector.shape_cast %get3A_1060 : vector<1x16xf32> to vector<16xf32>
        %add3A_1062 = arith.addf %add3A_1038, %get3A_1061 : vector<16xf32>
        scf.yield %add3A_1047, %add3A_1052, %add3A_1057, %add3A_1062 : vector<16xf32>, vector<16xf32>, vector<16xf32>, vector<16xf32>
      }
      %scan3A_404 = arith.constant 50 : i32
      %mul3A_405 = arith.constant 8 : i32
      %mul3A_406 = arith.muli %add3A_50, %mul3A_405 : i32
      %add3A_407 = arith.constant 6 : i32
      %add3A_408 = arith.addi %mul3A_406, %add3A_407 : i32
      %swap3A_409 = arith.index_cast %add3A_408 : i32 to index
      %swap3A_410 = arith.constant 0 : index
      %swap3A_411 = tpu.vector_load %arg8[%swap3A_409, %swap3A_410] {strides = array<i32>} : memref<512x64xf32, #tpu.memory_space<vmem>>, vector<1x16xf32>,
      %swap3A_412 = vector.shape_cast %swap3A_411 : vector<1x16xf32> to vector<16xf32>
      %swap3A_413 = vector.shape_cast %scan3A_403#0 : vector<16xf32> to vector<1x16xf32>
      tpu.vector_store %arg8[%swap3A_409, %swap3A_410], %swap3A_413 {strides = array<i32>} : memref<512x64xf32, #tpu.memory_space<vmem>>, vector<1x16xf32>,
      %mul3A_414 = arith.constant 8 : i32
      %mul3A_415 = arith.muli %add3A_50, %mul3A_414 : i32
      %add3A_416 = arith.constant 6 : i32
      %add3A_417 = arith.addi %mul3A_415, %add3A_416 : i32
      %swap3A_418 = arith.index_cast %add3A_417 : i32 to index
      %swap3A_419 = arith.constant 16 : index
      %swap3A_420 = tpu.vector_load %arg8[%swap3A_418, %swap3A_419] {strides = array<i32>} : memref<512x64xf32, #tpu.memory_space<vmem>>, vector<1x16xf32>,
      %swap3A_421 = vector.shape_cast %swap3A_420 : vector<1x16xf32> to vector<16xf32>
      %swap3A_422 = vector.shape_cast %scan3A_403#1 : vector<16xf32> to vector<1x16xf32>
      tpu.vector_store %arg8[%swap3A_418, %swap3A_419], %swap3A_422 {strides = array<i32>} : memref<512x64xf32, #tpu.memory_space<vmem>>, vector<1x16xf32>,
      %mul3A_423 = arith.constant 8 : i32
      %mul3A_424 = arith.muli %add3A_50, %mul3A_423 : i32
      %add3A_425 = arith.constant 6 : i32
      %add3A_426 = arith.addi %mul3A_424, %add3A_425 : i32
      %swap3A_427 = arith.index_cast %add3A_426 : i32 to index
      %swap3A_428 = arith.constant 32 : index
      %swap3A_429 = tpu.vector_load %arg8[%swap3A_427, %swap3A_428] {strides = array<i32>} : memref<512x64xf32, #tpu.memory_space<vmem>>, vector<1x16xf32>,
      %swap3A_430 = vector.shape_cast %swap3A_429 : vector<1x16xf32> to vector<16xf32>
      %swap3A_431 = vector.shape_cast %scan3A_403#2 : vector<16xf32> to vector<1x16xf32>
      tpu.vector_store %arg8[%swap3A_427, %swap3A_428], %swap3A_431 {strides = array<i32>} : memref<512x64xf32, #tpu.memory_space<vmem>>, vector<1x16xf32>,
      %mul3A_432 = arith.constant 8 : i32
      %mul3A_433 = arith.muli %add3A_50, %mul3A_432 : i32
      %add3A_434 = arith.constant 6 : i32
      %add3A_435 = arith.addi %mul3A_433, %add3A_434 : i32
      %swap3A_436 = arith.index_cast %add3A_435 : i32 to index
      %swap3A_437 = arith.constant 48 : index
      %swap3A_438 = tpu.vector_load %arg8[%swap3A_436, %swap3A_437] {strides = array<i32>} : memref<512x64xf32, #tpu.memory_space<vmem>>, vector<1x16xf32>,
      %swap3A_439 = vector.shape_cast %swap3A_438 : vector<1x16xf32> to vector<16xf32>
      %swap3A_440 = vector.shape_cast %scan3A_403#3 : vector<16xf32> to vector<1x16xf32>
      tpu.vector_store %arg8[%swap3A_436, %swap3A_437], %swap3A_440 {strides = array<i32>} : memref<512x64xf32, #tpu.memory_space<vmem>>, vector<1x16xf32>,
      %broadcast_in_dim3A_441 = arith.constant 0.000000e+00 : f32
      %broadcast_in_dim3A_442 = vector.broadcast %broadcast_in_dim3A_441 : f32 to vector<16xf32>
      %broadcast_in_dim3A_443 = arith.constant 0.000000e+00 : f32
      %broadcast_in_dim3A_444 = vector.broadcast %broadcast_in_dim3A_443 : f32 to vector<16xf32>
      %broadcast_in_dim3A_445 = arith.constant 0.000000e+00 : f32
      %broadcast_in_dim3A_446 = vector.broadcast %broadcast_in_dim3A_445 : f32 to vector<16xf32>
      %broadcast_in_dim3A_447 = arith.constant 0.000000e+00 : f32
      %broadcast_in_dim3A_448 = vector.broadcast %broadcast_in_dim3A_447 : f32 to vector<16xf32>
      %scan3A_449 = arith.constant 0 : i32
      %scan3A_450 = arith.constant 50 : i32
      %scan3A_451 = arith.addi %scan3A_449, %scan3A_450 : i32
      %scan3A_452 = arith.constant 5 : i32
      %scan3A_453:4 = scf.for %scan3A_941 = %scan3A_449 to %scan3A_451 step %scan3A_452 iter_args(%scan3A_942 = %broadcast_in_dim3A_442, %scan3A_943 = %broadcast_in_dim3A_444, %scan3A_944 = %broadcast_in_dim3A_446, %scan3A_945 = %broadcast_in_dim3A_448) -> (vector<16xf32>, vector<16xf32>, vector<16xf32>, vector<16xf32>)  : i32 {
        %add3A_946 = arith.constant 350 : i32
        %add3A_947 = arith.addi %add3A_946, %scan3A_941 : i32
        %get3A = arith.index_cast %add3A_947 : i32 to index
        %get3A_948 = arith.constant 0 : index
        %get3A_949 = tpu.vector_load %arg6[%get3A, %get3A_948] {strides = array<i32>} : memref<400x64xf32, #tpu.memory_space<vmem>>, vector<1x16xf32>,
        %get3A_950 = vector.shape_cast %get3A_949 : vector<1x16xf32> to vector<16xf32>
        %add3A_951 = arith.addf %scan3A_942, %get3A_950 : vector<16xf32>
        %get3A_952 = arith.index_cast %add3A_947 : i32 to index
        %get3A_953 = arith.constant 16 : index
        %get3A_954 = tpu.vector_load %arg6[%get3A_952, %get3A_953] {strides = array<i32>} : memref<400x64xf32, #tpu.memory_space<vmem>>, vector<1x16xf32>,
        %get3A_955 = vector.shape_cast %get3A_954 : vector<1x16xf32> to vector<16xf32>
        %add3A_956 = arith.addf %scan3A_943, %get3A_955 : vector<16xf32>
        %get3A_957 = arith.index_cast %add3A_947 : i32 to index
        %get3A_958 = arith.constant 32 : index
        %get3A_959 = tpu.vector_load %arg6[%get3A_957, %get3A_958] {strides = array<i32>} : memref<400x64xf32, #tpu.memory_space<vmem>>, vector<1x16xf32>,
        %get3A_960 = vector.shape_cast %get3A_959 : vector<1x16xf32> to vector<16xf32>
        %add3A_961 = arith.addf %scan3A_944, %get3A_960 : vector<16xf32>
        %get3A_962 = arith.index_cast %add3A_947 : i32 to index
        %get3A_963 = arith.constant 48 : index
        %get3A_964 = tpu.vector_load %arg6[%get3A_962, %get3A_963] {strides = array<i32>} : memref<400x64xf32, #tpu.memory_space<vmem>>, vector<1x16xf32>,
        %get3A_965 = vector.shape_cast %get3A_964 : vector<1x16xf32> to vector<16xf32>
        %add3A_966 = arith.addf %scan3A_945, %get3A_965 : vector<16xf32>
        %scan3A_967 = arith.constant 1 : i32
        %scan3A_968 = arith.addi %scan3A_941, %scan3A_967 : i32
        %add3A_969 = arith.constant 350 : i32
        %add3A_970 = arith.addi %add3A_969, %scan3A_968 : i32
        %get3A_971 = arith.index_cast %add3A_970 : i32 to index
        %get3A_972 = arith.constant 0 : index
        %get3A_973 = tpu.vector_load %arg6[%get3A_971, %get3A_972] {strides = array<i32>} : memref<400x64xf32, #tpu.memory_space<vmem>>, vector<1x16xf32>,
        %get3A_974 = vector.shape_cast %get3A_973 : vector<1x16xf32> to vector<16xf32>
        %add3A_975 = arith.addf %add3A_951, %get3A_974 : vector<16xf32>
        %get3A_976 = arith.index_cast %add3A_970 : i32 to index
        %get3A_977 = arith.constant 16 : index
        %get3A_978 = tpu.vector_load %arg6[%get3A_976, %get3A_977] {strides = array<i32>} : memref<400x64xf32, #tpu.memory_space<vmem>>, vector<1x16xf32>,
        %get3A_979 = vector.shape_cast %get3A_978 : vector<1x16xf32> to vector<16xf32>
        %add3A_980 = arith.addf %add3A_956, %get3A_979 : vector<16xf32>
        %get3A_981 = arith.index_cast %add3A_970 : i32 to index
        %get3A_982 = arith.constant 32 : index
        %get3A_983 = tpu.vector_load %arg6[%get3A_981, %get3A_982] {strides = array<i32>} : memref<400x64xf32, #tpu.memory_space<vmem>>, vector<1x16xf32>,
        %get3A_984 = vector.shape_cast %get3A_983 : vector<1x16xf32> to vector<16xf32>
        %add3A_985 = arith.addf %add3A_961, %get3A_984 : vector<16xf32>
        %get3A_986 = arith.index_cast %add3A_970 : i32 to index
        %get3A_987 = arith.constant 48 : index
        %get3A_988 = tpu.vector_load %arg6[%get3A_986, %get3A_987] {strides = array<i32>} : memref<400x64xf32, #tpu.memory_space<vmem>>, vector<1x16xf32>,
        %get3A_989 = vector.shape_cast %get3A_988 : vector<1x16xf32> to vector<16xf32>
        %add3A_990 = arith.addf %add3A_966, %get3A_989 : vector<16xf32>
        %scan3A_991 = arith.constant 2 : i32
        %scan3A_992 = arith.addi %scan3A_941, %scan3A_991 : i32
        %add3A_993 = arith.constant 350 : i32
        %add3A_994 = arith.addi %add3A_993, %scan3A_992 : i32
        %get3A_995 = arith.index_cast %add3A_994 : i32 to index
        %get3A_996 = arith.constant 0 : index
        %get3A_997 = tpu.vector_load %arg6[%get3A_995, %get3A_996] {strides = array<i32>} : memref<400x64xf32, #tpu.memory_space<vmem>>, vector<1x16xf32>,
        %get3A_998 = vector.shape_cast %get3A_997 : vector<1x16xf32> to vector<16xf32>
        %add3A_999 = arith.addf %add3A_975, %get3A_998 : vector<16xf32>
        %get3A_1000 = arith.index_cast %add3A_994 : i32 to index
        %get3A_1001 = arith.constant 16 : index
        %get3A_1002 = tpu.vector_load %arg6[%get3A_1000, %get3A_1001] {strides = array<i32>} : memref<400x64xf32, #tpu.memory_space<vmem>>, vector<1x16xf32>,
        %get3A_1003 = vector.shape_cast %get3A_1002 : vector<1x16xf32> to vector<16xf32>
        %add3A_1004 = arith.addf %add3A_980, %get3A_1003 : vector<16xf32>
        %get3A_1005 = arith.index_cast %add3A_994 : i32 to index
        %get3A_1006 = arith.constant 32 : index
        %get3A_1007 = tpu.vector_load %arg6[%get3A_1005, %get3A_1006] {strides = array<i32>} : memref<400x64xf32, #tpu.memory_space<vmem>>, vector<1x16xf32>,
        %get3A_1008 = vector.shape_cast %get3A_1007 : vector<1x16xf32> to vector<16xf32>
        %add3A_1009 = arith.addf %add3A_985, %get3A_1008 : vector<16xf32>
        %get3A_1010 = arith.index_cast %add3A_994 : i32 to index
        %get3A_1011 = arith.constant 48 : index
        %get3A_1012 = tpu.vector_load %arg6[%get3A_1010, %get3A_1011] {strides = array<i32>} : memref<400x64xf32, #tpu.memory_space<vmem>>, vector<1x16xf32>,
        %get3A_1013 = vector.shape_cast %get3A_1012 : vector<1x16xf32> to vector<16xf32>
        %add3A_1014 = arith.addf %add3A_990, %get3A_1013 : vector<16xf32>
        %scan3A_1015 = arith.constant 3 : i32
        %scan3A_1016 = arith.addi %scan3A_941, %scan3A_1015 : i32
        %add3A_1017 = arith.constant 350 : i32
        %add3A_1018 = arith.addi %add3A_1017, %scan3A_1016 : i32
        %get3A_1019 = arith.index_cast %add3A_1018 : i32 to index
        %get3A_1020 = arith.constant 0 : index
        %get3A_1021 = tpu.vector_load %arg6[%get3A_1019, %get3A_1020] {strides = array<i32>} : memref<400x64xf32, #tpu.memory_space<vmem>>, vector<1x16xf32>,
        %get3A_1022 = vector.shape_cast %get3A_1021 : vector<1x16xf32> to vector<16xf32>
        %add3A_1023 = arith.addf %add3A_999, %get3A_1022 : vector<16xf32>
        %get3A_1024 = arith.index_cast %add3A_1018 : i32 to index
        %get3A_1025 = arith.constant 16 : index
        %get3A_1026 = tpu.vector_load %arg6[%get3A_1024, %get3A_1025] {strides = array<i32>} : memref<400x64xf32, #tpu.memory_space<vmem>>, vector<1x16xf32>,
        %get3A_1027 = vector.shape_cast %get3A_1026 : vector<1x16xf32> to vector<16xf32>
        %add3A_1028 = arith.addf %add3A_1004, %get3A_1027 : vector<16xf32>
        %get3A_1029 = arith.index_cast %add3A_1018 : i32 to index
        %get3A_1030 = arith.constant 32 : index
        %get3A_1031 = tpu.vector_load %arg6[%get3A_1029, %get3A_1030] {strides = array<i32>} : memref<400x64xf32, #tpu.memory_space<vmem>>, vector<1x16xf32>,
        %get3A_1032 = vector.shape_cast %get3A_1031 : vector<1x16xf32> to vector<16xf32>
        %add3A_1033 = arith.addf %add3A_1009, %get3A_1032 : vector<16xf32>
        %get3A_1034 = arith.index_cast %add3A_1018 : i32 to index
        %get3A_1035 = arith.constant 48 : index
        %get3A_1036 = tpu.vector_load %arg6[%get3A_1034, %get3A_1035] {strides = array<i32>} : memref<400x64xf32, #tpu.memory_space<vmem>>, vector<1x16xf32>,
        %get3A_1037 = vector.shape_cast %get3A_1036 : vector<1x16xf32> to vector<16xf32>
        %add3A_1038 = arith.addf %add3A_1014, %get3A_1037 : vector<16xf32>
        %scan3A_1039 = arith.constant 4 : i32
        %scan3A_1040 = arith.addi %scan3A_941, %scan3A_1039 : i32
        %add3A_1041 = arith.constant 350 : i32
        %add3A_1042 = arith.addi %add3A_1041, %scan3A_1040 : i32
        %get3A_1043 = arith.index_cast %add3A_1042 : i32 to index
        %get3A_1044 = arith.constant 0 : index
        %get3A_1045 = tpu.vector_load %arg6[%get3A_1043, %get3A_1044] {strides = array<i32>} : memref<400x64xf32, #tpu.memory_space<vmem>>, vector<1x16xf32>,
        %get3A_1046 = vector.shape_cast %get3A_1045 : vector<1x16xf32> to vector<16xf32>
        %add3A_1047 = arith.addf %add3A_1023, %get3A_1046 : vector<16xf32>
        %get3A_1048 = arith.index_cast %add3A_1042 : i32 to index
        %get3A_1049 = arith.constant 16 : index
        %get3A_1050 = tpu.vector_load %arg6[%get3A_1048, %get3A_1049] {strides = array<i32>} : memref<400x64xf32, #tpu.memory_space<vmem>>, vector<1x16xf32>,
        %get3A_1051 = vector.shape_cast %get3A_1050 : vector<1x16xf32> to vector<16xf32>
        %add3A_1052 = arith.addf %add3A_1028, %get3A_1051 : vector<16xf32>
        %get3A_1053 = arith.index_cast %add3A_1042 : i32 to index
        %get3A_1054 = arith.constant 32 : index
        %get3A_1055 = tpu.vector_load %arg6[%get3A_1053, %get3A_1054] {strides = array<i32>} : memref<400x64xf32, #tpu.memory_space<vmem>>, vector<1x16xf32>,
        %get3A_1056 = vector.shape_cast %get3A_1055 : vector<1x16xf32> to vector<16xf32>
        %add3A_1057 = arith.addf %add3A_1033, %get3A_1056 : vector<16xf32>
        %get3A_1058 = arith.index_cast %add3A_1042 : i32 to index
        %get3A_1059 = arith.constant 48 : index
        %get3A_1060 = tpu.vector_load %arg6[%get3A_1058, %get3A_1059] {strides = array<i32>} : memref<400x64xf32, #tpu.memory_space<vmem>>, vector<1x16xf32>,
        %get3A_1061 = vector.shape_cast %get3A_1060 : vector<1x16xf32> to vector<16xf32>
        %add3A_1062 = arith.addf %add3A_1038, %get3A_1061 : vector<16xf32>
        scf.yield %add3A_1047, %add3A_1052, %add3A_1057, %add3A_1062 : vector<16xf32>, vector<16xf32>, vector<16xf32>, vector<16xf32>
      }
      %scan3A_454 = arith.constant 50 : i32
      %mul3A_455 = arith.constant 8 : i32
      %mul3A_456 = arith.muli %add3A_50, %mul3A_455 : i32
      %add3A_457 = arith.constant 7 : i32
      %add3A_458 = arith.addi %mul3A_456, %add3A_457 : i32
      %swap3A_459 = arith.index_cast %add3A_458 : i32 to index
      %swap3A_460 = arith.constant 0 : index
      %swap3A_461 = tpu.vector_load %arg8[%swap3A_459, %swap3A_460] {strides = array<i32>} : memref<512x64xf32, #tpu.memory_space<vmem>>, vector<1x16xf32>,
      %swap3A_462 = vector.shape_cast %swap3A_461 : vector<1x16xf32> to vector<16xf32>
      %swap3A_463 = vector.shape_cast %scan3A_453#0 : vector<16xf32> to vector<1x16xf32>
      tpu.vector_store %arg8[%swap3A_459, %swap3A_460], %swap3A_463 {strides = array<i32>} : memref<512x64xf32, #tpu.memory_space<vmem>>, vector<1x16xf32>,
      %mul3A_464 = arith.constant 8 : i32
      %mul3A_465 = arith.muli %add3A_50, %mul3A_464 : i32
      %add3A_466 = arith.constant 7 : i32
      %add3A_467 = arith.addi %mul3A_465, %add3A_466 : i32
      %swap3A_468 = arith.index_cast %add3A_467 : i32 to index
      %swap3A_469 = arith.constant 16 : index
      %swap3A_470 = tpu.vector_load %arg8[%swap3A_468, %swap3A_469] {strides = array<i32>} : memref<512x64xf32, #tpu.memory_space<vmem>>, vector<1x16xf32>,
      %swap3A_471 = vector.shape_cast %swap3A_470 : vector<1x16xf32> to vector<16xf32>
      %swap3A_472 = vector.shape_cast %scan3A_453#1 : vector<16xf32> to vector<1x16xf32>
      tpu.vector_store %arg8[%swap3A_468, %swap3A_469], %swap3A_472 {strides = array<i32>} : memref<512x64xf32, #tpu.memory_space<vmem>>, vector<1x16xf32>,
      %mul3A_473 = arith.constant 8 : i32
      %mul3A_474 = arith.muli %add3A_50, %mul3A_473 : i32
      %add3A_475 = arith.constant 7 : i32
      %add3A_476 = arith.addi %mul3A_474, %add3A_475 : i32
      %swap3A_477 = arith.index_cast %add3A_476 : i32 to index
      %swap3A_478 = arith.constant 32 : index
      %swap3A_479 = tpu.vector_load %arg8[%swap3A_477, %swap3A_478] {strides = array<i32>} : memref<512x64xf32, #tpu.memory_space<vmem>>, vector<1x16xf32>,
      %swap3A_480 = vector.shape_cast %swap3A_479 : vector<1x16xf32> to vector<16xf32>
      %swap3A_481 = vector.shape_cast %scan3A_453#2 : vector<16xf32> to vector<1x16xf32>
      tpu.vector_store %arg8[%swap3A_477, %swap3A_478], %swap3A_481 {strides = array<i32>} : memref<512x64xf32, #tpu.memory_space<vmem>>, vector<1x16xf32>,
      %mul3A_482 = arith.constant 8 : i32
      %mul3A_483 = arith.muli %add3A_50, %mul3A_482 : i32
      %add3A_484 = arith.constant 7 : i32
      %add3A_485 = arith.addi %mul3A_483, %add3A_484 : i32
      %swap3A_486 = arith.index_cast %add3A_485 : i32 to index
      %swap3A_487 = arith.constant 48 : index
      %swap3A_488 = tpu.vector_load %arg8[%swap3A_486, %swap3A_487] {strides = array<i32>} : memref<512x64xf32, #tpu.memory_space<vmem>>, vector<1x16xf32>,
      %swap3A_489 = vector.shape_cast %swap3A_488 : vector<1x16xf32> to vector<16xf32>
      %swap3A_490 = vector.shape_cast %scan3A_453#3 : vector<16xf32> to vector<1x16xf32>
      tpu.vector_store %arg8[%swap3A_486, %swap3A_487], %swap3A_490 {strides = array<i32>} : memref<512x64xf32, #tpu.memory_space<vmem>>, vector<1x16xf32>,
      %mul3A_491 = arith.constant 2 : i32
      %mul3A_492 = arith.muli %scan3A_46, %mul3A_491 : i32
      %add3A_493 = arith.constant 1 : i32
      %add3A_494 = arith.addi %mul3A_492, %add3A_493 : i32
      %add3A_495 = arith.constant 1 : i32
      %add3A_496 = arith.addi %add3A_494, %add3A_495 : i32
      %lt3A_497 = arith.constant 64 : i32
      %lt3A_498 = arith.cmpi slt, %add3A_496, %lt3A_497 : i32
      %convert_element_type3A_499 = arith.extui %lt3A_498 : i1 to i32
      %cond3A_500 = arith.constant 0 : i32
      %cond3A_501 = arith.cmpi ne, %convert_element_type3A_499, %cond3A_500 : i32
      scf.if %cond3A_501 {
        %add3A_941 = arith.constant 1 : i32
        %add3A_942 = arith.addi %add3A_494, %add3A_941 : i32
        %mul3A_943 = arith.constant 400 : i32
        %mul3A_944 = arith.muli %add3A_942, %mul3A_943 : i32
        %multiple_of3A_945 = tpu.assume_multiple %mul3A_944, 8 : i32
        %add3A_946 = arith.constant 0 : i32
        %add3A_947 = arith.addi %multiple_of3A_945, %add3A_946 : i32
        %add3A_948 = arith.constant 104 : i32
        %add3A_949 = arith.addi %multiple_of3A_945, %add3A_948 : i32
        %add3A_950 = arith.constant 200 : i32
        %add3A_951 = arith.addi %multiple_of3A_945, %add3A_950 : i32
        %add3A_952 = arith.constant 304 : i32
        %add3A_953 = arith.addi %multiple_of3A_945, %add3A_952 : i32
        %dma_start3A_954 = arith.constant 0 : i32
        %dma_start3A_955 = arith.constant 0 : i32
        %dma_start3A_956 = tpu.memref_slice %arg6[%dma_start3A_954, %dma_start3A_955] : memref<400x64xf32, #tpu.memory_space<vmem>> -> memref<104x64xf32, #tpu.memory_space<vmem>>
        %dma_start3A_957 = tpu.memref_slice %arg5[%add3A_947] : memref<25600xi32, #tpu.memory_space<vmem>> -> memref<104xi32, #tpu.memory_space<vmem>>
        %dma_start3A_958 = arith.constant 0 : i32
        %dma_start3A_959 = arith.constant 0 : i32
        %dma_start3A_960 = tpu.memref_slice %arg3[%dma_start3A_958, %dma_start3A_959] : memref<1000000x64xf32, #tpu.memory_space<hbm>> -> memref<1000000x64xf32, #tpu.memory_space<hbm>>
        tpu.enqueue_indirect_dma source(%dma_start3A_960 : memref<1000000x64xf32, #tpu.memory_space<hbm>>) target(%dma_start3A_956 : memref<104x64xf32, #tpu.memory_space<vmem>>) offsets(%dma_start3A_957 : memref<104xi32, #tpu.memory_space<vmem>>) semaphore(%arg9 : memref<!tpu.dma_semaphore, #tpu.memory_space<semaphore_mem>>)
        %dma_start3A_961 = arith.constant 104 : i32
        %dma_start3A_962 = arith.constant 0 : i32
        %dma_start3A_963 = tpu.memref_slice %arg6[%dma_start3A_961, %dma_start3A_962] : memref<400x64xf32, #tpu.memory_space<vmem>> -> memref<96x64xf32, #tpu.memory_space<vmem>>
        %dma_start3A_964 = tpu.memref_slice %arg5[%add3A_949] : memref<25600xi32, #tpu.memory_space<vmem>> -> memref<96xi32, #tpu.memory_space<vmem>>
        %dma_start3A_965 = arith.constant 0 : i32
        %dma_start3A_966 = arith.constant 0 : i32
        %dma_start3A_967 = tpu.memref_slice %arg3[%dma_start3A_965, %dma_start3A_966] : memref<1000000x64xf32, #tpu.memory_space<hbm>> -> memref<1000000x64xf32, #tpu.memory_space<hbm>>
        tpu.enqueue_indirect_dma source(%dma_start3A_967 : memref<1000000x64xf32, #tpu.memory_space<hbm>>) target(%dma_start3A_963 : memref<96x64xf32, #tpu.memory_space<vmem>>) offsets(%dma_start3A_964 : memref<96xi32, #tpu.memory_space<vmem>>) semaphore(%arg9 : memref<!tpu.dma_semaphore, #tpu.memory_space<semaphore_mem>>)
        %dma_start3A_968 = arith.constant 200 : i32
        %dma_start3A_969 = arith.constant 0 : i32
        %dma_start3A_970 = tpu.memref_slice %arg6[%dma_start3A_968, %dma_start3A_969] : memref<400x64xf32, #tpu.memory_space<vmem>> -> memref<104x64xf32, #tpu.memory_space<vmem>>
        %dma_start3A_971 = tpu.memref_slice %arg5[%add3A_951] : memref<25600xi32, #tpu.memory_space<vmem>> -> memref<104xi32, #tpu.memory_space<vmem>>
        %dma_start3A_972 = arith.constant 0 : i32
        %dma_start3A_973 = arith.constant 0 : i32
        %dma_start3A_974 = tpu.memref_slice %arg3[%dma_start3A_972, %dma_start3A_973] : memref<1000000x64xf32, #tpu.memory_space<hbm>> -> memref<1000000x64xf32, #tpu.memory_space<hbm>>
        tpu.enqueue_indirect_dma source(%dma_start3A_974 : memref<1000000x64xf32, #tpu.memory_space<hbm>>) target(%dma_start3A_970 : memref<104x64xf32, #tpu.memory_space<vmem>>) offsets(%dma_start3A_971 : memref<104xi32, #tpu.memory_space<vmem>>) semaphore(%arg9 : memref<!tpu.dma_semaphore, #tpu.memory_space<semaphore_mem>>)
        %dma_start3A_975 = arith.constant 304 : i32
        %dma_start3A_976 = arith.constant 0 : i32
        %dma_start3A_977 = tpu.memref_slice %arg6[%dma_start3A_975, %dma_start3A_976] : memref<400x64xf32, #tpu.memory_space<vmem>> -> memref<96x64xf32, #tpu.memory_space<vmem>>
        %dma_start3A_978 = tpu.memref_slice %arg5[%add3A_953] : memref<25600xi32, #tpu.memory_space<vmem>> -> memref<96xi32, #tpu.memory_space<vmem>>
        %dma_start3A_979 = arith.constant 0 : i32
        %dma_start3A_980 = arith.constant 0 : i32
        %dma_start3A_981 = tpu.memref_slice %arg3[%dma_start3A_979, %dma_start3A_980] : memref<1000000x64xf32, #tpu.memory_space<hbm>> -> memref<1000000x64xf32, #tpu.memory_space<hbm>>
        tpu.enqueue_indirect_dma source(%dma_start3A_981 : memref<1000000x64xf32, #tpu.memory_space<hbm>>) target(%dma_start3A_977 : memref<96x64xf32, #tpu.memory_space<vmem>>) offsets(%dma_start3A_978 : memref<96xi32, #tpu.memory_space<vmem>>) semaphore(%arg9 : memref<!tpu.dma_semaphore, #tpu.memory_space<semaphore_mem>>)
      } else {
      }
      %mul3A_502 = arith.constant 400 : i32
      %mul3A_503 = arith.muli %add3A_494, %mul3A_502 : i32
      %multiple_of3A_504 = tpu.assume_multiple %mul3A_503, 8 : i32
      %add3A_505 = arith.constant 0 : i32
      %add3A_506 = arith.addi %multiple_of3A_504, %add3A_505 : i32
      %add3A_507 = arith.constant 104 : i32
      %add3A_508 = arith.addi %multiple_of3A_504, %add3A_507 : i32
      %add3A_509 = arith.constant 200 : i32
      %add3A_510 = arith.addi %multiple_of3A_504, %add3A_509 : i32
      %add3A_511 = arith.constant 304 : i32
      %add3A_512 = arith.addi %multiple_of3A_504, %add3A_511 : i32
      %dma_wait3A_513 = arith.constant 0 : i32
      %dma_wait3A_514 = arith.constant 0 : i32
      %dma_wait3A_515 = tpu.memref_slice %arg7[%dma_wait3A_513, %dma_wait3A_514] : memref<400x64xf32, #tpu.memory_space<vmem>> -> memref<104x64xf32, #tpu.memory_space<vmem>>
      %dma_wait3A_516 = tpu.memref_slice %arg5[%add3A_506] : memref<25600xi32, #tpu.memory_space<vmem>> -> memref<104xi32, #tpu.memory_space<vmem>>
      %dma_wait3A_517 = arith.constant 0 : i32
      %dma_wait3A_518 = arith.constant 0 : i32
      %dma_wait3A_519 = tpu.memref_slice %arg3[%dma_wait3A_517, %dma_wait3A_518] : memref<1000000x64xf32, #tpu.memory_space<hbm>> -> memref<1000000x64xf32, #tpu.memory_space<hbm>>
      tpu.wait_indirect_dma semaphore(%arg10 : memref<!tpu.dma_semaphore, #tpu.memory_space<semaphore_mem>>) src(%dma_wait3A_519 : memref<1000000x64xf32, #tpu.memory_space<hbm>>) dst(%dma_wait3A_515 : memref<104x64xf32, #tpu.memory_space<vmem>>)
      %dma_wait3A_520 = arith.constant 104 : i32
      %dma_wait3A_521 = arith.constant 0 : i32
      %dma_wait3A_522 = tpu.memref_slice %arg7[%dma_wait3A_520, %dma_wait3A_521] : memref<400x64xf32, #tpu.memory_space<vmem>> -> memref<96x64xf32, #tpu.memory_space<vmem>>
      %dma_wait3A_523 = tpu.memref_slice %arg5[%add3A_508] : memref<25600xi32, #tpu.memory_space<vmem>> -> memref<96xi32, #tpu.memory_space<vmem>>
      %dma_wait3A_524 = arith.constant 0 : i32
      %dma_wait3A_525 = arith.constant 0 : i32
      %dma_wait3A_526 = tpu.memref_slice %arg3[%dma_wait3A_524, %dma_wait3A_525] : memref<1000000x64xf32, #tpu.memory_space<hbm>> -> memref<1000000x64xf32, #tpu.memory_space<hbm>>
      tpu.wait_indirect_dma semaphore(%arg10 : memref<!tpu.dma_semaphore, #tpu.memory_space<semaphore_mem>>) src(%dma_wait3A_526 : memref<1000000x64xf32, #tpu.memory_space<hbm>>) dst(%dma_wait3A_522 : memref<96x64xf32, #tpu.memory_space<vmem>>)
      %dma_wait3A_527 = arith.constant 200 : i32
      %dma_wait3A_528 = arith.constant 0 : i32
      %dma_wait3A_529 = tpu.memref_slice %arg7[%dma_wait3A_527, %dma_wait3A_528] : memref<400x64xf32, #tpu.memory_space<vmem>> -> memref<104x64xf32, #tpu.memory_space<vmem>>
      %dma_wait3A_530 = tpu.memref_slice %arg5[%add3A_510] : memref<25600xi32, #tpu.memory_space<vmem>> -> memref<104xi32, #tpu.memory_space<vmem>>
      %dma_wait3A_531 = arith.constant 0 : i32
      %dma_wait3A_532 = arith.constant 0 : i32
      %dma_wait3A_533 = tpu.memref_slice %arg3[%dma_wait3A_531, %dma_wait3A_532] : memref<1000000x64xf32, #tpu.memory_space<hbm>> -> memref<1000000x64xf32, #tpu.memory_space<hbm>>
      tpu.wait_indirect_dma semaphore(%arg10 : memref<!tpu.dma_semaphore, #tpu.memory_space<semaphore_mem>>) src(%dma_wait3A_533 : memref<1000000x64xf32, #tpu.memory_space<hbm>>) dst(%dma_wait3A_529 : memref<104x64xf32, #tpu.memory_space<vmem>>)
      %dma_wait3A_534 = arith.constant 304 : i32
      %dma_wait3A_535 = arith.constant 0 : i32
      %dma_wait3A_536 = tpu.memref_slice %arg7[%dma_wait3A_534, %dma_wait3A_535] : memref<400x64xf32, #tpu.memory_space<vmem>> -> memref<96x64xf32, #tpu.memory_space<vmem>>
      %dma_wait3A_537 = tpu.memref_slice %arg5[%add3A_512] : memref<25600xi32, #tpu.memory_space<vmem>> -> memref<96xi32, #tpu.memory_space<vmem>>
      %dma_wait3A_538 = arith.constant 0 : i32
      %dma_wait3A_539 = arith.constant 0 : i32
      %dma_wait3A_540 = tpu.memref_slice %arg3[%dma_wait3A_538, %dma_wait3A_539] : memref<1000000x64xf32, #tpu.memory_space<hbm>> -> memref<1000000x64xf32, #tpu.memory_space<hbm>>
      tpu.wait_indirect_dma semaphore(%arg10 : memref<!tpu.dma_semaphore, #tpu.memory_space<semaphore_mem>>) src(%dma_wait3A_540 : memref<1000000x64xf32, #tpu.memory_space<hbm>>) dst(%dma_wait3A_536 : memref<96x64xf32, #tpu.memory_space<vmem>>)
      %broadcast_in_dim3A_541 = arith.constant 0.000000e+00 : f32
      %broadcast_in_dim3A_542 = vector.broadcast %broadcast_in_dim3A_541 : f32 to vector<16xf32>
      %broadcast_in_dim3A_543 = arith.constant 0.000000e+00 : f32
      %broadcast_in_dim3A_544 = vector.broadcast %broadcast_in_dim3A_543 : f32 to vector<16xf32>
      %broadcast_in_dim3A_545 = arith.constant 0.000000e+00 : f32
      %broadcast_in_dim3A_546 = vector.broadcast %broadcast_in_dim3A_545 : f32 to vector<16xf32>
      %broadcast_in_dim3A_547 = arith.constant 0.000000e+00 : f32
      %broadcast_in_dim3A_548 = vector.broadcast %broadcast_in_dim3A_547 : f32 to vector<16xf32>
      %scan3A_549 = arith.constant 0 : i32
      %scan3A_550 = arith.constant 50 : i32
      %scan3A_551 = arith.addi %scan3A_549, %scan3A_550 : i32
      %scan3A_552 = arith.constant 5 : i32
      %scan3A_553:4 = scf.for %scan3A_941 = %scan3A_549 to %scan3A_551 step %scan3A_552 iter_args(%scan3A_942 = %broadcast_in_dim3A_542, %scan3A_943 = %broadcast_in_dim3A_544, %scan3A_944 = %broadcast_in_dim3A_546, %scan3A_945 = %broadcast_in_dim3A_548) -> (vector<16xf32>, vector<16xf32>, vector<16xf32>, vector<16xf32>)  : i32 {
        %add3A_946 = arith.constant 0 : i32
        %add3A_947 = arith.addi %add3A_946, %scan3A_941 : i32
        %get3A = arith.index_cast %add3A_947 : i32 to index
        %get3A_948 = arith.constant 0 : index
        %get3A_949 = tpu.vector_load %arg7[%get3A, %get3A_948] {strides = array<i32>} : memref<400x64xf32, #tpu.memory_space<vmem>>, vector<1x16xf32>,
        %get3A_950 = vector.shape_cast %get3A_949 : vector<1x16xf32> to vector<16xf32>
        %add3A_951 = arith.addf %scan3A_942, %get3A_950 : vector<16xf32>
        %get3A_952 = arith.index_cast %add3A_947 : i32 to index
        %get3A_953 = arith.constant 16 : index
        %get3A_954 = tpu.vector_load %arg7[%get3A_952, %get3A_953] {strides = array<i32>} : memref<400x64xf32, #tpu.memory_space<vmem>>, vector<1x16xf32>,
        %get3A_955 = vector.shape_cast %get3A_954 : vector<1x16xf32> to vector<16xf32>
        %add3A_956 = arith.addf %scan3A_943, %get3A_955 : vector<16xf32>
        %get3A_957 = arith.index_cast %add3A_947 : i32 to index
        %get3A_958 = arith.constant 32 : index
        %get3A_959 = tpu.vector_load %arg7[%get3A_957, %get3A_958] {strides = array<i32>} : memref<400x64xf32, #tpu.memory_space<vmem>>, vector<1x16xf32>,
        %get3A_960 = vector.shape_cast %get3A_959 : vector<1x16xf32> to vector<16xf32>
        %add3A_961 = arith.addf %scan3A_944, %get3A_960 : vector<16xf32>
        %get3A_962 = arith.index_cast %add3A_947 : i32 to index
        %get3A_963 = arith.constant 48 : index
        %get3A_964 = tpu.vector_load %arg7[%get3A_962, %get3A_963] {strides = array<i32>} : memref<400x64xf32, #tpu.memory_space<vmem>>, vector<1x16xf32>,
        %get3A_965 = vector.shape_cast %get3A_964 : vector<1x16xf32> to vector<16xf32>
        %add3A_966 = arith.addf %scan3A_945, %get3A_965 : vector<16xf32>
        %scan3A_967 = arith.constant 1 : i32
        %scan3A_968 = arith.addi %scan3A_941, %scan3A_967 : i32
        %add3A_969 = arith.constant 0 : i32
        %add3A_970 = arith.addi %add3A_969, %scan3A_968 : i32
        %get3A_971 = arith.index_cast %add3A_970 : i32 to index
        %get3A_972 = arith.constant 0 : index
        %get3A_973 = tpu.vector_load %arg7[%get3A_971, %get3A_972] {strides = array<i32>} : memref<400x64xf32, #tpu.memory_space<vmem>>, vector<1x16xf32>,
        %get3A_974 = vector.shape_cast %get3A_973 : vector<1x16xf32> to vector<16xf32>
        %add3A_975 = arith.addf %add3A_951, %get3A_974 : vector<16xf32>
        %get3A_976 = arith.index_cast %add3A_970 : i32 to index
        %get3A_977 = arith.constant 16 : index
        %get3A_978 = tpu.vector_load %arg7[%get3A_976, %get3A_977] {strides = array<i32>} : memref<400x64xf32, #tpu.memory_space<vmem>>, vector<1x16xf32>,
        %get3A_979 = vector.shape_cast %get3A_978 : vector<1x16xf32> to vector<16xf32>
        %add3A_980 = arith.addf %add3A_956, %get3A_979 : vector<16xf32>
        %get3A_981 = arith.index_cast %add3A_970 : i32 to index
        %get3A_982 = arith.constant 32 : index
        %get3A_983 = tpu.vector_load %arg7[%get3A_981, %get3A_982] {strides = array<i32>} : memref<400x64xf32, #tpu.memory_space<vmem>>, vector<1x16xf32>,
        %get3A_984 = vector.shape_cast %get3A_983 : vector<1x16xf32> to vector<16xf32>
        %add3A_985 = arith.addf %add3A_961, %get3A_984 : vector<16xf32>
        %get3A_986 = arith.index_cast %add3A_970 : i32 to index
        %get3A_987 = arith.constant 48 : index
        %get3A_988 = tpu.vector_load %arg7[%get3A_986, %get3A_987] {strides = array<i32>} : memref<400x64xf32, #tpu.memory_space<vmem>>, vector<1x16xf32>,
        %get3A_989 = vector.shape_cast %get3A_988 : vector<1x16xf32> to vector<16xf32>
        %add3A_990 = arith.addf %add3A_966, %get3A_989 : vector<16xf32>
        %scan3A_991 = arith.constant 2 : i32
        %scan3A_992 = arith.addi %scan3A_941, %scan3A_991 : i32
        %add3A_993 = arith.constant 0 : i32
        %add3A_994 = arith.addi %add3A_993, %scan3A_992 : i32
        %get3A_995 = arith.index_cast %add3A_994 : i32 to index
        %get3A_996 = arith.constant 0 : index
        %get3A_997 = tpu.vector_load %arg7[%get3A_995, %get3A_996] {strides = array<i32>} : memref<400x64xf32, #tpu.memory_space<vmem>>, vector<1x16xf32>,
        %get3A_998 = vector.shape_cast %get3A_997 : vector<1x16xf32> to vector<16xf32>
        %add3A_999 = arith.addf %add3A_975, %get3A_998 : vector<16xf32>
        %get3A_1000 = arith.index_cast %add3A_994 : i32 to index
        %get3A_1001 = arith.constant 16 : index
        %get3A_1002 = tpu.vector_load %arg7[%get3A_1000, %get3A_1001] {strides = array<i32>} : memref<400x64xf32, #tpu.memory_space<vmem>>, vector<1x16xf32>,
        %get3A_1003 = vector.shape_cast %get3A_1002 : vector<1x16xf32> to vector<16xf32>
        %add3A_1004 = arith.addf %add3A_980, %get3A_1003 : vector<16xf32>
        %get3A_1005 = arith.index_cast %add3A_994 : i32 to index
        %get3A_1006 = arith.constant 32 : index
        %get3A_1007 = tpu.vector_load %arg7[%get3A_1005, %get3A_1006] {strides = array<i32>} : memref<400x64xf32, #tpu.memory_space<vmem>>, vector<1x16xf32>,
        %get3A_1008 = vector.shape_cast %get3A_1007 : vector<1x16xf32> to vector<16xf32>
        %add3A_1009 = arith.addf %add3A_985, %get3A_1008 : vector<16xf32>
        %get3A_1010 = arith.index_cast %add3A_994 : i32 to index
        %get3A_1011 = arith.constant 48 : index
        %get3A_1012 = tpu.vector_load %arg7[%get3A_1010, %get3A_1011] {strides = array<i32>} : memref<400x64xf32, #tpu.memory_space<vmem>>, vector<1x16xf32>,
        %get3A_1013 = vector.shape_cast %get3A_1012 : vector<1x16xf32> to vector<16xf32>
        %add3A_1014 = arith.addf %add3A_990, %get3A_1013 : vector<16xf32>
        %scan3A_1015 = arith.constant 3 : i32
        %scan3A_1016 = arith.addi %scan3A_941, %scan3A_1015 : i32
        %add3A_1017 = arith.constant 0 : i32
        %add3A_1018 = arith.addi %add3A_1017, %scan3A_1016 : i32
        %get3A_1019 = arith.index_cast %add3A_1018 : i32 to index
        %get3A_1020 = arith.constant 0 : index
        %get3A_1021 = tpu.vector_load %arg7[%get3A_1019, %get3A_1020] {strides = array<i32>} : memref<400x64xf32, #tpu.memory_space<vmem>>, vector<1x16xf32>,
        %get3A_1022 = vector.shape_cast %get3A_1021 : vector<1x16xf32> to vector<16xf32>
        %add3A_1023 = arith.addf %add3A_999, %get3A_1022 : vector<16xf32>
        %get3A_1024 = arith.index_cast %add3A_1018 : i32 to index
        %get3A_1025 = arith.constant 16 : index
        %get3A_1026 = tpu.vector_load %arg7[%get3A_1024, %get3A_1025] {strides = array<i32>} : memref<400x64xf32, #tpu.memory_space<vmem>>, vector<1x16xf32>,
        %get3A_1027 = vector.shape_cast %get3A_1026 : vector<1x16xf32> to vector<16xf32>
        %add3A_1028 = arith.addf %add3A_1004, %get3A_1027 : vector<16xf32>
        %get3A_1029 = arith.index_cast %add3A_1018 : i32 to index
        %get3A_1030 = arith.constant 32 : index
        %get3A_1031 = tpu.vector_load %arg7[%get3A_1029, %get3A_1030] {strides = array<i32>} : memref<400x64xf32, #tpu.memory_space<vmem>>, vector<1x16xf32>,
        %get3A_1032 = vector.shape_cast %get3A_1031 : vector<1x16xf32> to vector<16xf32>
        %add3A_1033 = arith.addf %add3A_1009, %get3A_1032 : vector<16xf32>
        %get3A_1034 = arith.index_cast %add3A_1018 : i32 to index
        %get3A_1035 = arith.constant 48 : index
        %get3A_1036 = tpu.vector_load %arg7[%get3A_1034, %get3A_1035] {strides = array<i32>} : memref<400x64xf32, #tpu.memory_space<vmem>>, vector<1x16xf32>,
        %get3A_1037 = vector.shape_cast %get3A_1036 : vector<1x16xf32> to vector<16xf32>
        %add3A_1038 = arith.addf %add3A_1014, %get3A_1037 : vector<16xf32>
        %scan3A_1039 = arith.constant 4 : i32
        %scan3A_1040 = arith.addi %scan3A_941, %scan3A_1039 : i32
        %add3A_1041 = arith.constant 0 : i32
        %add3A_1042 = arith.addi %add3A_1041, %scan3A_1040 : i32
        %get3A_1043 = arith.index_cast %add3A_1042 : i32 to index
        %get3A_1044 = arith.constant 0 : index
        %get3A_1045 = tpu.vector_load %arg7[%get3A_1043, %get3A_1044] {strides = array<i32>} : memref<400x64xf32, #tpu.memory_space<vmem>>, vector<1x16xf32>,
        %get3A_1046 = vector.shape_cast %get3A_1045 : vector<1x16xf32> to vector<16xf32>
        %add3A_1047 = arith.addf %add3A_1023, %get3A_1046 : vector<16xf32>
        %get3A_1048 = arith.index_cast %add3A_1042 : i32 to index
        %get3A_1049 = arith.constant 16 : index
        %get3A_1050 = tpu.vector_load %arg7[%get3A_1048, %get3A_1049] {strides = array<i32>} : memref<400x64xf32, #tpu.memory_space<vmem>>, vector<1x16xf32>,
        %get3A_1051 = vector.shape_cast %get3A_1050 : vector<1x16xf32> to vector<16xf32>
        %add3A_1052 = arith.addf %add3A_1028, %get3A_1051 : vector<16xf32>
        %get3A_1053 = arith.index_cast %add3A_1042 : i32 to index
        %get3A_1054 = arith.constant 32 : index
        %get3A_1055 = tpu.vector_load %arg7[%get3A_1053, %get3A_1054] {strides = array<i32>} : memref<400x64xf32, #tpu.memory_space<vmem>>, vector<1x16xf32>,
        %get3A_1056 = vector.shape_cast %get3A_1055 : vector<1x16xf32> to vector<16xf32>
        %add3A_1057 = arith.addf %add3A_1033, %get3A_1056 : vector<16xf32>
        %get3A_1058 = arith.index_cast %add3A_1042 : i32 to index
        %get3A_1059 = arith.constant 48 : index
        %get3A_1060 = tpu.vector_load %arg7[%get3A_1058, %get3A_1059] {strides = array<i32>} : memref<400x64xf32, #tpu.memory_space<vmem>>, vector<1x16xf32>,
        %get3A_1061 = vector.shape_cast %get3A_1060 : vector<1x16xf32> to vector<16xf32>
        %add3A_1062 = arith.addf %add3A_1038, %get3A_1061 : vector<16xf32>
        scf.yield %add3A_1047, %add3A_1052, %add3A_1057, %add3A_1062 : vector<16xf32>, vector<16xf32>, vector<16xf32>, vector<16xf32>
      }
      %scan3A_554 = arith.constant 50 : i32
      %mul3A_555 = arith.constant 8 : i32
      %mul3A_556 = arith.muli %add3A_494, %mul3A_555 : i32
      %add3A_557 = arith.constant 0 : i32
      %add3A_558 = arith.addi %mul3A_556, %add3A_557 : i32
      %swap3A_559 = arith.index_cast %add3A_558 : i32 to index
      %swap3A_560 = arith.constant 0 : index
      %swap3A_561 = tpu.vector_load %arg8[%swap3A_559, %swap3A_560] {strides = array<i32>} : memref<512x64xf32, #tpu.memory_space<vmem>>, vector<1x16xf32>,
      %swap3A_562 = vector.shape_cast %swap3A_561 : vector<1x16xf32> to vector<16xf32>
      %swap3A_563 = vector.shape_cast %scan3A_553#0 : vector<16xf32> to vector<1x16xf32>
      tpu.vector_store %arg8[%swap3A_559, %swap3A_560], %swap3A_563 {strides = array<i32>} : memref<512x64xf32, #tpu.memory_space<vmem>>, vector<1x16xf32>,
      %mul3A_564 = arith.constant 8 : i32
      %mul3A_565 = arith.muli %add3A_494, %mul3A_564 : i32
      %add3A_566 = arith.constant 0 : i32
      %add3A_567 = arith.addi %mul3A_565, %add3A_566 : i32
      %swap3A_568 = arith.index_cast %add3A_567 : i32 to index
      %swap3A_569 = arith.constant 16 : index
      %swap3A_570 = tpu.vector_load %arg8[%swap3A_568, %swap3A_569] {strides = array<i32>} : memref<512x64xf32, #tpu.memory_space<vmem>>, vector<1x16xf32>,
      %swap3A_571 = vector.shape_cast %swap3A_570 : vector<1x16xf32> to vector<16xf32>
      %swap3A_572 = vector.shape_cast %scan3A_553#1 : vector<16xf32> to vector<1x16xf32>
      tpu.vector_store %arg8[%swap3A_568, %swap3A_569], %swap3A_572 {strides = array<i32>} : memref<512x64xf32, #tpu.memory_space<vmem>>, vector<1x16xf32>,
      %mul3A_573 = arith.constant 8 : i32
      %mul3A_574 = arith.muli %add3A_494, %mul3A_573 : i32
      %add3A_575 = arith.constant 0 : i32
      %add3A_576 = arith.addi %mul3A_574, %add3A_575 : i32
      %swap3A_577 = arith.index_cast %add3A_576 : i32 to index
      %swap3A_578 = arith.constant 32 : index
      %swap3A_579 = tpu.vector_load %arg8[%swap3A_577, %swap3A_578] {strides = array<i32>} : memref<512x64xf32, #tpu.memory_space<vmem>>, vector<1x16xf32>,
      %swap3A_580 = vector.shape_cast %swap3A_579 : vector<1x16xf32> to vector<16xf32>
      %swap3A_581 = vector.shape_cast %scan3A_553#2 : vector<16xf32> to vector<1x16xf32>
      tpu.vector_store %arg8[%swap3A_577, %swap3A_578], %swap3A_581 {strides = array<i32>} : memref<512x64xf32, #tpu.memory_space<vmem>>, vector<1x16xf32>,
      %mul3A_582 = arith.constant 8 : i32
      %mul3A_583 = arith.muli %add3A_494, %mul3A_582 : i32
      %add3A_584 = arith.constant 0 : i32
      %add3A_585 = arith.addi %mul3A_583, %add3A_584 : i32
      %swap3A_586 = arith.index_cast %add3A_585 : i32 to index
      %swap3A_587 = arith.constant 48 : index
      %swap3A_588 = tpu.vector_load %arg8[%swap3A_586, %swap3A_587] {strides = array<i32>} : memref<512x64xf32, #tpu.memory_space<vmem>>, vector<1x16xf32>,
      %swap3A_589 = vector.shape_cast %swap3A_588 : vector<1x16xf32> to vector<16xf32>
      %swap3A_590 = vector.shape_cast %scan3A_553#3 : vector<16xf32> to vector<1x16xf32>
      tpu.vector_store %arg8[%swap3A_586, %swap3A_587], %swap3A_590 {strides = array<i32>} : memref<512x64xf32, #tpu.memory_space<vmem>>, vector<1x16xf32>,
      %broadcast_in_dim3A_591 = arith.constant 0.000000e+00 : f32
      %broadcast_in_dim3A_592 = vector.broadcast %broadcast_in_dim3A_591 : f32 to vector<16xf32>
      %broadcast_in_dim3A_593 = arith.constant 0.000000e+00 : f32
      %broadcast_in_dim3A_594 = vector.broadcast %broadcast_in_dim3A_593 : f32 to vector<16xf32>
      %broadcast_in_dim3A_595 = arith.constant 0.000000e+00 : f32
      %broadcast_in_dim3A_596 = vector.broadcast %broadcast_in_dim3A_595 : f32 to vector<16xf32>
      %broadcast_in_dim3A_597 = arith.constant 0.000000e+00 : f32
      %broadcast_in_dim3A_598 = vector.broadcast %broadcast_in_dim3A_597 : f32 to vector<16xf32>
      %scan3A_599 = arith.constant 0 : i32
      %scan3A_600 = arith.constant 50 : i32
      %scan3A_601 = arith.addi %scan3A_599, %scan3A_600 : i32
      %scan3A_602 = arith.constant 5 : i32
      %scan3A_603:4 = scf.for %scan3A_941 = %scan3A_599 to %scan3A_601 step %scan3A_602 iter_args(%scan3A_942 = %broadcast_in_dim3A_592, %scan3A_943 = %broadcast_in_dim3A_594, %scan3A_944 = %broadcast_in_dim3A_596, %scan3A_945 = %broadcast_in_dim3A_598) -> (vector<16xf32>, vector<16xf32>, vector<16xf32>, vector<16xf32>)  : i32 {
        %add3A_946 = arith.constant 50 : i32
        %add3A_947 = arith.addi %add3A_946, %scan3A_941 : i32
        %get3A = arith.index_cast %add3A_947 : i32 to index
        %get3A_948 = arith.constant 0 : index
        %get3A_949 = tpu.vector_load %arg7[%get3A, %get3A_948] {strides = array<i32>} : memref<400x64xf32, #tpu.memory_space<vmem>>, vector<1x16xf32>,
        %get3A_950 = vector.shape_cast %get3A_949 : vector<1x16xf32> to vector<16xf32>
        %add3A_951 = arith.addf %scan3A_942, %get3A_950 : vector<16xf32>
        %get3A_952 = arith.index_cast %add3A_947 : i32 to index
        %get3A_953 = arith.constant 16 : index
        %get3A_954 = tpu.vector_load %arg7[%get3A_952, %get3A_953] {strides = array<i32>} : memref<400x64xf32, #tpu.memory_space<vmem>>, vector<1x16xf32>,
        %get3A_955 = vector.shape_cast %get3A_954 : vector<1x16xf32> to vector<16xf32>
        %add3A_956 = arith.addf %scan3A_943, %get3A_955 : vector<16xf32>
        %get3A_957 = arith.index_cast %add3A_947 : i32 to index
        %get3A_958 = arith.constant 32 : index
        %get3A_959 = tpu.vector_load %arg7[%get3A_957, %get3A_958] {strides = array<i32>} : memref<400x64xf32, #tpu.memory_space<vmem>>, vector<1x16xf32>,
        %get3A_960 = vector.shape_cast %get3A_959 : vector<1x16xf32> to vector<16xf32>
        %add3A_961 = arith.addf %scan3A_944, %get3A_960 : vector<16xf32>
        %get3A_962 = arith.index_cast %add3A_947 : i32 to index
        %get3A_963 = arith.constant 48 : index
        %get3A_964 = tpu.vector_load %arg7[%get3A_962, %get3A_963] {strides = array<i32>} : memref<400x64xf32, #tpu.memory_space<vmem>>, vector<1x16xf32>,
        %get3A_965 = vector.shape_cast %get3A_964 : vector<1x16xf32> to vector<16xf32>
        %add3A_966 = arith.addf %scan3A_945, %get3A_965 : vector<16xf32>
        %scan3A_967 = arith.constant 1 : i32
        %scan3A_968 = arith.addi %scan3A_941, %scan3A_967 : i32
        %add3A_969 = arith.constant 50 : i32
        %add3A_970 = arith.addi %add3A_969, %scan3A_968 : i32
        %get3A_971 = arith.index_cast %add3A_970 : i32 to index
        %get3A_972 = arith.constant 0 : index
        %get3A_973 = tpu.vector_load %arg7[%get3A_971, %get3A_972] {strides = array<i32>} : memref<400x64xf32, #tpu.memory_space<vmem>>, vector<1x16xf32>,
        %get3A_974 = vector.shape_cast %get3A_973 : vector<1x16xf32> to vector<16xf32>
        %add3A_975 = arith.addf %add3A_951, %get3A_974 : vector<16xf32>
        %get3A_976 = arith.index_cast %add3A_970 : i32 to index
        %get3A_977 = arith.constant 16 : index
        %get3A_978 = tpu.vector_load %arg7[%get3A_976, %get3A_977] {strides = array<i32>} : memref<400x64xf32, #tpu.memory_space<vmem>>, vector<1x16xf32>,
        %get3A_979 = vector.shape_cast %get3A_978 : vector<1x16xf32> to vector<16xf32>
        %add3A_980 = arith.addf %add3A_956, %get3A_979 : vector<16xf32>
        %get3A_981 = arith.index_cast %add3A_970 : i32 to index
        %get3A_982 = arith.constant 32 : index
        %get3A_983 = tpu.vector_load %arg7[%get3A_981, %get3A_982] {strides = array<i32>} : memref<400x64xf32, #tpu.memory_space<vmem>>, vector<1x16xf32>,
        %get3A_984 = vector.shape_cast %get3A_983 : vector<1x16xf32> to vector<16xf32>
        %add3A_985 = arith.addf %add3A_961, %get3A_984 : vector<16xf32>
        %get3A_986 = arith.index_cast %add3A_970 : i32 to index
        %get3A_987 = arith.constant 48 : index
        %get3A_988 = tpu.vector_load %arg7[%get3A_986, %get3A_987] {strides = array<i32>} : memref<400x64xf32, #tpu.memory_space<vmem>>, vector<1x16xf32>,
        %get3A_989 = vector.shape_cast %get3A_988 : vector<1x16xf32> to vector<16xf32>
        %add3A_990 = arith.addf %add3A_966, %get3A_989 : vector<16xf32>
        %scan3A_991 = arith.constant 2 : i32
        %scan3A_992 = arith.addi %scan3A_941, %scan3A_991 : i32
        %add3A_993 = arith.constant 50 : i32
        %add3A_994 = arith.addi %add3A_993, %scan3A_992 : i32
        %get3A_995 = arith.index_cast %add3A_994 : i32 to index
        %get3A_996 = arith.constant 0 : index
        %get3A_997 = tpu.vector_load %arg7[%get3A_995, %get3A_996] {strides = array<i32>} : memref<400x64xf32, #tpu.memory_space<vmem>>, vector<1x16xf32>,
        %get3A_998 = vector.shape_cast %get3A_997 : vector<1x16xf32> to vector<16xf32>
        %add3A_999 = arith.addf %add3A_975, %get3A_998 : vector<16xf32>
        %get3A_1000 = arith.index_cast %add3A_994 : i32 to index
        %get3A_1001 = arith.constant 16 : index
        %get3A_1002 = tpu.vector_load %arg7[%get3A_1000, %get3A_1001] {strides = array<i32>} : memref<400x64xf32, #tpu.memory_space<vmem>>, vector<1x16xf32>,
        %get3A_1003 = vector.shape_cast %get3A_1002 : vector<1x16xf32> to vector<16xf32>
        %add3A_1004 = arith.addf %add3A_980, %get3A_1003 : vector<16xf32>
        %get3A_1005 = arith.index_cast %add3A_994 : i32 to index
        %get3A_1006 = arith.constant 32 : index
        %get3A_1007 = tpu.vector_load %arg7[%get3A_1005, %get3A_1006] {strides = array<i32>} : memref<400x64xf32, #tpu.memory_space<vmem>>, vector<1x16xf32>,
        %get3A_1008 = vector.shape_cast %get3A_1007 : vector<1x16xf32> to vector<16xf32>
        %add3A_1009 = arith.addf %add3A_985, %get3A_1008 : vector<16xf32>
        %get3A_1010 = arith.index_cast %add3A_994 : i32 to index
        %get3A_1011 = arith.constant 48 : index
        %get3A_1012 = tpu.vector_load %arg7[%get3A_1010, %get3A_1011] {strides = array<i32>} : memref<400x64xf32, #tpu.memory_space<vmem>>, vector<1x16xf32>,
        %get3A_1013 = vector.shape_cast %get3A_1012 : vector<1x16xf32> to vector<16xf32>
        %add3A_1014 = arith.addf %add3A_990, %get3A_1013 : vector<16xf32>
        %scan3A_1015 = arith.constant 3 : i32
        %scan3A_1016 = arith.addi %scan3A_941, %scan3A_1015 : i32
        %add3A_1017 = arith.constant 50 : i32
        %add3A_1018 = arith.addi %add3A_1017, %scan3A_1016 : i32
        %get3A_1019 = arith.index_cast %add3A_1018 : i32 to index
        %get3A_1020 = arith.constant 0 : index
        %get3A_1021 = tpu.vector_load %arg7[%get3A_1019, %get3A_1020] {strides = array<i32>} : memref<400x64xf32, #tpu.memory_space<vmem>>, vector<1x16xf32>,
        %get3A_1022 = vector.shape_cast %get3A_1021 : vector<1x16xf32> to vector<16xf32>
        %add3A_1023 = arith.addf %add3A_999, %get3A_1022 : vector<16xf32>
        %get3A_1024 = arith.index_cast %add3A_1018 : i32 to index
        %get3A_1025 = arith.constant 16 : index
        %get3A_1026 = tpu.vector_load %arg7[%get3A_1024, %get3A_1025] {strides = array<i32>} : memref<400x64xf32, #tpu.memory_space<vmem>>, vector<1x16xf32>,
        %get3A_1027 = vector.shape_cast %get3A_1026 : vector<1x16xf32> to vector<16xf32>
        %add3A_1028 = arith.addf %add3A_1004, %get3A_1027 : vector<16xf32>
        %get3A_1029 = arith.index_cast %add3A_1018 : i32 to index
        %get3A_1030 = arith.constant 32 : index
        %get3A_1031 = tpu.vector_load %arg7[%get3A_1029, %get3A_1030] {strides = array<i32>} : memref<400x64xf32, #tpu.memory_space<vmem>>, vector<1x16xf32>,
        %get3A_1032 = vector.shape_cast %get3A_1031 : vector<1x16xf32> to vector<16xf32>
        %add3A_1033 = arith.addf %add3A_1009, %get3A_1032 : vector<16xf32>
        %get3A_1034 = arith.index_cast %add3A_1018 : i32 to index
        %get3A_1035 = arith.constant 48 : index
        %get3A_1036 = tpu.vector_load %arg7[%get3A_1034, %get3A_1035] {strides = array<i32>} : memref<400x64xf32, #tpu.memory_space<vmem>>, vector<1x16xf32>,
        %get3A_1037 = vector.shape_cast %get3A_1036 : vector<1x16xf32> to vector<16xf32>
        %add3A_1038 = arith.addf %add3A_1014, %get3A_1037 : vector<16xf32>
        %scan3A_1039 = arith.constant 4 : i32
        %scan3A_1040 = arith.addi %scan3A_941, %scan3A_1039 : i32
        %add3A_1041 = arith.constant 50 : i32
        %add3A_1042 = arith.addi %add3A_1041, %scan3A_1040 : i32
        %get3A_1043 = arith.index_cast %add3A_1042 : i32 to index
        %get3A_1044 = arith.constant 0 : index
        %get3A_1045 = tpu.vector_load %arg7[%get3A_1043, %get3A_1044] {strides = array<i32>} : memref<400x64xf32, #tpu.memory_space<vmem>>, vector<1x16xf32>,
        %get3A_1046 = vector.shape_cast %get3A_1045 : vector<1x16xf32> to vector<16xf32>
        %add3A_1047 = arith.addf %add3A_1023, %get3A_1046 : vector<16xf32>
        %get3A_1048 = arith.index_cast %add3A_1042 : i32 to index
        %get3A_1049 = arith.constant 16 : index
        %get3A_1050 = tpu.vector_load %arg7[%get3A_1048, %get3A_1049] {strides = array<i32>} : memref<400x64xf32, #tpu.memory_space<vmem>>, vector<1x16xf32>,
        %get3A_1051 = vector.shape_cast %get3A_1050 : vector<1x16xf32> to vector<16xf32>
        %add3A_1052 = arith.addf %add3A_1028, %get3A_1051 : vector<16xf32>
        %get3A_1053 = arith.index_cast %add3A_1042 : i32 to index
        %get3A_1054 = arith.constant 32 : index
        %get3A_1055 = tpu.vector_load %arg7[%get3A_1053, %get3A_1054] {strides = array<i32>} : memref<400x64xf32, #tpu.memory_space<vmem>>, vector<1x16xf32>,
        %get3A_1056 = vector.shape_cast %get3A_1055 : vector<1x16xf32> to vector<16xf32>
        %add3A_1057 = arith.addf %add3A_1033, %get3A_1056 : vector<16xf32>
        %get3A_1058 = arith.index_cast %add3A_1042 : i32 to index
        %get3A_1059 = arith.constant 48 : index
        %get3A_1060 = tpu.vector_load %arg7[%get3A_1058, %get3A_1059] {strides = array<i32>} : memref<400x64xf32, #tpu.memory_space<vmem>>, vector<1x16xf32>,
        %get3A_1061 = vector.shape_cast %get3A_1060 : vector<1x16xf32> to vector<16xf32>
        %add3A_1062 = arith.addf %add3A_1038, %get3A_1061 : vector<16xf32>
        scf.yield %add3A_1047, %add3A_1052, %add3A_1057, %add3A_1062 : vector<16xf32>, vector<16xf32>, vector<16xf32>, vector<16xf32>
      }
      %scan3A_604 = arith.constant 50 : i32
      %mul3A_605 = arith.constant 8 : i32
      %mul3A_606 = arith.muli %add3A_494, %mul3A_605 : i32
      %add3A_607 = arith.constant 1 : i32
      %add3A_608 = arith.addi %mul3A_606, %add3A_607 : i32
      %swap3A_609 = arith.index_cast %add3A_608 : i32 to index
      %swap3A_610 = arith.constant 0 : index
      %swap3A_611 = tpu.vector_load %arg8[%swap3A_609, %swap3A_610] {strides = array<i32>} : memref<512x64xf32, #tpu.memory_space<vmem>>, vector<1x16xf32>,
      %swap3A_612 = vector.shape_cast %swap3A_611 : vector<1x16xf32> to vector<16xf32>
      %swap3A_613 = vector.shape_cast %scan3A_603#0 : vector<16xf32> to vector<1x16xf32>
      tpu.vector_store %arg8[%swap3A_609, %swap3A_610], %swap3A_613 {strides = array<i32>} : memref<512x64xf32, #tpu.memory_space<vmem>>, vector<1x16xf32>,
      %mul3A_614 = arith.constant 8 : i32
      %mul3A_615 = arith.muli %add3A_494, %mul3A_614 : i32
      %add3A_616 = arith.constant 1 : i32
      %add3A_617 = arith.addi %mul3A_615, %add3A_616 : i32
      %swap3A_618 = arith.index_cast %add3A_617 : i32 to index
      %swap3A_619 = arith.constant 16 : index
      %swap3A_620 = tpu.vector_load %arg8[%swap3A_618, %swap3A_619] {strides = array<i32>} : memref<512x64xf32, #tpu.memory_space<vmem>>, vector<1x16xf32>,
      %swap3A_621 = vector.shape_cast %swap3A_620 : vector<1x16xf32> to vector<16xf32>
      %swap3A_622 = vector.shape_cast %scan3A_603#1 : vector<16xf32> to vector<1x16xf32>
      tpu.vector_store %arg8[%swap3A_618, %swap3A_619], %swap3A_622 {strides = array<i32>} : memref<512x64xf32, #tpu.memory_space<vmem>>, vector<1x16xf32>,
      %mul3A_623 = arith.constant 8 : i32
      %mul3A_624 = arith.muli %add3A_494, %mul3A_623 : i32
      %add3A_625 = arith.constant 1 : i32
      %add3A_626 = arith.addi %mul3A_624, %add3A_625 : i32
      %swap3A_627 = arith.index_cast %add3A_626 : i32 to index
      %swap3A_628 = arith.constant 32 : index
      %swap3A_629 = tpu.vector_load %arg8[%swap3A_627, %swap3A_628] {strides = array<i32>} : memref<512x64xf32, #tpu.memory_space<vmem>>, vector<1x16xf32>,
      %swap3A_630 = vector.shape_cast %swap3A_629 : vector<1x16xf32> to vector<16xf32>
      %swap3A_631 = vector.shape_cast %scan3A_603#2 : vector<16xf32> to vector<1x16xf32>
      tpu.vector_store %arg8[%swap3A_627, %swap3A_628], %swap3A_631 {strides = array<i32>} : memref<512x64xf32, #tpu.memory_space<vmem>>, vector<1x16xf32>,
      %mul3A_632 = arith.constant 8 : i32
      %mul3A_633 = arith.muli %add3A_494, %mul3A_632 : i32
      %add3A_634 = arith.constant 1 : i32
      %add3A_635 = arith.addi %mul3A_633, %add3A_634 : i32
      %swap3A_636 = arith.index_cast %add3A_635 : i32 to index
      %swap3A_637 = arith.constant 48 : index
      %swap3A_638 = tpu.vector_load %arg8[%swap3A_636, %swap3A_637] {strides = array<i32>} : memref<512x64xf32, #tpu.memory_space<vmem>>, vector<1x16xf32>,
      %swap3A_639 = vector.shape_cast %swap3A_638 : vector<1x16xf32> to vector<16xf32>
      %swap3A_640 = vector.shape_cast %scan3A_603#3 : vector<16xf32> to vector<1x16xf32>
      tpu.vector_store %arg8[%swap3A_636, %swap3A_637], %swap3A_640 {strides = array<i32>} : memref<512x64xf32, #tpu.memory_space<vmem>>, vector<1x16xf32>,
      %broadcast_in_dim3A_641 = arith.constant 0.000000e+00 : f32
      %broadcast_in_dim3A_642 = vector.broadcast %broadcast_in_dim3A_641 : f32 to vector<16xf32>
      %broadcast_in_dim3A_643 = arith.constant 0.000000e+00 : f32
      %broadcast_in_dim3A_644 = vector.broadcast %broadcast_in_dim3A_643 : f32 to vector<16xf32>
      %broadcast_in_dim3A_645 = arith.constant 0.000000e+00 : f32
      %broadcast_in_dim3A_646 = vector.broadcast %broadcast_in_dim3A_645 : f32 to vector<16xf32>
      %broadcast_in_dim3A_647 = arith.constant 0.000000e+00 : f32
      %broadcast_in_dim3A_648 = vector.broadcast %broadcast_in_dim3A_647 : f32 to vector<16xf32>
      %scan3A_649 = arith.constant 0 : i32
      %scan3A_650 = arith.constant 50 : i32
      %scan3A_651 = arith.addi %scan3A_649, %scan3A_650 : i32
      %scan3A_652 = arith.constant 5 : i32
      %scan3A_653:4 = scf.for %scan3A_941 = %scan3A_649 to %scan3A_651 step %scan3A_652 iter_args(%scan3A_942 = %broadcast_in_dim3A_642, %scan3A_943 = %broadcast_in_dim3A_644, %scan3A_944 = %broadcast_in_dim3A_646, %scan3A_945 = %broadcast_in_dim3A_648) -> (vector<16xf32>, vector<16xf32>, vector<16xf32>, vector<16xf32>)  : i32 {
        %add3A_946 = arith.constant 100 : i32
        %add3A_947 = arith.addi %add3A_946, %scan3A_941 : i32
        %get3A = arith.index_cast %add3A_947 : i32 to index
        %get3A_948 = arith.constant 0 : index
        %get3A_949 = tpu.vector_load %arg7[%get3A, %get3A_948] {strides = array<i32>} : memref<400x64xf32, #tpu.memory_space<vmem>>, vector<1x16xf32>,
        %get3A_950 = vector.shape_cast %get3A_949 : vector<1x16xf32> to vector<16xf32>
        %add3A_951 = arith.addf %scan3A_942, %get3A_950 : vector<16xf32>
        %get3A_952 = arith.index_cast %add3A_947 : i32 to index
        %get3A_953 = arith.constant 16 : index
        %get3A_954 = tpu.vector_load %arg7[%get3A_952, %get3A_953] {strides = array<i32>} : memref<400x64xf32, #tpu.memory_space<vmem>>, vector<1x16xf32>,
        %get3A_955 = vector.shape_cast %get3A_954 : vector<1x16xf32> to vector<16xf32>
        %add3A_956 = arith.addf %scan3A_943, %get3A_955 : vector<16xf32>
        %get3A_957 = arith.index_cast %add3A_947 : i32 to index
        %get3A_958 = arith.constant 32 : index
        %get3A_959 = tpu.vector_load %arg7[%get3A_957, %get3A_958] {strides = array<i32>} : memref<400x64xf32, #tpu.memory_space<vmem>>, vector<1x16xf32>,
        %get3A_960 = vector.shape_cast %get3A_959 : vector<1x16xf32> to vector<16xf32>
        %add3A_961 = arith.addf %scan3A_944, %get3A_960 : vector<16xf32>
        %get3A_962 = arith.index_cast %add3A_947 : i32 to index
        %get3A_963 = arith.constant 48 : index
        %get3A_964 = tpu.vector_load %arg7[%get3A_962, %get3A_963] {strides = array<i32>} : memref<400x64xf32, #tpu.memory_space<vmem>>, vector<1x16xf32>,
        %get3A_965 = vector.shape_cast %get3A_964 : vector<1x16xf32> to vector<16xf32>
        %add3A_966 = arith.addf %scan3A_945, %get3A_965 : vector<16xf32>
        %scan3A_967 = arith.constant 1 : i32
        %scan3A_968 = arith.addi %scan3A_941, %scan3A_967 : i32
        %add3A_969 = arith.constant 100 : i32
        %add3A_970 = arith.addi %add3A_969, %scan3A_968 : i32
        %get3A_971 = arith.index_cast %add3A_970 : i32 to index
        %get3A_972 = arith.constant 0 : index
        %get3A_973 = tpu.vector_load %arg7[%get3A_971, %get3A_972] {strides = array<i32>} : memref<400x64xf32, #tpu.memory_space<vmem>>, vector<1x16xf32>,
        %get3A_974 = vector.shape_cast %get3A_973 : vector<1x16xf32> to vector<16xf32>
        %add3A_975 = arith.addf %add3A_951, %get3A_974 : vector<16xf32>
        %get3A_976 = arith.index_cast %add3A_970 : i32 to index
        %get3A_977 = arith.constant 16 : index
        %get3A_978 = tpu.vector_load %arg7[%get3A_976, %get3A_977] {strides = array<i32>} : memref<400x64xf32, #tpu.memory_space<vmem>>, vector<1x16xf32>,
        %get3A_979 = vector.shape_cast %get3A_978 : vector<1x16xf32> to vector<16xf32>
        %add3A_980 = arith.addf %add3A_956, %get3A_979 : vector<16xf32>
        %get3A_981 = arith.index_cast %add3A_970 : i32 to index
        %get3A_982 = arith.constant 32 : index
        %get3A_983 = tpu.vector_load %arg7[%get3A_981, %get3A_982] {strides = array<i32>} : memref<400x64xf32, #tpu.memory_space<vmem>>, vector<1x16xf32>,
        %get3A_984 = vector.shape_cast %get3A_983 : vector<1x16xf32> to vector<16xf32>
        %add3A_985 = arith.addf %add3A_961, %get3A_984 : vector<16xf32>
        %get3A_986 = arith.index_cast %add3A_970 : i32 to index
        %get3A_987 = arith.constant 48 : index
        %get3A_988 = tpu.vector_load %arg7[%get3A_986, %get3A_987] {strides = array<i32>} : memref<400x64xf32, #tpu.memory_space<vmem>>, vector<1x16xf32>,
        %get3A_989 = vector.shape_cast %get3A_988 : vector<1x16xf32> to vector<16xf32>
        %add3A_990 = arith.addf %add3A_966, %get3A_989 : vector<16xf32>
        %scan3A_991 = arith.constant 2 : i32
        %scan3A_992 = arith.addi %scan3A_941, %scan3A_991 : i32
        %add3A_993 = arith.constant 100 : i32
        %add3A_994 = arith.addi %add3A_993, %scan3A_992 : i32
        %get3A_995 = arith.index_cast %add3A_994 : i32 to index
        %get3A_996 = arith.constant 0 : index
        %get3A_997 = tpu.vector_load %arg7[%get3A_995, %get3A_996] {strides = array<i32>} : memref<400x64xf32, #tpu.memory_space<vmem>>, vector<1x16xf32>,
        %get3A_998 = vector.shape_cast %get3A_997 : vector<1x16xf32> to vector<16xf32>
        %add3A_999 = arith.addf %add3A_975, %get3A_998 : vector<16xf32>
        %get3A_1000 = arith.index_cast %add3A_994 : i32 to index
        %get3A_1001 = arith.constant 16 : index
        %get3A_1002 = tpu.vector_load %arg7[%get3A_1000, %get3A_1001] {strides = array<i32>} : memref<400x64xf32, #tpu.memory_space<vmem>>, vector<1x16xf32>,
        %get3A_1003 = vector.shape_cast %get3A_1002 : vector<1x16xf32> to vector<16xf32>
        %add3A_1004 = arith.addf %add3A_980, %get3A_1003 : vector<16xf32>
        %get3A_1005 = arith.index_cast %add3A_994 : i32 to index
        %get3A_1006 = arith.constant 32 : index
        %get3A_1007 = tpu.vector_load %arg7[%get3A_1005, %get3A_1006] {strides = array<i32>} : memref<400x64xf32, #tpu.memory_space<vmem>>, vector<1x16xf32>,
        %get3A_1008 = vector.shape_cast %get3A_1007 : vector<1x16xf32> to vector<16xf32>
        %add3A_1009 = arith.addf %add3A_985, %get3A_1008 : vector<16xf32>
        %get3A_1010 = arith.index_cast %add3A_994 : i32 to index
        %get3A_1011 = arith.constant 48 : index
        %get3A_1012 = tpu.vector_load %arg7[%get3A_1010, %get3A_1011] {strides = array<i32>} : memref<400x64xf32, #tpu.memory_space<vmem>>, vector<1x16xf32>,
        %get3A_1013 = vector.shape_cast %get3A_1012 : vector<1x16xf32> to vector<16xf32>
        %add3A_1014 = arith.addf %add3A_990, %get3A_1013 : vector<16xf32>
        %scan3A_1015 = arith.constant 3 : i32
        %scan3A_1016 = arith.addi %scan3A_941, %scan3A_1015 : i32
        %add3A_1017 = arith.constant 100 : i32
        %add3A_1018 = arith.addi %add3A_1017, %scan3A_1016 : i32
        %get3A_1019 = arith.index_cast %add3A_1018 : i32 to index
        %get3A_1020 = arith.constant 0 : index
        %get3A_1021 = tpu.vector_load %arg7[%get3A_1019, %get3A_1020] {strides = array<i32>} : memref<400x64xf32, #tpu.memory_space<vmem>>, vector<1x16xf32>,
        %get3A_1022 = vector.shape_cast %get3A_1021 : vector<1x16xf32> to vector<16xf32>
        %add3A_1023 = arith.addf %add3A_999, %get3A_1022 : vector<16xf32>
        %get3A_1024 = arith.index_cast %add3A_1018 : i32 to index
        %get3A_1025 = arith.constant 16 : index
        %get3A_1026 = tpu.vector_load %arg7[%get3A_1024, %get3A_1025] {strides = array<i32>} : memref<400x64xf32, #tpu.memory_space<vmem>>, vector<1x16xf32>,
        %get3A_1027 = vector.shape_cast %get3A_1026 : vector<1x16xf32> to vector<16xf32>
        %add3A_1028 = arith.addf %add3A_1004, %get3A_1027 : vector<16xf32>
        %get3A_1029 = arith.index_cast %add3A_1018 : i32 to index
        %get3A_1030 = arith.constant 32 : index
        %get3A_1031 = tpu.vector_load %arg7[%get3A_1029, %get3A_1030] {strides = array<i32>} : memref<400x64xf32, #tpu.memory_space<vmem>>, vector<1x16xf32>,
        %get3A_1032 = vector.shape_cast %get3A_1031 : vector<1x16xf32> to vector<16xf32>
        %add3A_1033 = arith.addf %add3A_1009, %get3A_1032 : vector<16xf32>
        %get3A_1034 = arith.index_cast %add3A_1018 : i32 to index
        %get3A_1035 = arith.constant 48 : index
        %get3A_1036 = tpu.vector_load %arg7[%get3A_1034, %get3A_1035] {strides = array<i32>} : memref<400x64xf32, #tpu.memory_space<vmem>>, vector<1x16xf32>,
        %get3A_1037 = vector.shape_cast %get3A_1036 : vector<1x16xf32> to vector<16xf32>
        %add3A_1038 = arith.addf %add3A_1014, %get3A_1037 : vector<16xf32>
        %scan3A_1039 = arith.constant 4 : i32
        %scan3A_1040 = arith.addi %scan3A_941, %scan3A_1039 : i32
        %add3A_1041 = arith.constant 100 : i32
        %add3A_1042 = arith.addi %add3A_1041, %scan3A_1040 : i32
        %get3A_1043 = arith.index_cast %add3A_1042 : i32 to index
        %get3A_1044 = arith.constant 0 : index
        %get3A_1045 = tpu.vector_load %arg7[%get3A_1043, %get3A_1044] {strides = array<i32>} : memref<400x64xf32, #tpu.memory_space<vmem>>, vector<1x16xf32>,
        %get3A_1046 = vector.shape_cast %get3A_1045 : vector<1x16xf32> to vector<16xf32>
        %add3A_1047 = arith.addf %add3A_1023, %get3A_1046 : vector<16xf32>
        %get3A_1048 = arith.index_cast %add3A_1042 : i32 to index
        %get3A_1049 = arith.constant 16 : index
        %get3A_1050 = tpu.vector_load %arg7[%get3A_1048, %get3A_1049] {strides = array<i32>} : memref<400x64xf32, #tpu.memory_space<vmem>>, vector<1x16xf32>,
        %get3A_1051 = vector.shape_cast %get3A_1050 : vector<1x16xf32> to vector<16xf32>
        %add3A_1052 = arith.addf %add3A_1028, %get3A_1051 : vector<16xf32>
        %get3A_1053 = arith.index_cast %add3A_1042 : i32 to index
        %get3A_1054 = arith.constant 32 : index
        %get3A_1055 = tpu.vector_load %arg7[%get3A_1053, %get3A_1054] {strides = array<i32>} : memref<400x64xf32, #tpu.memory_space<vmem>>, vector<1x16xf32>,
        %get3A_1056 = vector.shape_cast %get3A_1055 : vector<1x16xf32> to vector<16xf32>
        %add3A_1057 = arith.addf %add3A_1033, %get3A_1056 : vector<16xf32>
        %get3A_1058 = arith.index_cast %add3A_1042 : i32 to index
        %get3A_1059 = arith.constant 48 : index
        %get3A_1060 = tpu.vector_load %arg7[%get3A_1058, %get3A_1059] {strides = array<i32>} : memref<400x64xf32, #tpu.memory_space<vmem>>, vector<1x16xf32>,
        %get3A_1061 = vector.shape_cast %get3A_1060 : vector<1x16xf32> to vector<16xf32>
        %add3A_1062 = arith.addf %add3A_1038, %get3A_1061 : vector<16xf32>
        scf.yield %add3A_1047, %add3A_1052, %add3A_1057, %add3A_1062 : vector<16xf32>, vector<16xf32>, vector<16xf32>, vector<16xf32>
      }
      %scan3A_654 = arith.constant 50 : i32
      %mul3A_655 = arith.constant 8 : i32
      %mul3A_656 = arith.muli %add3A_494, %mul3A_655 : i32
      %add3A_657 = arith.constant 2 : i32
      %add3A_658 = arith.addi %mul3A_656, %add3A_657 : i32
      %swap3A_659 = arith.index_cast %add3A_658 : i32 to index
      %swap3A_660 = arith.constant 0 : index
      %swap3A_661 = tpu.vector_load %arg8[%swap3A_659, %swap3A_660] {strides = array<i32>} : memref<512x64xf32, #tpu.memory_space<vmem>>, vector<1x16xf32>,
      %swap3A_662 = vector.shape_cast %swap3A_661 : vector<1x16xf32> to vector<16xf32>
      %swap3A_663 = vector.shape_cast %scan3A_653#0 : vector<16xf32> to vector<1x16xf32>
      tpu.vector_store %arg8[%swap3A_659, %swap3A_660], %swap3A_663 {strides = array<i32>} : memref<512x64xf32, #tpu.memory_space<vmem>>, vector<1x16xf32>,
      %mul3A_664 = arith.constant 8 : i32
      %mul3A_665 = arith.muli %add3A_494, %mul3A_664 : i32
      %add3A_666 = arith.constant 2 : i32
      %add3A_667 = arith.addi %mul3A_665, %add3A_666 : i32
      %swap3A_668 = arith.index_cast %add3A_667 : i32 to index
      %swap3A_669 = arith.constant 16 : index
      %swap3A_670 = tpu.vector_load %arg8[%swap3A_668, %swap3A_669] {strides = array<i32>} : memref<512x64xf32, #tpu.memory_space<vmem>>, vector<1x16xf32>,
      %swap3A_671 = vector.shape_cast %swap3A_670 : vector<1x16xf32> to vector<16xf32>
      %swap3A_672 = vector.shape_cast %scan3A_653#1 : vector<16xf32> to vector<1x16xf32>
      tpu.vector_store %arg8[%swap3A_668, %swap3A_669], %swap3A_672 {strides = array<i32>} : memref<512x64xf32, #tpu.memory_space<vmem>>, vector<1x16xf32>,
      %mul3A_673 = arith.constant 8 : i32
      %mul3A_674 = arith.muli %add3A_494, %mul3A_673 : i32
      %add3A_675 = arith.constant 2 : i32
      %add3A_676 = arith.addi %mul3A_674, %add3A_675 : i32
      %swap3A_677 = arith.index_cast %add3A_676 : i32 to index
      %swap3A_678 = arith.constant 32 : index
      %swap3A_679 = tpu.vector_load %arg8[%swap3A_677, %swap3A_678] {strides = array<i32>} : memref<512x64xf32, #tpu.memory_space<vmem>>, vector<1x16xf32>,
      %swap3A_680 = vector.shape_cast %swap3A_679 : vector<1x16xf32> to vector<16xf32>
      %swap3A_681 = vector.shape_cast %scan3A_653#2 : vector<16xf32> to vector<1x16xf32>
      tpu.vector_store %arg8[%swap3A_677, %swap3A_678], %swap3A_681 {strides = array<i32>} : memref<512x64xf32, #tpu.memory_space<vmem>>, vector<1x16xf32>,
      %mul3A_682 = arith.constant 8 : i32
      %mul3A_683 = arith.muli %add3A_494, %mul3A_682 : i32
      %add3A_684 = arith.constant 2 : i32
      %add3A_685 = arith.addi %mul3A_683, %add3A_684 : i32
      %swap3A_686 = arith.index_cast %add3A_685 : i32 to index
      %swap3A_687 = arith.constant 48 : index
      %swap3A_688 = tpu.vector_load %arg8[%swap3A_686, %swap3A_687] {strides = array<i32>} : memref<512x64xf32, #tpu.memory_space<vmem>>, vector<1x16xf32>,
      %swap3A_689 = vector.shape_cast %swap3A_688 : vector<1x16xf32> to vector<16xf32>
      %swap3A_690 = vector.shape_cast %scan3A_653#3 : vector<16xf32> to vector<1x16xf32>
      tpu.vector_store %arg8[%swap3A_686, %swap3A_687], %swap3A_690 {strides = array<i32>} : memref<512x64xf32, #tpu.memory_space<vmem>>, vector<1x16xf32>,
      %broadcast_in_dim3A_691 = arith.constant 0.000000e+00 : f32
      %broadcast_in_dim3A_692 = vector.broadcast %broadcast_in_dim3A_691 : f32 to vector<16xf32>
      %broadcast_in_dim3A_693 = arith.constant 0.000000e+00 : f32
      %broadcast_in_dim3A_694 = vector.broadcast %broadcast_in_dim3A_693 : f32 to vector<16xf32>
      %broadcast_in_dim3A_695 = arith.constant 0.000000e+00 : f32
      %broadcast_in_dim3A_696 = vector.broadcast %broadcast_in_dim3A_695 : f32 to vector<16xf32>
      %broadcast_in_dim3A_697 = arith.constant 0.000000e+00 : f32
      %broadcast_in_dim3A_698 = vector.broadcast %broadcast_in_dim3A_697 : f32 to vector<16xf32>
      %scan3A_699 = arith.constant 0 : i32
      %scan3A_700 = arith.constant 50 : i32
      %scan3A_701 = arith.addi %scan3A_699, %scan3A_700 : i32
      %scan3A_702 = arith.constant 5 : i32
      %scan3A_703:4 = scf.for %scan3A_941 = %scan3A_699 to %scan3A_701 step %scan3A_702 iter_args(%scan3A_942 = %broadcast_in_dim3A_692, %scan3A_943 = %broadcast_in_dim3A_694, %scan3A_944 = %broadcast_in_dim3A_696, %scan3A_945 = %broadcast_in_dim3A_698) -> (vector<16xf32>, vector<16xf32>, vector<16xf32>, vector<16xf32>)  : i32 {
        %add3A_946 = arith.constant 150 : i32
        %add3A_947 = arith.addi %add3A_946, %scan3A_941 : i32
        %get3A = arith.index_cast %add3A_947 : i32 to index
        %get3A_948 = arith.constant 0 : index
        %get3A_949 = tpu.vector_load %arg7[%get3A, %get3A_948] {strides = array<i32>} : memref<400x64xf32, #tpu.memory_space<vmem>>, vector<1x16xf32>,
        %get3A_950 = vector.shape_cast %get3A_949 : vector<1x16xf32> to vector<16xf32>
        %add3A_951 = arith.addf %scan3A_942, %get3A_950 : vector<16xf32>
        %get3A_952 = arith.index_cast %add3A_947 : i32 to index
        %get3A_953 = arith.constant 16 : index
        %get3A_954 = tpu.vector_load %arg7[%get3A_952, %get3A_953] {strides = array<i32>} : memref<400x64xf32, #tpu.memory_space<vmem>>, vector<1x16xf32>,
        %get3A_955 = vector.shape_cast %get3A_954 : vector<1x16xf32> to vector<16xf32>
        %add3A_956 = arith.addf %scan3A_943, %get3A_955 : vector<16xf32>
        %get3A_957 = arith.index_cast %add3A_947 : i32 to index
        %get3A_958 = arith.constant 32 : index
        %get3A_959 = tpu.vector_load %arg7[%get3A_957, %get3A_958] {strides = array<i32>} : memref<400x64xf32, #tpu.memory_space<vmem>>, vector<1x16xf32>,
        %get3A_960 = vector.shape_cast %get3A_959 : vector<1x16xf32> to vector<16xf32>
        %add3A_961 = arith.addf %scan3A_944, %get3A_960 : vector<16xf32>
        %get3A_962 = arith.index_cast %add3A_947 : i32 to index
        %get3A_963 = arith.constant 48 : index
        %get3A_964 = tpu.vector_load %arg7[%get3A_962, %get3A_963] {strides = array<i32>} : memref<400x64xf32, #tpu.memory_space<vmem>>, vector<1x16xf32>,
        %get3A_965 = vector.shape_cast %get3A_964 : vector<1x16xf32> to vector<16xf32>
        %add3A_966 = arith.addf %scan3A_945, %get3A_965 : vector<16xf32>
        %scan3A_967 = arith.constant 1 : i32
        %scan3A_968 = arith.addi %scan3A_941, %scan3A_967 : i32
        %add3A_969 = arith.constant 150 : i32
        %add3A_970 = arith.addi %add3A_969, %scan3A_968 : i32
        %get3A_971 = arith.index_cast %add3A_970 : i32 to index
        %get3A_972 = arith.constant 0 : index
        %get3A_973 = tpu.vector_load %arg7[%get3A_971, %get3A_972] {strides = array<i32>} : memref<400x64xf32, #tpu.memory_space<vmem>>, vector<1x16xf32>,
        %get3A_974 = vector.shape_cast %get3A_973 : vector<1x16xf32> to vector<16xf32>
        %add3A_975 = arith.addf %add3A_951, %get3A_974 : vector<16xf32>
        %get3A_976 = arith.index_cast %add3A_970 : i32 to index
        %get3A_977 = arith.constant 16 : index
        %get3A_978 = tpu.vector_load %arg7[%get3A_976, %get3A_977] {strides = array<i32>} : memref<400x64xf32, #tpu.memory_space<vmem>>, vector<1x16xf32>,
        %get3A_979 = vector.shape_cast %get3A_978 : vector<1x16xf32> to vector<16xf32>
        %add3A_980 = arith.addf %add3A_956, %get3A_979 : vector<16xf32>
        %get3A_981 = arith.index_cast %add3A_970 : i32 to index
        %get3A_982 = arith.constant 32 : index
        %get3A_983 = tpu.vector_load %arg7[%get3A_981, %get3A_982] {strides = array<i32>} : memref<400x64xf32, #tpu.memory_space<vmem>>, vector<1x16xf32>,
        %get3A_984 = vector.shape_cast %get3A_983 : vector<1x16xf32> to vector<16xf32>
        %add3A_985 = arith.addf %add3A_961, %get3A_984 : vector<16xf32>
        %get3A_986 = arith.index_cast %add3A_970 : i32 to index
        %get3A_987 = arith.constant 48 : index
        %get3A_988 = tpu.vector_load %arg7[%get3A_986, %get3A_987] {strides = array<i32>} : memref<400x64xf32, #tpu.memory_space<vmem>>, vector<1x16xf32>,
        %get3A_989 = vector.shape_cast %get3A_988 : vector<1x16xf32> to vector<16xf32>
        %add3A_990 = arith.addf %add3A_966, %get3A_989 : vector<16xf32>
        %scan3A_991 = arith.constant 2 : i32
        %scan3A_992 = arith.addi %scan3A_941, %scan3A_991 : i32
        %add3A_993 = arith.constant 150 : i32
        %add3A_994 = arith.addi %add3A_993, %scan3A_992 : i32
        %get3A_995 = arith.index_cast %add3A_994 : i32 to index
        %get3A_996 = arith.constant 0 : index
        %get3A_997 = tpu.vector_load %arg7[%get3A_995, %get3A_996] {strides = array<i32>} : memref<400x64xf32, #tpu.memory_space<vmem>>, vector<1x16xf32>,
        %get3A_998 = vector.shape_cast %get3A_997 : vector<1x16xf32> to vector<16xf32>
        %add3A_999 = arith.addf %add3A_975, %get3A_998 : vector<16xf32>
        %get3A_1000 = arith.index_cast %add3A_994 : i32 to index
        %get3A_1001 = arith.constant 16 : index
        %get3A_1002 = tpu.vector_load %arg7[%get3A_1000, %get3A_1001] {strides = array<i32>} : memref<400x64xf32, #tpu.memory_space<vmem>>, vector<1x16xf32>,
        %get3A_1003 = vector.shape_cast %get3A_1002 : vector<1x16xf32> to vector<16xf32>
        %add3A_1004 = arith.addf %add3A_980, %get3A_1003 : vector<16xf32>
        %get3A_1005 = arith.index_cast %add3A_994 : i32 to index
        %get3A_1006 = arith.constant 32 : index
        %get3A_1007 = tpu.vector_load %arg7[%get3A_1005, %get3A_1006] {strides = array<i32>} : memref<400x64xf32, #tpu.memory_space<vmem>>, vector<1x16xf32>,
        %get3A_1008 = vector.shape_cast %get3A_1007 : vector<1x16xf32> to vector<16xf32>
        %add3A_1009 = arith.addf %add3A_985, %get3A_1008 : vector<16xf32>
        %get3A_1010 = arith.index_cast %add3A_994 : i32 to index
        %get3A_1011 = arith.constant 48 : index
        %get3A_1012 = tpu.vector_load %arg7[%get3A_1010, %get3A_1011] {strides = array<i32>} : memref<400x64xf32, #tpu.memory_space<vmem>>, vector<1x16xf32>,
        %get3A_1013 = vector.shape_cast %get3A_1012 : vector<1x16xf32> to vector<16xf32>
        %add3A_1014 = arith.addf %add3A_990, %get3A_1013 : vector<16xf32>
        %scan3A_1015 = arith.constant 3 : i32
        %scan3A_1016 = arith.addi %scan3A_941, %scan3A_1015 : i32
        %add3A_1017 = arith.constant 150 : i32
        %add3A_1018 = arith.addi %add3A_1017, %scan3A_1016 : i32
        %get3A_1019 = arith.index_cast %add3A_1018 : i32 to index
        %get3A_1020 = arith.constant 0 : index
        %get3A_1021 = tpu.vector_load %arg7[%get3A_1019, %get3A_1020] {strides = array<i32>} : memref<400x64xf32, #tpu.memory_space<vmem>>, vector<1x16xf32>,
        %get3A_1022 = vector.shape_cast %get3A_1021 : vector<1x16xf32> to vector<16xf32>
        %add3A_1023 = arith.addf %add3A_999, %get3A_1022 : vector<16xf32>
        %get3A_1024 = arith.index_cast %add3A_1018 : i32 to index
        %get3A_1025 = arith.constant 16 : index
        %get3A_1026 = tpu.vector_load %arg7[%get3A_1024, %get3A_1025] {strides = array<i32>} : memref<400x64xf32, #tpu.memory_space<vmem>>, vector<1x16xf32>,
        %get3A_1027 = vector.shape_cast %get3A_1026 : vector<1x16xf32> to vector<16xf32>
        %add3A_1028 = arith.addf %add3A_1004, %get3A_1027 : vector<16xf32>
        %get3A_1029 = arith.index_cast %add3A_1018 : i32 to index
        %get3A_1030 = arith.constant 32 : index
        %get3A_1031 = tpu.vector_load %arg7[%get3A_1029, %get3A_1030] {strides = array<i32>} : memref<400x64xf32, #tpu.memory_space<vmem>>, vector<1x16xf32>,
        %get3A_1032 = vector.shape_cast %get3A_1031 : vector<1x16xf32> to vector<16xf32>
        %add3A_1033 = arith.addf %add3A_1009, %get3A_1032 : vector<16xf32>
        %get3A_1034 = arith.index_cast %add3A_1018 : i32 to index
        %get3A_1035 = arith.constant 48 : index
        %get3A_1036 = tpu.vector_load %arg7[%get3A_1034, %get3A_1035] {strides = array<i32>} : memref<400x64xf32, #tpu.memory_space<vmem>>, vector<1x16xf32>,
        %get3A_1037 = vector.shape_cast %get3A_1036 : vector<1x16xf32> to vector<16xf32>
        %add3A_1038 = arith.addf %add3A_1014, %get3A_1037 : vector<16xf32>
        %scan3A_1039 = arith.constant 4 : i32
        %scan3A_1040 = arith.addi %scan3A_941, %scan3A_1039 : i32
        %add3A_1041 = arith.constant 150 : i32
        %add3A_1042 = arith.addi %add3A_1041, %scan3A_1040 : i32
        %get3A_1043 = arith.index_cast %add3A_1042 : i32 to index
        %get3A_1044 = arith.constant 0 : index
        %get3A_1045 = tpu.vector_load %arg7[%get3A_1043, %get3A_1044] {strides = array<i32>} : memref<400x64xf32, #tpu.memory_space<vmem>>, vector<1x16xf32>,
        %get3A_1046 = vector.shape_cast %get3A_1045 : vector<1x16xf32> to vector<16xf32>
        %add3A_1047 = arith.addf %add3A_1023, %get3A_1046 : vector<16xf32>
        %get3A_1048 = arith.index_cast %add3A_1042 : i32 to index
        %get3A_1049 = arith.constant 16 : index
        %get3A_1050 = tpu.vector_load %arg7[%get3A_1048, %get3A_1049] {strides = array<i32>} : memref<400x64xf32, #tpu.memory_space<vmem>>, vector<1x16xf32>,
        %get3A_1051 = vector.shape_cast %get3A_1050 : vector<1x16xf32> to vector<16xf32>
        %add3A_1052 = arith.addf %add3A_1028, %get3A_1051 : vector<16xf32>
        %get3A_1053 = arith.index_cast %add3A_1042 : i32 to index
        %get3A_1054 = arith.constant 32 : index
        %get3A_1055 = tpu.vector_load %arg7[%get3A_1053, %get3A_1054] {strides = array<i32>} : memref<400x64xf32, #tpu.memory_space<vmem>>, vector<1x16xf32>,
        %get3A_1056 = vector.shape_cast %get3A_1055 : vector<1x16xf32> to vector<16xf32>
        %add3A_1057 = arith.addf %add3A_1033, %get3A_1056 : vector<16xf32>
        %get3A_1058 = arith.index_cast %add3A_1042 : i32 to index
        %get3A_1059 = arith.constant 48 : index
        %get3A_1060 = tpu.vector_load %arg7[%get3A_1058, %get3A_1059] {strides = array<i32>} : memref<400x64xf32, #tpu.memory_space<vmem>>, vector<1x16xf32>,
        %get3A_1061 = vector.shape_cast %get3A_1060 : vector<1x16xf32> to vector<16xf32>
        %add3A_1062 = arith.addf %add3A_1038, %get3A_1061 : vector<16xf32>
        scf.yield %add3A_1047, %add3A_1052, %add3A_1057, %add3A_1062 : vector<16xf32>, vector<16xf32>, vector<16xf32>, vector<16xf32>
      }
      %scan3A_704 = arith.constant 50 : i32
      %mul3A_705 = arith.constant 8 : i32
      %mul3A_706 = arith.muli %add3A_494, %mul3A_705 : i32
      %add3A_707 = arith.constant 3 : i32
      %add3A_708 = arith.addi %mul3A_706, %add3A_707 : i32
      %swap3A_709 = arith.index_cast %add3A_708 : i32 to index
      %swap3A_710 = arith.constant 0 : index
      %swap3A_711 = tpu.vector_load %arg8[%swap3A_709, %swap3A_710] {strides = array<i32>} : memref<512x64xf32, #tpu.memory_space<vmem>>, vector<1x16xf32>,
      %swap3A_712 = vector.shape_cast %swap3A_711 : vector<1x16xf32> to vector<16xf32>
      %swap3A_713 = vector.shape_cast %scan3A_703#0 : vector<16xf32> to vector<1x16xf32>
      tpu.vector_store %arg8[%swap3A_709, %swap3A_710], %swap3A_713 {strides = array<i32>} : memref<512x64xf32, #tpu.memory_space<vmem>>, vector<1x16xf32>,
      %mul3A_714 = arith.constant 8 : i32
      %mul3A_715 = arith.muli %add3A_494, %mul3A_714 : i32
      %add3A_716 = arith.constant 3 : i32
      %add3A_717 = arith.addi %mul3A_715, %add3A_716 : i32
      %swap3A_718 = arith.index_cast %add3A_717 : i32 to index
      %swap3A_719 = arith.constant 16 : index
      %swap3A_720 = tpu.vector_load %arg8[%swap3A_718, %swap3A_719] {strides = array<i32>} : memref<512x64xf32, #tpu.memory_space<vmem>>, vector<1x16xf32>,
      %swap3A_721 = vector.shape_cast %swap3A_720 : vector<1x16xf32> to vector<16xf32>
      %swap3A_722 = vector.shape_cast %scan3A_703#1 : vector<16xf32> to vector<1x16xf32>
      tpu.vector_store %arg8[%swap3A_718, %swap3A_719], %swap3A_722 {strides = array<i32>} : memref<512x64xf32, #tpu.memory_space<vmem>>, vector<1x16xf32>,
      %mul3A_723 = arith.constant 8 : i32
      %mul3A_724 = arith.muli %add3A_494, %mul3A_723 : i32
      %add3A_725 = arith.constant 3 : i32
      %add3A_726 = arith.addi %mul3A_724, %add3A_725 : i32
      %swap3A_727 = arith.index_cast %add3A_726 : i32 to index
      %swap3A_728 = arith.constant 32 : index
      %swap3A_729 = tpu.vector_load %arg8[%swap3A_727, %swap3A_728] {strides = array<i32>} : memref<512x64xf32, #tpu.memory_space<vmem>>, vector<1x16xf32>,
      %swap3A_730 = vector.shape_cast %swap3A_729 : vector<1x16xf32> to vector<16xf32>
      %swap3A_731 = vector.shape_cast %scan3A_703#2 : vector<16xf32> to vector<1x16xf32>
      tpu.vector_store %arg8[%swap3A_727, %swap3A_728], %swap3A_731 {strides = array<i32>} : memref<512x64xf32, #tpu.memory_space<vmem>>, vector<1x16xf32>,
      %mul3A_732 = arith.constant 8 : i32
      %mul3A_733 = arith.muli %add3A_494, %mul3A_732 : i32
      %add3A_734 = arith.constant 3 : i32
      %add3A_735 = arith.addi %mul3A_733, %add3A_734 : i32
      %swap3A_736 = arith.index_cast %add3A_735 : i32 to index
      %swap3A_737 = arith.constant 48 : index
      %swap3A_738 = tpu.vector_load %arg8[%swap3A_736, %swap3A_737] {strides = array<i32>} : memref<512x64xf32, #tpu.memory_space<vmem>>, vector<1x16xf32>,
      %swap3A_739 = vector.shape_cast %swap3A_738 : vector<1x16xf32> to vector<16xf32>
      %swap3A_740 = vector.shape_cast %scan3A_703#3 : vector<16xf32> to vector<1x16xf32>
      tpu.vector_store %arg8[%swap3A_736, %swap3A_737], %swap3A_740 {strides = array<i32>} : memref<512x64xf32, #tpu.memory_space<vmem>>, vector<1x16xf32>,
      %broadcast_in_dim3A_741 = arith.constant 0.000000e+00 : f32
      %broadcast_in_dim3A_742 = vector.broadcast %broadcast_in_dim3A_741 : f32 to vector<16xf32>
      %broadcast_in_dim3A_743 = arith.constant 0.000000e+00 : f32
      %broadcast_in_dim3A_744 = vector.broadcast %broadcast_in_dim3A_743 : f32 to vector<16xf32>
      %broadcast_in_dim3A_745 = arith.constant 0.000000e+00 : f32
      %broadcast_in_dim3A_746 = vector.broadcast %broadcast_in_dim3A_745 : f32 to vector<16xf32>
      %broadcast_in_dim3A_747 = arith.constant 0.000000e+00 : f32
      %broadcast_in_dim3A_748 = vector.broadcast %broadcast_in_dim3A_747 : f32 to vector<16xf32>
      %scan3A_749 = arith.constant 0 : i32
      %scan3A_750 = arith.constant 50 : i32
      %scan3A_751 = arith.addi %scan3A_749, %scan3A_750 : i32
      %scan3A_752 = arith.constant 5 : i32
      %scan3A_753:4 = scf.for %scan3A_941 = %scan3A_749 to %scan3A_751 step %scan3A_752 iter_args(%scan3A_942 = %broadcast_in_dim3A_742, %scan3A_943 = %broadcast_in_dim3A_744, %scan3A_944 = %broadcast_in_dim3A_746, %scan3A_945 = %broadcast_in_dim3A_748) -> (vector<16xf32>, vector<16xf32>, vector<16xf32>, vector<16xf32>)  : i32 {
        %add3A_946 = arith.constant 200 : i32
        %add3A_947 = arith.addi %add3A_946, %scan3A_941 : i32
        %get3A = arith.index_cast %add3A_947 : i32 to index
        %get3A_948 = arith.constant 0 : index
        %get3A_949 = tpu.vector_load %arg7[%get3A, %get3A_948] {strides = array<i32>} : memref<400x64xf32, #tpu.memory_space<vmem>>, vector<1x16xf32>,
        %get3A_950 = vector.shape_cast %get3A_949 : vector<1x16xf32> to vector<16xf32>
        %add3A_951 = arith.addf %scan3A_942, %get3A_950 : vector<16xf32>
        %get3A_952 = arith.index_cast %add3A_947 : i32 to index
        %get3A_953 = arith.constant 16 : index
        %get3A_954 = tpu.vector_load %arg7[%get3A_952, %get3A_953] {strides = array<i32>} : memref<400x64xf32, #tpu.memory_space<vmem>>, vector<1x16xf32>,
        %get3A_955 = vector.shape_cast %get3A_954 : vector<1x16xf32> to vector<16xf32>
        %add3A_956 = arith.addf %scan3A_943, %get3A_955 : vector<16xf32>
        %get3A_957 = arith.index_cast %add3A_947 : i32 to index
        %get3A_958 = arith.constant 32 : index
        %get3A_959 = tpu.vector_load %arg7[%get3A_957, %get3A_958] {strides = array<i32>} : memref<400x64xf32, #tpu.memory_space<vmem>>, vector<1x16xf32>,
        %get3A_960 = vector.shape_cast %get3A_959 : vector<1x16xf32> to vector<16xf32>
        %add3A_961 = arith.addf %scan3A_944, %get3A_960 : vector<16xf32>
        %get3A_962 = arith.index_cast %add3A_947 : i32 to index
        %get3A_963 = arith.constant 48 : index
        %get3A_964 = tpu.vector_load %arg7[%get3A_962, %get3A_963] {strides = array<i32>} : memref<400x64xf32, #tpu.memory_space<vmem>>, vector<1x16xf32>,
        %get3A_965 = vector.shape_cast %get3A_964 : vector<1x16xf32> to vector<16xf32>
        %add3A_966 = arith.addf %scan3A_945, %get3A_965 : vector<16xf32>
        %scan3A_967 = arith.constant 1 : i32
        %scan3A_968 = arith.addi %scan3A_941, %scan3A_967 : i32
        %add3A_969 = arith.constant 200 : i32
        %add3A_970 = arith.addi %add3A_969, %scan3A_968 : i32
        %get3A_971 = arith.index_cast %add3A_970 : i32 to index
        %get3A_972 = arith.constant 0 : index
        %get3A_973 = tpu.vector_load %arg7[%get3A_971, %get3A_972] {strides = array<i32>} : memref<400x64xf32, #tpu.memory_space<vmem>>, vector<1x16xf32>,
        %get3A_974 = vector.shape_cast %get3A_973 : vector<1x16xf32> to vector<16xf32>
        %add3A_975 = arith.addf %add3A_951, %get3A_974 : vector<16xf32>
        %get3A_976 = arith.index_cast %add3A_970 : i32 to index
        %get3A_977 = arith.constant 16 : index
        %get3A_978 = tpu.vector_load %arg7[%get3A_976, %get3A_977] {strides = array<i32>} : memref<400x64xf32, #tpu.memory_space<vmem>>, vector<1x16xf32>,
        %get3A_979 = vector.shape_cast %get3A_978 : vector<1x16xf32> to vector<16xf32>
        %add3A_980 = arith.addf %add3A_956, %get3A_979 : vector<16xf32>
        %get3A_981 = arith.index_cast %add3A_970 : i32 to index
        %get3A_982 = arith.constant 32 : index
        %get3A_983 = tpu.vector_load %arg7[%get3A_981, %get3A_982] {strides = array<i32>} : memref<400x64xf32, #tpu.memory_space<vmem>>, vector<1x16xf32>,
        %get3A_984 = vector.shape_cast %get3A_983 : vector<1x16xf32> to vector<16xf32>
        %add3A_985 = arith.addf %add3A_961, %get3A_984 : vector<16xf32>
        %get3A_986 = arith.index_cast %add3A_970 : i32 to index
        %get3A_987 = arith.constant 48 : index
        %get3A_988 = tpu.vector_load %arg7[%get3A_986, %get3A_987] {strides = array<i32>} : memref<400x64xf32, #tpu.memory_space<vmem>>, vector<1x16xf32>,
        %get3A_989 = vector.shape_cast %get3A_988 : vector<1x16xf32> to vector<16xf32>
        %add3A_990 = arith.addf %add3A_966, %get3A_989 : vector<16xf32>
        %scan3A_991 = arith.constant 2 : i32
        %scan3A_992 = arith.addi %scan3A_941, %scan3A_991 : i32
        %add3A_993 = arith.constant 200 : i32
        %add3A_994 = arith.addi %add3A_993, %scan3A_992 : i32
        %get3A_995 = arith.index_cast %add3A_994 : i32 to index
        %get3A_996 = arith.constant 0 : index
        %get3A_997 = tpu.vector_load %arg7[%get3A_995, %get3A_996] {strides = array<i32>} : memref<400x64xf32, #tpu.memory_space<vmem>>, vector<1x16xf32>,
        %get3A_998 = vector.shape_cast %get3A_997 : vector<1x16xf32> to vector<16xf32>
        %add3A_999 = arith.addf %add3A_975, %get3A_998 : vector<16xf32>
        %get3A_1000 = arith.index_cast %add3A_994 : i32 to index
        %get3A_1001 = arith.constant 16 : index
        %get3A_1002 = tpu.vector_load %arg7[%get3A_1000, %get3A_1001] {strides = array<i32>} : memref<400x64xf32, #tpu.memory_space<vmem>>, vector<1x16xf32>,
        %get3A_1003 = vector.shape_cast %get3A_1002 : vector<1x16xf32> to vector<16xf32>
        %add3A_1004 = arith.addf %add3A_980, %get3A_1003 : vector<16xf32>
        %get3A_1005 = arith.index_cast %add3A_994 : i32 to index
        %get3A_1006 = arith.constant 32 : index
        %get3A_1007 = tpu.vector_load %arg7[%get3A_1005, %get3A_1006] {strides = array<i32>} : memref<400x64xf32, #tpu.memory_space<vmem>>, vector<1x16xf32>,
        %get3A_1008 = vector.shape_cast %get3A_1007 : vector<1x16xf32> to vector<16xf32>
        %add3A_1009 = arith.addf %add3A_985, %get3A_1008 : vector<16xf32>
        %get3A_1010 = arith.index_cast %add3A_994 : i32 to index
        %get3A_1011 = arith.constant 48 : index
        %get3A_1012 = tpu.vector_load %arg7[%get3A_1010, %get3A_1011] {strides = array<i32>} : memref<400x64xf32, #tpu.memory_space<vmem>>, vector<1x16xf32>,
        %get3A_1013 = vector.shape_cast %get3A_1012 : vector<1x16xf32> to vector<16xf32>
        %add3A_1014 = arith.addf %add3A_990, %get3A_1013 : vector<16xf32>
        %scan3A_1015 = arith.constant 3 : i32
        %scan3A_1016 = arith.addi %scan3A_941, %scan3A_1015 : i32
        %add3A_1017 = arith.constant 200 : i32
        %add3A_1018 = arith.addi %add3A_1017, %scan3A_1016 : i32
        %get3A_1019 = arith.index_cast %add3A_1018 : i32 to index
        %get3A_1020 = arith.constant 0 : index
        %get3A_1021 = tpu.vector_load %arg7[%get3A_1019, %get3A_1020] {strides = array<i32>} : memref<400x64xf32, #tpu.memory_space<vmem>>, vector<1x16xf32>,
        %get3A_1022 = vector.shape_cast %get3A_1021 : vector<1x16xf32> to vector<16xf32>
        %add3A_1023 = arith.addf %add3A_999, %get3A_1022 : vector<16xf32>
        %get3A_1024 = arith.index_cast %add3A_1018 : i32 to index
        %get3A_1025 = arith.constant 16 : index
        %get3A_1026 = tpu.vector_load %arg7[%get3A_1024, %get3A_1025] {strides = array<i32>} : memref<400x64xf32, #tpu.memory_space<vmem>>, vector<1x16xf32>,
        %get3A_1027 = vector.shape_cast %get3A_1026 : vector<1x16xf32> to vector<16xf32>
        %add3A_1028 = arith.addf %add3A_1004, %get3A_1027 : vector<16xf32>
        %get3A_1029 = arith.index_cast %add3A_1018 : i32 to index
        %get3A_1030 = arith.constant 32 : index
        %get3A_1031 = tpu.vector_load %arg7[%get3A_1029, %get3A_1030] {strides = array<i32>} : memref<400x64xf32, #tpu.memory_space<vmem>>, vector<1x16xf32>,
        %get3A_1032 = vector.shape_cast %get3A_1031 : vector<1x16xf32> to vector<16xf32>
        %add3A_1033 = arith.addf %add3A_1009, %get3A_1032 : vector<16xf32>
        %get3A_1034 = arith.index_cast %add3A_1018 : i32 to index
        %get3A_1035 = arith.constant 48 : index
        %get3A_1036 = tpu.vector_load %arg7[%get3A_1034, %get3A_1035] {strides = array<i32>} : memref<400x64xf32, #tpu.memory_space<vmem>>, vector<1x16xf32>,
        %get3A_1037 = vector.shape_cast %get3A_1036 : vector<1x16xf32> to vector<16xf32>
        %add3A_1038 = arith.addf %add3A_1014, %get3A_1037 : vector<16xf32>
        %scan3A_1039 = arith.constant 4 : i32
        %scan3A_1040 = arith.addi %scan3A_941, %scan3A_1039 : i32
        %add3A_1041 = arith.constant 200 : i32
        %add3A_1042 = arith.addi %add3A_1041, %scan3A_1040 : i32
        %get3A_1043 = arith.index_cast %add3A_1042 : i32 to index
        %get3A_1044 = arith.constant 0 : index
        %get3A_1045 = tpu.vector_load %arg7[%get3A_1043, %get3A_1044] {strides = array<i32>} : memref<400x64xf32, #tpu.memory_space<vmem>>, vector<1x16xf32>,
        %get3A_1046 = vector.shape_cast %get3A_1045 : vector<1x16xf32> to vector<16xf32>
        %add3A_1047 = arith.addf %add3A_1023, %get3A_1046 : vector<16xf32>
        %get3A_1048 = arith.index_cast %add3A_1042 : i32 to index
        %get3A_1049 = arith.constant 16 : index
        %get3A_1050 = tpu.vector_load %arg7[%get3A_1048, %get3A_1049] {strides = array<i32>} : memref<400x64xf32, #tpu.memory_space<vmem>>, vector<1x16xf32>,
        %get3A_1051 = vector.shape_cast %get3A_1050 : vector<1x16xf32> to vector<16xf32>
        %add3A_1052 = arith.addf %add3A_1028, %get3A_1051 : vector<16xf32>
        %get3A_1053 = arith.index_cast %add3A_1042 : i32 to index
        %get3A_1054 = arith.constant 32 : index
        %get3A_1055 = tpu.vector_load %arg7[%get3A_1053, %get3A_1054] {strides = array<i32>} : memref<400x64xf32, #tpu.memory_space<vmem>>, vector<1x16xf32>,
        %get3A_1056 = vector.shape_cast %get3A_1055 : vector<1x16xf32> to vector<16xf32>
        %add3A_1057 = arith.addf %add3A_1033, %get3A_1056 : vector<16xf32>
        %get3A_1058 = arith.index_cast %add3A_1042 : i32 to index
        %get3A_1059 = arith.constant 48 : index
        %get3A_1060 = tpu.vector_load %arg7[%get3A_1058, %get3A_1059] {strides = array<i32>} : memref<400x64xf32, #tpu.memory_space<vmem>>, vector<1x16xf32>,
        %get3A_1061 = vector.shape_cast %get3A_1060 : vector<1x16xf32> to vector<16xf32>
        %add3A_1062 = arith.addf %add3A_1038, %get3A_1061 : vector<16xf32>
        scf.yield %add3A_1047, %add3A_1052, %add3A_1057, %add3A_1062 : vector<16xf32>, vector<16xf32>, vector<16xf32>, vector<16xf32>
      }
      %scan3A_754 = arith.constant 50 : i32
      %mul3A_755 = arith.constant 8 : i32
      %mul3A_756 = arith.muli %add3A_494, %mul3A_755 : i32
      %add3A_757 = arith.constant 4 : i32
      %add3A_758 = arith.addi %mul3A_756, %add3A_757 : i32
      %swap3A_759 = arith.index_cast %add3A_758 : i32 to index
      %swap3A_760 = arith.constant 0 : index
      %swap3A_761 = tpu.vector_load %arg8[%swap3A_759, %swap3A_760] {strides = array<i32>} : memref<512x64xf32, #tpu.memory_space<vmem>>, vector<1x16xf32>,
      %swap3A_762 = vector.shape_cast %swap3A_761 : vector<1x16xf32> to vector<16xf32>
      %swap3A_763 = vector.shape_cast %scan3A_753#0 : vector<16xf32> to vector<1x16xf32>
      tpu.vector_store %arg8[%swap3A_759, %swap3A_760], %swap3A_763 {strides = array<i32>} : memref<512x64xf32, #tpu.memory_space<vmem>>, vector<1x16xf32>,
      %mul3A_764 = arith.constant 8 : i32
      %mul3A_765 = arith.muli %add3A_494, %mul3A_764 : i32
      %add3A_766 = arith.constant 4 : i32
      %add3A_767 = arith.addi %mul3A_765, %add3A_766 : i32
      %swap3A_768 = arith.index_cast %add3A_767 : i32 to index
      %swap3A_769 = arith.constant 16 : index
      %swap3A_770 = tpu.vector_load %arg8[%swap3A_768, %swap3A_769] {strides = array<i32>} : memref<512x64xf32, #tpu.memory_space<vmem>>, vector<1x16xf32>,
      %swap3A_771 = vector.shape_cast %swap3A_770 : vector<1x16xf32> to vector<16xf32>
      %swap3A_772 = vector.shape_cast %scan3A_753#1 : vector<16xf32> to vector<1x16xf32>
      tpu.vector_store %arg8[%swap3A_768, %swap3A_769], %swap3A_772 {strides = array<i32>} : memref<512x64xf32, #tpu.memory_space<vmem>>, vector<1x16xf32>,
      %mul3A_773 = arith.constant 8 : i32
      %mul3A_774 = arith.muli %add3A_494, %mul3A_773 : i32
      %add3A_775 = arith.constant 4 : i32
      %add3A_776 = arith.addi %mul3A_774, %add3A_775 : i32
      %swap3A_777 = arith.index_cast %add3A_776 : i32 to index
      %swap3A_778 = arith.constant 32 : index
      %swap3A_779 = tpu.vector_load %arg8[%swap3A_777, %swap3A_778] {strides = array<i32>} : memref<512x64xf32, #tpu.memory_space<vmem>>, vector<1x16xf32>,
      %swap3A_780 = vector.shape_cast %swap3A_779 : vector<1x16xf32> to vector<16xf32>
      %swap3A_781 = vector.shape_cast %scan3A_753#2 : vector<16xf32> to vector<1x16xf32>
      tpu.vector_store %arg8[%swap3A_777, %swap3A_778], %swap3A_781 {strides = array<i32>} : memref<512x64xf32, #tpu.memory_space<vmem>>, vector<1x16xf32>,
      %mul3A_782 = arith.constant 8 : i32
      %mul3A_783 = arith.muli %add3A_494, %mul3A_782 : i32
      %add3A_784 = arith.constant 4 : i32
      %add3A_785 = arith.addi %mul3A_783, %add3A_784 : i32
      %swap3A_786 = arith.index_cast %add3A_785 : i32 to index
      %swap3A_787 = arith.constant 48 : index
      %swap3A_788 = tpu.vector_load %arg8[%swap3A_786, %swap3A_787] {strides = array<i32>} : memref<512x64xf32, #tpu.memory_space<vmem>>, vector<1x16xf32>,
      %swap3A_789 = vector.shape_cast %swap3A_788 : vector<1x16xf32> to vector<16xf32>
      %swap3A_790 = vector.shape_cast %scan3A_753#3 : vector<16xf32> to vector<1x16xf32>
      tpu.vector_store %arg8[%swap3A_786, %swap3A_787], %swap3A_790 {strides = array<i32>} : memref<512x64xf32, #tpu.memory_space<vmem>>, vector<1x16xf32>,
      %broadcast_in_dim3A_791 = arith.constant 0.000000e+00 : f32
      %broadcast_in_dim3A_792 = vector.broadcast %broadcast_in_dim3A_791 : f32 to vector<16xf32>
      %broadcast_in_dim3A_793 = arith.constant 0.000000e+00 : f32
      %broadcast_in_dim3A_794 = vector.broadcast %broadcast_in_dim3A_793 : f32 to vector<16xf32>
      %broadcast_in_dim3A_795 = arith.constant 0.000000e+00 : f32
      %broadcast_in_dim3A_796 = vector.broadcast %broadcast_in_dim3A_795 : f32 to vector<16xf32>
      %broadcast_in_dim3A_797 = arith.constant 0.000000e+00 : f32
      %broadcast_in_dim3A_798 = vector.broadcast %broadcast_in_dim3A_797 : f32 to vector<16xf32>
      %scan3A_799 = arith.constant 0 : i32
      %scan3A_800 = arith.constant 50 : i32
      %scan3A_801 = arith.addi %scan3A_799, %scan3A_800 : i32
      %scan3A_802 = arith.constant 5 : i32
      %scan3A_803:4 = scf.for %scan3A_941 = %scan3A_799 to %scan3A_801 step %scan3A_802 iter_args(%scan3A_942 = %broadcast_in_dim3A_792, %scan3A_943 = %broadcast_in_dim3A_794, %scan3A_944 = %broadcast_in_dim3A_796, %scan3A_945 = %broadcast_in_dim3A_798) -> (vector<16xf32>, vector<16xf32>, vector<16xf32>, vector<16xf32>)  : i32 {
        %add3A_946 = arith.constant 250 : i32
        %add3A_947 = arith.addi %add3A_946, %scan3A_941 : i32
        %get3A = arith.index_cast %add3A_947 : i32 to index
        %get3A_948 = arith.constant 0 : index
        %get3A_949 = tpu.vector_load %arg7[%get3A, %get3A_948] {strides = array<i32>} : memref<400x64xf32, #tpu.memory_space<vmem>>, vector<1x16xf32>,
        %get3A_950 = vector.shape_cast %get3A_949 : vector<1x16xf32> to vector<16xf32>
        %add3A_951 = arith.addf %scan3A_942, %get3A_950 : vector<16xf32>
        %get3A_952 = arith.index_cast %add3A_947 : i32 to index
        %get3A_953 = arith.constant 16 : index
        %get3A_954 = tpu.vector_load %arg7[%get3A_952, %get3A_953] {strides = array<i32>} : memref<400x64xf32, #tpu.memory_space<vmem>>, vector<1x16xf32>,
        %get3A_955 = vector.shape_cast %get3A_954 : vector<1x16xf32> to vector<16xf32>
        %add3A_956 = arith.addf %scan3A_943, %get3A_955 : vector<16xf32>
        %get3A_957 = arith.index_cast %add3A_947 : i32 to index
        %get3A_958 = arith.constant 32 : index
        %get3A_959 = tpu.vector_load %arg7[%get3A_957, %get3A_958] {strides = array<i32>} : memref<400x64xf32, #tpu.memory_space<vmem>>, vector<1x16xf32>,
        %get3A_960 = vector.shape_cast %get3A_959 : vector<1x16xf32> to vector<16xf32>
        %add3A_961 = arith.addf %scan3A_944, %get3A_960 : vector<16xf32>
        %get3A_962 = arith.index_cast %add3A_947 : i32 to index
        %get3A_963 = arith.constant 48 : index
        %get3A_964 = tpu.vector_load %arg7[%get3A_962, %get3A_963] {strides = array<i32>} : memref<400x64xf32, #tpu.memory_space<vmem>>, vector<1x16xf32>,
        %get3A_965 = vector.shape_cast %get3A_964 : vector<1x16xf32> to vector<16xf32>
        %add3A_966 = arith.addf %scan3A_945, %get3A_965 : vector<16xf32>
        %scan3A_967 = arith.constant 1 : i32
        %scan3A_968 = arith.addi %scan3A_941, %scan3A_967 : i32
        %add3A_969 = arith.constant 250 : i32
        %add3A_970 = arith.addi %add3A_969, %scan3A_968 : i32
        %get3A_971 = arith.index_cast %add3A_970 : i32 to index
        %get3A_972 = arith.constant 0 : index
        %get3A_973 = tpu.vector_load %arg7[%get3A_971, %get3A_972] {strides = array<i32>} : memref<400x64xf32, #tpu.memory_space<vmem>>, vector<1x16xf32>,
        %get3A_974 = vector.shape_cast %get3A_973 : vector<1x16xf32> to vector<16xf32>
        %add3A_975 = arith.addf %add3A_951, %get3A_974 : vector<16xf32>
        %get3A_976 = arith.index_cast %add3A_970 : i32 to index
        %get3A_977 = arith.constant 16 : index
        %get3A_978 = tpu.vector_load %arg7[%get3A_976, %get3A_977] {strides = array<i32>} : memref<400x64xf32, #tpu.memory_space<vmem>>, vector<1x16xf32>,
        %get3A_979 = vector.shape_cast %get3A_978 : vector<1x16xf32> to vector<16xf32>
        %add3A_980 = arith.addf %add3A_956, %get3A_979 : vector<16xf32>
        %get3A_981 = arith.index_cast %add3A_970 : i32 to index
        %get3A_982 = arith.constant 32 : index
        %get3A_983 = tpu.vector_load %arg7[%get3A_981, %get3A_982] {strides = array<i32>} : memref<400x64xf32, #tpu.memory_space<vmem>>, vector<1x16xf32>,
        %get3A_984 = vector.shape_cast %get3A_983 : vector<1x16xf32> to vector<16xf32>
        %add3A_985 = arith.addf %add3A_961, %get3A_984 : vector<16xf32>
        %get3A_986 = arith.index_cast %add3A_970 : i32 to index
        %get3A_987 = arith.constant 48 : index
        %get3A_988 = tpu.vector_load %arg7[%get3A_986, %get3A_987] {strides = array<i32>} : memref<400x64xf32, #tpu.memory_space<vmem>>, vector<1x16xf32>,
        %get3A_989 = vector.shape_cast %get3A_988 : vector<1x16xf32> to vector<16xf32>
        %add3A_990 = arith.addf %add3A_966, %get3A_989 : vector<16xf32>
        %scan3A_991 = arith.constant 2 : i32
        %scan3A_992 = arith.addi %scan3A_941, %scan3A_991 : i32
        %add3A_993 = arith.constant 250 : i32
        %add3A_994 = arith.addi %add3A_993, %scan3A_992 : i32
        %get3A_995 = arith.index_cast %add3A_994 : i32 to index
        %get3A_996 = arith.constant 0 : index
        %get3A_997 = tpu.vector_load %arg7[%get3A_995, %get3A_996] {strides = array<i32>} : memref<400x64xf32, #tpu.memory_space<vmem>>, vector<1x16xf32>,
        %get3A_998 = vector.shape_cast %get3A_997 : vector<1x16xf32> to vector<16xf32>
        %add3A_999 = arith.addf %add3A_975, %get3A_998 : vector<16xf32>
        %get3A_1000 = arith.index_cast %add3A_994 : i32 to index
        %get3A_1001 = arith.constant 16 : index
        %get3A_1002 = tpu.vector_load %arg7[%get3A_1000, %get3A_1001] {strides = array<i32>} : memref<400x64xf32, #tpu.memory_space<vmem>>, vector<1x16xf32>,
        %get3A_1003 = vector.shape_cast %get3A_1002 : vector<1x16xf32> to vector<16xf32>
        %add3A_1004 = arith.addf %add3A_980, %get3A_1003 : vector<16xf32>
        %get3A_1005 = arith.index_cast %add3A_994 : i32 to index
        %get3A_1006 = arith.constant 32 : index
        %get3A_1007 = tpu.vector_load %arg7[%get3A_1005, %get3A_1006] {strides = array<i32>} : memref<400x64xf32, #tpu.memory_space<vmem>>, vector<1x16xf32>,
        %get3A_1008 = vector.shape_cast %get3A_1007 : vector<1x16xf32> to vector<16xf32>
        %add3A_1009 = arith.addf %add3A_985, %get3A_1008 : vector<16xf32>
        %get3A_1010 = arith.index_cast %add3A_994 : i32 to index
        %get3A_1011 = arith.constant 48 : index
        %get3A_1012 = tpu.vector_load %arg7[%get3A_1010, %get3A_1011] {strides = array<i32>} : memref<400x64xf32, #tpu.memory_space<vmem>>, vector<1x16xf32>,
        %get3A_1013 = vector.shape_cast %get3A_1012 : vector<1x16xf32> to vector<16xf32>
        %add3A_1014 = arith.addf %add3A_990, %get3A_1013 : vector<16xf32>
        %scan3A_1015 = arith.constant 3 : i32
        %scan3A_1016 = arith.addi %scan3A_941, %scan3A_1015 : i32
        %add3A_1017 = arith.constant 250 : i32
        %add3A_1018 = arith.addi %add3A_1017, %scan3A_1016 : i32
        %get3A_1019 = arith.index_cast %add3A_1018 : i32 to index
        %get3A_1020 = arith.constant 0 : index
        %get3A_1021 = tpu.vector_load %arg7[%get3A_1019, %get3A_1020] {strides = array<i32>} : memref<400x64xf32, #tpu.memory_space<vmem>>, vector<1x16xf32>,
        %get3A_1022 = vector.shape_cast %get3A_1021 : vector<1x16xf32> to vector<16xf32>
        %add3A_1023 = arith.addf %add3A_999, %get3A_1022 : vector<16xf32>
        %get3A_1024 = arith.index_cast %add3A_1018 : i32 to index
        %get3A_1025 = arith.constant 16 : index
        %get3A_1026 = tpu.vector_load %arg7[%get3A_1024, %get3A_1025] {strides = array<i32>} : memref<400x64xf32, #tpu.memory_space<vmem>>, vector<1x16xf32>,
        %get3A_1027 = vector.shape_cast %get3A_1026 : vector<1x16xf32> to vector<16xf32>
        %add3A_1028 = arith.addf %add3A_1004, %get3A_1027 : vector<16xf32>
        %get3A_1029 = arith.index_cast %add3A_1018 : i32 to index
        %get3A_1030 = arith.constant 32 : index
        %get3A_1031 = tpu.vector_load %arg7[%get3A_1029, %get3A_1030] {strides = array<i32>} : memref<400x64xf32, #tpu.memory_space<vmem>>, vector<1x16xf32>,
        %get3A_1032 = vector.shape_cast %get3A_1031 : vector<1x16xf32> to vector<16xf32>
        %add3A_1033 = arith.addf %add3A_1009, %get3A_1032 : vector<16xf32>
        %get3A_1034 = arith.index_cast %add3A_1018 : i32 to index
        %get3A_1035 = arith.constant 48 : index
        %get3A_1036 = tpu.vector_load %arg7[%get3A_1034, %get3A_1035] {strides = array<i32>} : memref<400x64xf32, #tpu.memory_space<vmem>>, vector<1x16xf32>,
        %get3A_1037 = vector.shape_cast %get3A_1036 : vector<1x16xf32> to vector<16xf32>
        %add3A_1038 = arith.addf %add3A_1014, %get3A_1037 : vector<16xf32>
        %scan3A_1039 = arith.constant 4 : i32
        %scan3A_1040 = arith.addi %scan3A_941, %scan3A_1039 : i32
        %add3A_1041 = arith.constant 250 : i32
        %add3A_1042 = arith.addi %add3A_1041, %scan3A_1040 : i32
        %get3A_1043 = arith.index_cast %add3A_1042 : i32 to index
        %get3A_1044 = arith.constant 0 : index
        %get3A_1045 = tpu.vector_load %arg7[%get3A_1043, %get3A_1044] {strides = array<i32>} : memref<400x64xf32, #tpu.memory_space<vmem>>, vector<1x16xf32>,
        %get3A_1046 = vector.shape_cast %get3A_1045 : vector<1x16xf32> to vector<16xf32>
        %add3A_1047 = arith.addf %add3A_1023, %get3A_1046 : vector<16xf32>
        %get3A_1048 = arith.index_cast %add3A_1042 : i32 to index
        %get3A_1049 = arith.constant 16 : index
        %get3A_1050 = tpu.vector_load %arg7[%get3A_1048, %get3A_1049] {strides = array<i32>} : memref<400x64xf32, #tpu.memory_space<vmem>>, vector<1x16xf32>,
        %get3A_1051 = vector.shape_cast %get3A_1050 : vector<1x16xf32> to vector<16xf32>
        %add3A_1052 = arith.addf %add3A_1028, %get3A_1051 : vector<16xf32>
        %get3A_1053 = arith.index_cast %add3A_1042 : i32 to index
        %get3A_1054 = arith.constant 32 : index
        %get3A_1055 = tpu.vector_load %arg7[%get3A_1053, %get3A_1054] {strides = array<i32>} : memref<400x64xf32, #tpu.memory_space<vmem>>, vector<1x16xf32>,
        %get3A_1056 = vector.shape_cast %get3A_1055 : vector<1x16xf32> to vector<16xf32>
        %add3A_1057 = arith.addf %add3A_1033, %get3A_1056 : vector<16xf32>
        %get3A_1058 = arith.index_cast %add3A_1042 : i32 to index
        %get3A_1059 = arith.constant 48 : index
        %get3A_1060 = tpu.vector_load %arg7[%get3A_1058, %get3A_1059] {strides = array<i32>} : memref<400x64xf32, #tpu.memory_space<vmem>>, vector<1x16xf32>,
        %get3A_1061 = vector.shape_cast %get3A_1060 : vector<1x16xf32> to vector<16xf32>
        %add3A_1062 = arith.addf %add3A_1038, %get3A_1061 : vector<16xf32>
        scf.yield %add3A_1047, %add3A_1052, %add3A_1057, %add3A_1062 : vector<16xf32>, vector<16xf32>, vector<16xf32>, vector<16xf32>
      }
      %scan3A_804 = arith.constant 50 : i32
      %mul3A_805 = arith.constant 8 : i32
      %mul3A_806 = arith.muli %add3A_494, %mul3A_805 : i32
      %add3A_807 = arith.constant 5 : i32
      %add3A_808 = arith.addi %mul3A_806, %add3A_807 : i32
      %swap3A_809 = arith.index_cast %add3A_808 : i32 to index
      %swap3A_810 = arith.constant 0 : index
      %swap3A_811 = tpu.vector_load %arg8[%swap3A_809, %swap3A_810] {strides = array<i32>} : memref<512x64xf32, #tpu.memory_space<vmem>>, vector<1x16xf32>,
      %swap3A_812 = vector.shape_cast %swap3A_811 : vector<1x16xf32> to vector<16xf32>
      %swap3A_813 = vector.shape_cast %scan3A_803#0 : vector<16xf32> to vector<1x16xf32>
      tpu.vector_store %arg8[%swap3A_809, %swap3A_810], %swap3A_813 {strides = array<i32>} : memref<512x64xf32, #tpu.memory_space<vmem>>, vector<1x16xf32>,
      %mul3A_814 = arith.constant 8 : i32
      %mul3A_815 = arith.muli %add3A_494, %mul3A_814 : i32
      %add3A_816 = arith.constant 5 : i32
      %add3A_817 = arith.addi %mul3A_815, %add3A_816 : i32
      %swap3A_818 = arith.index_cast %add3A_817 : i32 to index
      %swap3A_819 = arith.constant 16 : index
      %swap3A_820 = tpu.vector_load %arg8[%swap3A_818, %swap3A_819] {strides = array<i32>} : memref<512x64xf32, #tpu.memory_space<vmem>>, vector<1x16xf32>,
      %swap3A_821 = vector.shape_cast %swap3A_820 : vector<1x16xf32> to vector<16xf32>
      %swap3A_822 = vector.shape_cast %scan3A_803#1 : vector<16xf32> to vector<1x16xf32>
      tpu.vector_store %arg8[%swap3A_818, %swap3A_819], %swap3A_822 {strides = array<i32>} : memref<512x64xf32, #tpu.memory_space<vmem>>, vector<1x16xf32>,
      %mul3A_823 = arith.constant 8 : i32
      %mul3A_824 = arith.muli %add3A_494, %mul3A_823 : i32
      %add3A_825 = arith.constant 5 : i32
      %add3A_826 = arith.addi %mul3A_824, %add3A_825 : i32
      %swap3A_827 = arith.index_cast %add3A_826 : i32 to index
      %swap3A_828 = arith.constant 32 : index
      %swap3A_829 = tpu.vector_load %arg8[%swap3A_827, %swap3A_828] {strides = array<i32>} : memref<512x64xf32, #tpu.memory_space<vmem>>, vector<1x16xf32>,
      %swap3A_830 = vector.shape_cast %swap3A_829 : vector<1x16xf32> to vector<16xf32>
      %swap3A_831 = vector.shape_cast %scan3A_803#2 : vector<16xf32> to vector<1x16xf32>
      tpu.vector_store %arg8[%swap3A_827, %swap3A_828], %swap3A_831 {strides = array<i32>} : memref<512x64xf32, #tpu.memory_space<vmem>>, vector<1x16xf32>,
      %mul3A_832 = arith.constant 8 : i32
      %mul3A_833 = arith.muli %add3A_494, %mul3A_832 : i32
      %add3A_834 = arith.constant 5 : i32
      %add3A_835 = arith.addi %mul3A_833, %add3A_834 : i32
      %swap3A_836 = arith.index_cast %add3A_835 : i32 to index
      %swap3A_837 = arith.constant 48 : index
      %swap3A_838 = tpu.vector_load %arg8[%swap3A_836, %swap3A_837] {strides = array<i32>} : memref<512x64xf32, #tpu.memory_space<vmem>>, vector<1x16xf32>,
      %swap3A_839 = vector.shape_cast %swap3A_838 : vector<1x16xf32> to vector<16xf32>
      %swap3A_840 = vector.shape_cast %scan3A_803#3 : vector<16xf32> to vector<1x16xf32>
      tpu.vector_store %arg8[%swap3A_836, %swap3A_837], %swap3A_840 {strides = array<i32>} : memref<512x64xf32, #tpu.memory_space<vmem>>, vector<1x16xf32>,
      %broadcast_in_dim3A_841 = arith.constant 0.000000e+00 : f32
      %broadcast_in_dim3A_842 = vector.broadcast %broadcast_in_dim3A_841 : f32 to vector<16xf32>
      %broadcast_in_dim3A_843 = arith.constant 0.000000e+00 : f32
      %broadcast_in_dim3A_844 = vector.broadcast %broadcast_in_dim3A_843 : f32 to vector<16xf32>
      %broadcast_in_dim3A_845 = arith.constant 0.000000e+00 : f32
      %broadcast_in_dim3A_846 = vector.broadcast %broadcast_in_dim3A_845 : f32 to vector<16xf32>
      %broadcast_in_dim3A_847 = arith.constant 0.000000e+00 : f32
      %broadcast_in_dim3A_848 = vector.broadcast %broadcast_in_dim3A_847 : f32 to vector<16xf32>
      %scan3A_849 = arith.constant 0 : i32
      %scan3A_850 = arith.constant 50 : i32
      %scan3A_851 = arith.addi %scan3A_849, %scan3A_850 : i32
      %scan3A_852 = arith.constant 5 : i32
      %scan3A_853:4 = scf.for %scan3A_941 = %scan3A_849 to %scan3A_851 step %scan3A_852 iter_args(%scan3A_942 = %broadcast_in_dim3A_842, %scan3A_943 = %broadcast_in_dim3A_844, %scan3A_944 = %broadcast_in_dim3A_846, %scan3A_945 = %broadcast_in_dim3A_848) -> (vector<16xf32>, vector<16xf32>, vector<16xf32>, vector<16xf32>)  : i32 {
        %add3A_946 = arith.constant 300 : i32
        %add3A_947 = arith.addi %add3A_946, %scan3A_941 : i32
        %get3A = arith.index_cast %add3A_947 : i32 to index
        %get3A_948 = arith.constant 0 : index
        %get3A_949 = tpu.vector_load %arg7[%get3A, %get3A_948] {strides = array<i32>} : memref<400x64xf32, #tpu.memory_space<vmem>>, vector<1x16xf32>,
        %get3A_950 = vector.shape_cast %get3A_949 : vector<1x16xf32> to vector<16xf32>
        %add3A_951 = arith.addf %scan3A_942, %get3A_950 : vector<16xf32>
        %get3A_952 = arith.index_cast %add3A_947 : i32 to index
        %get3A_953 = arith.constant 16 : index
        %get3A_954 = tpu.vector_load %arg7[%get3A_952, %get3A_953] {strides = array<i32>} : memref<400x64xf32, #tpu.memory_space<vmem>>, vector<1x16xf32>,
        %get3A_955 = vector.shape_cast %get3A_954 : vector<1x16xf32> to vector<16xf32>
        %add3A_956 = arith.addf %scan3A_943, %get3A_955 : vector<16xf32>
        %get3A_957 = arith.index_cast %add3A_947 : i32 to index
        %get3A_958 = arith.constant 32 : index
        %get3A_959 = tpu.vector_load %arg7[%get3A_957, %get3A_958] {strides = array<i32>} : memref<400x64xf32, #tpu.memory_space<vmem>>, vector<1x16xf32>,
        %get3A_960 = vector.shape_cast %get3A_959 : vector<1x16xf32> to vector<16xf32>
        %add3A_961 = arith.addf %scan3A_944, %get3A_960 : vector<16xf32>
        %get3A_962 = arith.index_cast %add3A_947 : i32 to index
        %get3A_963 = arith.constant 48 : index
        %get3A_964 = tpu.vector_load %arg7[%get3A_962, %get3A_963] {strides = array<i32>} : memref<400x64xf32, #tpu.memory_space<vmem>>, vector<1x16xf32>,
        %get3A_965 = vector.shape_cast %get3A_964 : vector<1x16xf32> to vector<16xf32>
        %add3A_966 = arith.addf %scan3A_945, %get3A_965 : vector<16xf32>
        %scan3A_967 = arith.constant 1 : i32
        %scan3A_968 = arith.addi %scan3A_941, %scan3A_967 : i32
        %add3A_969 = arith.constant 300 : i32
        %add3A_970 = arith.addi %add3A_969, %scan3A_968 : i32
        %get3A_971 = arith.index_cast %add3A_970 : i32 to index
        %get3A_972 = arith.constant 0 : index
        %get3A_973 = tpu.vector_load %arg7[%get3A_971, %get3A_972] {strides = array<i32>} : memref<400x64xf32, #tpu.memory_space<vmem>>, vector<1x16xf32>,
        %get3A_974 = vector.shape_cast %get3A_973 : vector<1x16xf32> to vector<16xf32>
        %add3A_975 = arith.addf %add3A_951, %get3A_974 : vector<16xf32>
        %get3A_976 = arith.index_cast %add3A_970 : i32 to index
        %get3A_977 = arith.constant 16 : index
        %get3A_978 = tpu.vector_load %arg7[%get3A_976, %get3A_977] {strides = array<i32>} : memref<400x64xf32, #tpu.memory_space<vmem>>, vector<1x16xf32>,
        %get3A_979 = vector.shape_cast %get3A_978 : vector<1x16xf32> to vector<16xf32>
        %add3A_980 = arith.addf %add3A_956, %get3A_979 : vector<16xf32>
        %get3A_981 = arith.index_cast %add3A_970 : i32 to index
        %get3A_982 = arith.constant 32 : index
        %get3A_983 = tpu.vector_load %arg7[%get3A_981, %get3A_982] {strides = array<i32>} : memref<400x64xf32, #tpu.memory_space<vmem>>, vector<1x16xf32>,
        %get3A_984 = vector.shape_cast %get3A_983 : vector<1x16xf32> to vector<16xf32>
        %add3A_985 = arith.addf %add3A_961, %get3A_984 : vector<16xf32>
        %get3A_986 = arith.index_cast %add3A_970 : i32 to index
        %get3A_987 = arith.constant 48 : index
        %get3A_988 = tpu.vector_load %arg7[%get3A_986, %get3A_987] {strides = array<i32>} : memref<400x64xf32, #tpu.memory_space<vmem>>, vector<1x16xf32>,
        %get3A_989 = vector.shape_cast %get3A_988 : vector<1x16xf32> to vector<16xf32>
        %add3A_990 = arith.addf %add3A_966, %get3A_989 : vector<16xf32>
        %scan3A_991 = arith.constant 2 : i32
        %scan3A_992 = arith.addi %scan3A_941, %scan3A_991 : i32
        %add3A_993 = arith.constant 300 : i32
        %add3A_994 = arith.addi %add3A_993, %scan3A_992 : i32
        %get3A_995 = arith.index_cast %add3A_994 : i32 to index
        %get3A_996 = arith.constant 0 : index
        %get3A_997 = tpu.vector_load %arg7[%get3A_995, %get3A_996] {strides = array<i32>} : memref<400x64xf32, #tpu.memory_space<vmem>>, vector<1x16xf32>,
        %get3A_998 = vector.shape_cast %get3A_997 : vector<1x16xf32> to vector<16xf32>
        %add3A_999 = arith.addf %add3A_975, %get3A_998 : vector<16xf32>
        %get3A_1000 = arith.index_cast %add3A_994 : i32 to index
        %get3A_1001 = arith.constant 16 : index
        %get3A_1002 = tpu.vector_load %arg7[%get3A_1000, %get3A_1001] {strides = array<i32>} : memref<400x64xf32, #tpu.memory_space<vmem>>, vector<1x16xf32>,
        %get3A_1003 = vector.shape_cast %get3A_1002 : vector<1x16xf32> to vector<16xf32>
        %add3A_1004 = arith.addf %add3A_980, %get3A_1003 : vector<16xf32>
        %get3A_1005 = arith.index_cast %add3A_994 : i32 to index
        %get3A_1006 = arith.constant 32 : index
        %get3A_1007 = tpu.vector_load %arg7[%get3A_1005, %get3A_1006] {strides = array<i32>} : memref<400x64xf32, #tpu.memory_space<vmem>>, vector<1x16xf32>,
        %get3A_1008 = vector.shape_cast %get3A_1007 : vector<1x16xf32> to vector<16xf32>
        %add3A_1009 = arith.addf %add3A_985, %get3A_1008 : vector<16xf32>
        %get3A_1010 = arith.index_cast %add3A_994 : i32 to index
        %get3A_1011 = arith.constant 48 : index
        %get3A_1012 = tpu.vector_load %arg7[%get3A_1010, %get3A_1011] {strides = array<i32>} : memref<400x64xf32, #tpu.memory_space<vmem>>, vector<1x16xf32>,
        %get3A_1013 = vector.shape_cast %get3A_1012 : vector<1x16xf32> to vector<16xf32>
        %add3A_1014 = arith.addf %add3A_990, %get3A_1013 : vector<16xf32>
        %scan3A_1015 = arith.constant 3 : i32
        %scan3A_1016 = arith.addi %scan3A_941, %scan3A_1015 : i32
        %add3A_1017 = arith.constant 300 : i32
        %add3A_1018 = arith.addi %add3A_1017, %scan3A_1016 : i32
        %get3A_1019 = arith.index_cast %add3A_1018 : i32 to index
        %get3A_1020 = arith.constant 0 : index
        %get3A_1021 = tpu.vector_load %arg7[%get3A_1019, %get3A_1020] {strides = array<i32>} : memref<400x64xf32, #tpu.memory_space<vmem>>, vector<1x16xf32>,
        %get3A_1022 = vector.shape_cast %get3A_1021 : vector<1x16xf32> to vector<16xf32>
        %add3A_1023 = arith.addf %add3A_999, %get3A_1022 : vector<16xf32>
        %get3A_1024 = arith.index_cast %add3A_1018 : i32 to index
        %get3A_1025 = arith.constant 16 : index
        %get3A_1026 = tpu.vector_load %arg7[%get3A_1024, %get3A_1025] {strides = array<i32>} : memref<400x64xf32, #tpu.memory_space<vmem>>, vector<1x16xf32>,
        %get3A_1027 = vector.shape_cast %get3A_1026 : vector<1x16xf32> to vector<16xf32>
        %add3A_1028 = arith.addf %add3A_1004, %get3A_1027 : vector<16xf32>
        %get3A_1029 = arith.index_cast %add3A_1018 : i32 to index
        %get3A_1030 = arith.constant 32 : index
        %get3A_1031 = tpu.vector_load %arg7[%get3A_1029, %get3A_1030] {strides = array<i32>} : memref<400x64xf32, #tpu.memory_space<vmem>>, vector<1x16xf32>,
        %get3A_1032 = vector.shape_cast %get3A_1031 : vector<1x16xf32> to vector<16xf32>
        %add3A_1033 = arith.addf %add3A_1009, %get3A_1032 : vector<16xf32>
        %get3A_1034 = arith.index_cast %add3A_1018 : i32 to index
        %get3A_1035 = arith.constant 48 : index
        %get3A_1036 = tpu.vector_load %arg7[%get3A_1034, %get3A_1035] {strides = array<i32>} : memref<400x64xf32, #tpu.memory_space<vmem>>, vector<1x16xf32>,
        %get3A_1037 = vector.shape_cast %get3A_1036 : vector<1x16xf32> to vector<16xf32>
        %add3A_1038 = arith.addf %add3A_1014, %get3A_1037 : vector<16xf32>
        %scan3A_1039 = arith.constant 4 : i32
        %scan3A_1040 = arith.addi %scan3A_941, %scan3A_1039 : i32
        %add3A_1041 = arith.constant 300 : i32
        %add3A_1042 = arith.addi %add3A_1041, %scan3A_1040 : i32
        %get3A_1043 = arith.index_cast %add3A_1042 : i32 to index
        %get3A_1044 = arith.constant 0 : index
        %get3A_1045 = tpu.vector_load %arg7[%get3A_1043, %get3A_1044] {strides = array<i32>} : memref<400x64xf32, #tpu.memory_space<vmem>>, vector<1x16xf32>,
        %get3A_1046 = vector.shape_cast %get3A_1045 : vector<1x16xf32> to vector<16xf32>
        %add3A_1047 = arith.addf %add3A_1023, %get3A_1046 : vector<16xf32>
        %get3A_1048 = arith.index_cast %add3A_1042 : i32 to index
        %get3A_1049 = arith.constant 16 : index
        %get3A_1050 = tpu.vector_load %arg7[%get3A_1048, %get3A_1049] {strides = array<i32>} : memref<400x64xf32, #tpu.memory_space<vmem>>, vector<1x16xf32>,
        %get3A_1051 = vector.shape_cast %get3A_1050 : vector<1x16xf32> to vector<16xf32>
        %add3A_1052 = arith.addf %add3A_1028, %get3A_1051 : vector<16xf32>
        %get3A_1053 = arith.index_cast %add3A_1042 : i32 to index
        %get3A_1054 = arith.constant 32 : index
        %get3A_1055 = tpu.vector_load %arg7[%get3A_1053, %get3A_1054] {strides = array<i32>} : memref<400x64xf32, #tpu.memory_space<vmem>>, vector<1x16xf32>,
        %get3A_1056 = vector.shape_cast %get3A_1055 : vector<1x16xf32> to vector<16xf32>
        %add3A_1057 = arith.addf %add3A_1033, %get3A_1056 : vector<16xf32>
        %get3A_1058 = arith.index_cast %add3A_1042 : i32 to index
        %get3A_1059 = arith.constant 48 : index
        %get3A_1060 = tpu.vector_load %arg7[%get3A_1058, %get3A_1059] {strides = array<i32>} : memref<400x64xf32, #tpu.memory_space<vmem>>, vector<1x16xf32>,
        %get3A_1061 = vector.shape_cast %get3A_1060 : vector<1x16xf32> to vector<16xf32>
        %add3A_1062 = arith.addf %add3A_1038, %get3A_1061 : vector<16xf32>
        scf.yield %add3A_1047, %add3A_1052, %add3A_1057, %add3A_1062 : vector<16xf32>, vector<16xf32>, vector<16xf32>, vector<16xf32>
      }
      %scan3A_854 = arith.constant 50 : i32
      %mul3A_855 = arith.constant 8 : i32
      %mul3A_856 = arith.muli %add3A_494, %mul3A_855 : i32
      %add3A_857 = arith.constant 6 : i32
      %add3A_858 = arith.addi %mul3A_856, %add3A_857 : i32
      %swap3A_859 = arith.index_cast %add3A_858 : i32 to index
      %swap3A_860 = arith.constant 0 : index
      %swap3A_861 = tpu.vector_load %arg8[%swap3A_859, %swap3A_860] {strides = array<i32>} : memref<512x64xf32, #tpu.memory_space<vmem>>, vector<1x16xf32>,
      %swap3A_862 = vector.shape_cast %swap3A_861 : vector<1x16xf32> to vector<16xf32>
      %swap3A_863 = vector.shape_cast %scan3A_853#0 : vector<16xf32> to vector<1x16xf32>
      tpu.vector_store %arg8[%swap3A_859, %swap3A_860], %swap3A_863 {strides = array<i32>} : memref<512x64xf32, #tpu.memory_space<vmem>>, vector<1x16xf32>,
      %mul3A_864 = arith.constant 8 : i32
      %mul3A_865 = arith.muli %add3A_494, %mul3A_864 : i32
      %add3A_866 = arith.constant 6 : i32
      %add3A_867 = arith.addi %mul3A_865, %add3A_866 : i32
      %swap3A_868 = arith.index_cast %add3A_867 : i32 to index
      %swap3A_869 = arith.constant 16 : index
      %swap3A_870 = tpu.vector_load %arg8[%swap3A_868, %swap3A_869] {strides = array<i32>} : memref<512x64xf32, #tpu.memory_space<vmem>>, vector<1x16xf32>,
      %swap3A_871 = vector.shape_cast %swap3A_870 : vector<1x16xf32> to vector<16xf32>
      %swap3A_872 = vector.shape_cast %scan3A_853#1 : vector<16xf32> to vector<1x16xf32>
      tpu.vector_store %arg8[%swap3A_868, %swap3A_869], %swap3A_872 {strides = array<i32>} : memref<512x64xf32, #tpu.memory_space<vmem>>, vector<1x16xf32>,
      %mul3A_873 = arith.constant 8 : i32
      %mul3A_874 = arith.muli %add3A_494, %mul3A_873 : i32
      %add3A_875 = arith.constant 6 : i32
      %add3A_876 = arith.addi %mul3A_874, %add3A_875 : i32
      %swap3A_877 = arith.index_cast %add3A_876 : i32 to index
      %swap3A_878 = arith.constant 32 : index
      %swap3A_879 = tpu.vector_load %arg8[%swap3A_877, %swap3A_878] {strides = array<i32>} : memref<512x64xf32, #tpu.memory_space<vmem>>, vector<1x16xf32>,
      %swap3A_880 = vector.shape_cast %swap3A_879 : vector<1x16xf32> to vector<16xf32>
      %swap3A_881 = vector.shape_cast %scan3A_853#2 : vector<16xf32> to vector<1x16xf32>
      tpu.vector_store %arg8[%swap3A_877, %swap3A_878], %swap3A_881 {strides = array<i32>} : memref<512x64xf32, #tpu.memory_space<vmem>>, vector<1x16xf32>,
      %mul3A_882 = arith.constant 8 : i32
      %mul3A_883 = arith.muli %add3A_494, %mul3A_882 : i32
      %add3A_884 = arith.constant 6 : i32
      %add3A_885 = arith.addi %mul3A_883, %add3A_884 : i32
      %swap3A_886 = arith.index_cast %add3A_885 : i32 to index
      %swap3A_887 = arith.constant 48 : index
      %swap3A_888 = tpu.vector_load %arg8[%swap3A_886, %swap3A_887] {strides = array<i32>} : memref<512x64xf32, #tpu.memory_space<vmem>>, vector<1x16xf32>,
      %swap3A_889 = vector.shape_cast %swap3A_888 : vector<1x16xf32> to vector<16xf32>
      %swap3A_890 = vector.shape_cast %scan3A_853#3 : vector<16xf32> to vector<1x16xf32>
      tpu.vector_store %arg8[%swap3A_886, %swap3A_887], %swap3A_890 {strides = array<i32>} : memref<512x64xf32, #tpu.memory_space<vmem>>, vector<1x16xf32>,
      %broadcast_in_dim3A_891 = arith.constant 0.000000e+00 : f32
      %broadcast_in_dim3A_892 = vector.broadcast %broadcast_in_dim3A_891 : f32 to vector<16xf32>
      %broadcast_in_dim3A_893 = arith.constant 0.000000e+00 : f32
      %broadcast_in_dim3A_894 = vector.broadcast %broadcast_in_dim3A_893 : f32 to vector<16xf32>
      %broadcast_in_dim3A_895 = arith.constant 0.000000e+00 : f32
      %broadcast_in_dim3A_896 = vector.broadcast %broadcast_in_dim3A_895 : f32 to vector<16xf32>
      %broadcast_in_dim3A_897 = arith.constant 0.000000e+00 : f32
      %broadcast_in_dim3A_898 = vector.broadcast %broadcast_in_dim3A_897 : f32 to vector<16xf32>
      %scan3A_899 = arith.constant 0 : i32
      %scan3A_900 = arith.constant 50 : i32
      %scan3A_901 = arith.addi %scan3A_899, %scan3A_900 : i32
      %scan3A_902 = arith.constant 5 : i32
      %scan3A_903:4 = scf.for %scan3A_941 = %scan3A_899 to %scan3A_901 step %scan3A_902 iter_args(%scan3A_942 = %broadcast_in_dim3A_892, %scan3A_943 = %broadcast_in_dim3A_894, %scan3A_944 = %broadcast_in_dim3A_896, %scan3A_945 = %broadcast_in_dim3A_898) -> (vector<16xf32>, vector<16xf32>, vector<16xf32>, vector<16xf32>)  : i32 {
        %add3A_946 = arith.constant 350 : i32
        %add3A_947 = arith.addi %add3A_946, %scan3A_941 : i32
        %get3A = arith.index_cast %add3A_947 : i32 to index
        %get3A_948 = arith.constant 0 : index
        %get3A_949 = tpu.vector_load %arg7[%get3A, %get3A_948] {strides = array<i32>} : memref<400x64xf32, #tpu.memory_space<vmem>>, vector<1x16xf32>,
        %get3A_950 = vector.shape_cast %get3A_949 : vector<1x16xf32> to vector<16xf32>
        %add3A_951 = arith.addf %scan3A_942, %get3A_950 : vector<16xf32>
        %get3A_952 = arith.index_cast %add3A_947 : i32 to index
        %get3A_953 = arith.constant 16 : index
        %get3A_954 = tpu.vector_load %arg7[%get3A_952, %get3A_953] {strides = array<i32>} : memref<400x64xf32, #tpu.memory_space<vmem>>, vector<1x16xf32>,
        %get3A_955 = vector.shape_cast %get3A_954 : vector<1x16xf32> to vector<16xf32>
        %add3A_956 = arith.addf %scan3A_943, %get3A_955 : vector<16xf32>
        %get3A_957 = arith.index_cast %add3A_947 : i32 to index
        %get3A_958 = arith.constant 32 : index
        %get3A_959 = tpu.vector_load %arg7[%get3A_957, %get3A_958] {strides = array<i32>} : memref<400x64xf32, #tpu.memory_space<vmem>>, vector<1x16xf32>,
        %get3A_960 = vector.shape_cast %get3A_959 : vector<1x16xf32> to vector<16xf32>
        %add3A_961 = arith.addf %scan3A_944, %get3A_960 : vector<16xf32>
        %get3A_962 = arith.index_cast %add3A_947 : i32 to index
        %get3A_963 = arith.constant 48 : index
        %get3A_964 = tpu.vector_load %arg7[%get3A_962, %get3A_963] {strides = array<i32>} : memref<400x64xf32, #tpu.memory_space<vmem>>, vector<1x16xf32>,
        %get3A_965 = vector.shape_cast %get3A_964 : vector<1x16xf32> to vector<16xf32>
        %add3A_966 = arith.addf %scan3A_945, %get3A_965 : vector<16xf32>
        %scan3A_967 = arith.constant 1 : i32
        %scan3A_968 = arith.addi %scan3A_941, %scan3A_967 : i32
        %add3A_969 = arith.constant 350 : i32
        %add3A_970 = arith.addi %add3A_969, %scan3A_968 : i32
        %get3A_971 = arith.index_cast %add3A_970 : i32 to index
        %get3A_972 = arith.constant 0 : index
        %get3A_973 = tpu.vector_load %arg7[%get3A_971, %get3A_972] {strides = array<i32>} : memref<400x64xf32, #tpu.memory_space<vmem>>, vector<1x16xf32>,
        %get3A_974 = vector.shape_cast %get3A_973 : vector<1x16xf32> to vector<16xf32>
        %add3A_975 = arith.addf %add3A_951, %get3A_974 : vector<16xf32>
        %get3A_976 = arith.index_cast %add3A_970 : i32 to index
        %get3A_977 = arith.constant 16 : index
        %get3A_978 = tpu.vector_load %arg7[%get3A_976, %get3A_977] {strides = array<i32>} : memref<400x64xf32, #tpu.memory_space<vmem>>, vector<1x16xf32>,
        %get3A_979 = vector.shape_cast %get3A_978 : vector<1x16xf32> to vector<16xf32>
        %add3A_980 = arith.addf %add3A_956, %get3A_979 : vector<16xf32>
        %get3A_981 = arith.index_cast %add3A_970 : i32 to index
        %get3A_982 = arith.constant 32 : index
        %get3A_983 = tpu.vector_load %arg7[%get3A_981, %get3A_982] {strides = array<i32>} : memref<400x64xf32, #tpu.memory_space<vmem>>, vector<1x16xf32>,
        %get3A_984 = vector.shape_cast %get3A_983 : vector<1x16xf32> to vector<16xf32>
        %add3A_985 = arith.addf %add3A_961, %get3A_984 : vector<16xf32>
        %get3A_986 = arith.index_cast %add3A_970 : i32 to index
        %get3A_987 = arith.constant 48 : index
        %get3A_988 = tpu.vector_load %arg7[%get3A_986, %get3A_987] {strides = array<i32>} : memref<400x64xf32, #tpu.memory_space<vmem>>, vector<1x16xf32>,
        %get3A_989 = vector.shape_cast %get3A_988 : vector<1x16xf32> to vector<16xf32>
        %add3A_990 = arith.addf %add3A_966, %get3A_989 : vector<16xf32>
        %scan3A_991 = arith.constant 2 : i32
        %scan3A_992 = arith.addi %scan3A_941, %scan3A_991 : i32
        %add3A_993 = arith.constant 350 : i32
        %add3A_994 = arith.addi %add3A_993, %scan3A_992 : i32
        %get3A_995 = arith.index_cast %add3A_994 : i32 to index
        %get3A_996 = arith.constant 0 : index
        %get3A_997 = tpu.vector_load %arg7[%get3A_995, %get3A_996] {strides = array<i32>} : memref<400x64xf32, #tpu.memory_space<vmem>>, vector<1x16xf32>,
        %get3A_998 = vector.shape_cast %get3A_997 : vector<1x16xf32> to vector<16xf32>
        %add3A_999 = arith.addf %add3A_975, %get3A_998 : vector<16xf32>
        %get3A_1000 = arith.index_cast %add3A_994 : i32 to index
        %get3A_1001 = arith.constant 16 : index
        %get3A_1002 = tpu.vector_load %arg7[%get3A_1000, %get3A_1001] {strides = array<i32>} : memref<400x64xf32, #tpu.memory_space<vmem>>, vector<1x16xf32>,
        %get3A_1003 = vector.shape_cast %get3A_1002 : vector<1x16xf32> to vector<16xf32>
        %add3A_1004 = arith.addf %add3A_980, %get3A_1003 : vector<16xf32>
        %get3A_1005 = arith.index_cast %add3A_994 : i32 to index
        %get3A_1006 = arith.constant 32 : index
        %get3A_1007 = tpu.vector_load %arg7[%get3A_1005, %get3A_1006] {strides = array<i32>} : memref<400x64xf32, #tpu.memory_space<vmem>>, vector<1x16xf32>,
        %get3A_1008 = vector.shape_cast %get3A_1007 : vector<1x16xf32> to vector<16xf32>
        %add3A_1009 = arith.addf %add3A_985, %get3A_1008 : vector<16xf32>
        %get3A_1010 = arith.index_cast %add3A_994 : i32 to index
        %get3A_1011 = arith.constant 48 : index
        %get3A_1012 = tpu.vector_load %arg7[%get3A_1010, %get3A_1011] {strides = array<i32>} : memref<400x64xf32, #tpu.memory_space<vmem>>, vector<1x16xf32>,
        %get3A_1013 = vector.shape_cast %get3A_1012 : vector<1x16xf32> to vector<16xf32>
        %add3A_1014 = arith.addf %add3A_990, %get3A_1013 : vector<16xf32>
        %scan3A_1015 = arith.constant 3 : i32
        %scan3A_1016 = arith.addi %scan3A_941, %scan3A_1015 : i32
        %add3A_1017 = arith.constant 350 : i32
        %add3A_1018 = arith.addi %add3A_1017, %scan3A_1016 : i32
        %get3A_1019 = arith.index_cast %add3A_1018 : i32 to index
        %get3A_1020 = arith.constant 0 : index
        %get3A_1021 = tpu.vector_load %arg7[%get3A_1019, %get3A_1020] {strides = array<i32>} : memref<400x64xf32, #tpu.memory_space<vmem>>, vector<1x16xf32>,
        %get3A_1022 = vector.shape_cast %get3A_1021 : vector<1x16xf32> to vector<16xf32>
        %add3A_1023 = arith.addf %add3A_999, %get3A_1022 : vector<16xf32>
        %get3A_1024 = arith.index_cast %add3A_1018 : i32 to index
        %get3A_1025 = arith.constant 16 : index
        %get3A_1026 = tpu.vector_load %arg7[%get3A_1024, %get3A_1025] {strides = array<i32>} : memref<400x64xf32, #tpu.memory_space<vmem>>, vector<1x16xf32>,
        %get3A_1027 = vector.shape_cast %get3A_1026 : vector<1x16xf32> to vector<16xf32>
        %add3A_1028 = arith.addf %add3A_1004, %get3A_1027 : vector<16xf32>
        %get3A_1029 = arith.index_cast %add3A_1018 : i32 to index
        %get3A_1030 = arith.constant 32 : index
        %get3A_1031 = tpu.vector_load %arg7[%get3A_1029, %get3A_1030] {strides = array<i32>} : memref<400x64xf32, #tpu.memory_space<vmem>>, vector<1x16xf32>,
        %get3A_1032 = vector.shape_cast %get3A_1031 : vector<1x16xf32> to vector<16xf32>
        %add3A_1033 = arith.addf %add3A_1009, %get3A_1032 : vector<16xf32>
        %get3A_1034 = arith.index_cast %add3A_1018 : i32 to index
        %get3A_1035 = arith.constant 48 : index
        %get3A_1036 = tpu.vector_load %arg7[%get3A_1034, %get3A_1035] {strides = array<i32>} : memref<400x64xf32, #tpu.memory_space<vmem>>, vector<1x16xf32>,
        %get3A_1037 = vector.shape_cast %get3A_1036 : vector<1x16xf32> to vector<16xf32>
        %add3A_1038 = arith.addf %add3A_1014, %get3A_1037 : vector<16xf32>
        %scan3A_1039 = arith.constant 4 : i32
        %scan3A_1040 = arith.addi %scan3A_941, %scan3A_1039 : i32
        %add3A_1041 = arith.constant 350 : i32
        %add3A_1042 = arith.addi %add3A_1041, %scan3A_1040 : i32
        %get3A_1043 = arith.index_cast %add3A_1042 : i32 to index
        %get3A_1044 = arith.constant 0 : index
        %get3A_1045 = tpu.vector_load %arg7[%get3A_1043, %get3A_1044] {strides = array<i32>} : memref<400x64xf32, #tpu.memory_space<vmem>>, vector<1x16xf32>,
        %get3A_1046 = vector.shape_cast %get3A_1045 : vector<1x16xf32> to vector<16xf32>
        %add3A_1047 = arith.addf %add3A_1023, %get3A_1046 : vector<16xf32>
        %get3A_1048 = arith.index_cast %add3A_1042 : i32 to index
        %get3A_1049 = arith.constant 16 : index
        %get3A_1050 = tpu.vector_load %arg7[%get3A_1048, %get3A_1049] {strides = array<i32>} : memref<400x64xf32, #tpu.memory_space<vmem>>, vector<1x16xf32>,
        %get3A_1051 = vector.shape_cast %get3A_1050 : vector<1x16xf32> to vector<16xf32>
        %add3A_1052 = arith.addf %add3A_1028, %get3A_1051 : vector<16xf32>
        %get3A_1053 = arith.index_cast %add3A_1042 : i32 to index
        %get3A_1054 = arith.constant 32 : index
        %get3A_1055 = tpu.vector_load %arg7[%get3A_1053, %get3A_1054] {strides = array<i32>} : memref<400x64xf32, #tpu.memory_space<vmem>>, vector<1x16xf32>,
        %get3A_1056 = vector.shape_cast %get3A_1055 : vector<1x16xf32> to vector<16xf32>
        %add3A_1057 = arith.addf %add3A_1033, %get3A_1056 : vector<16xf32>
        %get3A_1058 = arith.index_cast %add3A_1042 : i32 to index
        %get3A_1059 = arith.constant 48 : index
        %get3A_1060 = tpu.vector_load %arg7[%get3A_1058, %get3A_1059] {strides = array<i32>} : memref<400x64xf32, #tpu.memory_space<vmem>>, vector<1x16xf32>,
        %get3A_1061 = vector.shape_cast %get3A_1060 : vector<1x16xf32> to vector<16xf32>
        %add3A_1062 = arith.addf %add3A_1038, %get3A_1061 : vector<16xf32>
        scf.yield %add3A_1047, %add3A_1052, %add3A_1057, %add3A_1062 : vector<16xf32>, vector<16xf32>, vector<16xf32>, vector<16xf32>
      }
      %scan3A_904 = arith.constant 50 : i32
      %mul3A_905 = arith.constant 8 : i32
      %mul3A_906 = arith.muli %add3A_494, %mul3A_905 : i32
      %add3A_907 = arith.constant 7 : i32
      %add3A_908 = arith.addi %mul3A_906, %add3A_907 : i32
      %swap3A_909 = arith.index_cast %add3A_908 : i32 to index
      %swap3A_910 = arith.constant 0 : index
      %swap3A_911 = tpu.vector_load %arg8[%swap3A_909, %swap3A_910] {strides = array<i32>} : memref<512x64xf32, #tpu.memory_space<vmem>>, vector<1x16xf32>,
      %swap3A_912 = vector.shape_cast %swap3A_911 : vector<1x16xf32> to vector<16xf32>
      %swap3A_913 = vector.shape_cast %scan3A_903#0 : vector<16xf32> to vector<1x16xf32>
      tpu.vector_store %arg8[%swap3A_909, %swap3A_910], %swap3A_913 {strides = array<i32>} : memref<512x64xf32, #tpu.memory_space<vmem>>, vector<1x16xf32>,
      %mul3A_914 = arith.constant 8 : i32
      %mul3A_915 = arith.muli %add3A_494, %mul3A_914 : i32
      %add3A_916 = arith.constant 7 : i32
      %add3A_917 = arith.addi %mul3A_915, %add3A_916 : i32
      %swap3A_918 = arith.index_cast %add3A_917 : i32 to index
      %swap3A_919 = arith.constant 16 : index
      %swap3A_920 = tpu.vector_load %arg8[%swap3A_918, %swap3A_919] {strides = array<i32>} : memref<512x64xf32, #tpu.memory_space<vmem>>, vector<1x16xf32>,
      %swap3A_921 = vector.shape_cast %swap3A_920 : vector<1x16xf32> to vector<16xf32>
      %swap3A_922 = vector.shape_cast %scan3A_903#1 : vector<16xf32> to vector<1x16xf32>
      tpu.vector_store %arg8[%swap3A_918, %swap3A_919], %swap3A_922 {strides = array<i32>} : memref<512x64xf32, #tpu.memory_space<vmem>>, vector<1x16xf32>,
      %mul3A_923 = arith.constant 8 : i32
      %mul3A_924 = arith.muli %add3A_494, %mul3A_923 : i32
      %add3A_925 = arith.constant 7 : i32
      %add3A_926 = arith.addi %mul3A_924, %add3A_925 : i32
      %swap3A_927 = arith.index_cast %add3A_926 : i32 to index
      %swap3A_928 = arith.constant 32 : index
      %swap3A_929 = tpu.vector_load %arg8[%swap3A_927, %swap3A_928] {strides = array<i32>} : memref<512x64xf32, #tpu.memory_space<vmem>>, vector<1x16xf32>,
      %swap3A_930 = vector.shape_cast %swap3A_929 : vector<1x16xf32> to vector<16xf32>
      %swap3A_931 = vector.shape_cast %scan3A_903#2 : vector<16xf32> to vector<1x16xf32>
      tpu.vector_store %arg8[%swap3A_927, %swap3A_928], %swap3A_931 {strides = array<i32>} : memref<512x64xf32, #tpu.memory_space<vmem>>, vector<1x16xf32>,
      %mul3A_932 = arith.constant 8 : i32
      %mul3A_933 = arith.muli %add3A_494, %mul3A_932 : i32
      %add3A_934 = arith.constant 7 : i32
      %add3A_935 = arith.addi %mul3A_933, %add3A_934 : i32
      %swap3A_936 = arith.index_cast %add3A_935 : i32 to index
      %swap3A_937 = arith.constant 48 : index
      %swap3A_938 = tpu.vector_load %arg8[%swap3A_936, %swap3A_937] {strides = array<i32>} : memref<512x64xf32, #tpu.memory_space<vmem>>, vector<1x16xf32>,
      %swap3A_939 = vector.shape_cast %swap3A_938 : vector<1x16xf32> to vector<16xf32>
      %swap3A_940 = vector.shape_cast %scan3A_903#3 : vector<16xf32> to vector<1x16xf32>
      tpu.vector_store %arg8[%swap3A_936, %swap3A_937], %swap3A_940 {strides = array<i32>} : memref<512x64xf32, #tpu.memory_space<vmem>>, vector<1x16xf32>,
    }
    %scan3A_43 = arith.constant 32 : i32
    %mul3A_44 = arith.constant 512 : i32
    %mul3A_45 = arith.muli %add3A, %mul3A_44 : i32
    "tpu.region"() ({
      %run_scoped3A = tpu.sem_alloc : memref<!tpu.dma_semaphore, #tpu.memory_space<semaphore_mem>>
      %dma_start3A_46 = arith.constant 0 : i32
      %dma_start3A_47 = tpu.memref_slice %arg4[%mul3A_45, %dma_start3A_46] : memref<16384x64xf32, #tpu.memory_space<hbm>> -> memref<512x64xf32, #tpu.memory_space<hbm>>
      %dma_start3A_48 = arith.constant 0 : i32
      %dma_start3A_49 = tpu.memref_slice %arg4[%mul3A_45, %dma_start3A_48] : memref<16384x64xf32, #tpu.memory_space<hbm>> -> memref<512x64xf32, #tpu.memory_space<hbm>>
      tpu.enqueue_dma source(%arg8 : memref<512x64xf32, #tpu.memory_space<vmem>>) target(%dma_start3A_49 : memref<512x64xf32, #tpu.memory_space<hbm>>) target_semaphore(%run_scoped3A : memref<!tpu.dma_semaphore, #tpu.memory_space<semaphore_mem>>)
      %dma_wait3A = arith.constant 0 : i32
      %dma_wait3A_50 = tpu.memref_slice %arg4[%mul3A_45, %dma_wait3A] : memref<16384x64xf32, #tpu.memory_space<hbm>> -> memref<512x64xf32, #tpu.memory_space<hbm>>
      %dma_wait3A_51 = arith.constant 0 : i32
      %dma_wait3A_52 = tpu.memref_slice %arg4[%mul3A_45, %dma_wait3A_51] : memref<16384x64xf32, #tpu.memory_space<hbm>> -> memref<512x64xf32, #tpu.memory_space<hbm>>
      tpu.wait_dma2 semaphore(%run_scoped3A : memref<!tpu.dma_semaphore, #tpu.memory_space<semaphore_mem>>) src(%arg8 : memref<512x64xf32, #tpu.memory_space<vmem>>) dst(%dma_wait3A_52 : memref<512x64xf32, #tpu.memory_space<hbm>>)
      tpu.yield
    }) : () -> ()
    return
  }
}

module attributes {stable_mosaic.version = 14 : i64} {
  func.func @_tc_head(%arg0: i32, %arg1: memref<2048x64xf32, #tpu.memory_space<vmem>>, %arg2: memref<64x128xf32, #tpu.memory_space<vmem>>, %arg3: memref<1x128xf32, #tpu.memory_space<vmem>>, %arg4: memref<2048x128xf32, #tpu.memory_space<vmem>>) attributes {dimension_semantics = [#tpu.dimension_semantics<arbitrary>], iteration_bounds = array<i64: 8>, scalar_prefetch = 0 : i64, scratch_operands = 0 : i64, tpu.core_type = #tpu.core_type<tc>, window_params = [{transform_indices = @transform_0, window_bounds = array<i64: 2048, 64>}, {pipeline_mode = #tpu.pipeline_mode<synchronous>, transform_indices = @transform_1, window_bounds = array<i64: 64, 128>}, {pipeline_mode = #tpu.pipeline_mode<synchronous>, transform_indices = @transform_2, window_bounds = array<i64: 1, 128>}, {transform_indices = @transform_3, window_bounds = array<i64: 2048, 128>}]} {
    %get3A = arith.constant 0 : index
    %get3A_0 = arith.constant 0 : index
    %get3A_1 = vector.load %arg1[%get3A, %get3A_0] : memref<2048x64xf32, #tpu.memory_space<vmem>>, vector<2048x64xf32>
    %get3A_2 = arith.constant 0 : index
    %get3A_3 = arith.constant 0 : index
    %get3A_4 = vector.load %arg2[%get3A_2, %get3A_3] : memref<64x128xf32, #tpu.memory_space<vmem>>, vector<64x128xf32>
    %dot_general3A = arith.constant dense<0.000000e+00> : vector<2048x128xf32>
    %dot_general3A_5 = tpu.matmul %get3A_1, %get3A_4, %dot_general3A {dimension_numbers = #tpu.dot_dimension_numbers<[1], [0], [0], [1], [0, 0, 1, 1], [], []>, transpose_lhs_hint = false} : vector<2048x64xf32>, vector<64x128xf32>, vector<2048x128xf32> -> vector<2048x128xf32>
    %get3A_6 = arith.constant 0 : index
    %get3A_7 = arith.constant 0 : index
    %get3A_8 = vector.load %arg3[%get3A_6, %get3A_7] : memref<1x128xf32, #tpu.memory_space<vmem>>, vector<1x128xf32>
    %add3A = vector.broadcast %get3A_8 : vector<1x128xf32> to vector<2048x128xf32>
    %add3A_9 = arith.addf %dot_general3A_5, %add3A : vector<2048x128xf32>
    %swap3A = arith.constant 0 : index
    %swap3A_10 = arith.constant 0 : index
    %swap3A_11 = vector.load %arg4[%swap3A, %swap3A_10] : memref<2048x128xf32, #tpu.memory_space<vmem>>, vector<2048x128xf32>
    tpu.vector_store %arg4[%swap3A, %swap3A_10], %add3A_9 {strides = array<i32>} : memref<2048x128xf32, #tpu.memory_space<vmem>>, vector<2048x128xf32>,
    return
  }
  func.func @transform_0(%arg0: i32) -> (i32, i32) {
    %c0_i32 = arith.constant 0 : i32
    %c0_i32_0 = arith.constant 0 : i32
    return %arg0, %c0_i32 : i32, i32
  }
  func.func @transform_1(%arg0: i32) -> (i32, i32) {
    %c0_i32 = arith.constant 0 : i32
    %c0_i32_0 = arith.constant 0 : i32
    %c0_i32_1 = arith.constant 0 : i32
    return %c0_i32, %c0_i32_0 : i32, i32
  }
  func.func @transform_2(%arg0: i32) -> (i32, i32) {
    %c0_i32 = arith.constant 0 : i32
    %c0_i32_0 = arith.constant 0 : i32
    %c0_i32_1 = arith.constant 0 : i32
    return %c0_i32, %c0_i32_0 : i32, i32
  }
  func.func @transform_3(%arg0: i32) -> (i32, i32) {
    %c0_i32 = arith.constant 0 : i32
    %c0_i32_0 = arith.constant 0 : i32
    return %arg0, %c0_i32 : i32, i32
  }
}

</mosaic_0001>

<sc_bundles>
// kernel: kernel.4.cloned.1.call-start
scs
__scs_entry_jumppad:
0x0: {  	(pc) =	sbr.rel $0x88, $3  }
0x1: {  	(tag) =	ssettag $0x0;
	lr =	simm.s32 $0x1  }
0x2: {  	[smem:$0x3F9D] =	sst lr;
	_ =	strace $0xD0000000  }
0x3: {  	_ = 	snop  }
0x4: {  	_ = 	snop  }
0x5: {  	_ = 	snop  }
0x6: {  	_ = 	snop  }
0x7: {  	_ = 	snop  }
__scs_overlays_trampoline_lowered:
0x8: {  	[smem:$0x3FAC] =	sst s0  }
0x9: {  	[smem:$0x3FAD] =	sst s1  }
0xa: {  	[smem:$0x3FAE] =	sst s2  }
0xb: {  	[smem:$0x3FAF] =	sst s3  }
0xc: {  	[smem:$0x3FB0] =	sst s4  }
0xd: {  	[smem:$0x3FB1] =	sst s5  }
0xe: {  	[smem:$0x3FB2] =	sst s6  }
0xf: {  	[smem:$0x3FB3] =	sst s7  }
0x10: {  	[smem:$0x3FB4] =	sst s8  }
0x11: {  	[smem:$0x3FB5] =	sst s9;
	s0 =	simm.s32 @!p0 $0x0  }
0x12: {  	s1 =	sld [smem:$0x3F9B];
	s0 =	simm.s32 @p0 $0x1  }
0x13: {  	[smem:$0x3FB6] =	sst s0;
	s0 =	simm.s32 @!p1 $0x0  }
0x14: {  	s2 =	sld [smem:$0x3F9A];
	s0 =	simm.s32 @p1 $0x1  }
0x15: {  	[smem:$0x3FB7] =	sst s0;
	s0 =	simm.s32 @!p2 $0x0  }
0x16: {  	s3 =	sld [smem:$0x3FDB];
	s0 =	simm.s32 @p2 $0x1  }
0x17: {  	s4 =	simm.s32 $0x1BF5;
	[smem:$0x3FB9] =	sst s0  }
0x18: {  	s0 =	sld [smem:$0x3F9C];
	_ =	swait.ge [sflag:s4], $0x0  }
0x19: {  	s7 =	sld [smem:$0x3F9D]  }
0x1a: {  	s8 =	sadd.s32 $0xFFFFE003, lr  }
0x1b: {  	s9 =	sadd.s32 $0xFFFFFEF7, lr;
	s5 =	simm.s32 $0xFFFFFFFF;
	p2 =	slt.u32 s8, $0xFFFFF086  }
0x1c: {  	p1 =	slt.u32 s9, $0xF7A;
	s5 =	simm.s32 @!p2 $0x0  }
0x1d: {  	s5 =	simm.s32 @p1 $0x1;
	p0 =	seq.s32 s7, s2  }
0x1e: {  	s7 =	smul.u32 @!p0 $0xF7A, s2;
	p2 =	seq.s32 @!p0 s5, $0x0  }
0x1f: {  	s9 =	smul.u32 $0xF7A, s1;
	s8 =	simm.s32 @!p0 $0x1BF5;
	p2 =	por !p2, p0  }
0x20: {  	[sflag:s8] =	ssyncset.s32 @!p0 $0xFFFFF086;
	s6 =	sadd.s32 @!p0 s3, s7;
	s7 =	simm.s32 @!p0 $0x108  }
0x21: {  	s3 =	sadd.s32 s3, s9;
	s6 =	sadd.s32 @!p0 $0x88, s6;
	s7 =	simm.s32 @p2 $0x1082  }
0x22: {  	[simem:s7], [sflag:s8] =	dma.local @!p0 [hbm:s6], $0xF7A  }
0x23: {  	s9 =	sor.u32 $0xD0000000, s2;
	s6 =	simm.s32 $0x108;
	_ =	swait.ge @!p0 [sflag:s8], $0x0  }
0x24: {  	s3 =	sadd.s32 $0x88, s3;
	s6 =	simm.s32 @!p1 $0x1082;
	[sflag:s4] =	ssyncset.s32 $0xFFFFF086  }
0x25: {  	[simem:s6], [sflag:s4] =	dma.local [hbm:s3], $0xF7A  }
0x26: {  	[smem:$0x3F9D] =	sst s1;
	(tag) =	ssettag s2;
	_ =	strace s9  }
0x27: {  	s1 =	sld [smem:$0x3FAD]  }
0x28: {  	s2 =	sld [smem:$0x3FAE]  }
0x29: {  	s4 =	sld [smem:$0x3FB0]  }
0x2a: {  	p0 =	seq.s32 s5, $0x0;
	s5 =	sld [smem:$0x3FB1]  }
0x2b: {  	s6 =	sld [smem:$0x3FB2]  }
0x2c: {  	s7 =	sld [smem:$0x3FB3]  }
0x2d: {  	s3 =	simm.s32 $0x108;
	s8 =	sld [smem:$0x3FB4]  }
0x2e: {  	s3 =	simm.s32 @!p0 $0x1082;
	s9 =	sld [smem:$0x3FB5]  }
0x2f: {  	lr =	sadd.s32 s0, s3;
	s0 =	sld [smem:$0x3FAC]  }
0x30: {  	s3 =	sld [smem:$0x3FAF]  }
0x31: {  	[smem:$0x3FB8] =	sst s10  }
0x32: {  	s10 =	sld [smem:$0x3FB6];
	_ =	sdelay $0x3  }
0x33: {  	p0 =	seq.s32 s10, $0x1;
	s10 =	sld [smem:$0x3FB8];
	_ =	sdelay $0x3  }
0x34: {  	[smem:$0x3FB8] =	sst s10  }
0x35: {  	s10 =	sld [smem:$0x3FB7];
	_ =	sdelay $0x3  }
0x36: {  	p1 =	seq.s32 s10, $0x1;
	s10 =	sld [smem:$0x3FB8];
	_ =	sdelay $0x3  }
0x37: {  	[smem:$0x3FB8] =	sst s10  }
0x38: {  	s10 =	sld [smem:$0x3FB9]  }
0x39: {  	_ = 	snop;
	(pc) =	sbr.ind lr, $3  }
0x3a: {  	_ = 	snop  }
0x3b: {  	_ = 	snop  }
0x3c: {  	p2 =	seq.s32 s10, $0x1;
	s10 =	sld [smem:$0x3FB8]  }
0x3d: {  	_ =	shalt  }
0x3e: {  	_ =	shalt  }
0x3f: {  	_ =	shalt  }
0x40: {  	_ =	shalt  }
0x41: {  	_ =	shalt  }
0x42: {  	_ =	shalt  }
0x43: {  	_ =	shalt  }
0x44: {  	_ =	shalt  }
0x45: {  	_ =	shalt  }
0x46: {  	_ =	shalt  }
0x47: {  	_ =	shalt  }
0x48: {  	_ =	shalt  }
0x49: {  	_ =	shalt  }
0x4a: {  	_ =	shalt  }
0x4b: {  	_ =	shalt  }
0x4c: {  	_ =	shalt  }
0x4d: {  	_ =	shalt  }
0x4e: {  	_ =	shalt  }
0x4f: {  	_ =	shalt  }
0x50: {  	_ =	shalt  }
0x51: {  	_ =	shalt  }
0x52: {  	_ =	shalt  }
0x53: {  	_ =	shalt  }
0x54: {  	_ =	shalt  }
0x55: {  	_ =	shalt  }
0x56: {  	_ =	shalt  }
0x57: {  	_ =	shalt  }
0x58: {  	_ =	shalt  }
0x59: {  	_ =	shalt  }
0x5a: {  	_ =	shalt  }
0x5b: {  	_ =	shalt  }
0x5c: {  	_ =	shalt  }
0x5d: {  	_ =	shalt  }
0x5e: {  	_ =	shalt  }
0x5f: {  	_ =	shalt  }
0x60: {  	_ =	shalt  }
0x61: {  	_ =	shalt  }
0x62: {  	_ =	shalt  }
0x63: {  	_ =	shalt  }
0x64: {  	_ =	shalt  }
0x65: {  	_ =	shalt  }
0x66: {  	_ =	shalt  }
0x67: {  	_ =	shalt  }
0x68: {  	_ =	shalt  }
0x69: {  	_ =	shalt  }
0x6a: {  	_ =	shalt  }
0x6b: {  	_ =	shalt  }
0x6c: {  	_ =	shalt  }
0x6d: {  	_ =	shalt  }
0x6e: {  	_ =	shalt  }
0x6f: {  	_ =	shalt  }
0x70: {  	_ =	shalt  }
0x71: {  	_ =	shalt  }
0x72: {  	_ =	shalt  }
0x73: {  	_ =	shalt  }
0x74: {  	_ =	shalt  }
0x75: {  	_ =	shalt  }
0x76: {  	_ =	shalt  }
0x77: {  	_ =	shalt  }
0x78: {  	_ =	shalt  }
0x79: {  	_ =	shalt  }
0x7a: {  	_ =	shalt  }
0x7b: {  	_ =	shalt  }
0x7c: {  	_ =	shalt  }
0x7d: {  	_ =	shalt  }
0x7e: {  	_ =	shalt  }
0x7f: {  	_ =	shalt  }
0x80: {  	_ =	shalt  }
0x81: {  	_ =	shalt  }
0x82: {  	_ =	shalt  }
0x83: {  	_ =	shalt  }
0x84: {  	_ =	shalt  }
0x85: {  	_ =	shalt  }
0x86: {  	_ =	shalt  }
0x87: {  	_ =	shalt  }
.Lfunc_end0:
.L_simem_size_0:
called_computation_lowered:
.L_overlay_start_0:
0x88: {  	s2 =	sld [smem:$0x3FD9]  }
0x89: {  	s3 =	sld [smem:$0x3FFE];
	_ =	sdelay $0x1  }
0x8a: {  	s1 =	srdreg.scid  }
0x8b: {  	s0 =	sand.u32 $0x1, s1  }
0x8c: {  	s16 =	sshll.u32 s0, $0xA;
	s2 =	sadd.s32 s3, s2  }
0x8d: {  	s2 =	sadd.s32 s2, s16  }
0x8e: {  	[smem:$0x3FC4] =	sst s2  }
0x8f: {  	_ = 	snop  }
0x90: {  	(tm) =	ssettm $0x1  }
0x91: {  	s17 =	sld [smem:$0x3FFB];
	_ =	sdelay $0x3  }
0x92: {  	_ =	strace s17  }
0x93: {  	s2 =	sld [smem:$0x3FFC];
	_ =	sdelay $0x3  }
0x94: {  	_ =	strace s2  }
0x95: {  	s2 =	sld [smem:$0x3FFD];
	_ =	sdelay $0x3  }
0x96: {  	_ =	strace s2  }
0x97: {  	_ =	strace $0x8FFFFFFF  }
0x98: {  	s18 =	sld [smem:$0x3FDB];
	_ =	sdelay $0x1  }
0x99: {  	s19 =	simm.s32 $_scs_section_size  }
0x9a: {  	s4 =	simm.s32 $_size__tile_overlayer_lowered;
	s5 =	simm.s32 $_tile_overlayer_lowered  }
0x9b: {  	s22 =	simm.s32 $0x1BFF;
	s21 =	sshll.u32 s5, $0x1;
	s2 =	sadd.s32 s19, s18  }
0x9c: {  	s6 =	simm.s32 $0x0;
	s20 =	sshll.u32 s4, $0x1;
	s4 =	sadd.s32 s21, s2  }
0x9d: {  	[timem:s6], [sflag:s22] =	dma.local [hbm:s4], s20  }
0x9e: {  	_ =	swait.ge [sflag:s22], s20  }
0x9f: {  	s3 =	ssub.s32 $0x0, s20;
	[sflag:s22] =	ssyncset.done $0x0  }
0xa0: {  	[sflag:s22] =	ssyncadd.s32 s3;
	_ =	sdelay $0x1  }
0xa1: {  	s23 =	simm.s32 $0x1B8B  }
0xa2: {  	_ =	swait.ge [sflag:s23], $0x1  }
0xa3: {  	[sflag:s23] =	ssyncset.done $0x0  }
0xa4: {  	s25 =	simm.s32 $0x1B8E;
	s24 =	sld [smem:$0x3FFE];
	[sflag:s23] =	ssyncadd.s32 $0xFFFFFFFF  }
0xa5: {  	s26 =	simm.s32 $execute0_lowered;
	[smem:$0x3FD2] =	sst s25  }
0xa6: {  	s4 =	sshll.u32 s26, $0x1;
	_ =	strace $0x80000046;
	[dreg:$0x1] =	wrdreg $0xFFFFFFFF  }
0xa7: {  	s28 =	simm.s32 $_size_execute0_lowered;
	s2 =	sadd.s32 s2, s4;
	[dreg:$0x0] =	wrdreg $0x0  }
0xa8: {  	s4 =	sshll.u32 s28, $0x1;
	[dreg:$0x2] =	wrdreg s2  }
0xa9: {  	[dreg:$0x3] =	wrdreg s4  }
0xaa: {  	[dreg:$0x4] =	wrdreg $0xC0  }
0xab: {  	_ =	task [dreg:s6], $0x5FFFF  }
0xac: {  	[dreg:$0x1] =	wrdreg $0xFFFFFFFF  }
0xad: {  	[dreg:$0x0] =	wrdreg $0x60  }
0xae: {  	[dreg:$0x2] =	wrdreg s24  }
0xaf: {  	[dreg:$0x3] =	wrdreg $0x9  }
0xb0: {  	_ =	task.clear_ibuf [dreg:s6], $0x4FFFF;
	_ =	strace $0x90000046  }
0xb1: {  	s29 =	simm.s32 $0x9;
	_ =	strace $0x80000048  }
0xb2: {  	_ =	swait.ge [sflag:s29], $0x1  }
0xb3: {  	[sflag:s29] =	ssyncadd.s32 $0xFFFFFFFF  }
0xb4: {  	_ =	strace $0x90000048  }
0xb5: {  	_ =	sfence  }
0xb6: {  	s30 =	sld [smem:$0x0];
	_ =	sdelay $0x2  }
0xb7: {  	s31 =	sshll.u32 s1, $0xD;
	s1 =	sshrl.u32 s1, $0x2  }
0xb8: {  	s3 =	sand.u32 $0x4000, s31;
	s1 =	sadd.s32 s1, s30  }
0xb9: {  	s0 =	sor.u32 s3, s0;
	s1 =	sshll.u32 s1, $0x11  }
0xba: {  	s0 =	sor.u32 s1, s0  }
0xbb: {  	s0 =	sadd.s32 $0x8F2B, s0  }
0xbc: {  	[sflag:s0] =	ssyncadd.remote.s32 $0x1  }
0xbd: {  	_ =	sfence.sel $0xFFFF  }
0xbe: {  	[dreg:$0x0] =	wrdreg $0xFFFFFFFF;
	(pc) =	sbr.abs _section_cstart, $3  }
0xbf: {  	[dreg:$0x1] =	wrdreg $0xFFFFFFFF  }
0xc0: {  	_ =	task.clear_ibuf [dreg:s6], $0x2FFFF;
	_ =	strace $0x9FFFFFFF  }
0xc1: {  	(tm) =	ssettm $0x7FFFFFFF  }
tec
execute0_lowered:
.L_overlay_start_1:
0x0: {  	(tag) =	ssettag $0x1  }
0x1: {  	s1 =	srdreg.scid;
	s0 =	stileid.u32  }
0x2: {  	s4 =	rddreg [dreg:$0x0];
	s2 =	simm.s32 $0x0;
	s8 =	simm.s32 $0x68  }
0x3: {  	s9 =	simm.s32 $0x6400;
	s10 =	simm.s32 $0x60;
	s11 =	simm.s32 $0x7E00  }
0x4: {  	s12 =	simm.s32 $0xC8;
	s13 =	simm.s32 $0x9600;
	s14 =	simm.s32 $0x130  }
0x5: {  	s15 =	simm.s32 $0xB000;
	s16 =	simm.s32 $0xC800;
	s17 =	simm.s32 $0xE200  }
0x6: {  	s18 =	simm.s32 $0xFA00;
	s19 =	simm.s32 $0x11400;
	s20 =	simm.s32 $0x1  }
0x7: {  	s21 =	simm.s32 $0x2;
	s22 =	simm.s32 $0x12C00;
	s23 =	simm.s32 $0x0  }
0x8: {  	s3 =	sand.u32 $0x1, s1;
	s5 =	sshll.u32 s0, $0x1;
	[smem:$0x7FF] =	sst s2  }
0x9: {  	s1 =	rddreg [dreg:$0x1];
	s5 =	sor.u32 s3, s5;
	_ =	strace $0x80000047  }
0xa: {  	s7 =	ssub.s32 $0x2, s3;
	s6 =	smul.u32 $0xC80, s5;
	s5 =	sshll.u32 s5, $0xC  }
0xb: {  	s3 =	sadd.s32 $0xF42E00, s4;
	s31 =	sshrl.u32 s7, $0x1;
	s5 =	sadd.s32 s5, s4  }
0xc: {  	s7 =	ssub.s32 s7, s31;
	s6 =	sadd.s32 s6, s4;
	s5 =	sadd.s32 $0x19A00, s5  }
0xd: {  	s4 =	sadd.s32 $0xA00, s6;
	s6 =	smax.u32 s7, $0x1;
	s7 =	simm.s32 $0x3  }
.LBB2_1:
0xe: {  	[tilespmem:s2], [sflag:$0x3] =	stream.linear.gather [hbm4b:s4+s2], $0x6400, $0x38;
	[tilespmem:$0x1AC00] =	vst v63  }
0xf: {  	_ =	swait.ge [sflag:s7], $0x6400  }
0x10: {  	[sflag:s7] =	ssyncset.done $0x0  }
0x11: {  	[sflag:s7] =	ssyncadd.s32 $0xFFFF9C00  }
0x12: {  	[tilespmem:s9], [sflag:$0x1] =	stream.indirect.gather [hbm4b:s3+s8], $0x40, s2, s8, $0xb8;
	[tilespmem:$0x1AC00] =	vst v63  }
0x13: {  	_ = 	snop  }
0x14: {  	[tilespmem:s11], [sflag:$0x1] =	stream.indirect.gather [hbm4b:s3+s10], $0x40, s8, s10, $0xb8;
	[tilespmem:$0x1AC00] =	vst v63  }
0x15: {  	_ = 	snop  }
0x16: {  	[tilespmem:s13], [sflag:$0x1] =	stream.indirect.gather [hbm4b:s3+s8], $0x40, s12, s8, $0xb8;
	[tilespmem:$0x1AC00] =	vst v63  }
0x17: {  	s24 =	simm.s32 $0x0  }
0x18: {  	[tilespmem:s15], [sflag:$0x1] =	stream.indirect.gather [hbm4b:s3+s10], $0x40, s14, s10, $0xb8;
	[tilespmem:$0x1AC00] =	vst v63  }
.LBB2_2:
0x19: {  	s25 =	sshllo.u32 s24, $0x1  }
0x1a: {  	s26 =	smul.u32 $0x640, s25;
	_ =	sdelay $0x1  }
0x1b: {  	s26 =	sshra.s32 s26, $0x2  }
0x1c: {  	[tilespmem:s16], [sflag:$0x2] =	stream.indirect.gather [hbm4b:s3+s8], $0x40, s26, s8, $0xb8;
	[tilespmem:$0x1AC00] =	vst v63  }
0x1d: {  	s28 =	sadd.s32 $0x68, s26  }
0x1e: {  	[tilespmem:s17], [sflag:$0x2] =	stream.indirect.gather [hbm4b:s3+s10], $0x40, s28, s10, $0xb8;
	[tilespmem:$0x1AC00] =	vst v63  }
0x1f: {  	s28 =	sadd.s32 $0xC8, s26  }
0x20: {  	[tilespmem:s18], [sflag:$0x2] =	stream.indirect.gather [hbm4b:s3+s8], $0x40, s28, s8, $0xb8;
	[tilespmem:$0x1AC00] =	vst v63  }
0x21: {  	s26 =	sadd.s32 $0x130, s26  }
0x22: {  	[tilespmem:s19], [sflag:$0x2] =	stream.indirect.gather [hbm4b:s3+s10], $0x40, s26, s10, $0xb8;
	[tilespmem:$0x1AC00] =	vst v63  }
0x23: {  	_ =	swait.ge [sflag:s20], $0x1A00  }
0x24: {  	[sflag:s20] =	ssyncset.done $0x0  }
0x25: {  	[sflag:s20] =	ssyncadd.s32 $0xFFFFE600  }
0x26: {  	_ =	swait.ge [sflag:s20], $0x1800  }
0x27: {  	[sflag:s20] =	ssyncset.done $0x0  }
0x28: {  	[sflag:s20] =	ssyncadd.s32 $0xFFFFE800  }
0x29: {  	_ =	swait.ge [sflag:s20], $0x1A00  }
0x2a: {  	[sflag:s20] =	ssyncset.done $0x0  }
0x2b: {  	[sflag:s20] =	ssyncadd.s32 $0xFFFFE600  }
0x2c: {  	_ =	swait.ge [sflag:s20], $0x1800  }
0x2d: {  	[sflag:s20] =	ssyncset.done $0x0  }
0x2e: {  	s28 =	simm.s32 $0x64A0;
	[sflag:s20] =	ssyncadd.s32 $0xFFFFE800  }
0x2f: {  	v0 =	vld [tilespmem:s28+$0x60]  }
0x30: {  	v1 =	vld [tilespmem:s28+$0x70]  }
0x31: {  	v2 =	vld [tilespmem:s28+$0x20]  }
0x32: {  	v3 =	vld [tilespmem:s28+$0x30]  }
0x33: {  	v9 =	vld [tilespmem:s28+$0xFFFFFFE0]  }
0x34: {  	v12 =	vld [tilespmem:s28+$0xFFFFFFF0]  }
0x35: {  	v6 =	vld [tilespmem:s28+$0xFFFFFFA0]  }
0x36: {  	v8 =	vld [tilespmem:s28+$0xFFFFFFB0]  }
0x37: {  	v5 =	vld [tilespmem:s28+$0xFFFFFF60]  }
0x38: {  	v7 =	vld [tilespmem:s28+$0xFFFFFF70]  }
0x39: {  	v10 =	vld [tilespmem:s28+$0xFFFFFF80]  }
0x3a: {  	v11 =	vld [tilespmem:s28+$0xFFFFFF90]  }
0x3b: {  	v13 =	vld [tilespmem:s28+$0xFFFFFFC0]  }
0x3c: {  	v14 =	vld [tilespmem:s28+$0xFFFFFFD0]  }
0x3d: {  	v15 =	vimm.f32 $0.0e+00;
	v4 =	vld [tilespmem:s28+$0x0]  }
0x3e: {  	v16 =	vadd.f32 v5, v15;
	v17 =	vadd.f32 v7, v15;
	v7 =	vld [tilespmem:s28+$0x10]  }
0x3f: {  	v10 =	vadd.f32 v10, v15;
	v15 =	vadd.f32 v11, v15;
	v5 =	vld [tilespmem:s28+$0x40]  }
0x40: {  	v16 =	vadd.f32 v6, v16;
	v17 =	vadd.f32 v8, v17;
	v8 =	vld [tilespmem:s28+$0x50]  }
0x41: {  	v11 =	vadd.f32 v13, v10;
	v10 =	vadd.f32 v14, v15;
	v6 =	vld [tilespmem:s28+$0x80]  }
0x42: {  	s26 =	simm.s32 $0x0;
	v13 =	vadd.f32 v9, v16;
	v12 =	vadd.f32 v12, v17;
	v9 =	vld [tilespmem:s28+$0x90];
	s28 =	simm.s32 $0x65E0  }
.LBB2_3:
0x43: {  	v14 =	vld [tilespmem:s28+$0x60];
	v4 =	vadd.f32 v4, v11;
	v7 =	vadd.f32 v7, v10  }
0x44: {  	v10 =	vld [tilespmem:s28+$0x70];
	v11 =	vadd.f32 v2, v13;
	v12 =	vadd.f32 v3, v12  }
0x45: {  	v2 =	vld [tilespmem:s28+$0x20];
	v4 =	vadd.f32 v5, v4;
	v5 =	vadd.f32 v8, v7  }
0x46: {  	v3 =	vld [tilespmem:s28+$0x30];
	v7 =	vadd.f32 v0, v11;
	v8 =	vadd.f32 v1, v12  }
0x47: {  	v12 =	vld [tilespmem:s28+$0xFFFFFFE0];
	v6 =	vadd.f32 v6, v4;
	v5 =	vadd.f32 v9, v5  }
0x48: {  	v9 =	vld [tilespmem:s28+$0xFFFFFFF0];
	v0 =	vmov v14  }
0x49: {  	v11 =	vld [tilespmem:s28+$0xFFFFFFA0];
	v1 =	vmov v10  }
0x4a: {  	v10 =	vld [tilespmem:s28+$0xFFFFFFB0]  }
0x4b: {  	v13 =	vld [tilespmem:s28+$0xFFFFFF60]  }
0x4c: {  	v14 =	vld [tilespmem:s28+$0xFFFFFF70]  }
0x4d: {  	v15 =	vld [tilespmem:s28+$0xFFFFFF80]  }
0x4e: {  	s26 =	sadd.s32 $0x5, s26;
	v16 =	vld [tilespmem:s28+$0xFFFFFF90]  }
0x4f: {  	p0 =	slt.u32 s26, $0x2D;
	v17 =	vld [tilespmem:s28+$0xFFFFFFC0]  }
0x50: {  	v18 =	vld [tilespmem:s28+$0xFFFFFFD0]  }
0x51: {  	v4 =	vld [tilespmem:s28+$0x0]  }
.Ltmp0:
0x52: {  	v13 =	vadd.f32 v13, v7;
	v8 =	vadd.f32 v14, v8;
	v7 =	vld [tilespmem:s28+$0x10];
	(pc) =	sbr.rel @p0 .LBB2_3-.Ltmp0, $4  }
0x53: {  	v6 =	vadd.f32 v15, v6;
	v14 =	vadd.f32 v16, v5;
	v5 =	vld [tilespmem:s28+$0x40]  }
0x54: {  	v13 =	vadd.f32 v11, v13;
	v15 =	vadd.f32 v10, v8;
	v8 =	vld [tilespmem:s28+$0x50]  }
0x55: {  	v11 =	vadd.f32 v17, v6;
	v10 =	vadd.f32 v18, v14;
	v6 =	vld [tilespmem:s28+$0x80]  }
0x56: {  	v13 =	vadd.f32 v12, v13;
	v12 =	vadd.f32 v9, v15;
	v9 =	vld [tilespmem:s28+$0x90];
	s28 =	sadd.s32 $0x140, s28  }
0x57: {  	_ = 	snop  }
0x58: {  	v4 =	vadd.f32 v4, v11;
	v2 =	vadd.f32 v2, v13  }
0x59: {  	v7 =	vadd.f32 v7, v10;
	v3 =	vadd.f32 v3, v12  }
0x5a: {  	s26 =	sshll.u32 s24, $0xA;
	v4 =	vadd.f32 v5, v4;
	v0 =	vadd.f32 v0, v2  }
0x5b: {  	s26 =	sand.u32 $0x3FFFFC00, s26;
	v2 =	vadd.f32 v8, v7;
	v1 =	vadd.f32 v1, v3  }
0x5c: {  	v3 =	vadd.f32 v6, v4;
	[tilespmem:s26+$0x12C00] =	vst v0  }
0x5d: {  	v0 =	vadd.f32 v9, v2;
	[tilespmem:s26+$0x12C10] =	vst v1  }
0x5e: {  	[tilespmem:s26+$0x12C20] =	vst v3  }
0x5f: {  	s29 =	simm.s32 $0x71B0;
	[tilespmem:s26+$0x12C30] =	vst v0  }
0x60: {  	v0 =	vld [tilespmem:s29+$0xFFFFFFD0]  }
0x61: {  	v1 =	vld [tilespmem:s29+$0xFFFFFFE0]  }
0x62: {  	v2 =	vld [tilespmem:s29+$0xFFFFFF90]  }
0x63: {  	v3 =	vld [tilespmem:s29+$0xFFFFFFA0]  }
0x64: {  	v9 =	vld [tilespmem:s29+$0xFFFFFF50]  }
0x65: {  	v12 =	vld [tilespmem:s29+$0xFFFFFF60]  }
0x66: {  	v7 =	vld [tilespmem:s29+$0xFFFFFF10]  }
0x67: {  	v8 =	vld [tilespmem:s29+$0xFFFFFF20]  }
0x68: {  	v5 =	vld [tilespmem:s29+$0xFFFFFED0]  }
0x69: {  	v6 =	vld [tilespmem:s29+$0xFFFFFEE0]  }
0x6a: {  	v10 =	vld [tilespmem:s29+$0xFFFFFEF0]  }
0x6b: {  	v11 =	vld [tilespmem:s29+$0xFFFFFF00]  }
0x6c: {  	v13 =	vld [tilespmem:s29+$0xFFFFFF30]  }
0x6d: {  	v14 =	vld [tilespmem:s29+$0xFFFFFF40]  }
0x6e: {  	v15 =	vimm.f32 $0.0e+00;
	v4 =	vld [tilespmem:s29+$0xFFFFFF70]  }
0x6f: {  	v16 =	vadd.f32 v5, v15;
	v17 =	vadd.f32 v6, v15;
	v6 =	vld [tilespmem:s29+$0xFFFFFF80]  }
0x70: {  	v10 =	vadd.f32 v10, v15;
	v15 =	vadd.f32 v11, v15;
	v5 =	vld [tilespmem:s29+$0xFFFFFFB0]  }
0x71: {  	v16 =	vadd.f32 v7, v16;
	v17 =	vadd.f32 v8, v17;
	v8 =	vld [tilespmem:s29+$0xFFFFFFC0]  }
0x72: {  	v11 =	vadd.f32 v13, v10;
	v10 =	vadd.f32 v14, v15;
	v7 =	vld [tilespmem:s29+$0xFFFFFFF0]  }
0x73: {  	s28 =	simm.s32 $0x0;
	v13 =	vadd.f32 v9, v16;
	v12 =	vadd.f32 v12, v17;
	v9 =	vld [tilespmem:s29+$0x0];
	s29 =	simm.s32 $0x72F0  }
.LBB2_5:
0x74: {  	v14 =	vld [tilespmem:s29+$0xFFFFFFD0];
	v4 =	vadd.f32 v4, v11;
	v6 =	vadd.f32 v6, v10  }
0x75: {  	v10 =	vld [tilespmem:s29+$0xFFFFFFE0];
	v11 =	vadd.f32 v2, v13;
	v12 =	vadd.f32 v3, v12  }
0x76: {  	v2 =	vld [tilespmem:s29+$0xFFFFFF90];
	v4 =	vadd.f32 v5, v4;
	v5 =	vadd.f32 v8, v6  }
0x77: {  	v3 =	vld [tilespmem:s29+$0xFFFFFFA0];
	v6 =	vadd.f32 v0, v11;
	v8 =	vadd.f32 v1, v12  }
0x78: {  	v12 =	vld [tilespmem:s29+$0xFFFFFF50];
	v7 =	vadd.f32 v7, v4;
	v5 =	vadd.f32 v9, v5  }
0x79: {  	v9 =	vld [tilespmem:s29+$0xFFFFFF60];
	v0 =	vmov v14  }
0x7a: {  	v11 =	vld [tilespmem:s29+$0xFFFFFF10];
	v1 =	vmov v10  }
0x7b: {  	v10 =	vld [tilespmem:s29+$0xFFFFFF20]  }
0x7c: {  	v13 =	vld [tilespmem:s29+$0xFFFFFED0]  }
0x7d: {  	v14 =	vld [tilespmem:s29+$0xFFFFFEE0]  }
0x7e: {  	v15 =	vld [tilespmem:s29+$0xFFFFFEF0]  }
0x7f: {  	s28 =	sadd.s32 $0x5, s28;
	v16 =	vld [tilespmem:s29+$0xFFFFFF00]  }
0x80: {  	p0 =	slt.u32 s28, $0x2D;
	v17 =	vld [tilespmem:s29+$0xFFFFFF30]  }
0x81: {  	v18 =	vld [tilespmem:s29+$0xFFFFFF40]  }
0x82: {  	v4 =	vld [tilespmem:s29+$0xFFFFFF70]  }
.Ltmp1:
0x83: {  	v13 =	vadd.f32 v13, v6;
	v8 =	vadd.f32 v14, v8;
	v6 =	vld [tilespmem:s29+$0xFFFFFF80];
	(pc) =	sbr.rel @p0 .LBB2_5-.Ltmp1, $4  }
0x84: {  	v7 =	vadd.f32 v15, v7;
	v14 =	vadd.f32 v16, v5;
	v5 =	vld [tilespmem:s29+$0xFFFFFFB0]  }
0x85: {  	v13 =	vadd.f32 v11, v13;
	v15 =	vadd.f32 v10, v8;
	v8 =	vld [tilespmem:s29+$0xFFFFFFC0]  }
0x86: {  	v11 =	vadd.f32 v17, v7;
	v10 =	vadd.f32 v18, v14;
	v7 =	vld [tilespmem:s29+$0xFFFFFFF0]  }
0x87: {  	v13 =	vadd.f32 v12, v13;
	v12 =	vadd.f32 v9, v15;
	v9 =	vld [tilespmem:s29+$0x0];
	s29 =	sadd.s32 $0x140, s29  }
0x88: {  	_ = 	snop  }
0x89: {  	v4 =	vadd.f32 v4, v11;
	v2 =	vadd.f32 v2, v13  }
0x8a: {  	v6 =	vadd.f32 v6, v10;
	v3 =	vadd.f32 v3, v12  }
0x8b: {  	v4 =	vadd.f32 v5, v4;
	v0 =	vadd.f32 v0, v2  }
0x8c: {  	v2 =	vadd.f32 v8, v6;
	v1 =	vadd.f32 v1, v3  }
0x8d: {  	v3 =	vadd.f32 v7, v4;
	[tilespmem:s26+$0x12C40] =	vst v0  }
0x8e: {  	v0 =	vadd.f32 v9, v2;
	[tilespmem:s26+$0x12C50] =	vst v1  }
0x8f: {  	[tilespmem:s26+$0x12C60] =	vst v3  }
0x90: {  	s29 =	simm.s32 $0x7E30;
	[tilespmem:s26+$0x12C70] =	vst v0  }
0x91: {  	v0 =	vld [tilespmem:s29+$0xFFFFFFD0]  }
0x92: {  	v1 =	vld [tilespmem:s29+$0xFFFFFFE0]  }
0x93: {  	v2 =	vld [tilespmem:s29+$0xFFFFFF90]  }
0x94: {  	v3 =	vld [tilespmem:s29+$0xFFFFFFA0]  }
0x95: {  	v9 =	vld [tilespmem:s29+$0xFFFFFF50]  }
0x96: {  	v12 =	vld [tilespmem:s29+$0xFFFFFF60]  }
0x97: {  	v7 =	vld [tilespmem:s29+$0xFFFFFF10]  }
0x98: {  	v8 =	vld [tilespmem:s29+$0xFFFFFF20]  }
0x99: {  	v5 =	vld [tilespmem:s29+$0xFFFFFED0]  }
0x9a: {  	v6 =	vld [tilespmem:s29+$0xFFFFFEE0]  }
0x9b: {  	v10 =	vld [tilespmem:s29+$0xFFFFFEF0]  }
0x9c: {  	v11 =	vld [tilespmem:s29+$0xFFFFFF00]  }
0x9d: {  	v13 =	vld [tilespmem:s29+$0xFFFFFF30]  }
0x9e: {  	v14 =	vld [tilespmem:s29+$0xFFFFFF40]  }
0x9f: {  	v15 =	vimm.f32 $0.0e+00;
	v4 =	vld [tilespmem:s29+$0xFFFFFF70]  }
0xa0: {  	v16 =	vadd.f32 v5, v15;
	v17 =	vadd.f32 v6, v15;
	v6 =	vld [tilespmem:s29+$0xFFFFFF80]  }
0xa1: {  	v10 =	vadd.f32 v10, v15;
	v15 =	vadd.f32 v11, v15;
	v5 =	vld [tilespmem:s29+$0xFFFFFFB0]  }
0xa2: {  	v16 =	vadd.f32 v7, v16;
	v17 =	vadd.f32 v8, v17;
	v8 =	vld [tilespmem:s29+$0xFFFFFFC0]  }
0xa3: {  	v11 =	vadd.f32 v13, v10;
	v10 =	vadd.f32 v14, v15;
	v7 =	vld [tilespmem:s29+$0xFFFFFFF0]  }
0xa4: {  	s28 =	simm.s32 $0x0;
	v13 =	vadd.f32 v9, v16;
	v12 =	vadd.f32 v12, v17;
	v9 =	vld [tilespmem:s29+$0x0];
	s29 =	simm.s32 $0x7F70  }
.LBB2_7:
0xa5: {  	v14 =	vld [tilespmem:s29+$0xFFFFFFD0];
	v4 =	vadd.f32 v4, v11;
	v6 =	vadd.f32 v6, v10  }
0xa6: {  	v10 =	vld [tilespmem:s29+$0xFFFFFFE0];
	v11 =	vadd.f32 v2, v13;
	v12 =	vadd.f32 v3, v12  }
0xa7: {  	v2 =	vld [tilespmem:s29+$0xFFFFFF90];
	v4 =	vadd.f32 v5, v4;
	v5 =	vadd.f32 v8, v6  }
0xa8: {  	v3 =	vld [tilespmem:s29+$0xFFFFFFA0];
	v6 =	vadd.f32 v0, v11;
	v8 =	vadd.f32 v1, v12  }
0xa9: {  	v12 =	vld [tilespmem:s29+$0xFFFFFF50];
	v7 =	vadd.f32 v7, v4;
	v5 =	vadd.f32 v9, v5  }
0xaa: {  	v9 =	vld [tilespmem:s29+$0xFFFFFF60];
	v0 =	vmov v14  }
0xab: {  	v11 =	vld [tilespmem:s29+$0xFFFFFF10];
	v1 =	vmov v10  }
0xac: {  	v10 =	vld [tilespmem:s29+$0xFFFFFF20]  }
0xad: {  	v13 =	vld [tilespmem:s29+$0xFFFFFED0]  }
0xae: {  	v14 =	vld [tilespmem:s29+$0xFFFFFEE0]  }
0xaf: {  	v15 =	vld [tilespmem:s29+$0xFFFFFEF0]  }
0xb0: {  	s28 =	sadd.s32 $0x5, s28;
	v16 =	vld [tilespmem:s29+$0xFFFFFF00]  }
0xb1: {  	p0 =	slt.u32 s28, $0x2D;
	v17 =	vld [tilespmem:s29+$0xFFFFFF30]  }
0xb2: {  	v18 =	vld [tilespmem:s29+$0xFFFFFF40]  }
0xb3: {  	v4 =	vld [tilespmem:s29+$0xFFFFFF70]  }
.Ltmp2:
0xb4: {  	v13 =	vadd.f32 v13, v6;
	v8 =	vadd.f32 v14, v8;
	v6 =	vld [tilespmem:s29+$0xFFFFFF80];
	(pc) =	sbr.rel @p0 .LBB2_7-.Ltmp2, $4  }
0xb5: {  	v7 =	vadd.f32 v15, v7;
	v14 =	vadd.f32 v16, v5;
	v5 =	vld [tilespmem:s29+$0xFFFFFFB0]  }
0xb6: {  	v13 =	vadd.f32 v11, v13;
	v15 =	vadd.f32 v10, v8;
	v8 =	vld [tilespmem:s29+$0xFFFFFFC0]  }
0xb7: {  	v11 =	vadd.f32 v17, v7;
	v10 =	vadd.f32 v18, v14;
	v7 =	vld [tilespmem:s29+$0xFFFFFFF0]  }
0xb8: {  	v13 =	vadd.f32 v12, v13;
	v12 =	vadd.f32 v9, v15;
	v9 =	vld [tilespmem:s29+$0x0];
	s29 =	sadd.s32 $0x140, s29  }
0xb9: {  	_ = 	snop  }
0xba: {  	v4 =	vadd.f32 v4, v11;
	v2 =	vadd.f32 v2, v13  }
0xbb: {  	v6 =	vadd.f32 v6, v10;
	v3 =	vadd.f32 v3, v12  }
0xbc: {  	v4 =	vadd.f32 v5, v4;
	v0 =	vadd.f32 v0, v2  }
0xbd: {  	v2 =	vadd.f32 v8, v6;
	v1 =	vadd.f32 v1, v3  }
0xbe: {  	v3 =	vadd.f32 v7, v4;
	[tilespmem:s26+$0x12C80] =	vst v0  }
0xbf: {  	v0 =	vadd.f32 v9, v2;
	[tilespmem:s26+$0x12C90] =	vst v1  }
0xc0: {  	[tilespmem:s26+$0x12CA0] =	vst v3  }
0xc1: {  	s29 =	simm.s32 $0x8AB0;
	[tilespmem:s26+$0x12CB0] =	vst v0  }
0xc2: {  	v0 =	vld [tilespmem:s29+$0xFFFFFFD0]  }
0xc3: {  	v1 =	vld [tilespmem:s29+$0xFFFFFFE0]  }
0xc4: {  	v2 =	vld [tilespmem:s29+$0xFFFFFF90]  }
0xc5: {  	v3 =	vld [tilespmem:s29+$0xFFFFFFA0]  }
0xc6: {  	v9 =	vld [tilespmem:s29+$0xFFFFFF50]  }
0xc7: {  	v12 =	vld [tilespmem:s29+$0xFFFFFF60]  }
0xc8: {  	v7 =	vld [tilespmem:s29+$0xFFFFFF10]  }
0xc9: {  	v8 =	vld [tilespmem:s29+$0xFFFFFF20]  }
0xca: {  	v5 =	vld [tilespmem:s29+$0xFFFFFED0]  }
0xcb: {  	v6 =	vld [tilespmem:s29+$0xFFFFFEE0]  }
0xcc: {  	v10 =	vld [tilespmem:s29+$0xFFFFFEF0]  }
0xcd: {  	v11 =	vld [tilespmem:s29+$0xFFFFFF00]  }
0xce: {  	v13 =	vld [tilespmem:s29+$0xFFFFFF30]  }
0xcf: {  	v14 =	vld [tilespmem:s29+$0xFFFFFF40]  }
0xd0: {  	v15 =	vimm.f32 $0.0e+00;
	v4 =	vld [tilespmem:s29+$0xFFFFFF70]  }
0xd1: {  	v16 =	vadd.f32 v5, v15;
	v17 =	vadd.f32 v6, v15;
	v6 =	vld [tilespmem:s29+$0xFFFFFF80]  }
0xd2: {  	v10 =	vadd.f32 v10, v15;
	v15 =	vadd.f32 v11, v15;
	v5 =	vld [tilespmem:s29+$0xFFFFFFB0]  }
0xd3: {  	v16 =	vadd.f32 v7, v16;
	v17 =	vadd.f32 v8, v17;
	v8 =	vld [tilespmem:s29+$0xFFFFFFC0]  }
0xd4: {  	v11 =	vadd.f32 v13, v10;
	v10 =	vadd.f32 v14, v15;
	v7 =	vld [tilespmem:s29+$0xFFFFFFF0]  }
0xd5: {  	s28 =	simm.s32 $0x0;
	v13 =	vadd.f32 v9, v16;
	v12 =	vadd.f32 v12, v17;
	v9 =	vld [tilespmem:s29+$0x0];
	s29 =	simm.s32 $0x8BF0  }
.LBB2_9:
0xd6: {  	v14 =	vld [tilespmem:s29+$0xFFFFFFD0];
	v4 =	vadd.f32 v4, v11;
	v6 =	vadd.f32 v6, v10  }
0xd7: {  	v10 =	vld [tilespmem:s29+$0xFFFFFFE0];
	v11 =	vadd.f32 v2, v13;
	v12 =	vadd.f32 v3, v12  }
0xd8: {  	v2 =	vld [tilespmem:s29+$0xFFFFFF90];
	v4 =	vadd.f32 v5, v4;
	v5 =	vadd.f32 v8, v6  }
0xd9: {  	v3 =	vld [tilespmem:s29+$0xFFFFFFA0];
	v6 =	vadd.f32 v0, v11;
	v8 =	vadd.f32 v1, v12  }
0xda: {  	v12 =	vld [tilespmem:s29+$0xFFFFFF50];
	v7 =	vadd.f32 v7, v4;
	v5 =	vadd.f32 v9, v5  }
0xdb: {  	v9 =	vld [tilespmem:s29+$0xFFFFFF60];
	v0 =	vmov v14  }
0xdc: {  	v11 =	vld [tilespmem:s29+$0xFFFFFF10];
	v1 =	vmov v10  }
0xdd: {  	v10 =	vld [tilespmem:s29+$0xFFFFFF20]  }
0xde: {  	v13 =	vld [tilespmem:s29+$0xFFFFFED0]  }
0xdf: {  	v14 =	vld [tilespmem:s29+$0xFFFFFEE0]  }
0xe0: {  	v15 =	vld [tilespmem:s29+$0xFFFFFEF0]  }
0xe1: {  	s28 =	sadd.s32 $0x5, s28;
	v16 =	vld [tilespmem:s29+$0xFFFFFF00]  }
0xe2: {  	p0 =	slt.u32 s28, $0x2D;
	v17 =	vld [tilespmem:s29+$0xFFFFFF30]  }
0xe3: {  	v18 =	vld [tilespmem:s29+$0xFFFFFF40]  }
0xe4: {  	v4 =	vld [tilespmem:s29+$0xFFFFFF70]  }
.Ltmp3:
0xe5: {  	v13 =	vadd.f32 v13, v6;
	v8 =	vadd.f32 v14, v8;
	v6 =	vld [tilespmem:s29+$0xFFFFFF80];
	(pc) =	sbr.rel @p0 .LBB2_9-.Ltmp3, $4  }
0xe6: {  	v7 =	vadd.f32 v15, v7;
	v14 =	vadd.f32 v16, v5;
	v5 =	vld [tilespmem:s29+$0xFFFFFFB0]  }
0xe7: {  	v13 =	vadd.f32 v11, v13;
	v15 =	vadd.f32 v10, v8;
	v8 =	vld [tilespmem:s29+$0xFFFFFFC0]  }
0xe8: {  	v11 =	vadd.f32 v17, v7;
	v10 =	vadd.f32 v18, v14;
	v7 =	vld [tilespmem:s29+$0xFFFFFFF0]  }
0xe9: {  	v13 =	vadd.f32 v12, v13;
	v12 =	vadd.f32 v9, v15;
	v9 =	vld [tilespmem:s29+$0x0];
	s29 =	sadd.s32 $0x140, s29  }
0xea: {  	_ = 	snop  }
0xeb: {  	v4 =	vadd.f32 v4, v11;
	v2 =	vadd.f32 v2, v13  }
0xec: {  	v6 =	vadd.f32 v6, v10;
	v3 =	vadd.f32 v3, v12  }
0xed: {  	v4 =	vadd.f32 v5, v4;
	v0 =	vadd.f32 v0, v2  }
0xee: {  	v2 =	vadd.f32 v8, v6;
	v1 =	vadd.f32 v1, v3  }
0xef: {  	v3 =	vadd.f32 v7, v4;
	[tilespmem:s26+$0x12CC0] =	vst v0  }
0xf0: {  	v0 =	vadd.f32 v9, v2;
	[tilespmem:s26+$0x12CD0] =	vst v1  }
0xf1: {  	[tilespmem:s26+$0x12CE0] =	vst v3  }
0xf2: {  	s29 =	simm.s32 $0x9730;
	[tilespmem:s26+$0x12CF0] =	vst v0  }
0xf3: {  	v0 =	vld [tilespmem:s29+$0xFFFFFFD0]  }
0xf4: {  	v1 =	vld [tilespmem:s29+$0xFFFFFFE0]  }
0xf5: {  	v2 =	vld [tilespmem:s29+$0xFFFFFF90]  }
0xf6: {  	v3 =	vld [tilespmem:s29+$0xFFFFFFA0]  }
0xf7: {  	v9 =	vld [tilespmem:s29+$0xFFFFFF50]  }
0xf8: {  	v12 =	vld [tilespmem:s29+$0xFFFFFF60]  }
0xf9: {  	v7 =	vld [tilespmem:s29+$0xFFFFFF10]  }
0xfa: {  	v8 =	vld [tilespmem:s29+$0xFFFFFF20]  }
0xfb: {  	v5 =	vld [tilespmem:s29+$0xFFFFFED0]  }
0xfc: {  	v6 =	vld [tilespmem:s29+$0xFFFFFEE0]  }
0xfd: {  	v10 =	vld [tilespmem:s29+$0xFFFFFEF0]  }
0xfe: {  	v11 =	vld [tilespmem:s29+$0xFFFFFF00]  }
0xff: {  	v13 =	vld [tilespmem:s29+$0xFFFFFF30]  }
0x100: {  	v14 =	vld [tilespmem:s29+$0xFFFFFF40]  }
0x101: {  	v15 =	vimm.f32 $0.0e+00;
	v4 =	vld [tilespmem:s29+$0xFFFFFF70]  }
0x102: {  	v16 =	vadd.f32 v5, v15;
	v17 =	vadd.f32 v6, v15;
	v6 =	vld [tilespmem:s29+$0xFFFFFF80]  }
0x103: {  	v10 =	vadd.f32 v10, v15;
	v15 =	vadd.f32 v11, v15;
	v5 =	vld [tilespmem:s29+$0xFFFFFFB0]  }
0x104: {  	v16 =	vadd.f32 v7, v16;
	v17 =	vadd.f32 v8, v17;
	v8 =	vld [tilespmem:s29+$0xFFFFFFC0]  }
0x105: {  	v11 =	vadd.f32 v13, v10;
	v10 =	vadd.f32 v14, v15;
	v7 =	vld [tilespmem:s29+$0xFFFFFFF0]  }
0x106: {  	s28 =	simm.s32 $0x0;
	v13 =	vadd.f32 v9, v16;
	v12 =	vadd.f32 v12, v17;
	v9 =	vld [tilespmem:s29+$0x0];
	s29 =	simm.s32 $0x9870  }
.LBB2_11:
0x107: {  	v14 =	vld [tilespmem:s29+$0xFFFFFFD0];
	v4 =	vadd.f32 v4, v11;
	v6 =	vadd.f32 v6, v10  }
0x108: {  	v10 =	vld [tilespmem:s29+$0xFFFFFFE0];
	v11 =	vadd.f32 v2, v13;
	v12 =	vadd.f32 v3, v12  }
0x109: {  	v2 =	vld [tilespmem:s29+$0xFFFFFF90];
	v4 =	vadd.f32 v5, v4;
	v5 =	vadd.f32 v8, v6  }
0x10a: {  	v3 =	vld [tilespmem:s29+$0xFFFFFFA0];
	v6 =	vadd.f32 v0, v11;
	v8 =	vadd.f32 v1, v12  }
0x10b: {  	v12 =	vld [tilespmem:s29+$0xFFFFFF50];
	v7 =	vadd.f32 v7, v4;
	v5 =	vadd.f32 v9, v5  }
0x10c: {  	v9 =	vld [tilespmem:s29+$0xFFFFFF60];
	v0 =	vmov v14  }
0x10d: {  	v11 =	vld [tilespmem:s29+$0xFFFFFF10];
	v1 =	vmov v10  }
0x10e: {  	v10 =	vld [tilespmem:s29+$0xFFFFFF20]  }
0x10f: {  	v13 =	vld [tilespmem:s29+$0xFFFFFED0]  }
0x110: {  	v14 =	vld [tilespmem:s29+$0xFFFFFEE0]  }
0x111: {  	v15 =	vld [tilespmem:s29+$0xFFFFFEF0]  }
0x112: {  	s28 =	sadd.s32 $0x5, s28;
	v16 =	vld [tilespmem:s29+$0xFFFFFF00]  }
0x113: {  	p0 =	slt.u32 s28, $0x2D;
	v17 =	vld [tilespmem:s29+$0xFFFFFF30]  }
0x114: {  	v18 =	vld [tilespmem:s29+$0xFFFFFF40]  }
0x115: {  	v4 =	vld [tilespmem:s29+$0xFFFFFF70]  }
.Ltmp4:
0x116: {  	v13 =	vadd.f32 v13, v6;
	v8 =	vadd.f32 v14, v8;
	v6 =	vld [tilespmem:s29+$0xFFFFFF80];
	(pc) =	sbr.rel @p0 .LBB2_11-.Ltmp4, $4  }
0x117: {  	v7 =	vadd.f32 v15, v7;
	v14 =	vadd.f32 v16, v5;
	v5 =	vld [tilespmem:s29+$0xFFFFFFB0]  }
0x118: {  	v13 =	vadd.f32 v11, v13;
	v15 =	vadd.f32 v10, v8;
	v8 =	vld [tilespmem:s29+$0xFFFFFFC0]  }
0x119: {  	v11 =	vadd.f32 v17, v7;
	v10 =	vadd.f32 v18, v14;
	v7 =	vld [tilespmem:s29+$0xFFFFFFF0]  }
0x11a: {  	v13 =	vadd.f32 v12, v13;
	v12 =	vadd.f32 v9, v15;
	v9 =	vld [tilespmem:s29+$0x0];
	s29 =	sadd.s32 $0x140, s29  }
0x11b: {  	_ = 	snop  }
0x11c: {  	v4 =	vadd.f32 v4, v11;
	v2 =	vadd.f32 v2, v13  }
0x11d: {  	v6 =	vadd.f32 v6, v10;
	v3 =	vadd.f32 v3, v12  }
0x11e: {  	v4 =	vadd.f32 v5, v4;
	v0 =	vadd.f32 v0, v2  }
0x11f: {  	v2 =	vadd.f32 v8, v6;
	v1 =	vadd.f32 v1, v3  }
0x120: {  	v3 =	vadd.f32 v7, v4;
	[tilespmem:s26+$0x12D00] =	vst v0  }
0x121: {  	v0 =	vadd.f32 v9, v2;
	[tilespmem:s26+$0x12D10] =	vst v1  }
0x122: {  	[tilespmem:s26+$0x12D20] =	vst v3  }
0x123: {  	s29 =	simm.s32 $0xA3B0;
	[tilespmem:s26+$0x12D30] =	vst v0  }
0x124: {  	v0 =	vld [tilespmem:s29+$0xFFFFFFD0]  }
0x125: {  	v1 =	vld [tilespmem:s29+$0xFFFFFFE0]  }
0x126: {  	v2 =	vld [tilespmem:s29+$0xFFFFFF90]  }
0x127: {  	v3 =	vld [tilespmem:s29+$0xFFFFFFA0]  }
0x128: {  	v9 =	vld [tilespmem:s29+$0xFFFFFF50]  }
0x129: {  	v12 =	vld [tilespmem:s29+$0xFFFFFF60]  }
0x12a: {  	v7 =	vld [tilespmem:s29+$0xFFFFFF10]  }
0x12b: {  	v8 =	vld [tilespmem:s29+$0xFFFFFF20]  }
0x12c: {  	v5 =	vld [tilespmem:s29+$0xFFFFFED0]  }
0x12d: {  	v6 =	vld [tilespmem:s29+$0xFFFFFEE0]  }
0x12e: {  	v10 =	vld [tilespmem:s29+$0xFFFFFEF0]  }
0x12f: {  	v11 =	vld [tilespmem:s29+$0xFFFFFF00]  }
0x130: {  	v13 =	vld [tilespmem:s29+$0xFFFFFF30]  }
0x131: {  	v14 =	vld [tilespmem:s29+$0xFFFFFF40]  }
0x132: {  	v15 =	vimm.f32 $0.0e+00;
	v4 =	vld [tilespmem:s29+$0xFFFFFF70]  }
0x133: {  	v16 =	vadd.f32 v5, v15;
	v17 =	vadd.f32 v6, v15;
	v6 =	vld [tilespmem:s29+$0xFFFFFF80]  }
0x134: {  	v10 =	vadd.f32 v10, v15;
	v15 =	vadd.f32 v11, v15;
	v5 =	vld [tilespmem:s29+$0xFFFFFFB0]  }
0x135: {  	v16 =	vadd.f32 v7, v16;
	v17 =	vadd.f32 v8, v17;
	v8 =	vld [tilespmem:s29+$0xFFFFFFC0]  }
0x136: {  	v11 =	vadd.f32 v13, v10;
	v10 =	vadd.f32 v14, v15;
	v7 =	vld [tilespmem:s29+$0xFFFFFFF0]  }
0x137: {  	s28 =	simm.s32 $0x0;
	v13 =	vadd.f32 v9, v16;
	v12 =	vadd.f32 v12, v17;
	v9 =	vld [tilespmem:s29+$0x0];
	s29 =	simm.s32 $0xA4F0  }
.LBB2_13:
0x138: {  	v14 =	vld [tilespmem:s29+$0xFFFFFFD0];
	v4 =	vadd.f32 v4, v11;
	v6 =	vadd.f32 v6, v10  }
0x139: {  	v10 =	vld [tilespmem:s29+$0xFFFFFFE0];
	v11 =	vadd.f32 v2, v13;
	v12 =	vadd.f32 v3, v12  }
0x13a: {  	v2 =	vld [tilespmem:s29+$0xFFFFFF90];
	v4 =	vadd.f32 v5, v4;
	v5 =	vadd.f32 v8, v6  }
0x13b: {  	v3 =	vld [tilespmem:s29+$0xFFFFFFA0];
	v6 =	vadd.f32 v0, v11;
	v8 =	vadd.f32 v1, v12  }
0x13c: {  	v12 =	vld [tilespmem:s29+$0xFFFFFF50];
	v7 =	vadd.f32 v7, v4;
	v5 =	vadd.f32 v9, v5  }
0x13d: {  	v9 =	vld [tilespmem:s29+$0xFFFFFF60];
	v0 =	vmov v14  }
0x13e: {  	v11 =	vld [tilespmem:s29+$0xFFFFFF10];
	v1 =	vmov v10  }
0x13f: {  	v10 =	vld [tilespmem:s29+$0xFFFFFF20]  }
0x140: {  	v13 =	vld [tilespmem:s29+$0xFFFFFED0]  }
0x141: {  	v14 =	vld [tilespmem:s29+$0xFFFFFEE0]  }
0x142: {  	v15 =	vld [tilespmem:s29+$0xFFFFFEF0]  }
0x143: {  	s28 =	sadd.s32 $0x5, s28;
	v16 =	vld [tilespmem:s29+$0xFFFFFF00]  }
0x144: {  	p0 =	slt.u32 s28, $0x2D;
	v17 =	vld [tilespmem:s29+$0xFFFFFF30]  }
0x145: {  	v18 =	vld [tilespmem:s29+$0xFFFFFF40]  }
0x146: {  	v4 =	vld [tilespmem:s29+$0xFFFFFF70]  }
.Ltmp5:
0x147: {  	v13 =	vadd.f32 v13, v6;
	v8 =	vadd.f32 v14, v8;
	v6 =	vld [tilespmem:s29+$0xFFFFFF80];
	(pc) =	sbr.rel @p0 .LBB2_13-.Ltmp5, $4  }
0x148: {  	v7 =	vadd.f32 v15, v7;
	v14 =	vadd.f32 v16, v5;
	v5 =	vld [tilespmem:s29+$0xFFFFFFB0]  }
0x149: {  	v13 =	vadd.f32 v11, v13;
	v15 =	vadd.f32 v10, v8;
	v8 =	vld [tilespmem:s29+$0xFFFFFFC0]  }
0x14a: {  	v11 =	vadd.f32 v17, v7;
	v10 =	vadd.f32 v18, v14;
	v7 =	vld [tilespmem:s29+$0xFFFFFFF0]  }
0x14b: {  	v13 =	vadd.f32 v12, v13;
	v12 =	vadd.f32 v9, v15;
	v9 =	vld [tilespmem:s29+$0x0];
	s29 =	sadd.s32 $0x140, s29  }
0x14c: {  	_ = 	snop  }
0x14d: {  	v4 =	vadd.f32 v4, v11;
	v2 =	vadd.f32 v2, v13  }
0x14e: {  	v6 =	vadd.f32 v6, v10;
	v3 =	vadd.f32 v3, v12  }
0x14f: {  	v4 =	vadd.f32 v5, v4;
	v0 =	vadd.f32 v0, v2  }
0x150: {  	v2 =	vadd.f32 v8, v6;
	v1 =	vadd.f32 v1, v3  }
0x151: {  	v3 =	vadd.f32 v7, v4;
	[tilespmem:s26+$0x12D40] =	vst v0  }
0x152: {  	v0 =	vadd.f32 v9, v2;
	[tilespmem:s26+$0x12D50] =	vst v1  }
0x153: {  	[tilespmem:s26+$0x12D60] =	vst v3  }
0x154: {  	s29 =	simm.s32 $0xAF00;
	[tilespmem:s26+$0x12D70] =	vst v0  }
0x155: {  	v0 =	vld [tilespmem:s29+$0x100]  }
0x156: {  	v1 =	vld [tilespmem:s29+$0x110]  }
0x157: {  	v2 =	vld [tilespmem:s29+$0xC0]  }
0x158: {  	v3 =	vld [tilespmem:s29+$0xD0]  }
0x159: {  	v9 =	vld [tilespmem:s29+$0x80]  }
0x15a: {  	v12 =	vld [tilespmem:s29+$0x90]  }
0x15b: {  	v7 =	vld [tilespmem:s29+$0x40]  }
0x15c: {  	v8 =	vld [tilespmem:s29+$0x50]  }
0x15d: {  	v5 =	vld [tilespmem:s29+$0x0]  }
0x15e: {  	v6 =	vld [tilespmem:s29+$0x10]  }
0x15f: {  	v10 =	vld [tilespmem:s29+$0x20]  }
0x160: {  	v11 =	vld [tilespmem:s29+$0x30]  }
0x161: {  	v13 =	vld [tilespmem:s29+$0x60]  }
0x162: {  	v14 =	vld [tilespmem:s29+$0x70]  }
0x163: {  	v15 =	vimm.f32 $0.0e+00;
	v4 =	vld [tilespmem:s29+$0xA0]  }
0x164: {  	v16 =	vadd.f32 v5, v15;
	v17 =	vadd.f32 v6, v15;
	v6 =	vld [tilespmem:s29+$0xB0]  }
0x165: {  	v10 =	vadd.f32 v10, v15;
	v15 =	vadd.f32 v11, v15;
	v5 =	vld [tilespmem:s29+$0xE0]  }
0x166: {  	v16 =	vadd.f32 v7, v16;
	v17 =	vadd.f32 v8, v17;
	v8 =	vld [tilespmem:s29+$0xF0]  }
0x167: {  	v11 =	vadd.f32 v13, v10;
	v10 =	vadd.f32 v14, v15;
	v7 =	vld [tilespmem:s29+$0x120]  }
0x168: {  	s28 =	simm.s32 $0x0;
	v13 =	vadd.f32 v9, v16;
	v12 =	vadd.f32 v12, v17;
	v9 =	vld [tilespmem:s29+$0x130];
	s29 =	simm.s32 $0xB040  }
.LBB2_15:
0x169: {  	v14 =	vld [tilespmem:s29+$0x100];
	v4 =	vadd.f32 v4, v11;
	v6 =	vadd.f32 v6, v10  }
0x16a: {  	v10 =	vld [tilespmem:s29+$0x110];
	v11 =	vadd.f32 v2, v13;
	v12 =	vadd.f32 v3, v12  }
0x16b: {  	v2 =	vld [tilespmem:s29+$0xC0];
	v4 =	vadd.f32 v5, v4;
	v5 =	vadd.f32 v8, v6  }
0x16c: {  	v3 =	vld [tilespmem:s29+$0xD0];
	v6 =	vadd.f32 v0, v11;
	v8 =	vadd.f32 v1, v12  }
0x16d: {  	v12 =	vld [tilespmem:s29+$0x80];
	v7 =	vadd.f32 v7, v4;
	v5 =	vadd.f32 v9, v5  }
0x16e: {  	v9 =	vld [tilespmem:s29+$0x90];
	v0 =	vmov v14  }
0x16f: {  	v11 =	vld [tilespmem:s29+$0x40];
	v1 =	vmov v10  }
0x170: {  	v10 =	vld [tilespmem:s29+$0x50]  }
0x171: {  	v13 =	vld [tilespmem:s29+$0x0]  }
0x172: {  	v14 =	vld [tilespmem:s29+$0x10]  }
0x173: {  	v15 =	vld [tilespmem:s29+$0x20]  }
0x174: {  	s28 =	sadd.s32 $0x5, s28;
	v16 =	vld [tilespmem:s29+$0x30]  }
0x175: {  	p0 =	slt.u32 s28, $0x2D;
	v17 =	vld [tilespmem:s29+$0x60]  }
0x176: {  	v18 =	vld [tilespmem:s29+$0x70]  }
0x177: {  	v4 =	vld [tilespmem:s29+$0xA0]  }
.Ltmp6:
0x178: {  	v13 =	vadd.f32 v13, v6;
	v8 =	vadd.f32 v14, v8;
	v6 =	vld [tilespmem:s29+$0xB0];
	(pc) =	sbr.rel @p0 .LBB2_15-.Ltmp6, $4  }
0x179: {  	v7 =	vadd.f32 v15, v7;
	v14 =	vadd.f32 v16, v5;
	v5 =	vld [tilespmem:s29+$0xE0]  }
0x17a: {  	v13 =	vadd.f32 v11, v13;
	v15 =	vadd.f32 v10, v8;
	v8 =	vld [tilespmem:s29+$0xF0]  }
0x17b: {  	v11 =	vadd.f32 v17, v7;
	v10 =	vadd.f32 v18, v14;
	v7 =	vld [tilespmem:s29+$0x120]  }
0x17c: {  	v13 =	vadd.f32 v12, v13;
	v12 =	vadd.f32 v9, v15;
	v9 =	vld [tilespmem:s29+$0x130];
	s29 =	sadd.s32 $0x140, s29  }
0x17d: {  	_ = 	snop  }
0x17e: {  	v4 =	vadd.f32 v4, v11;
	v2 =	vadd.f32 v2, v13  }
0x17f: {  	v6 =	vadd.f32 v6, v10;
	v3 =	vadd.f32 v3, v12  }
0x180: {  	v4 =	vadd.f32 v5, v4;
	v0 =	vadd.f32 v0, v2  }
0x181: {  	v2 =	vadd.f32 v8, v6;
	v1 =	vadd.f32 v1, v3  }
0x182: {  	v3 =	vadd.f32 v7, v4;
	[tilespmem:s26+$0x12D80] =	vst v0  }
0x183: {  	v0 =	vadd.f32 v9, v2;
	[tilespmem:s26+$0x12D90] =	vst v1  }
0x184: {  	[tilespmem:s26+$0x12DA0] =	vst v3  }
0x185: {  	s29 =	simm.s32 $0xBB80;
	[tilespmem:s26+$0x12DB0] =	vst v0  }
0x186: {  	v0 =	vld [tilespmem:s29+$0x100]  }
0x187: {  	v1 =	vld [tilespmem:s29+$0x110]  }
0x188: {  	v2 =	vld [tilespmem:s29+$0xC0]  }
0x189: {  	v3 =	vld [tilespmem:s29+$0xD0]  }
0x18a: {  	v9 =	vld [tilespmem:s29+$0x80]  }
0x18b: {  	v12 =	vld [tilespmem:s29+$0x90]  }
0x18c: {  	v6 =	vld [tilespmem:s29+$0x40]  }
0x18d: {  	v8 =	vld [tilespmem:s29+$0x50]  }
0x18e: {  	v5 =	vld [tilespmem:s29+$0x0]  }
0x18f: {  	v7 =	vld [tilespmem:s29+$0x10]  }
0x190: {  	v10 =	vld [tilespmem:s29+$0x20]  }
0x191: {  	v11 =	vld [tilespmem:s29+$0x30]  }
0x192: {  	v13 =	vld [tilespmem:s29+$0x60]  }
0x193: {  	v14 =	vld [tilespmem:s29+$0x70]  }
0x194: {  	v15 =	vimm.f32 $0.0e+00;
	v4 =	vld [tilespmem:s29+$0xA0]  }
0x195: {  	v16 =	vadd.f32 v5, v15;
	v17 =	vadd.f32 v7, v15;
	v7 =	vld [tilespmem:s29+$0xB0]  }
0x196: {  	v10 =	vadd.f32 v10, v15;
	v15 =	vadd.f32 v11, v15;
	v5 =	vld [tilespmem:s29+$0xE0]  }
0x197: {  	v16 =	vadd.f32 v6, v16;
	v17 =	vadd.f32 v8, v17;
	v8 =	vld [tilespmem:s29+$0xF0]  }
0x198: {  	v11 =	vadd.f32 v13, v10;
	v10 =	vadd.f32 v14, v15;
	v6 =	vld [tilespmem:s29+$0x120]  }
0x199: {  	s28 =	simm.s32 $0x0;
	v13 =	vadd.f32 v9, v16;
	v12 =	vadd.f32 v12, v17;
	v9 =	vld [tilespmem:s29+$0x130];
	s29 =	simm.s32 $0xBCC0  }
.LBB2_17:
0x19a: {  	v14 =	vld [tilespmem:s29+$0x100];
	v4 =	vadd.f32 v4, v11;
	v7 =	vadd.f32 v7, v10  }
0x19b: {  	v10 =	vld [tilespmem:s29+$0x110];
	v11 =	vadd.f32 v2, v13;
	v12 =	vadd.f32 v3, v12  }
0x19c: {  	v2 =	vld [tilespmem:s29+$0xC0];
	v4 =	vadd.f32 v5, v4;
	v5 =	vadd.f32 v8, v7  }
0x19d: {  	v3 =	vld [tilespmem:s29+$0xD0];
	v7 =	vadd.f32 v0, v11;
	v8 =	vadd.f32 v1, v12  }
0x19e: {  	v12 =	vld [tilespmem:s29+$0x80];
	v6 =	vadd.f32 v6, v4;
	v5 =	vadd.f32 v9, v5  }
0x19f: {  	v9 =	vld [tilespmem:s29+$0x90];
	v0 =	vmov v14  }
0x1a0: {  	v11 =	vld [tilespmem:s29+$0x40];
	v1 =	vmov v10  }
0x1a1: {  	v10 =	vld [tilespmem:s29+$0x50]  }
0x1a2: {  	v13 =	vld [tilespmem:s29+$0x0]  }
0x1a3: {  	v14 =	vld [tilespmem:s29+$0x10]  }
0x1a4: {  	v15 =	vld [tilespmem:s29+$0x20]  }
0x1a5: {  	s28 =	sadd.s32 $0x5, s28;
	v16 =	vld [tilespmem:s29+$0x30]  }
0x1a6: {  	p0 =	slt.u32 s28, $0x2D;
	v17 =	vld [tilespmem:s29+$0x60]  }
0x1a7: {  	v18 =	vld [tilespmem:s29+$0x70]  }
0x1a8: {  	v4 =	vld [tilespmem:s29+$0xA0]  }
.Ltmp7:
0x1a9: {  	v13 =	vadd.f32 v13, v7;
	v8 =	vadd.f32 v14, v8;
	v7 =	vld [tilespmem:s29+$0xB0];
	(pc) =	sbr.rel @p0 .LBB2_17-.Ltmp7, $4  }
0x1aa: {  	v6 =	vadd.f32 v15, v6;
	v14 =	vadd.f32 v16, v5;
	v5 =	vld [tilespmem:s29+$0xE0]  }
0x1ab: {  	v13 =	vadd.f32 v11, v13;
	v15 =	vadd.f32 v10, v8;
	v8 =	vld [tilespmem:s29+$0xF0]  }
0x1ac: {  	v11 =	vadd.f32 v17, v6;
	v10 =	vadd.f32 v18, v14;
	v6 =	vld [tilespmem:s29+$0x120]  }
0x1ad: {  	v13 =	vadd.f32 v12, v13;
	v12 =	vadd.f32 v9, v15;
	v9 =	vld [tilespmem:s29+$0x130];
	s29 =	sadd.s32 $0x140, s29  }
0x1ae: {  	_ = 	snop  }
0x1af: {  	v4 =	vadd.f32 v4, v11;
	v2 =	vadd.f32 v2, v13  }
0x1b0: {  	v7 =	vadd.f32 v7, v10;
	v3 =	vadd.f32 v3, v12  }
0x1b1: {  	v4 =	vadd.f32 v5, v4;
	v0 =	vadd.f32 v0, v2  }
0x1b2: {  	p0 =	seq.s32 s24, $0x1F;
	v2 =	vadd.f32 v8, v7;
	v1 =	vadd.f32 v1, v3  }
0x1b3: {  	s28 =	smul.u32 @!p0 $0xC80, s24;
	v3 =	vadd.f32 v6, v4;
	[tilespmem:s26+$0x12DC0] =	vst v0  }
0x1b4: {  	v0 =	vadd.f32 v9, v2;
	[tilespmem:s26+$0x12DD0] =	vst v1  }
0x1b5: {  	s28 =	sshra.s32 @!p0 s28, $0x2;
	[tilespmem:s26+$0x12DE0] =	vst v3  }
0x1b6: {  	s29 =	simm.s32 @!p0 $0x68;
	s30 =	simm.s32 @!p0 $0x6400;
	[tilespmem:s26+$0x12DF0] =	vst v0;
	s26 =	sadd.s32 @!p0 $0x320, s28  }
0x1b7: {  	[tilespmem:s30], [sflag:$0x1] =	stream.indirect.gather @!p0 [hbm4b:s3+s29], $0x40, s26, s29, $0xb8;
	[tilespmem:$0x1AC00] =	vst v63  }
0x1b8: {  	s31 =	simm.s32 @!p0 $0x7E00;
	s26 =	sadd.s32 @!p0 $0x388, s28;
	s30 =	simm.s32 @!p0 $0x60  }
0x1b9: {  	[tilespmem:s31], [sflag:$0x1] =	stream.indirect.gather @!p0 [hbm4b:s3+s30], $0x40, s26, s30, $0xb8;
	[tilespmem:$0x1AC00] =	vst v63  }
0x1ba: {  	s26 =	sadd.s32 @!p0 $0x3E8, s28;
	s31 =	simm.s32 @!p0 $0x9600  }
0x1bb: {  	[tilespmem:s31], [sflag:$0x1] =	stream.indirect.gather @!p0 [hbm4b:s3+s29], $0x40, s26, s29, $0xb8;
	[tilespmem:$0x1AC00] =	vst v63  }
0x1bc: {  	s26 =	sadd.s32 @!p0 $0x450, s28;
	s28 =	simm.s32 @!p0 $0xB000  }
0x1bd: {  	[tilespmem:s28], [sflag:$0x1] =	stream.indirect.gather @!p0 [hbm4b:s3+s30], $0x40, s26, s30, $0xb8;
	[tilespmem:$0x1AC00] =	vst v63  }
0x1be: {  	_ =	swait.ge [sflag:s21], $0x1A00  }
0x1bf: {  	[sflag:s21] =	ssyncset.done $0x0  }
0x1c0: {  	[sflag:s21] =	ssyncadd.s32 $0xFFFFE600  }
0x1c1: {  	_ =	swait.ge [sflag:s21], $0x1800  }
0x1c2: {  	[sflag:s21] =	ssyncset.done $0x0  }
0x1c3: {  	[sflag:s21] =	ssyncadd.s32 $0xFFFFE800  }
0x1c4: {  	_ =	swait.ge [sflag:s21], $0x1A00  }
0x1c5: {  	[sflag:s21] =	ssyncset.done $0x0  }
0x1c6: {  	[sflag:s21] =	ssyncadd.s32 $0xFFFFE600  }
0x1c7: {  	_ =	swait.ge [sflag:s21], $0x1800  }
0x1c8: {  	[sflag:s21] =	ssyncset.done $0x0  }
0x1c9: {  	s28 =	simm.s32 $0xC8A0;
	[sflag:s21] =	ssyncadd.s32 $0xFFFFE800  }
0x1ca: {  	v0 =	vld [tilespmem:s28+$0x60]  }
0x1cb: {  	v1 =	vld [tilespmem:s28+$0x70]  }
0x1cc: {  	v2 =	vld [tilespmem:s28+$0x20]  }
0x1cd: {  	v3 =	vld [tilespmem:s28+$0x30]  }
0x1ce: {  	v9 =	vld [tilespmem:s28+$0xFFFFFFE0]  }
0x1cf: {  	v12 =	vld [tilespmem:s28+$0xFFFFFFF0]  }
0x1d0: {  	v6 =	vld [tilespmem:s28+$0xFFFFFFA0]  }
0x1d1: {  	v8 =	vld [tilespmem:s28+$0xFFFFFFB0]  }
0x1d2: {  	v5 =	vld [tilespmem:s28+$0xFFFFFF60]  }
0x1d3: {  	v7 =	vld [tilespmem:s28+$0xFFFFFF70]  }
0x1d4: {  	v10 =	vld [tilespmem:s28+$0xFFFFFF80]  }
0x1d5: {  	v11 =	vld [tilespmem:s28+$0xFFFFFF90]  }
0x1d6: {  	v13 =	vld [tilespmem:s28+$0xFFFFFFC0]  }
0x1d7: {  	v14 =	vld [tilespmem:s28+$0xFFFFFFD0]  }
0x1d8: {  	v15 =	vimm.f32 $0.0e+00;
	v4 =	vld [tilespmem:s28+$0x0]  }
0x1d9: {  	v16 =	vadd.f32 v5, v15;
	v17 =	vadd.f32 v7, v15;
	v7 =	vld [tilespmem:s28+$0x10]  }
0x1da: {  	v10 =	vadd.f32 v10, v15;
	v15 =	vadd.f32 v11, v15;
	v5 =	vld [tilespmem:s28+$0x40]  }
0x1db: {  	v16 =	vadd.f32 v6, v16;
	v17 =	vadd.f32 v8, v17;
	v8 =	vld [tilespmem:s28+$0x50]  }
0x1dc: {  	v11 =	vadd.f32 v13, v10;
	v10 =	vadd.f32 v14, v15;
	v6 =	vld [tilespmem:s28+$0x80]  }
0x1dd: {  	s26 =	simm.s32 $0x0;
	v13 =	vadd.f32 v9, v16;
	v12 =	vadd.f32 v12, v17;
	v9 =	vld [tilespmem:s28+$0x90];
	s28 =	simm.s32 $0xC9E0  }
.LBB2_19:
0x1de: {  	v14 =	vld [tilespmem:s28+$0x60];
	v4 =	vadd.f32 v4, v11;
	v7 =	vadd.f32 v7, v10  }
0x1df: {  	v10 =	vld [tilespmem:s28+$0x70];
	v11 =	vadd.f32 v2, v13;
	v12 =	vadd.f32 v3, v12  }
0x1e0: {  	v2 =	vld [tilespmem:s28+$0x20];
	v4 =	vadd.f32 v5, v4;
	v5 =	vadd.f32 v8, v7  }
0x1e1: {  	v3 =	vld [tilespmem:s28+$0x30];
	v7 =	vadd.f32 v0, v11;
	v8 =	vadd.f32 v1, v12  }
0x1e2: {  	v12 =	vld [tilespmem:s28+$0xFFFFFFE0];
	v6 =	vadd.f32 v6, v4;
	v5 =	vadd.f32 v9, v5  }
0x1e3: {  	v9 =	vld [tilespmem:s28+$0xFFFFFFF0];
	v0 =	vmov v14  }
0x1e4: {  	v11 =	vld [tilespmem:s28+$0xFFFFFFA0];
	v1 =	vmov v10  }
0x1e5: {  	v10 =	vld [tilespmem:s28+$0xFFFFFFB0]  }
0x1e6: {  	v13 =	vld [tilespmem:s28+$0xFFFFFF60]  }
0x1e7: {  	v14 =	vld [tilespmem:s28+$0xFFFFFF70]  }
0x1e8: {  	v15 =	vld [tilespmem:s28+$0xFFFFFF80]  }
0x1e9: {  	s26 =	sadd.s32 $0x5, s26;
	v16 =	vld [tilespmem:s28+$0xFFFFFF90]  }
0x1ea: {  	p0 =	slt.u32 s26, $0x2D;
	v17 =	vld [tilespmem:s28+$0xFFFFFFC0]  }
0x1eb: {  	v18 =	vld [tilespmem:s28+$0xFFFFFFD0]  }
0x1ec: {  	v4 =	vld [tilespmem:s28+$0x0]  }
.Ltmp8:
0x1ed: {  	v13 =	vadd.f32 v13, v7;
	v8 =	vadd.f32 v14, v8;
	v7 =	vld [tilespmem:s28+$0x10];
	(pc) =	sbr.rel @p0 .LBB2_19-.Ltmp8, $4  }
0x1ee: {  	v6 =	vadd.f32 v15, v6;
	v14 =	vadd.f32 v16, v5;
	v5 =	vld [tilespmem:s28+$0x40]  }
0x1ef: {  	v13 =	vadd.f32 v11, v13;
	v15 =	vadd.f32 v10, v8;
	v8 =	vld [tilespmem:s28+$0x50]  }
0x1f0: {  	v11 =	vadd.f32 v17, v6;
	v10 =	vadd.f32 v18, v14;
	v6 =	vld [tilespmem:s28+$0x80]  }
0x1f1: {  	v13 =	vadd.f32 v12, v13;
	v12 =	vadd.f32 v9, v15;
	v9 =	vld [tilespmem:s28+$0x90];
	s28 =	sadd.s32 $0x140, s28  }
0x1f2: {  	_ = 	snop  }
0x1f3: {  	v4 =	vadd.f32 v4, v11;
	v2 =	vadd.f32 v2, v13  }
0x1f4: {  	v7 =	vadd.f32 v7, v10;
	v3 =	vadd.f32 v3, v12  }
0x1f5: {  	s25 =	sshll.u32 s25, $0x9;
	v4 =	vadd.f32 v5, v4;
	v0 =	vadd.f32 v0, v2  }
0x1f6: {  	s25 =	sand.u32 $0x3FFFFE00, s25;
	v2 =	vadd.f32 v8, v7;
	v1 =	vadd.f32 v1, v3  }
0x1f7: {  	v3 =	vadd.f32 v6, v4;
	[tilespmem:s25+$0x12C00] =	vst v0  }
0x1f8: {  	v0 =	vadd.f32 v9, v2;
	[tilespmem:s25+$0x12C10] =	vst v1  }
0x1f9: {  	[tilespmem:s25+$0x12C20] =	vst v3  }
0x1fa: {  	s28 =	simm.s32 $0xD5B0;
	[tilespmem:s25+$0x12C30] =	vst v0  }
0x1fb: {  	v0 =	vld [tilespmem:s28+$0xFFFFFFD0]  }
0x1fc: {  	v1 =	vld [tilespmem:s28+$0xFFFFFFE0]  }
0x1fd: {  	v2 =	vld [tilespmem:s28+$0xFFFFFF90]  }
0x1fe: {  	v3 =	vld [tilespmem:s28+$0xFFFFFFA0]  }
0x1ff: {  	v9 =	vld [tilespmem:s28+$0xFFFFFF50]  }
0x200: {  	v12 =	vld [tilespmem:s28+$0xFFFFFF60]  }
0x201: {  	v7 =	vld [tilespmem:s28+$0xFFFFFF10]  }
0x202: {  	v8 =	vld [tilespmem:s28+$0xFFFFFF20]  }
0x203: {  	v5 =	vld [tilespmem:s28+$0xFFFFFED0]  }
0x204: {  	v6 =	vld [tilespmem:s28+$0xFFFFFEE0]  }
0x205: {  	v10 =	vld [tilespmem:s28+$0xFFFFFEF0]  }
0x206: {  	v11 =	vld [tilespmem:s28+$0xFFFFFF00]  }
0x207: {  	v13 =	vld [tilespmem:s28+$0xFFFFFF30]  }
0x208: {  	v14 =	vld [tilespmem:s28+$0xFFFFFF40]  }
0x209: {  	v15 =	vimm.f32 $0.0e+00;
	v4 =	vld [tilespmem:s28+$0xFFFFFF70]  }
0x20a: {  	v16 =	vadd.f32 v5, v15;
	v17 =	vadd.f32 v6, v15;
	v6 =	vld [tilespmem:s28+$0xFFFFFF80]  }
0x20b: {  	v10 =	vadd.f32 v10, v15;
	v15 =	vadd.f32 v11, v15;
	v5 =	vld [tilespmem:s28+$0xFFFFFFB0]  }
0x20c: {  	v16 =	vadd.f32 v7, v16;
	v17 =	vadd.f32 v8, v17;
	v8 =	vld [tilespmem:s28+$0xFFFFFFC0]  }
0x20d: {  	v11 =	vadd.f32 v13, v10;
	v10 =	vadd.f32 v14, v15;
	v7 =	vld [tilespmem:s28+$0xFFFFFFF0]  }
0x20e: {  	s26 =	simm.s32 $0x0;
	v13 =	vadd.f32 v9, v16;
	v12 =	vadd.f32 v12, v17;
	v9 =	vld [tilespmem:s28+$0x0];
	s28 =	simm.s32 $0xD6F0  }
.LBB2_21:
0x20f: {  	v14 =	vld [tilespmem:s28+$0xFFFFFFD0];
	v4 =	vadd.f32 v4, v11;
	v6 =	vadd.f32 v6, v10  }
0x210: {  	v10 =	vld [tilespmem:s28+$0xFFFFFFE0];
	v11 =	vadd.f32 v2, v13;
	v12 =	vadd.f32 v3, v12  }
0x211: {  	v2 =	vld [tilespmem:s28+$0xFFFFFF90];
	v4 =	vadd.f32 v5, v4;
	v5 =	vadd.f32 v8, v6  }
0x212: {  	v3 =	vld [tilespmem:s28+$0xFFFFFFA0];
	v6 =	vadd.f32 v0, v11;
	v8 =	vadd.f32 v1, v12  }
0x213: {  	v12 =	vld [tilespmem:s28+$0xFFFFFF50];
	v7 =	vadd.f32 v7, v4;
	v5 =	vadd.f32 v9, v5  }
0x214: {  	v9 =	vld [tilespmem:s28+$0xFFFFFF60];
	v0 =	vmov v14  }
0x215: {  	v11 =	vld [tilespmem:s28+$0xFFFFFF10];
	v1 =	vmov v10  }
0x216: {  	v10 =	vld [tilespmem:s28+$0xFFFFFF20]  }
0x217: {  	v13 =	vld [tilespmem:s28+$0xFFFFFED0]  }
0x218: {  	v14 =	vld [tilespmem:s28+$0xFFFFFEE0]  }
0x219: {  	v15 =	vld [tilespmem:s28+$0xFFFFFEF0]  }
0x21a: {  	s26 =	sadd.s32 $0x5, s26;
	v16 =	vld [tilespmem:s28+$0xFFFFFF00]  }
0x21b: {  	p0 =	slt.u32 s26, $0x2D;
	v17 =	vld [tilespmem:s28+$0xFFFFFF30]  }
0x21c: {  	v18 =	vld [tilespmem:s28+$0xFFFFFF40]  }
0x21d: {  	v4 =	vld [tilespmem:s28+$0xFFFFFF70]  }
.Ltmp9:
0x21e: {  	v13 =	vadd.f32 v13, v6;
	v8 =	vadd.f32 v14, v8;
	v6 =	vld [tilespmem:s28+$0xFFFFFF80];
	(pc) =	sbr.rel @p0 .LBB2_21-.Ltmp9, $4  }
0x21f: {  	v7 =	vadd.f32 v15, v7;
	v14 =	vadd.f32 v16, v5;
	v5 =	vld [tilespmem:s28+$0xFFFFFFB0]  }
0x220: {  	v13 =	vadd.f32 v11, v13;
	v15 =	vadd.f32 v10, v8;
	v8 =	vld [tilespmem:s28+$0xFFFFFFC0]  }
0x221: {  	v11 =	vadd.f32 v17, v7;
	v10 =	vadd.f32 v18, v14;
	v7 =	vld [tilespmem:s28+$0xFFFFFFF0]  }
0x222: {  	v13 =	vadd.f32 v12, v13;
	v12 =	vadd.f32 v9, v15;
	v9 =	vld [tilespmem:s28+$0x0];
	s28 =	sadd.s32 $0x140, s28  }
0x223: {  	_ = 	snop  }
0x224: {  	v4 =	vadd.f32 v4, v11;
	v2 =	vadd.f32 v2, v13  }
0x225: {  	v6 =	vadd.f32 v6, v10;
	v3 =	vadd.f32 v3, v12  }
0x226: {  	v4 =	vadd.f32 v5, v4;
	v0 =	vadd.f32 v0, v2  }
0x227: {  	v2 =	vadd.f32 v8, v6;
	v1 =	vadd.f32 v1, v3  }
0x228: {  	v3 =	vadd.f32 v7, v4;
	[tilespmem:s25+$0x12C40] =	vst v0  }
0x229: {  	v0 =	vadd.f32 v9, v2;
	[tilespmem:s25+$0x12C50] =	vst v1  }
0x22a: {  	[tilespmem:s25+$0x12C60] =	vst v3  }
0x22b: {  	s28 =	simm.s32 $0xE230;
	[tilespmem:s25+$0x12C70] =	vst v0  }
0x22c: {  	v0 =	vld [tilespmem:s28+$0xFFFFFFD0]  }
0x22d: {  	v1 =	vld [tilespmem:s28+$0xFFFFFFE0]  }
0x22e: {  	v2 =	vld [tilespmem:s28+$0xFFFFFF90]  }
0x22f: {  	v3 =	vld [tilespmem:s28+$0xFFFFFFA0]  }
0x230: {  	v9 =	vld [tilespmem:s28+$0xFFFFFF50]  }
0x231: {  	v12 =	vld [tilespmem:s28+$0xFFFFFF60]  }
0x232: {  	v7 =	vld [tilespmem:s28+$0xFFFFFF10]  }
0x233: {  	v8 =	vld [tilespmem:s28+$0xFFFFFF20]  }
0x234: {  	v5 =	vld [tilespmem:s28+$0xFFFFFED0]  }
0x235: {  	v6 =	vld [tilespmem:s28+$0xFFFFFEE0]  }
0x236: {  	v10 =	vld [tilespmem:s28+$0xFFFFFEF0]  }
0x237: {  	v11 =	vld [tilespmem:s28+$0xFFFFFF00]  }
0x238: {  	v13 =	vld [tilespmem:s28+$0xFFFFFF30]  }
0x239: {  	v14 =	vld [tilespmem:s28+$0xFFFFFF40]  }
0x23a: {  	v15 =	vimm.f32 $0.0e+00;
	v4 =	vld [tilespmem:s28+$0xFFFFFF70]  }
0x23b: {  	v16 =	vadd.f32 v5, v15;
	v17 =	vadd.f32 v6, v15;
	v6 =	vld [tilespmem:s28+$0xFFFFFF80]  }
0x23c: {  	v10 =	vadd.f32 v10, v15;
	v15 =	vadd.f32 v11, v15;
	v5 =	vld [tilespmem:s28+$0xFFFFFFB0]  }
0x23d: {  	v16 =	vadd.f32 v7, v16;
	v17 =	vadd.f32 v8, v17;
	v8 =	vld [tilespmem:s28+$0xFFFFFFC0]  }
0x23e: {  	v11 =	vadd.f32 v13, v10;
	v10 =	vadd.f32 v14, v15;
	v7 =	vld [tilespmem:s28+$0xFFFFFFF0]  }
0x23f: {  	s26 =	simm.s32 $0x0;
	v13 =	vadd.f32 v9, v16;
	v12 =	vadd.f32 v12, v17;
	v9 =	vld [tilespmem:s28+$0x0];
	s28 =	simm.s32 $0xE370  }
.LBB2_23:
0x240: {  	v14 =	vld [tilespmem:s28+$0xFFFFFFD0];
	v4 =	vadd.f32 v4, v11;
	v6 =	vadd.f32 v6, v10  }
0x241: {  	v10 =	vld [tilespmem:s28+$0xFFFFFFE0];
	v11 =	vadd.f32 v2, v13;
	v12 =	vadd.f32 v3, v12  }
0x242: {  	v2 =	vld [tilespmem:s28+$0xFFFFFF90];
	v4 =	vadd.f32 v5, v4;
	v5 =	vadd.f32 v8, v6  }
0x243: {  	v3 =	vld [tilespmem:s28+$0xFFFFFFA0];
	v6 =	vadd.f32 v0, v11;
	v8 =	vadd.f32 v1, v12  }
0x244: {  	v12 =	vld [tilespmem:s28+$0xFFFFFF50];
	v7 =	vadd.f32 v7, v4;
	v5 =	vadd.f32 v9, v5  }
0x245: {  	v9 =	vld [tilespmem:s28+$0xFFFFFF60];
	v0 =	vmov v14  }
0x246: {  	v11 =	vld [tilespmem:s28+$0xFFFFFF10];
	v1 =	vmov v10  }
0x247: {  	v10 =	vld [tilespmem:s28+$0xFFFFFF20]  }
0x248: {  	v13 =	vld [tilespmem:s28+$0xFFFFFED0]  }
0x249: {  	v14 =	vld [tilespmem:s28+$0xFFFFFEE0]  }
0x24a: {  	v15 =	vld [tilespmem:s28+$0xFFFFFEF0]  }
0x24b: {  	s26 =	sadd.s32 $0x5, s26;
	v16 =	vld [tilespmem:s28+$0xFFFFFF00]  }
0x24c: {  	p0 =	slt.u32 s26, $0x2D;
	v17 =	vld [tilespmem:s28+$0xFFFFFF30]  }
0x24d: {  	v18 =	vld [tilespmem:s28+$0xFFFFFF40]  }
0x24e: {  	v4 =	vld [tilespmem:s28+$0xFFFFFF70]  }
.Ltmp10:
0x24f: {  	v13 =	vadd.f32 v13, v6;
	v8 =	vadd.f32 v14, v8;
	v6 =	vld [tilespmem:s28+$0xFFFFFF80];
	(pc) =	sbr.rel @p0 .LBB2_23-.Ltmp10, $4  }
0x250: {  	v7 =	vadd.f32 v15, v7;
	v14 =	vadd.f32 v16, v5;
	v5 =	vld [tilespmem:s28+$0xFFFFFFB0]  }
0x251: {  	v13 =	vadd.f32 v11, v13;
	v15 =	vadd.f32 v10, v8;
	v8 =	vld [tilespmem:s28+$0xFFFFFFC0]  }
0x252: {  	v11 =	vadd.f32 v17, v7;
	v10 =	vadd.f32 v18, v14;
	v7 =	vld [tilespmem:s28+$0xFFFFFFF0]  }
0x253: {  	v13 =	vadd.f32 v12, v13;
	v12 =	vadd.f32 v9, v15;
	v9 =	vld [tilespmem:s28+$0x0];
	s28 =	sadd.s32 $0x140, s28  }
0x254: {  	_ = 	snop  }
0x255: {  	v4 =	vadd.f32 v4, v11;
	v2 =	vadd.f32 v2, v13  }
0x256: {  	v6 =	vadd.f32 v6, v10;
	v3 =	vadd.f32 v3, v12  }
0x257: {  	v4 =	vadd.f32 v5, v4;
	v0 =	vadd.f32 v0, v2  }
0x258: {  	v2 =	vadd.f32 v8, v6;
	v1 =	vadd.f32 v1, v3  }
0x259: {  	v3 =	vadd.f32 v7, v4;
	[tilespmem:s25+$0x12C80] =	vst v0  }
0x25a: {  	v0 =	vadd.f32 v9, v2;
	[tilespmem:s25+$0x12C90] =	vst v1  }
0x25b: {  	[tilespmem:s25+$0x12CA0] =	vst v3  }
0x25c: {  	s28 =	simm.s32 $0xEEB0;
	[tilespmem:s25+$0x12CB0] =	vst v0  }
0x25d: {  	v0 =	vld [tilespmem:s28+$0xFFFFFFD0]  }
0x25e: {  	v1 =	vld [tilespmem:s28+$0xFFFFFFE0]  }
0x25f: {  	v2 =	vld [tilespmem:s28+$0xFFFFFF90]  }
0x260: {  	v3 =	vld [tilespmem:s28+$0xFFFFFFA0]  }
0x261: {  	v9 =	vld [tilespmem:s28+$0xFFFFFF50]  }
0x262: {  	v12 =	vld [tilespmem:s28+$0xFFFFFF60]  }
0x263: {  	v7 =	vld [tilespmem:s28+$0xFFFFFF10]  }
0x264: {  	v8 =	vld [tilespmem:s28+$0xFFFFFF20]  }
0x265: {  	v5 =	vld [tilespmem:s28+$0xFFFFFED0]  }
0x266: {  	v6 =	vld [tilespmem:s28+$0xFFFFFEE0]  }
0x267: {  	v10 =	vld [tilespmem:s28+$0xFFFFFEF0]  }
0x268: {  	v11 =	vld [tilespmem:s28+$0xFFFFFF00]  }
0x269: {  	v13 =	vld [tilespmem:s28+$0xFFFFFF30]  }
0x26a: {  	v14 =	vld [tilespmem:s28+$0xFFFFFF40]  }
0x26b: {  	v15 =	vimm.f32 $0.0e+00;
	v4 =	vld [tilespmem:s28+$0xFFFFFF70]  }
0x26c: {  	v16 =	vadd.f32 v5, v15;
	v17 =	vadd.f32 v6, v15;
	v6 =	vld [tilespmem:s28+$0xFFFFFF80]  }
0x26d: {  	v10 =	vadd.f32 v10, v15;
	v15 =	vadd.f32 v11, v15;
	v5 =	vld [tilespmem:s28+$0xFFFFFFB0]  }
0x26e: {  	v16 =	vadd.f32 v7, v16;
	v17 =	vadd.f32 v8, v17;
	v8 =	vld [tilespmem:s28+$0xFFFFFFC0]  }
0x26f: {  	v11 =	vadd.f32 v13, v10;
	v10 =	vadd.f32 v14, v15;
	v7 =	vld [tilespmem:s28+$0xFFFFFFF0]  }
0x270: {  	s26 =	simm.s32 $0x0;
	v13 =	vadd.f32 v9, v16;
	v12 =	vadd.f32 v12, v17;
	v9 =	vld [tilespmem:s28+$0x0];
	s28 =	simm.s32 $0xEFF0  }
.LBB2_25:
0x271: {  	v14 =	vld [tilespmem:s28+$0xFFFFFFD0];
	v4 =	vadd.f32 v4, v11;
	v6 =	vadd.f32 v6, v10  }
0x272: {  	v10 =	vld [tilespmem:s28+$0xFFFFFFE0];
	v11 =	vadd.f32 v2, v13;
	v12 =	vadd.f32 v3, v12  }
0x273: {  	v2 =	vld [tilespmem:s28+$0xFFFFFF90];
	v4 =	vadd.f32 v5, v4;
	v5 =	vadd.f32 v8, v6  }
0x274: {  	v3 =	vld [tilespmem:s28+$0xFFFFFFA0];
	v6 =	vadd.f32 v0, v11;
	v8 =	vadd.f32 v1, v12  }
0x275: {  	v12 =	vld [tilespmem:s28+$0xFFFFFF50];
	v7 =	vadd.f32 v7, v4;
	v5 =	vadd.f32 v9, v5  }
0x276: {  	v9 =	vld [tilespmem:s28+$0xFFFFFF60];
	v0 =	vmov v14  }
0x277: {  	v11 =	vld [tilespmem:s28+$0xFFFFFF10];
	v1 =	vmov v10  }
0x278: {  	v10 =	vld [tilespmem:s28+$0xFFFFFF20]  }
0x279: {  	v13 =	vld [tilespmem:s28+$0xFFFFFED0]  }
0x27a: {  	v14 =	vld [tilespmem:s28+$0xFFFFFEE0]  }
0x27b: {  	v15 =	vld [tilespmem:s28+$0xFFFFFEF0]  }
0x27c: {  	s26 =	sadd.s32 $0x5, s26;
	v16 =	vld [tilespmem:s28+$0xFFFFFF00]  }
0x27d: {  	p0 =	slt.u32 s26, $0x2D;
	v17 =	vld [tilespmem:s28+$0xFFFFFF30]  }
0x27e: {  	v18 =	vld [tilespmem:s28+$0xFFFFFF40]  }
0x27f: {  	v4 =	vld [tilespmem:s28+$0xFFFFFF70]  }
.Ltmp11:
0x280: {  	v13 =	vadd.f32 v13, v6;
	v8 =	vadd.f32 v14, v8;
	v6 =	vld [tilespmem:s28+$0xFFFFFF80];
	(pc) =	sbr.rel @p0 .LBB2_25-.Ltmp11, $4  }
0x281: {  	v7 =	vadd.f32 v15, v7;
	v14 =	vadd.f32 v16, v5;
	v5 =	vld [tilespmem:s28+$0xFFFFFFB0]  }
0x282: {  	v13 =	vadd.f32 v11, v13;
	v15 =	vadd.f32 v10, v8;
	v8 =	vld [tilespmem:s28+$0xFFFFFFC0]  }
0x283: {  	v11 =	vadd.f32 v17, v7;
	v10 =	vadd.f32 v18, v14;
	v7 =	vld [tilespmem:s28+$0xFFFFFFF0]  }
0x284: {  	v13 =	vadd.f32 v12, v13;
	v12 =	vadd.f32 v9, v15;
	v9 =	vld [tilespmem:s28+$0x0];
	s28 =	sadd.s32 $0x140, s28  }
0x285: {  	_ = 	snop  }
0x286: {  	v4 =	vadd.f32 v4, v11;
	v2 =	vadd.f32 v2, v13  }
0x287: {  	v6 =	vadd.f32 v6, v10;
	v3 =	vadd.f32 v3, v12  }
0x288: {  	v4 =	vadd.f32 v5, v4;
	v0 =	vadd.f32 v0, v2  }
0x289: {  	v2 =	vadd.f32 v8, v6;
	v1 =	vadd.f32 v1, v3  }
0x28a: {  	v3 =	vadd.f32 v7, v4;
	[tilespmem:s25+$0x12CC0] =	vst v0  }
0x28b: {  	v0 =	vadd.f32 v9, v2;
	[tilespmem:s25+$0x12CD0] =	vst v1  }
0x28c: {  	[tilespmem:s25+$0x12CE0] =	vst v3  }
0x28d: {  	s28 =	simm.s32 $0xFB30;
	[tilespmem:s25+$0x12CF0] =	vst v0  }
0x28e: {  	v0 =	vld [tilespmem:s28+$0xFFFFFFD0]  }
0x28f: {  	v1 =	vld [tilespmem:s28+$0xFFFFFFE0]  }
0x290: {  	v2 =	vld [tilespmem:s28+$0xFFFFFF90]  }
0x291: {  	v3 =	vld [tilespmem:s28+$0xFFFFFFA0]  }
0x292: {  	v9 =	vld [tilespmem:s28+$0xFFFFFF50]  }
0x293: {  	v12 =	vld [tilespmem:s28+$0xFFFFFF60]  }
0x294: {  	v7 =	vld [tilespmem:s28+$0xFFFFFF10]  }
0x295: {  	v8 =	vld [tilespmem:s28+$0xFFFFFF20]  }
0x296: {  	v5 =	vld [tilespmem:s28+$0xFFFFFED0]  }
0x297: {  	v6 =	vld [tilespmem:s28+$0xFFFFFEE0]  }
0x298: {  	v10 =	vld [tilespmem:s28+$0xFFFFFEF0]  }
0x299: {  	v11 =	vld [tilespmem:s28+$0xFFFFFF00]  }
0x29a: {  	v13 =	vld [tilespmem:s28+$0xFFFFFF30]  }
0x29b: {  	v14 =	vld [tilespmem:s28+$0xFFFFFF40]  }
0x29c: {  	v15 =	vimm.f32 $0.0e+00;
	v4 =	vld [tilespmem:s28+$0xFFFFFF70]  }
0x29d: {  	v16 =	vadd.f32 v5, v15;
	v17 =	vadd.f32 v6, v15;
	v6 =	vld [tilespmem:s28+$0xFFFFFF80]  }
0x29e: {  	v10 =	vadd.f32 v10, v15;
	v15 =	vadd.f32 v11, v15;
	v5 =	vld [tilespmem:s28+$0xFFFFFFB0]  }
0x29f: {  	v16 =	vadd.f32 v7, v16;
	v17 =	vadd.f32 v8, v17;
	v8 =	vld [tilespmem:s28+$0xFFFFFFC0]  }
0x2a0: {  	v11 =	vadd.f32 v13, v10;
	v10 =	vadd.f32 v14, v15;
	v7 =	vld [tilespmem:s28+$0xFFFFFFF0]  }
0x2a1: {  	s26 =	simm.s32 $0x0;
	v13 =	vadd.f32 v9, v16;
	v12 =	vadd.f32 v12, v17;
	v9 =	vld [tilespmem:s28+$0x0];
	s28 =	simm.s32 $0xFC70  }
.LBB2_27:
0x2a2: {  	v14 =	vld [tilespmem:s28+$0xFFFFFFD0];
	v4 =	vadd.f32 v4, v11;
	v6 =	vadd.f32 v6, v10  }
0x2a3: {  	v10 =	vld [tilespmem:s28+$0xFFFFFFE0];
	v11 =	vadd.f32 v2, v13;
	v12 =	vadd.f32 v3, v12  }
0x2a4: {  	v2 =	vld [tilespmem:s28+$0xFFFFFF90];
	v4 =	vadd.f32 v5, v4;
	v5 =	vadd.f32 v8, v6  }
0x2a5: {  	v3 =	vld [tilespmem:s28+$0xFFFFFFA0];
	v6 =	vadd.f32 v0, v11;
	v8 =	vadd.f32 v1, v12  }
0x2a6: {  	v12 =	vld [tilespmem:s28+$0xFFFFFF50];
	v7 =	vadd.f32 v7, v4;
	v5 =	vadd.f32 v9, v5  }
0x2a7: {  	v9 =	vld [tilespmem:s28+$0xFFFFFF60];
	v0 =	vmov v14  }
0x2a8: {  	v11 =	vld [tilespmem:s28+$0xFFFFFF10];
	v1 =	vmov v10  }
0x2a9: {  	v10 =	vld [tilespmem:s28+$0xFFFFFF20]  }
0x2aa: {  	v13 =	vld [tilespmem:s28+$0xFFFFFED0]  }
0x2ab: {  	v14 =	vld [tilespmem:s28+$0xFFFFFEE0]  }
0x2ac: {  	v15 =	vld [tilespmem:s28+$0xFFFFFEF0]  }
0x2ad: {  	s26 =	sadd.s32 $0x5, s26;
	v16 =	vld [tilespmem:s28+$0xFFFFFF00]  }
0x2ae: {  	p0 =	slt.u32 s26, $0x2D;
	v17 =	vld [tilespmem:s28+$0xFFFFFF30]  }
0x2af: {  	v18 =	vld [tilespmem:s28+$0xFFFFFF40]  }
0x2b0: {  	v4 =	vld [tilespmem:s28+$0xFFFFFF70]  }
.Ltmp12:
0x2b1: {  	v13 =	vadd.f32 v13, v6;
	v8 =	vadd.f32 v14, v8;
	v6 =	vld [tilespmem:s28+$0xFFFFFF80];
	(pc) =	sbr.rel @p0 .LBB2_27-.Ltmp12, $4  }
0x2b2: {  	v7 =	vadd.f32 v15, v7;
	v14 =	vadd.f32 v16, v5;
	v5 =	vld [tilespmem:s28+$0xFFFFFFB0]  }
0x2b3: {  	v13 =	vadd.f32 v11, v13;
	v15 =	vadd.f32 v10, v8;
	v8 =	vld [tilespmem:s28+$0xFFFFFFC0]  }
0x2b4: {  	v11 =	vadd.f32 v17, v7;
	v10 =	vadd.f32 v18, v14;
	v7 =	vld [tilespmem:s28+$0xFFFFFFF0]  }
0x2b5: {  	v13 =	vadd.f32 v12, v13;
	v12 =	vadd.f32 v9, v15;
	v9 =	vld [tilespmem:s28+$0x0];
	s28 =	sadd.s32 $0x140, s28  }
0x2b6: {  	_ = 	snop  }
0x2b7: {  	v4 =	vadd.f32 v4, v11;
	v2 =	vadd.f32 v2, v13  }
0x2b8: {  	v6 =	vadd.f32 v6, v10;
	v3 =	vadd.f32 v3, v12  }
0x2b9: {  	v4 =	vadd.f32 v5, v4;
	v0 =	vadd.f32 v0, v2  }
0x2ba: {  	v2 =	vadd.f32 v8, v6;
	v1 =	vadd.f32 v1, v3  }
0x2bb: {  	v3 =	vadd.f32 v7, v4;
	[tilespmem:s25+$0x12D00] =	vst v0  }
0x2bc: {  	v0 =	vadd.f32 v9, v2;
	[tilespmem:s25+$0x12D10] =	vst v1  }
0x2bd: {  	[tilespmem:s25+$0x12D20] =	vst v3  }
0x2be: {  	s28 =	simm.s32 $0x107B0;
	[tilespmem:s25+$0x12D30] =	vst v0  }
0x2bf: {  	v0 =	vld [tilespmem:s28+$0xFFFFFFD0]  }
0x2c0: {  	v1 =	vld [tilespmem:s28+$0xFFFFFFE0]  }
0x2c1: {  	v2 =	vld [tilespmem:s28+$0xFFFFFF90]  }
0x2c2: {  	v3 =	vld [tilespmem:s28+$0xFFFFFFA0]  }
0x2c3: {  	v9 =	vld [tilespmem:s28+$0xFFFFFF50]  }
0x2c4: {  	v12 =	vld [tilespmem:s28+$0xFFFFFF60]  }
0x2c5: {  	v7 =	vld [tilespmem:s28+$0xFFFFFF10]  }
0x2c6: {  	v8 =	vld [tilespmem:s28+$0xFFFFFF20]  }
0x2c7: {  	v5 =	vld [tilespmem:s28+$0xFFFFFED0]  }
0x2c8: {  	v6 =	vld [tilespmem:s28+$0xFFFFFEE0]  }
0x2c9: {  	v10 =	vld [tilespmem:s28+$0xFFFFFEF0]  }
0x2ca: {  	v11 =	vld [tilespmem:s28+$0xFFFFFF00]  }
0x2cb: {  	v13 =	vld [tilespmem:s28+$0xFFFFFF30]  }
0x2cc: {  	v14 =	vld [tilespmem:s28+$0xFFFFFF40]  }
0x2cd: {  	v15 =	vimm.f32 $0.0e+00;
	v4 =	vld [tilespmem:s28+$0xFFFFFF70]  }
0x2ce: {  	v16 =	vadd.f32 v5, v15;
	v17 =	vadd.f32 v6, v15;
	v6 =	vld [tilespmem:s28+$0xFFFFFF80]  }
0x2cf: {  	v10 =	vadd.f32 v10, v15;
	v15 =	vadd.f32 v11, v15;
	v5 =	vld [tilespmem:s28+$0xFFFFFFB0]  }
0x2d0: {  	v16 =	vadd.f32 v7, v16;
	v17 =	vadd.f32 v8, v17;
	v8 =	vld [tilespmem:s28+$0xFFFFFFC0]  }
0x2d1: {  	v11 =	vadd.f32 v13, v10;
	v10 =	vadd.f32 v14, v15;
	v7 =	vld [tilespmem:s28+$0xFFFFFFF0]  }
0x2d2: {  	s26 =	simm.s32 $0x0;
	v13 =	vadd.f32 v9, v16;
	v12 =	vadd.f32 v12, v17;
	v9 =	vld [tilespmem:s28+$0x0];
	s28 =	simm.s32 $0x108F0  }
.LBB2_29:
0x2d3: {  	v14 =	vld [tilespmem:s28+$0xFFFFFFD0];
	v4 =	vadd.f32 v4, v11;
	v6 =	vadd.f32 v6, v10  }
0x2d4: {  	v10 =	vld [tilespmem:s28+$0xFFFFFFE0];
	v11 =	vadd.f32 v2, v13;
	v12 =	vadd.f32 v3, v12  }
0x2d5: {  	v2 =	vld [tilespmem:s28+$0xFFFFFF90];
	v4 =	vadd.f32 v5, v4;
	v5 =	vadd.f32 v8, v6  }
0x2d6: {  	v3 =	vld [tilespmem:s28+$0xFFFFFFA0];
	v6 =	vadd.f32 v0, v11;
	v8 =	vadd.f32 v1, v12  }
0x2d7: {  	v12 =	vld [tilespmem:s28+$0xFFFFFF50];
	v7 =	vadd.f32 v7, v4;
	v5 =	vadd.f32 v9, v5  }
0x2d8: {  	v9 =	vld [tilespmem:s28+$0xFFFFFF60];
	v0 =	vmov v14  }
0x2d9: {  	v11 =	vld [tilespmem:s28+$0xFFFFFF10];
	v1 =	vmov v10  }
0x2da: {  	v10 =	vld [tilespmem:s28+$0xFFFFFF20]  }
0x2db: {  	v13 =	vld [tilespmem:s28+$0xFFFFFED0]  }
0x2dc: {  	v14 =	vld [tilespmem:s28+$0xFFFFFEE0]  }
0x2dd: {  	v15 =	vld [tilespmem:s28+$0xFFFFFEF0]  }
0x2de: {  	s26 =	sadd.s32 $0x5, s26;
	v16 =	vld [tilespmem:s28+$0xFFFFFF00]  }
0x2df: {  	p0 =	slt.u32 s26, $0x2D;
	v17 =	vld [tilespmem:s28+$0xFFFFFF30]  }
0x2e0: {  	v18 =	vld [tilespmem:s28+$0xFFFFFF40]  }
0x2e1: {  	v4 =	vld [tilespmem:s28+$0xFFFFFF70]  }
.Ltmp13:
0x2e2: {  	v13 =	vadd.f32 v13, v6;
	v8 =	vadd.f32 v14, v8;
	v6 =	vld [tilespmem:s28+$0xFFFFFF80];
	(pc) =	sbr.rel @p0 .LBB2_29-.Ltmp13, $4  }
0x2e3: {  	v7 =	vadd.f32 v15, v7;
	v14 =	vadd.f32 v16, v5;
	v5 =	vld [tilespmem:s28+$0xFFFFFFB0]  }
0x2e4: {  	v13 =	vadd.f32 v11, v13;
	v15 =	vadd.f32 v10, v8;
	v8 =	vld [tilespmem:s28+$0xFFFFFFC0]  }
0x2e5: {  	v11 =	vadd.f32 v17, v7;
	v10 =	vadd.f32 v18, v14;
	v7 =	vld [tilespmem:s28+$0xFFFFFFF0]  }
0x2e6: {  	v13 =	vadd.f32 v12, v13;
	v12 =	vadd.f32 v9, v15;
	v9 =	vld [tilespmem:s28+$0x0];
	s28 =	sadd.s32 $0x140, s28  }
0x2e7: {  	_ = 	snop  }
0x2e8: {  	v4 =	vadd.f32 v4, v11;
	v2 =	vadd.f32 v2, v13  }
0x2e9: {  	v6 =	vadd.f32 v6, v10;
	v3 =	vadd.f32 v3, v12  }
0x2ea: {  	v4 =	vadd.f32 v5, v4;
	v0 =	vadd.f32 v0, v2  }
0x2eb: {  	v2 =	vadd.f32 v8, v6;
	v1 =	vadd.f32 v1, v3  }
0x2ec: {  	v3 =	vadd.f32 v7, v4;
	[tilespmem:s25+$0x12D40] =	vst v0  }
0x2ed: {  	v0 =	vadd.f32 v9, v2;
	[tilespmem:s25+$0x12D50] =	vst v1  }
0x2ee: {  	[tilespmem:s25+$0x12D60] =	vst v3  }
0x2ef: {  	s28 =	simm.s32 $0x11300;
	[tilespmem:s25+$0x12D70] =	vst v0  }
0x2f0: {  	v0 =	vld [tilespmem:s28+$0x100]  }
0x2f1: {  	v1 =	vld [tilespmem:s28+$0x110]  }
0x2f2: {  	v2 =	vld [tilespmem:s28+$0xC0]  }
0x2f3: {  	v3 =	vld [tilespmem:s28+$0xD0]  }
0x2f4: {  	v9 =	vld [tilespmem:s28+$0x80]  }
0x2f5: {  	v12 =	vld [tilespmem:s28+$0x90]  }
0x2f6: {  	v7 =	vld [tilespmem:s28+$0x40]  }
0x2f7: {  	v8 =	vld [tilespmem:s28+$0x50]  }
0x2f8: {  	v5 =	vld [tilespmem:s28+$0x0]  }
0x2f9: {  	v6 =	vld [tilespmem:s28+$0x10]  }
0x2fa: {  	v10 =	vld [tilespmem:s28+$0x20]  }
0x2fb: {  	v11 =	vld [tilespmem:s28+$0x30]  }
0x2fc: {  	v13 =	vld [tilespmem:s28+$0x60]  }
0x2fd: {  	v14 =	vld [tilespmem:s28+$0x70]  }
0x2fe: {  	v15 =	vimm.f32 $0.0e+00;
	v4 =	vld [tilespmem:s28+$0xA0]  }
0x2ff: {  	v16 =	vadd.f32 v5, v15;
	v17 =	vadd.f32 v6, v15;
	v6 =	vld [tilespmem:s28+$0xB0]  }
0x300: {  	v10 =	vadd.f32 v10, v15;
	v15 =	vadd.f32 v11, v15;
	v5 =	vld [tilespmem:s28+$0xE0]  }
0x301: {  	v16 =	vadd.f32 v7, v16;
	v17 =	vadd.f32 v8, v17;
	v8 =	vld [tilespmem:s28+$0xF0]  }
0x302: {  	v11 =	vadd.f32 v13, v10;
	v10 =	vadd.f32 v14, v15;
	v7 =	vld [tilespmem:s28+$0x120]  }
0x303: {  	s26 =	simm.s32 $0x0;
	v13 =	vadd.f32 v9, v16;
	v12 =	vadd.f32 v12, v17;
	v9 =	vld [tilespmem:s28+$0x130];
	s28 =	simm.s32 $0x11440  }
.LBB2_31:
0x304: {  	v14 =	vld [tilespmem:s28+$0x100];
	v4 =	vadd.f32 v4, v11;
	v6 =	vadd.f32 v6, v10  }
0x305: {  	v10 =	vld [tilespmem:s28+$0x110];
	v11 =	vadd.f32 v2, v13;
	v12 =	vadd.f32 v3, v12  }
0x306: {  	v2 =	vld [tilespmem:s28+$0xC0];
	v4 =	vadd.f32 v5, v4;
	v5 =	vadd.f32 v8, v6  }
0x307: {  	v3 =	vld [tilespmem:s28+$0xD0];
	v6 =	vadd.f32 v0, v11;
	v8 =	vadd.f32 v1, v12  }
0x308: {  	v12 =	vld [tilespmem:s28+$0x80];
	v7 =	vadd.f32 v7, v4;
	v5 =	vadd.f32 v9, v5  }
0x309: {  	v9 =	vld [tilespmem:s28+$0x90];
	v0 =	vmov v14  }
0x30a: {  	v11 =	vld [tilespmem:s28+$0x40];
	v1 =	vmov v10  }
0x30b: {  	v10 =	vld [tilespmem:s28+$0x50]  }
0x30c: {  	v13 =	vld [tilespmem:s28+$0x0]  }
0x30d: {  	v14 =	vld [tilespmem:s28+$0x10]  }
0x30e: {  	v15 =	vld [tilespmem:s28+$0x20]  }
0x30f: {  	s26 =	sadd.s32 $0x5, s26;
	v16 =	vld [tilespmem:s28+$0x30]  }
0x310: {  	p0 =	slt.u32 s26, $0x2D;
	v17 =	vld [tilespmem:s28+$0x60]  }
0x311: {  	v18 =	vld [tilespmem:s28+$0x70]  }
0x312: {  	v4 =	vld [tilespmem:s28+$0xA0]  }
.Ltmp14:
0x313: {  	v13 =	vadd.f32 v13, v6;
	v8 =	vadd.f32 v14, v8;
	v6 =	vld [tilespmem:s28+$0xB0];
	(pc) =	sbr.rel @p0 .LBB2_31-.Ltmp14, $4  }
0x314: {  	v7 =	vadd.f32 v15, v7;
	v14 =	vadd.f32 v16, v5;
	v5 =	vld [tilespmem:s28+$0xE0]  }
0x315: {  	v13 =	vadd.f32 v11, v13;
	v15 =	vadd.f32 v10, v8;
	v8 =	vld [tilespmem:s28+$0xF0]  }
0x316: {  	v11 =	vadd.f32 v17, v7;
	v10 =	vadd.f32 v18, v14;
	v7 =	vld [tilespmem:s28+$0x120]  }
0x317: {  	v13 =	vadd.f32 v12, v13;
	v12 =	vadd.f32 v9, v15;
	v9 =	vld [tilespmem:s28+$0x130];
	s28 =	sadd.s32 $0x140, s28  }
0x318: {  	_ = 	snop  }
0x319: {  	v4 =	vadd.f32 v4, v11;
	v2 =	vadd.f32 v2, v13  }
0x31a: {  	v6 =	vadd.f32 v6, v10;
	v3 =	vadd.f32 v3, v12  }
0x31b: {  	v4 =	vadd.f32 v5, v4;
	v0 =	vadd.f32 v0, v2  }
0x31c: {  	v2 =	vadd.f32 v8, v6;
	v1 =	vadd.f32 v1, v3  }
0x31d: {  	v3 =	vadd.f32 v7, v4;
	[tilespmem:s25+$0x12D80] =	vst v0  }
0x31e: {  	v0 =	vadd.f32 v9, v2;
	[tilespmem:s25+$0x12D90] =	vst v1  }
0x31f: {  	[tilespmem:s25+$0x12DA0] =	vst v3  }
0x320: {  	s28 =	simm.s32 $0x11F80;
	[tilespmem:s25+$0x12DB0] =	vst v0  }
0x321: {  	v0 =	vld [tilespmem:s28+$0x100]  }
0x322: {  	v1 =	vld [tilespmem:s28+$0x110]  }
0x323: {  	v2 =	vld [tilespmem:s28+$0xC0]  }
0x324: {  	v3 =	vld [tilespmem:s28+$0xD0]  }
0x325: {  	v9 =	vld [tilespmem:s28+$0x80]  }
0x326: {  	v12 =	vld [tilespmem:s28+$0x90]  }
0x327: {  	v7 =	vld [tilespmem:s28+$0x40]  }
0x328: {  	v8 =	vld [tilespmem:s28+$0x50]  }
0x329: {  	v5 =	vld [tilespmem:s28+$0x0]  }
0x32a: {  	v6 =	vld [tilespmem:s28+$0x10]  }
0x32b: {  	v10 =	vld [tilespmem:s28+$0x20]  }
0x32c: {  	v11 =	vld [tilespmem:s28+$0x30]  }
0x32d: {  	v13 =	vld [tilespmem:s28+$0x60]  }
0x32e: {  	v14 =	vld [tilespmem:s28+$0x70]  }
0x32f: {  	v15 =	vimm.f32 $0.0e+00;
	v4 =	vld [tilespmem:s28+$0xA0]  }
0x330: {  	v16 =	vadd.f32 v5, v15;
	v17 =	vadd.f32 v6, v15;
	v6 =	vld [tilespmem:s28+$0xB0]  }
0x331: {  	v10 =	vadd.f32 v10, v15;
	v15 =	vadd.f32 v11, v15;
	v5 =	vld [tilespmem:s28+$0xE0]  }
0x332: {  	v16 =	vadd.f32 v7, v16;
	v17 =	vadd.f32 v8, v17;
	v8 =	vld [tilespmem:s28+$0xF0]  }
0x333: {  	v11 =	vadd.f32 v13, v10;
	v10 =	vadd.f32 v14, v15;
	v7 =	vld [tilespmem:s28+$0x120]  }
0x334: {  	s26 =	simm.s32 $0x0;
	v13 =	vadd.f32 v9, v16;
	v12 =	vadd.f32 v12, v17;
	v9 =	vld [tilespmem:s28+$0x130];
	s28 =	simm.s32 $0x120C0  }
.LBB2_33:
0x335: {  	v14 =	vld [tilespmem:s28+$0x100];
	v4 =	vadd.f32 v4, v11;
	v6 =	vadd.f32 v6, v10  }
0x336: {  	v10 =	vld [tilespmem:s28+$0x110];
	v11 =	vadd.f32 v2, v13;
	v12 =	vadd.f32 v3, v12  }
0x337: {  	v2 =	vld [tilespmem:s28+$0xC0];
	v4 =	vadd.f32 v5, v4;
	v5 =	vadd.f32 v8, v6  }
0x338: {  	v3 =	vld [tilespmem:s28+$0xD0];
	v6 =	vadd.f32 v0, v11;
	v8 =	vadd.f32 v1, v12  }
0x339: {  	v12 =	vld [tilespmem:s28+$0x80];
	v7 =	vadd.f32 v7, v4;
	v5 =	vadd.f32 v9, v5  }
0x33a: {  	v9 =	vld [tilespmem:s28+$0x90];
	v0 =	vmov v14  }
0x33b: {  	v11 =	vld [tilespmem:s28+$0x40];
	v1 =	vmov v10  }
0x33c: {  	v10 =	vld [tilespmem:s28+$0x50]  }
0x33d: {  	v13 =	vld [tilespmem:s28+$0x0]  }
0x33e: {  	v14 =	vld [tilespmem:s28+$0x10]  }
0x33f: {  	v15 =	vld [tilespmem:s28+$0x20]  }
0x340: {  	s26 =	sadd.s32 $0x5, s26;
	v16 =	vld [tilespmem:s28+$0x30]  }
0x341: {  	p0 =	slt.u32 s26, $0x2D;
	v17 =	vld [tilespmem:s28+$0x60]  }
0x342: {  	v18 =	vld [tilespmem:s28+$0x70]  }
0x343: {  	v4 =	vld [tilespmem:s28+$0xA0]  }
.Ltmp15:
0x344: {  	v13 =	vadd.f32 v13, v6;
	v8 =	vadd.f32 v14, v8;
	v6 =	vld [tilespmem:s28+$0xB0];
	(pc) =	sbr.rel @p0 .LBB2_33-.Ltmp15, $4  }
0x345: {  	v7 =	vadd.f32 v15, v7;
	v14 =	vadd.f32 v16, v5;
	v5 =	vld [tilespmem:s28+$0xE0]  }
0x346: {  	v13 =	vadd.f32 v11, v13;
	v15 =	vadd.f32 v10, v8;
	v8 =	vld [tilespmem:s28+$0xF0]  }
0x347: {  	v11 =	vadd.f32 v17, v7;
	v10 =	vadd.f32 v18, v14;
	v7 =	vld [tilespmem:s28+$0x120]  }
0x348: {  	v13 =	vadd.f32 v12, v13;
	v12 =	vadd.f32 v9, v15;
	v9 =	vld [tilespmem:s28+$0x130];
	s28 =	sadd.s32 $0x140, s28  }
0x349: {  	_ = 	snop  }
0x34a: {  	v4 =	vadd.f32 v4, v11;
	v2 =	vadd.f32 v2, v13  }
0x34b: {  	v6 =	vadd.f32 v6, v10;
	s24 =	sadd.s32 $0x1, s24;
	v3 =	vadd.f32 v3, v12  }
0x34c: {  	p0 =	sne.s32 s24, $0x20;
	v4 =	vadd.f32 v5, v4;
	v0 =	vadd.f32 v0, v2  }
.Ltmp16:
0x34d: {  	v61 =	vadd.f32 v8, v6;
	v1 =	vadd.f32 v1, v3;
	(pc) =	sbr.rel @p0 .LBB2_2-.Ltmp16, $4  }
0x34e: {  	v62 =	vadd.f32 v7, v4;
	[tilespmem:s25+$0x12DC0] =	vst v0  }
0x34f: {  	v63 =	vadd.f32 v9, v61;
	[tilespmem:s25+$0x12DD0] =	vst v1  }
0x350: {  	[tilespmem:s25+$0x12DE0] =	vst v62  }
0x351: {  	[tilespmem:s25+$0x12DF0] =	vst v63  }
0x352: {  	s23 =	sadd.s32 $0x1, s23  }
0x353: {  	p0 =	sne.s32 s23, s6  }
.Ltmp17:
0x354: {  	_ = 	snop;
	(pc) =	sbr.rel @p0 .LBB2_1-.Ltmp17, $4  }
0x355: {  	[hbm4b:s5+s2] =	stream.linear.scatter [tilespmem:s22], [sflag:$0x3], $0x8000, $0x38;
	[tilespmem:$0x1AC00] =	vst v63  }
0x356: {  	_ =	swait.ge [sflag:s7], $0x8000  }
0x357: {  	[sflag:s7] =	ssyncset.done $0x0  }
0x358: {  	[sflag:s7] =	ssyncadd.s32 $0xFFFF8000  }
0x359: {  	_ =	sfence.sel $0x180000  }
0x35a: {  	[bflag:$0x0] =	sbarrier.arrive $0xFFFF  }
0x35b: {  	p0 =	sne.s32 s0, $0x0;
	_ =	strace $0x90000047  }
0x35c: {  	s0 =	sadd.s32 @!p0 $0x100000, s1;
	[bflag:$0x2] =	sbarrier.arrive $0xFFFF  }
0x35d: {  	[sflag:s0] =	ssyncadd.tile.s32 @!p0 $0x1;
	_ =	shalt  }
.Lfunc_end2:
_tile_overlayer_lowered:
.L_overlay_start_2:
0x35e: {  	(tag) =	ssettag $0x2  }
0x35f: {  	s0 =	rddreg [dreg:$0x0];
	s2 =	stileid.u32  }
0x360: {  	s1 =	rddreg [dreg:$0x1];
	p0 =	sne.s32 s2, $0x0  }
0x361: {  	s3 =	rddreg [dreg:$0x2];
	[bflag:$0x3] =	sbarrier.arrive $0xFFFF;
	s2 =	simm.s32 @!p0 $0x1C03  }
0x362: {  	[timem:s3], [sflag:s2] =	dma.local @!p0 [hbm:s0], s1  }
0x363: {  	s0 =	simm.s32 @!p0 $0x3  }
0x364: {  	_ =	swait.ge @!p0 [sflag:s0], s1  }
0x365: {  	s1 =	ssub.s32 @!p0 $0x0, s1;
	[sflag:s0] =	ssyncset.done @!p0 $0x0  }
0x366: {  	[sflag:s0] =	ssyncadd.s32 @!p0 s1  }
0x367: {  	[bflag:$0x3] =	sbarrier.arrive $0xFFFF  }
0x368: {  	_ =	shalt  }

</sc_bundles>
